<compile_context>
chip_gen: v7x
topology: tpu7x:2x2x1
jax: 0.10.2.dev20260603
libtpu: 0.0.44.dev20260713+nightly
codegen_flags: <defaults>
</compile_context>

<pallas_src>
import functools

import jax
import jax.numpy as jnp
from jax import lax
from jax.experimental import pallas as pl
from jax.experimental.pallas import tpu as pltpu
from jax.experimental.pallas import tpu_sc as plsc

_INTERPRET = False

NC = 2
NS = 16
NW = NC * NS
L = 16
D = 128
DV = D // L



def _p0_body(ne_b, he_b, se_b, wr, wlt, wst, bsem, np_b, nl_b, rt_b, st_b):
    ne = ne_b[...]
    np_b[...] = jnp.dot(ne, wr[...], preferred_element_type=jnp.float32)
    nl_b[...] = jnp.dot(ne, wlt[...], preferred_element_type=jnp.float32)
    rt_b[...] = jnp.dot(he_b[...], wr[...], preferred_element_type=jnp.float32)
    st_b[...] = jnp.dot(se_b[...], wst[...], preferred_element_type=jnp.float32) + bsem[...]


def _p0(node_emb, he_emb, sem_emb, W_r, W_linT, W_semT, b_sem):
    n = node_emb.shape[0]
    blk = 1000 if n % 1000 == 0 else n
    grid = n // blk
    full = lambda s: pl.BlockSpec(s, lambda i: (0, 0))
    row = lambda w: pl.BlockSpec((blk, w), lambda i: (i, 0))
    return pl.pallas_call(
        _p0_body,
        grid=(grid,),
        in_specs=[row(D), row(D), row(sem_emb.shape[1]),
                  full(W_r.shape), full(W_linT.shape), full(W_semT.shape),
                  full(b_sem.shape)],
        out_specs=[row(D), row(D), row(D), row(D)],
        out_shape=[jax.ShapeDtypeStruct((n, D), jnp.float32)] * 4,
        interpret=_INTERPRET,
    )(node_emb, he_emb, sem_emb, W_r, W_linT, W_semT, b_sem)



def _s1_body(E, EPT, K, H,
             nidx, hidx, ridx, nproj, rmt, semt,
             scores, maxout,
             nvA, hvA, rvA, pn0, rt0, st0, pn1, rt1, st1, sbufA, maxtab,
             sem0, sem1):
    c = lax.axis_index("c")
    s = lax.axis_index("s")
    w = s * NC + c
    base = w * EPT
    lanes = lax.iota(jnp.int32, L)
    neg = jnp.full((L,), -jnp.inf, jnp.float32)
    NB = EPT // K

    def initb(i, _):
        maxtab[pl.ds(i * L, L)] = neg
        return 0
    lax.fori_loop(0, H // L, initb, 0, unroll=False)

    pltpu.sync_copy(nidx.at[pl.ds(base, EPT)], nvA)
    pltpu.sync_copy(hidx.at[pl.ds(base, EPT)], hvA)
    pltpu.sync_copy(ridx.at[pl.ds(base, EPT)], rvA)

    bufs = ((pn0, rt0, st0, sem0), (pn1, rt1, st1, sem1))

    def issue(bb, sl):
        pn, rt, st, sem = bufs[sl]
        pltpu.async_copy(nproj.at[nvA.at[pl.ds(bb * K, K)]], pn, sem)
        pltpu.async_copy(rmt.at[hvA.at[pl.ds(bb * K, K)]], rt, sem)
        pltpu.async_copy(semt.at[rvA.at[pl.ds(bb * K, K)]], st, sem)

    def drain(sl):
        pn, rt, st, sem = bufs[sl]
        pltpu.make_async_copy(nproj.at[pl.ds(0, K)], pn, sem).wait()
        pltpu.make_async_copy(rmt.at[pl.ds(0, K)], rt, sem).wait()
        pltpu.make_async_copy(semt.at[pl.ds(0, K)], st, sem).wait()

    def compute(bb, sl):
        pn, rt, st, sem = bufs[sl]

        def edge(j, _):
            accs = []
            for dd in range(DV):
                a = rt[j, pl.ds(dd * L, L)]
                bbv = st[j, pl.ds(dd * L, L)]
                pv = pn[j, pl.ds(dd * L, L)]
                x = a + bbv
                e2 = jnp.exp(x + x)
                th = 1.0 - 2.0 / (e2 + 1.0)
                accs.append(pv * th)
            s8 = ((accs[0] + accs[1]) + (accs[2] + accs[3])) + (
                (accs[4] + accs[5]) + (accs[6] + accs[7]))
            sc = jnp.sum(s8)
            plsc.store_scatter(sbufA, [jnp.full((L,), bb * K + j, jnp.int32)],
                               jnp.full((L,), sc, jnp.float32),
                               mask=lanes == 0)
            return 0
        lax.fori_loop(0, K, edge, 0, unroll=2)

        def grp(g, _):
            hvv = hvA[pl.ds(bb * K + g * L, L)]
            svv = sbufA[pl.ds(bb * K + g * L, L)]

            def cond_fn(_c):
                cur = plsc.load_gather(maxtab, [hvv])
                return jnp.any(svv > cur)

            def body_fn(_c):
                cur = plsc.load_gather(maxtab, [hvv])
                plsc.store_scatter(maxtab, [hvv], svv, mask=svv > cur)
                return 0
            lax.while_loop(cond_fn, body_fn, 0)
            return 0
        lax.fori_loop(0, K // L, grp, 0, unroll=False)

    issue(0, 0)
    issue(1, 1)

    def pair(i, _):
        for sl in range(2):
            bb = 2 * i + sl

            @pl.when(bb < NB)
            def _():
                drain(sl)
                compute(bb, sl)

                @pl.when(bb + 2 < NB)
                def _():
                    issue(bb + 2, sl)
        return 0
    lax.fori_loop(0, (NB + 1) // 2, pair, 0, unroll=False)

    pltpu.sync_copy(sbufA, scores.at[pl.ds(base, EPT)])
    pltpu.sync_copy(maxtab, maxout.at[w])


def _s1(nidx, hidx, ridx, nproj, rmt, semt):
    E = nidx.shape[0]
    H = rmt.shape[0]
    EPT = E // NW
    K = 80 if EPT % 80 == 0 else EPT
    mesh = plsc.VectorSubcoreMesh(core_axis_name="c", subcore_axis_name="s", num_cores=NC, num_subcores=NS)
    f = pl.kernel(
        functools.partial(_s1_body, E, EPT, K, H),
        out_type=[jax.ShapeDtypeStruct((E,), jnp.float32),
                  jax.ShapeDtypeStruct((NW, H), jnp.float32)],
        mesh=mesh,
        compiler_params=pltpu.CompilerParams(needs_layout_passes=False, use_tc_tiling_on_sc=False),
        scratch_types=[
            pltpu.VMEM((EPT,), jnp.int32),
            pltpu.VMEM((EPT,), jnp.int32),
            pltpu.VMEM((EPT,), jnp.int32),
            pltpu.VMEM((K, D), jnp.float32),
            pltpu.VMEM((K, D), jnp.float32),
            pltpu.VMEM((K, D), jnp.float32),
            pltpu.VMEM((K, D), jnp.float32),
            pltpu.VMEM((K, D), jnp.float32),
            pltpu.VMEM((K, D), jnp.float32),
            pltpu.VMEM((EPT,), jnp.float32),
            pltpu.VMEM((H,), jnp.float32),
            pltpu.SemaphoreType.DMA,
            pltpu.SemaphoreType.DMA,
        ],
        interpret=_INTERPRET,
    )
    return f(nidx, hidx, ridx, nproj, rmt, semt)



def _p2_body(mx_b, c_b):
    m = jnp.max(mx_b[...], axis=0, keepdims=True)
    c_b[...] = jnp.where(jnp.isfinite(m), m, 0.0)


def _p2(maxout):
    H = maxout.shape[1]
    return pl.pallas_call(
        _p2_body,
        out_shape=jax.ShapeDtypeStruct((1, H), jnp.float32),
        interpret=_INTERPRET,
    )(maxout)



AW = 144


def _s3_body(E, EPT, K, H, HA,
             nidx, hidx, scores, cvec, nlin,
             out0, out1,
             nv0, nv1, hv0, hv1, sv0, sv1, hs0, hs1, exb,
             rows0, rows1, outb0, outb1, ctab, zbuf,
             isem0, isem1, gsem0, gsem1, ssem0, ssem1, accS):
    c = lax.axis_index("c")
    s = lax.axis_index("s")
    base = s * EPT
    lanes = lax.iota(jnp.int32, L)
    H2 = H // 2
    hbase = c * H2
    rpt = HA // NS
    NB = EPT // K
    idxb = ((nv0, hv0, sv0, isem0), (nv1, hv1, sv1, isem1))
    rowb = ((rows0, gsem0), (rows1, gsem1))
    scatb = ((outb0, hs0, ssem0), (outb1, hs1, ssem1))

    pltpu.sync_copy(cvec.at[0], ctab)

    zv = jnp.zeros((L,), jnp.float32)
    zrows = zbuf.shape[0]

    def zinit(i, _):
        for kk in range(AW // L):
            zbuf[i, pl.ds(kk * L, L)] = zv
        return 0
    lax.fori_loop(0, zrows, zinit, 0, unroll=False)

    def zcp(i, _):
        pltpu.sync_copy(zbuf, accS.at[pl.ds(s * rpt + i * zrows, zrows)])
        return 0
    lax.fori_loop(0, rpt // zrows, zcp, 0, unroll=False)
    plsc.subcore_barrier()

    def issue_idx(bb, sl):
        nv, hv, sv, isem = idxb[sl]
        pltpu.async_copy(nidx.at[pl.ds(base + bb * K, K)], nv, isem)
        pltpu.async_copy(hidx.at[pl.ds(base + bb * K, K)], hv, isem)
        pltpu.async_copy(scores.at[pl.ds(base + bb * K, K)], sv, isem)

    def drain_idx(sl):
        nv, hv, sv, isem = idxb[sl]
        pltpu.make_async_copy(nidx.at[pl.ds(0, K)], nv, isem).wait()
        pltpu.make_async_copy(hidx.at[pl.ds(0, K)], hv, isem).wait()
        pltpu.make_async_copy(scores.at[pl.ds(0, K)], sv, isem).wait()

    def issue_rows(sl):
        nv = idxb[sl][0]
        rows, gsem = rowb[sl]
        pltpu.async_copy(nlin.at[nv], rows, gsem)

    def drain_rows(sl):
        rows, gsem = rowb[sl]
        pltpu.make_async_copy(nlin.at[pl.ds(0, K)], rows, gsem).wait()

    def issue_scat(sl):
        outb, hs, ssem = scatb[sl]
        pltpu.async_copy(outb, accS.at[hs], ssem, add=True)

    def drain_scat(sl):
        outb, hs, ssem = scatb[sl]
        pltpu.make_async_copy(out0.at[pl.ds(0, K)], outb, ssem).wait()

    def compute(bb, sl):
        nv, hv, sv, isem = idxb[sl]
        rows, gsem = rowb[sl]
        outb, hs, ssem = scatb[sl]

        def grpfn(g, _):
            hvv = hv[pl.ds(g * L, L)]
            svv = sv[pl.ds(g * L, L)]
            cv = plsc.load_gather(ctab, [hvv])
            exb[pl.ds(g * L, L)] = jnp.exp(svv - cv)
            return 0
        lax.fori_loop(0, K // L, grpfn, 0, unroll=False)
        drain_rows(sl)

        def edge(j, _):
            exj = plsc.load_gather(exb, [jnp.full((L,), j, jnp.int32)])
            for dd in range(DV):
                outb[j, pl.ds(dd * L, L)] = rows[j, pl.ds(dd * L, L)] * exj
            outb[j, pl.ds(D, L)] = jnp.where(lanes == 0, exj, 0.0)
            return 0
        lax.fori_loop(0, K, edge, 0, unroll=4)
        for g in range(K // L):
            hvv = hv[pl.ds(g * L, L)]
            ih = hvv - hbase
            valid = (ih >= 0) & (ih < H2)
            hs[pl.ds(g * L, L)] = jnp.where(valid, ih, H2)

    issue_idx(0, 0)
    issue_idx(1, 1)
    drain_idx(0)
    issue_rows(0)

    def pair(i, _):
        for sl in range(2):
            bb = 2 * i + sl
            osl = 1 - sl

            @pl.when(bb < NB)
            def _():
                @pl.when(bb + 1 < NB)
                def _():
                    drain_idx(osl)
                    issue_rows(osl)

                @pl.when(bb >= 2)
                def _():
                    drain_scat(sl)
                compute(bb, sl)
                issue_scat(sl)

                @pl.when(bb + 2 < NB)
                def _():
                    issue_idx(bb + 2, sl)
        return 0
    lax.fori_loop(0, (NB + 1) // 2, pair, 0, unroll=False)

    drain_scat((NB - 2) % 2)
    drain_scat((NB - 1) % 2)
    plsc.subcore_barrier()

    @pl.when(c == 0)
    def _():
        pltpu.sync_copy(accS.at[pl.ds(s * rpt, rpt)], out0.at[pl.ds(s * rpt, rpt)])

    @pl.when(c == 1)
    def _():
        pltpu.sync_copy(accS.at[pl.ds(s * rpt, rpt)], out1.at[pl.ds(s * rpt, rpt)])


def _s3(nidx, hidx, scores, cvec, nlin):
    E = nidx.shape[0]
    H = cvec.shape[1]
    EPT = E // NS
    K = 32 if EPT % 32 == 0 else EPT
    HA = (H // 2 + 16 + NS * 16 - 1) // (NS * 16) * (NS * 16)
    zrows = 16 if (HA // NS) % 16 == 0 else HA // NS
    mesh = plsc.VectorSubcoreMesh(core_axis_name="c", subcore_axis_name="s", num_cores=NC, num_subcores=NS)
    f = pl.kernel(
        functools.partial(_s3_body, E, EPT, K, H, HA),
        out_type=[jax.ShapeDtypeStruct((HA, AW), jnp.float32),
                  jax.ShapeDtypeStruct((HA, AW), jnp.float32)],
        mesh=mesh,
        compiler_params=pltpu.CompilerParams(needs_layout_passes=False, use_tc_tiling_on_sc=False),
        scratch_types=[
            pltpu.VMEM((K,), jnp.int32),
            pltpu.VMEM((K,), jnp.int32),
            pltpu.VMEM((K,), jnp.int32),
            pltpu.VMEM((K,), jnp.int32),
            pltpu.VMEM((K,), jnp.float32),
            pltpu.VMEM((K,), jnp.float32),
            pltpu.VMEM((K,), jnp.int32),
            pltpu.VMEM((K,), jnp.int32),
            pltpu.VMEM((K,), jnp.float32),
            pltpu.VMEM((K, D), jnp.float32),
            pltpu.VMEM((K, D), jnp.float32),
            pltpu.VMEM((K, AW), jnp.float32),
            pltpu.VMEM((K, AW), jnp.float32),
            pltpu.VMEM((H,), jnp.float32),
            pltpu.VMEM((zrows, AW), jnp.float32),
            pltpu.SemaphoreType.DMA,
            pltpu.SemaphoreType.DMA,
            pltpu.SemaphoreType.DMA,
            pltpu.SemaphoreType.DMA,
            pltpu.SemaphoreType.DMA,
            pltpu.SemaphoreType.DMA,
            pltpu.VMEM_SHARED((HA, AW), jnp.float32),
        ],
        interpret=_INTERPRET,
    )
    return f(nidx, hidx, scores, cvec, nlin)



def _p4_body(a_b, blin, gam, bet, out_b):
    x = a_b[...]
    num = x[:, :D]
    den = x[:, D:D + 1]
    y = num / jnp.maximum(den, 1e-16) + blin[...]
    y = jnp.where(y > 0, y, 0.01 * y)
    mu = jnp.mean(y, axis=1, keepdims=True)
    var = jnp.mean((y - mu) ** 2, axis=1, keepdims=True)
    out_b[...] = (y - mu) * lax.rsqrt(var + 1e-5) * gam[...] + bet[...]


def _p4(acc, b_lin, gamma, beta):
    H = acc.shape[0]
    blk = 1000 if H % 1000 == 0 else H
    grid = H // blk
    row = lambda w: pl.BlockSpec((blk, w), lambda i: (i, 0))
    full = lambda s: pl.BlockSpec(s, lambda i: (0, 0))
    return pl.pallas_call(
        _p4_body,
        grid=(grid,),
        in_specs=[row(AW), full(b_lin.shape), full(gamma.shape),
                  full(beta.shape)],
        out_specs=row(D),
        out_shape=jax.ShapeDtypeStruct((H, D), jnp.float32),
        interpret=_INTERPRET,
    )(acc, b_lin, gamma, beta)



def kernel(node_embeddings, semalink_embeddings, hyperedge_embeddings, semalinks,
           W_lin, b_lin, W_r, W_sem, b_sem, ln_gamma, ln_beta):
    nidx = semalinks[:, 0]
    hidx = semalinks[:, 1]
    ridx = semalinks[:, 2]

    nproj, nlin, rmt, semt = _p0(
        node_embeddings, hyperedge_embeddings, semalink_embeddings,
        W_r, W_lin.T, W_sem.T, b_sem.reshape(1, -1))

    scores, maxout = _s1(nidx, hidx, ridx, nproj, rmt, semt)
    cvec = _p2(maxout)
    acc0, acc1 = _s3(nidx, hidx, scores, cvec, nlin)
    H = hyperedge_embeddings.shape[0]
    acc = jnp.concatenate([acc0[:H // 2], acc1[:H // 2]], axis=0)
    return _p4(acc, b_lin.reshape(1, -1), ln_gamma.reshape(1, -1),
               ln_beta.reshape(1, -1))

# --- scband reference (transcript-rebuilt; emitter-appended) ---
"""Pipeline reference for scband-semalink-attentive-aggregator-38646115729709 (READ-ONLY COPY).

The authoritative reference and input builder live on the scoring server;
editing this copy changes nothing except your own understanding.
"""

import jax, jax.numpy as jnp
import numpy as np

N = 10000
H = 10000
R = 10000
E = 320000
IN_DIM = 128
OUT_DIM = 128
SEM_IN = 16
EPS = 1e-5


def _xavier(key, shape):
    limit = float(np.sqrt(6.0 / (shape[0] + shape[1])))
    return jax.random.uniform(key, shape, jnp.float32, -limit, limit)


def setup_inputs(seed: int = 0):
    key = jax.random.key(seed)
    ks = jax.random.split(key, 8)
    node_embeddings = jax.random.normal(ks[0], (N, IN_DIM), jnp.float32)
    semalink_embeddings = jax.random.normal(ks[1], (R, SEM_IN), jnp.float32)
    hyperedge_embeddings = jax.random.normal(ks[2], (H, IN_DIM), jnp.float32)
    semalinks = jax.random.randint(ks[3], (E, 3), 0, 10000, dtype=jnp.int32)
    W_lin = _xavier(ks[4], (OUT_DIM, IN_DIM))
    b_lin = jnp.zeros((OUT_DIM,), jnp.float32)
    W_r = _xavier(ks[5], (IN_DIM, OUT_DIM))
    W_sem = _xavier(ks[6], (OUT_DIM, SEM_IN))
    b_sem = jnp.zeros((OUT_DIM,), jnp.float32)
    ln_gamma = jnp.ones((OUT_DIM,), jnp.float32)
    ln_beta = jnp.zeros((OUT_DIM,), jnp.float32)
    return {
        'node_embeddings': node_embeddings,
        'semalink_embeddings': semalink_embeddings,
        'hyperedge_embeddings': hyperedge_embeddings,
        'semalinks': semalinks,
        'W_lin': W_lin, 'b_lin': b_lin,
        'W_r': W_r,
        'W_sem': W_sem, 'b_sem': b_sem,
        'ln_gamma': ln_gamma, 'ln_beta': ln_beta,
    }


def reference(node_embeddings, semalink_embeddings, hyperedge_embeddings, semalinks,
              W_lin, b_lin, W_r, W_sem, b_sem, ln_gamma, ln_beta):
    node_idx = semalinks[:, 0]
    he_idx = semalinks[:, 1]
    rel_idx = semalinks[:, 2]

    # semalink_linear
    sem_t = semalink_embeddings @ W_sem.T + b_sem              # (R, OUT)
    # per-hyperedge r_mul_t and per-edge r_mul_h
    r_mul_t = hyperedge_embeddings @ W_r                       # (H, OUT)
    node_gather = node_embeddings[node_idx]                    # (E, IN)
    r_mul_h = node_gather @ W_r                                # (E, OUT)

    # attention score per semalink edge
    scores = jnp.sum(r_mul_h * jnp.tanh(r_mul_t[he_idx] + sem_t[rel_idx]), axis=-1)  # (E,)

    # softmax over edges grouped by hyperedge (segment softmax)
    m = jax.ops.segment_max(scores, he_idx, num_segments=H)
    m = jnp.where(jnp.isfinite(m), m, 0.0)
    ex = jnp.exp(scores - m[he_idx])
    denom = jax.ops.segment_sum(ex, he_idx, num_segments=H)
    alpha = ex / jnp.maximum(denom[he_idx], 1e-16)

    # attention-weighted aggregation of node embeddings per hyperedge
    agg = jax.ops.segment_sum(alpha[:, None] * node_gather, he_idx, num_segments=H)  # (H, IN)

    # final linear + LeakyReLU + LayerNorm (dropout is identity in eval)
    out = agg @ W_lin.T + b_lin
    out = jax.nn.leaky_relu(out, 0.01)
    mu = jnp.mean(out, axis=-1, keepdims=True)
    var = jnp.var(out, axis=-1, keepdims=True)
    out = (out - mu) / jnp.sqrt(var + EPS) * ln_gamma + ln_beta
    return out

if __name__ == "__main__":
    import jax
    _d = setup_inputs()
    print(jax.jit(kernel)(*tuple(_d.values())))

</pallas_src>

<mosaic_0001>
#map = affine_map<(d0, d1) -> (0)>
#map1 = affine_map<(d0, d1) -> (0, 0)>
module attributes {stable_mosaic.version = 14 : i64} {
  func.func @_s1_body(%arg0: i32, %arg1: i32, %arg2: memref<320000xi32, #tpu.memory_space<hbm>>, %arg3: memref<320000xi32, #tpu.memory_space<hbm>>, %arg4: memref<320000xi32, #tpu.memory_space<hbm>>, %arg5: memref<10000x128xf32, #tpu.memory_space<hbm>>, %arg6: memref<10000x128xf32, #tpu.memory_space<hbm>>, %arg7: memref<10000x128xf32, #tpu.memory_space<hbm>>, %arg8: memref<320000xf32, #tpu.memory_space<hbm>>, %arg9: memref<32x10000xf32, #tpu.memory_space<hbm>>, %arg10: memref<10000xi32, #tpu.memory_space<vmem>>, %arg11: memref<10000xi32, #tpu.memory_space<vmem>>, %arg12: memref<10000xi32, #tpu.memory_space<vmem>>, %arg13: memref<80x128xf32, #tpu.memory_space<vmem>>, %arg14: memref<80x128xf32, #tpu.memory_space<vmem>>, %arg15: memref<80x128xf32, #tpu.memory_space<vmem>>, %arg16: memref<80x128xf32, #tpu.memory_space<vmem>>, %arg17: memref<80x128xf32, #tpu.memory_space<vmem>>, %arg18: memref<80x128xf32, #tpu.memory_space<vmem>>, %arg19: memref<10000xf32, #tpu.memory_space<vmem>>, %arg20: memref<10000xf32, #tpu.memory_space<vmem>>, %arg21: memref<!tpu.dma_semaphore, #tpu.memory_space<semaphore_mem>>, %arg22: memref<!tpu.dma_semaphore, #tpu.memory_space<semaphore_mem>>) attributes {dimension_semantics = [#tpu.dimension_semantics<core_parallel>, #tpu.dimension_semantics<subcore_parallel>], iteration_bounds = array<i64: 2, 16>, scalar_prefetch = 0 : i64, scratch_operands = 13 : i64, tpu.core_type = #tpu.core_type<sc_vector_subcore>, window_params = [{transform_indices = #map}, {transform_indices = #map}, {transform_indices = #map}, {transform_indices = #map1}, {transform_indices = #map1}, {transform_indices = #map1}, {transform_indices = #map}, {transform_indices = #map1}]} {
    %mul3A = arith.constant 2 : i32
    %mul3A_0 = arith.muli %arg1, %mul3A : i32
    %add3A = arith.addi %mul3A_0, %arg0 : i32
    %mul3A_1 = arith.constant 10000 : i32
    %mul3A_2 = arith.muli %add3A, %mul3A_1 : i32
    %iota3A = tpu.iota {dimensions = array<i32: 0>} : vector<16xi32>
    %broadcast_in_dim3A = arith.constant 0xFF800000 : f32
    %broadcast_in_dim3A_3 = vector.broadcast %broadcast_in_dim3A : f32 to vector<16xf32>
    %scan3A = arith.constant 0 : i32
    %scan3A_4 = arith.constant 0 : i32
    %scan3A_5 = arith.constant 625 : i32
    %scan3A_6 = arith.addi %scan3A_4, %scan3A_5 : i32
    %scan3A_7 = arith.constant 1 : i32
    %scan3A_8 = scf.for %scan3A_46 = %scan3A_4 to %scan3A_6 step %scan3A_7 iter_args(%scan3A_47 = %scan3A) -> (i32)  : i32 {
      %mul3A_48 = arith.constant 16 : i32
      %mul3A_49 = arith.muli %scan3A_46, %mul3A_48 : i32
      %swap3A = arith.index_cast %mul3A_49 : i32 to index
      %swap3A_50 = tpu.vector_load %arg20[%swap3A] {strides = array<i32>} : memref<10000xf32, #tpu.memory_space<vmem>>, vector<16xf32>,
      tpu.vector_store %arg20[%swap3A], %broadcast_in_dim3A_3 {strides = array<i32>} : memref<10000xf32, #tpu.memory_space<vmem>>, vector<16xf32>,
      %scan3A_51 = arith.constant 0 : i32
      scf.yield %scan3A_51 : i32
    }
    %scan3A_9 = arith.constant 625 : i32
    "tpu.region"() ({
      %run_scoped3A = tpu.sem_alloc : memref<!tpu.dma_semaphore, #tpu.memory_space<semaphore_mem>>
      %dma_start3A_46 = tpu.memref_slice %arg2[%mul3A_2] : memref<320000xi32, #tpu.memory_space<hbm>> -> memref<10000xi32, #tpu.memory_space<hbm>>
      %dma_start3A_47 = tpu.memref_slice %arg2[%mul3A_2] : memref<320000xi32, #tpu.memory_space<hbm>> -> memref<10000xi32, #tpu.memory_space<hbm>>
      tpu.enqueue_dma source(%dma_start3A_47 : memref<10000xi32, #tpu.memory_space<hbm>>) target(%arg10 : memref<10000xi32, #tpu.memory_space<vmem>>) target_semaphore(%run_scoped3A : memref<!tpu.dma_semaphore, #tpu.memory_space<semaphore_mem>>)
      %dma_wait3A = tpu.memref_slice %arg2[%mul3A_2] : memref<320000xi32, #tpu.memory_space<hbm>> -> memref<10000xi32, #tpu.memory_space<hbm>>
      %dma_wait3A_48 = tpu.memref_slice %arg2[%mul3A_2] : memref<320000xi32, #tpu.memory_space<hbm>> -> memref<10000xi32, #tpu.memory_space<hbm>>
      tpu.wait_dma2 semaphore(%run_scoped3A : memref<!tpu.dma_semaphore, #tpu.memory_space<semaphore_mem>>) src(%dma_wait3A_48 : memref<10000xi32, #tpu.memory_space<hbm>>) dst(%arg10 : memref<10000xi32, #tpu.memory_space<vmem>>)
      tpu.yield
    }) : () -> ()
    "tpu.region"() ({
      %run_scoped3A = tpu.sem_alloc : memref<!tpu.dma_semaphore, #tpu.memory_space<semaphore_mem>>
      %dma_start3A_46 = tpu.memref_slice %arg3[%mul3A_2] : memref<320000xi32, #tpu.memory_space<hbm>> -> memref<10000xi32, #tpu.memory_space<hbm>>
      %dma_start3A_47 = tpu.memref_slice %arg3[%mul3A_2] : memref<320000xi32, #tpu.memory_space<hbm>> -> memref<10000xi32, #tpu.memory_space<hbm>>
      tpu.enqueue_dma source(%dma_start3A_47 : memref<10000xi32, #tpu.memory_space<hbm>>) target(%arg11 : memref<10000xi32, #tpu.memory_space<vmem>>) target_semaphore(%run_scoped3A : memref<!tpu.dma_semaphore, #tpu.memory_space<semaphore_mem>>)
      %dma_wait3A = tpu.memref_slice %arg3[%mul3A_2] : memref<320000xi32, #tpu.memory_space<hbm>> -> memref<10000xi32, #tpu.memory_space<hbm>>
      %dma_wait3A_48 = tpu.memref_slice %arg3[%mul3A_2] : memref<320000xi32, #tpu.memory_space<hbm>> -> memref<10000xi32, #tpu.memory_space<hbm>>
      tpu.wait_dma2 semaphore(%run_scoped3A : memref<!tpu.dma_semaphore, #tpu.memory_space<semaphore_mem>>) src(%dma_wait3A_48 : memref<10000xi32, #tpu.memory_space<hbm>>) dst(%arg11 : memref<10000xi32, #tpu.memory_space<vmem>>)
      tpu.yield
    }) : () -> ()
    "tpu.region"() ({
      %run_scoped3A = tpu.sem_alloc : memref<!tpu.dma_semaphore, #tpu.memory_space<semaphore_mem>>
      %dma_start3A_46 = tpu.memref_slice %arg4[%mul3A_2] : memref<320000xi32, #tpu.memory_space<hbm>> -> memref<10000xi32, #tpu.memory_space<hbm>>
      %dma_start3A_47 = tpu.memref_slice %arg4[%mul3A_2] : memref<320000xi32, #tpu.memory_space<hbm>> -> memref<10000xi32, #tpu.memory_space<hbm>>
      tpu.enqueue_dma source(%dma_start3A_47 : memref<10000xi32, #tpu.memory_space<hbm>>) target(%arg12 : memref<10000xi32, #tpu.memory_space<vmem>>) target_semaphore(%run_scoped3A : memref<!tpu.dma_semaphore, #tpu.memory_space<semaphore_mem>>)
      %dma_wait3A = tpu.memref_slice %arg4[%mul3A_2] : memref<320000xi32, #tpu.memory_space<hbm>> -> memref<10000xi32, #tpu.memory_space<hbm>>
      %dma_wait3A_48 = tpu.memref_slice %arg4[%mul3A_2] : memref<320000xi32, #tpu.memory_space<hbm>> -> memref<10000xi32, #tpu.memory_space<hbm>>
      tpu.wait_dma2 semaphore(%run_scoped3A : memref<!tpu.dma_semaphore, #tpu.memory_space<semaphore_mem>>) src(%dma_wait3A_48 : memref<10000xi32, #tpu.memory_space<hbm>>) dst(%arg12 : memref<10000xi32, #tpu.memory_space<vmem>>)
      tpu.yield
    }) : () -> ()
    %dma_start3A = arith.constant 0 : i32
    %dma_start3A_10 = tpu.memref_slice %arg10[%dma_start3A] : memref<10000xi32, #tpu.memory_space<vmem>> -> memref<80xi32, #tpu.memory_space<vmem>>
    %dma_start3A_11 = arith.constant 0 : i32
    %dma_start3A_12 = arith.constant 0 : i32
    %dma_start3A_13 = tpu.memref_slice %arg5[%dma_start3A_11, %dma_start3A_12] : memref<10000x128xf32, #tpu.memory_space<hbm>> -> memref<10000x128xf32, #tpu.memory_space<hbm>>
    tpu.enqueue_indirect_dma source(%dma_start3A_13 : memref<10000x128xf32, #tpu.memory_space<hbm>>) target(%arg13 : memref<80x128xf32, #tpu.memory_space<vmem>>) offsets(%dma_start3A_10 : memref<80xi32, #tpu.memory_space<vmem>>) semaphore(%arg21 : memref<!tpu.dma_semaphore, #tpu.memory_space<semaphore_mem>>)
    %dma_start3A_14 = arith.constant 0 : i32
    %dma_start3A_15 = tpu.memref_slice %arg11[%dma_start3A_14] : memref<10000xi32, #tpu.memory_space<vmem>> -> memref<80xi32, #tpu.memory_space<vmem>>
    %dma_start3A_16 = arith.constant 0 : i32
    %dma_start3A_17 = arith.constant 0 : i32
    %dma_start3A_18 = tpu.memref_slice %arg6[%dma_start3A_16, %dma_start3A_17] : memref<10000x128xf32, #tpu.memory_space<hbm>> -> memref<10000x128xf32, #tpu.memory_space<hbm>>
    tpu.enqueue_indirect_dma source(%dma_start3A_18 : memref<10000x128xf32, #tpu.memory_space<hbm>>) target(%arg14 : memref<80x128xf32, #tpu.memory_space<vmem>>) offsets(%dma_start3A_15 : memref<80xi32, #tpu.memory_space<vmem>>) semaphore(%arg21 : memref<!tpu.dma_semaphore, #tpu.memory_space<semaphore_mem>>)
    %dma_start3A_19 = arith.constant 0 : i32
    %dma_start3A_20 = tpu.memref_slice %arg12[%dma_start3A_19] : memref<10000xi32, #tpu.memory_space<vmem>> -> memref<80xi32, #tpu.memory_space<vmem>>
    %dma_start3A_21 = arith.constant 0 : i32
    %dma_start3A_22 = arith.constant 0 : i32
    %dma_start3A_23 = tpu.memref_slice %arg7[%dma_start3A_21, %dma_start3A_22] : memref<10000x128xf32, #tpu.memory_space<hbm>> -> memref<10000x128xf32, #tpu.memory_space<hbm>>
    tpu.enqueue_indirect_dma source(%dma_start3A_23 : memref<10000x128xf32, #tpu.memory_space<hbm>>) target(%arg15 : memref<80x128xf32, #tpu.memory_space<vmem>>) offsets(%dma_start3A_20 : memref<80xi32, #tpu.memory_space<vmem>>) semaphore(%arg21 : memref<!tpu.dma_semaphore, #tpu.memory_space<semaphore_mem>>)
    %dma_start3A_24 = arith.constant 80 : i32
    %dma_start3A_25 = tpu.memref_slice %arg10[%dma_start3A_24] : memref<10000xi32, #tpu.memory_space<vmem>> -> memref<80xi32, #tpu.memory_space<vmem>>
    %dma_start3A_26 = arith.constant 0 : i32
    %dma_start3A_27 = arith.constant 0 : i32
    %dma_start3A_28 = tpu.memref_slice %arg5[%dma_start3A_26, %dma_start3A_27] : memref<10000x128xf32, #tpu.memory_space<hbm>> -> memref<10000x128xf32, #tpu.memory_space<hbm>>
    tpu.enqueue_indirect_dma source(%dma_start3A_28 : memref<10000x128xf32, #tpu.memory_space<hbm>>) target(%arg16 : memref<80x128xf32, #tpu.memory_space<vmem>>) offsets(%dma_start3A_25 : memref<80xi32, #tpu.memory_space<vmem>>) semaphore(%arg22 : memref<!tpu.dma_semaphore, #tpu.memory_space<semaphore_mem>>)
    %dma_start3A_29 = arith.constant 80 : i32
    %dma_start3A_30 = tpu.memref_slice %arg11[%dma_start3A_29] : memref<10000xi32, #tpu.memory_space<vmem>> -> memref<80xi32, #tpu.memory_space<vmem>>
    %dma_start3A_31 = arith.constant 0 : i32
    %dma_start3A_32 = arith.constant 0 : i32
    %dma_start3A_33 = tpu.memref_slice %arg6[%dma_start3A_31, %dma_start3A_32] : memref<10000x128xf32, #tpu.memory_space<hbm>> -> memref<10000x128xf32, #tpu.memory_space<hbm>>
    tpu.enqueue_indirect_dma source(%dma_start3A_33 : memref<10000x128xf32, #tpu.memory_space<hbm>>) target(%arg17 : memref<80x128xf32, #tpu.memory_space<vmem>>) offsets(%dma_start3A_30 : memref<80xi32, #tpu.memory_space<vmem>>) semaphore(%arg22 : memref<!tpu.dma_semaphore, #tpu.memory_space<semaphore_mem>>)
    %dma_start3A_34 = arith.constant 80 : i32
    %dma_start3A_35 = tpu.memref_slice %arg12[%dma_start3A_34] : memref<10000xi32, #tpu.memory_space<vmem>> -> memref<80xi32, #tpu.memory_space<vmem>>
    %dma_start3A_36 = arith.constant 0 : i32
    %dma_start3A_37 = arith.constant 0 : i32
    %dma_start3A_38 = tpu.memref_slice %arg7[%dma_start3A_36, %dma_start3A_37] : memref<10000x128xf32, #tpu.memory_space<hbm>> -> memref<10000x128xf32, #tpu.memory_space<hbm>>
    tpu.enqueue_indirect_dma source(%dma_start3A_38 : memref<10000x128xf32, #tpu.memory_space<hbm>>) target(%arg18 : memref<80x128xf32, #tpu.memory_space<vmem>>) offsets(%dma_start3A_35 : memref<80xi32, #tpu.memory_space<vmem>>) semaphore(%arg22 : memref<!tpu.dma_semaphore, #tpu.memory_space<semaphore_mem>>)
    %scan3A_39 = arith.constant 0 : i32
    %scan3A_40 = arith.constant 0 : i32
    %scan3A_41 = arith.constant 63 : i32
    %scan3A_42 = arith.addi %scan3A_40, %scan3A_41 : i32
    %scan3A_43 = arith.constant 1 : i32
    %scan3A_44 = scf.for %scan3A_46 = %scan3A_40 to %scan3A_42 step %scan3A_43 iter_args(%scan3A_47 = %scan3A_39) -> (i32)  : i32 {
      %mul3A_48 = arith.constant 2 : i32
      %mul3A_49 = arith.muli %mul3A_48, %scan3A_46 : i32
      %add3A_50 = arith.constant 0 : i32
      %add3A_51 = arith.addi %mul3A_49, %add3A_50 : i32
      %lt3A = arith.constant 125 : i32
      %lt3A_52 = arith.cmpi slt, %add3A_51, %lt3A : i32
      %convert_element_type3A = arith.extui %lt3A_52 : i1 to i32
      %cond3A = arith.constant 0 : i32
      %cond3A_53 = arith.cmpi ne, %convert_element_type3A, %cond3A : i32
      scf.if %cond3A_53 {
        %dma_wait3A = arith.constant 0 : i32
        %dma_wait3A_64 = arith.constant 0 : i32
        %dma_wait3A_65 = tpu.memref_slice %arg5[%dma_wait3A, %dma_wait3A_64] : memref<10000x128xf32, #tpu.memory_space<hbm>> -> memref<80x128xf32, #tpu.memory_space<hbm>>
        %dma_wait3A_66 = arith.constant 0 : i32
        %dma_wait3A_67 = arith.constant 0 : i32
        %dma_wait3A_68 = tpu.memref_slice %arg5[%dma_wait3A_66, %dma_wait3A_67] : memref<10000x128xf32, #tpu.memory_space<hbm>> -> memref<80x128xf32, #tpu.memory_space<hbm>>
        tpu.wait_dma2 semaphore(%arg21 : memref<!tpu.dma_semaphore, #tpu.memory_space<semaphore_mem>>) src(%dma_wait3A_68 : memref<80x128xf32, #tpu.memory_space<hbm>>) dst(%arg13 : memref<80x128xf32, #tpu.memory_space<vmem>>)
        %dma_wait3A_69 = arith.constant 0 : i32
        %dma_wait3A_70 = arith.constant 0 : i32
        %dma_wait3A_71 = tpu.memref_slice %arg6[%dma_wait3A_69, %dma_wait3A_70] : memref<10000x128xf32, #tpu.memory_space<hbm>> -> memref<80x128xf32, #tpu.memory_space<hbm>>
        %dma_wait3A_72 = arith.constant 0 : i32
        %dma_wait3A_73 = arith.constant 0 : i32
        %dma_wait3A_74 = tpu.memref_slice %arg6[%dma_wait3A_72, %dma_wait3A_73] : memref<10000x128xf32, #tpu.memory_space<hbm>> -> memref<80x128xf32, #tpu.memory_space<hbm>>
        tpu.wait_dma2 semaphore(%arg21 : memref<!tpu.dma_semaphore, #tpu.memory_space<semaphore_mem>>) src(%dma_wait3A_74 : memref<80x128xf32, #tpu.memory_space<hbm>>) dst(%arg14 : memref<80x128xf32, #tpu.memory_space<vmem>>)
        %dma_wait3A_75 = arith.constant 0 : i32
        %dma_wait3A_76 = arith.constant 0 : i32
        %dma_wait3A_77 = tpu.memref_slice %arg7[%dma_wait3A_75, %dma_wait3A_76] : memref<10000x128xf32, #tpu.memory_space<hbm>> -> memref<80x128xf32, #tpu.memory_space<hbm>>
        %dma_wait3A_78 = arith.constant 0 : i32
        %dma_wait3A_79 = arith.constant 0 : i32
        %dma_wait3A_80 = tpu.memref_slice %arg7[%dma_wait3A_78, %dma_wait3A_79] : memref<10000x128xf32, #tpu.memory_space<hbm>> -> memref<80x128xf32, #tpu.memory_space<hbm>>
        tpu.wait_dma2 semaphore(%arg21 : memref<!tpu.dma_semaphore, #tpu.memory_space<semaphore_mem>>) src(%dma_wait3A_80 : memref<80x128xf32, #tpu.memory_space<hbm>>) dst(%arg15 : memref<80x128xf32, #tpu.memory_space<vmem>>)
        %scan3A_81 = arith.constant 0 : i32
        %scan3A_82 = arith.constant 0 : i32
        %scan3A_83 = arith.constant 80 : i32
        %scan3A_84 = arith.addi %scan3A_82, %scan3A_83 : i32
        %scan3A_85 = arith.constant 2 : i32
        %scan3A_86 = scf.for %scan3A_102 = %scan3A_82 to %scan3A_84 step %scan3A_85 iter_args(%scan3A_103 = %scan3A_81) -> (i32)  : i32 {
          %get3A = arith.index_cast %scan3A_102 : i32 to index
          %get3A_104 = arith.constant 0 : index
          %get3A_105 = tpu.vector_load %arg14[%get3A, %get3A_104] {strides = array<i32>} : memref<80x128xf32, #tpu.memory_space<vmem>>, vector<16xf32>,
          %get3A_106 = arith.index_cast %scan3A_102 : i32 to index
          %get3A_107 = arith.constant 0 : index
          %get3A_108 = tpu.vector_load %arg15[%get3A_106, %get3A_107] {strides = array<i32>} : memref<80x128xf32, #tpu.memory_space<vmem>>, vector<16xf32>,
          %get3A_109 = arith.index_cast %scan3A_102 : i32 to index
          %get3A_110 = arith.constant 0 : index
          %get3A_111 = tpu.vector_load %arg13[%get3A_109, %get3A_110] {strides = array<i32>} : memref<80x128xf32, #tpu.memory_space<vmem>>, vector<16xf32>,
          %add3A_112 = arith.addf %get3A_105, %get3A_108 : vector<16xf32>
          %add3A_113 = arith.addf %add3A_112, %add3A_112 : vector<16xf32>
          %exp3A = math.exp %add3A_113 : vector<16xf32>
          %add3A_114 = arith.constant 1.000000e+00 : f32
          %add3A_115 = vector.broadcast %add3A_114 : f32 to vector<16xf32>
          %add3A_116 = arith.addf %exp3A, %add3A_115 : vector<16xf32>
          %div3A = arith.constant 2.000000e+00 : f32
          %div3A_117 = vector.broadcast %div3A : f32 to vector<16xf32>
          %div3A_118 = arith.divf %div3A_117, %add3A_116 : vector<16xf32>
          %sub3A = arith.constant 1.000000e+00 : f32
          %sub3A_119 = vector.broadcast %sub3A : f32 to vector<16xf32>
          %sub3A_120 = arith.subf %sub3A_119, %div3A_118 : vector<16xf32>
          %mul3A_121 = arith.mulf %get3A_111, %sub3A_120 : vector<16xf32>
          %get3A_122 = arith.index_cast %scan3A_102 : i32 to index
          %get3A_123 = arith.constant 16 : index
          %get3A_124 = tpu.vector_load %arg14[%get3A_122, %get3A_123] {strides = array<i32>} : memref<80x128xf32, #tpu.memory_space<vmem>>, vector<16xf32>,
          %get3A_125 = arith.index_cast %scan3A_102 : i32 to index
          %get3A_126 = arith.constant 16 : index
          %get3A_127 = tpu.vector_load %arg15[%get3A_125, %get3A_126] {strides = array<i32>} : memref<80x128xf32, #tpu.memory_space<vmem>>, vector<16xf32>,
          %get3A_128 = arith.index_cast %scan3A_102 : i32 to index
          %get3A_129 = arith.constant 16 : index
          %get3A_130 = tpu.vector_load %arg13[%get3A_128, %get3A_129] {strides = array<i32>} : memref<80x128xf32, #tpu.memory_space<vmem>>, vector<16xf32>,
          %add3A_131 = arith.addf %get3A_124, %get3A_127 : vector<16xf32>
          %add3A_132 = arith.addf %add3A_131, %add3A_131 : vector<16xf32>
          %exp3A_133 = math.exp %add3A_132 : vector<16xf32>
          %add3A_134 = arith.constant 1.000000e+00 : f32
          %add3A_135 = vector.broadcast %add3A_134 : f32 to vector<16xf32>
          %add3A_136 = arith.addf %exp3A_133, %add3A_135 : vector<16xf32>
          %div3A_137 = arith.constant 2.000000e+00 : f32
          %div3A_138 = vector.broadcast %div3A_137 : f32 to vector<16xf32>
          %div3A_139 = arith.divf %div3A_138, %add3A_136 : vector<16xf32>
          %sub3A_140 = arith.constant 1.000000e+00 : f32
          %sub3A_141 = vector.broadcast %sub3A_140 : f32 to vector<16xf32>
          %sub3A_142 = arith.subf %sub3A_141, %div3A_139 : vector<16xf32>
          %mul3A_143 = arith.mulf %get3A_130, %sub3A_142 : vector<16xf32>
          %get3A_144 = arith.index_cast %scan3A_102 : i32 to index
          %get3A_145 = arith.constant 32 : index
          %get3A_146 = tpu.vector_load %arg14[%get3A_144, %get3A_145] {strides = array<i32>} : memref<80x128xf32, #tpu.memory_space<vmem>>, vector<16xf32>,
          %get3A_147 = arith.index_cast %scan3A_102 : i32 to index
          %get3A_148 = arith.constant 32 : index
          %get3A_149 = tpu.vector_load %arg15[%get3A_147, %get3A_148] {strides = array<i32>} : memref<80x128xf32, #tpu.memory_space<vmem>>, vector<16xf32>,
          %get3A_150 = arith.index_cast %scan3A_102 : i32 to index
          %get3A_151 = arith.constant 32 : index
          %get3A_152 = tpu.vector_load %arg13[%get3A_150, %get3A_151] {strides = array<i32>} : memref<80x128xf32, #tpu.memory_space<vmem>>, vector<16xf32>,
          %add3A_153 = arith.addf %get3A_146, %get3A_149 : vector<16xf32>
          %add3A_154 = arith.addf %add3A_153, %add3A_153 : vector<16xf32>
          %exp3A_155 = math.exp %add3A_154 : vector<16xf32>
          %add3A_156 = arith.constant 1.000000e+00 : f32
          %add3A_157 = vector.broadcast %add3A_156 : f32 to vector<16xf32>
          %add3A_158 = arith.addf %exp3A_155, %add3A_157 : vector<16xf32>
          %div3A_159 = arith.constant 2.000000e+00 : f32
          %div3A_160 = vector.broadcast %div3A_159 : f32 to vector<16xf32>
          %div3A_161 = arith.divf %div3A_160, %add3A_158 : vector<16xf32>
          %sub3A_162 = arith.constant 1.000000e+00 : f32
          %sub3A_163 = vector.broadcast %sub3A_162 : f32 to vector<16xf32>
          %sub3A_164 = arith.subf %sub3A_163, %div3A_161 : vector<16xf32>
          %mul3A_165 = arith.mulf %get3A_152, %sub3A_164 : vector<16xf32>
          %get3A_166 = arith.index_cast %scan3A_102 : i32 to index
          %get3A_167 = arith.constant 48 : index
          %get3A_168 = tpu.vector_load %arg14[%get3A_166, %get3A_167] {strides = array<i32>} : memref<80x128xf32, #tpu.memory_space<vmem>>, vector<16xf32>,
          %get3A_169 = arith.index_cast %scan3A_102 : i32 to index
          %get3A_170 = arith.constant 48 : index
          %get3A_171 = tpu.vector_load %arg15[%get3A_169, %get3A_170] {strides = array<i32>} : memref<80x128xf32, #tpu.memory_space<vmem>>, vector<16xf32>,
          %get3A_172 = arith.index_cast %scan3A_102 : i32 to index
          %get3A_173 = arith.constant 48 : index
          %get3A_174 = tpu.vector_load %arg13[%get3A_172, %get3A_173] {strides = array<i32>} : memref<80x128xf32, #tpu.memory_space<vmem>>, vector<16xf32>,
          %add3A_175 = arith.addf %get3A_168, %get3A_171 : vector<16xf32>
          %add3A_176 = arith.addf %add3A_175, %add3A_175 : vector<16xf32>
          %exp3A_177 = math.exp %add3A_176 : vector<16xf32>
          %add3A_178 = arith.constant 1.000000e+00 : f32
          %add3A_179 = vector.broadcast %add3A_178 : f32 to vector<16xf32>
          %add3A_180 = arith.addf %exp3A_177, %add3A_179 : vector<16xf32>
          %div3A_181 = arith.constant 2.000000e+00 : f32
          %div3A_182 = vector.broadcast %div3A_181 : f32 to vector<16xf32>
          %div3A_183 = arith.divf %div3A_182, %add3A_180 : vector<16xf32>
          %sub3A_184 = arith.constant 1.000000e+00 : f32
          %sub3A_185 = vector.broadcast %sub3A_184 : f32 to vector<16xf32>
          %sub3A_186 = arith.subf %sub3A_185, %div3A_183 : vector<16xf32>
          %mul3A_187 = arith.mulf %get3A_174, %sub3A_186 : vector<16xf32>
          %get3A_188 = arith.index_cast %scan3A_102 : i32 to index
          %get3A_189 = arith.constant 64 : index
          %get3A_190 = tpu.vector_load %arg14[%get3A_188, %get3A_189] {strides = array<i32>} : memref<80x128xf32, #tpu.memory_space<vmem>>, vector<16xf32>,
          %get3A_191 = arith.index_cast %scan3A_102 : i32 to index
          %get3A_192 = arith.constant 64 : index
          %get3A_193 = tpu.vector_load %arg15[%get3A_191, %get3A_192] {strides = array<i32>} : memref<80x128xf32, #tpu.memory_space<vmem>>, vector<16xf32>,
          %get3A_194 = arith.index_cast %scan3A_102 : i32 to index
          %get3A_195 = arith.constant 64 : index
          %get3A_196 = tpu.vector_load %arg13[%get3A_194, %get3A_195] {strides = array<i32>} : memref<80x128xf32, #tpu.memory_space<vmem>>, vector<16xf32>,
          %add3A_197 = arith.addf %get3A_190, %get3A_193 : vector<16xf32>
          %add3A_198 = arith.addf %add3A_197, %add3A_197 : vector<16xf32>
          %exp3A_199 = math.exp %add3A_198 : vector<16xf32>
          %add3A_200 = arith.constant 1.000000e+00 : f32
          %add3A_201 = vector.broadcast %add3A_200 : f32 to vector<16xf32>
          %add3A_202 = arith.addf %exp3A_199, %add3A_201 : vector<16xf32>
          %div3A_203 = arith.constant 2.000000e+00 : f32
          %div3A_204 = vector.broadcast %div3A_203 : f32 to vector<16xf32>
          %div3A_205 = arith.divf %div3A_204, %add3A_202 : vector<16xf32>
          %sub3A_206 = arith.constant 1.000000e+00 : f32
          %sub3A_207 = vector.broadcast %sub3A_206 : f32 to vector<16xf32>
          %sub3A_208 = arith.subf %sub3A_207, %div3A_205 : vector<16xf32>
          %mul3A_209 = arith.mulf %get3A_196, %sub3A_208 : vector<16xf32>
          %get3A_210 = arith.index_cast %scan3A_102 : i32 to index
          %get3A_211 = arith.constant 80 : index
          %get3A_212 = tpu.vector_load %arg14[%get3A_210, %get3A_211] {strides = array<i32>} : memref<80x128xf32, #tpu.memory_space<vmem>>, vector<16xf32>,
          %get3A_213 = arith.index_cast %scan3A_102 : i32 to index
          %get3A_214 = arith.constant 80 : index
          %get3A_215 = tpu.vector_load %arg15[%get3A_213, %get3A_214] {strides = array<i32>} : memref<80x128xf32, #tpu.memory_space<vmem>>, vector<16xf32>,
          %get3A_216 = arith.index_cast %scan3A_102 : i32 to index
          %get3A_217 = arith.constant 80 : index
          %get3A_218 = tpu.vector_load %arg13[%get3A_216, %get3A_217] {strides = array<i32>} : memref<80x128xf32, #tpu.memory_space<vmem>>, vector<16xf32>,
          %add3A_219 = arith.addf %get3A_212, %get3A_215 : vector<16xf32>
          %add3A_220 = arith.addf %add3A_219, %add3A_219 : vector<16xf32>
          %exp3A_221 = math.exp %add3A_220 : vector<16xf32>
          %add3A_222 = arith.constant 1.000000e+00 : f32
          %add3A_223 = vector.broadcast %add3A_222 : f32 to vector<16xf32>
          %add3A_224 = arith.addf %exp3A_221, %add3A_223 : vector<16xf32>
          %div3A_225 = arith.constant 2.000000e+00 : f32
          %div3A_226 = vector.broadcast %div3A_225 : f32 to vector<16xf32>
          %div3A_227 = arith.divf %div3A_226, %add3A_224 : vector<16xf32>
          %sub3A_228 = arith.constant 1.000000e+00 : f32
          %sub3A_229 = vector.broadcast %sub3A_228 : f32 to vector<16xf32>
          %sub3A_230 = arith.subf %sub3A_229, %div3A_227 : vector<16xf32>
          %mul3A_231 = arith.mulf %get3A_218, %sub3A_230 : vector<16xf32>
          %get3A_232 = arith.index_cast %scan3A_102 : i32 to index
          %get3A_233 = arith.constant 96 : index
          %get3A_234 = tpu.vector_load %arg14[%get3A_232, %get3A_233] {strides = array<i32>} : memref<80x128xf32, #tpu.memory_space<vmem>>, vector<16xf32>,
          %get3A_235 = arith.index_cast %scan3A_102 : i32 to index
          %get3A_236 = arith.constant 96 : index
          %get3A_237 = tpu.vector_load %arg15[%get3A_235, %get3A_236] {strides = array<i32>} : memref<80x128xf32, #tpu.memory_space<vmem>>, vector<16xf32>,
          %get3A_238 = arith.index_cast %scan3A_102 : i32 to index
          %get3A_239 = arith.constant 96 : index
          %get3A_240 = tpu.vector_load %arg13[%get3A_238, %get3A_239] {strides = array<i32>} : memref<80x128xf32, #tpu.memory_space<vmem>>, vector<16xf32>,
          %add3A_241 = arith.addf %get3A_234, %get3A_237 : vector<16xf32>
          %add3A_242 = arith.addf %add3A_241, %add3A_241 : vector<16xf32>
          %exp3A_243 = math.exp %add3A_242 : vector<16xf32>
          %add3A_244 = arith.constant 1.000000e+00 : f32
          %add3A_245 = vector.broadcast %add3A_244 : f32 to vector<16xf32>
          %add3A_246 = arith.addf %exp3A_243, %add3A_245 : vector<16xf32>
          %div3A_247 = arith.constant 2.000000e+00 : f32
          %div3A_248 = vector.broadcast %div3A_247 : f32 to vector<16xf32>
          %div3A_249 = arith.divf %div3A_248, %add3A_246 : vector<16xf32>
          %sub3A_250 = arith.constant 1.000000e+00 : f32
          %sub3A_251 = vector.broadcast %sub3A_250 : f32 to vector<16xf32>
          %sub3A_252 = arith.subf %sub3A_251, %div3A_249 : vector<16xf32>
          %mul3A_253 = arith.mulf %get3A_240, %sub3A_252 : vector<16xf32>
          %get3A_254 = arith.index_cast %scan3A_102 : i32 to index
          %get3A_255 = arith.constant 112 : index
          %get3A_256 = tpu.vector_load %arg14[%get3A_254, %get3A_255] {strides = array<i32>} : memref<80x128xf32, #tpu.memory_space<vmem>>, vector<16xf32>,
          %get3A_257 = arith.index_cast %scan3A_102 : i32 to index
          %get3A_258 = arith.constant 112 : index
          %get3A_259 = tpu.vector_load %arg15[%get3A_257, %get3A_258] {strides = array<i32>} : memref<80x128xf32, #tpu.memory_space<vmem>>, vector<16xf32>,
          %get3A_260 = arith.index_cast %scan3A_102 : i32 to index
          %get3A_261 = arith.constant 112 : index
          %get3A_262 = tpu.vector_load %arg13[%get3A_260, %get3A_261] {strides = array<i32>} : memref<80x128xf32, #tpu.memory_space<vmem>>, vector<16xf32>,
          %add3A_263 = arith.addf %get3A_256, %get3A_259 : vector<16xf32>
          %add3A_264 = arith.addf %add3A_263, %add3A_263 : vector<16xf32>
          %exp3A_265 = math.exp %add3A_264 : vector<16xf32>
          %add3A_266 = arith.constant 1.000000e+00 : f32
          %add3A_267 = vector.broadcast %add3A_266 : f32 to vector<16xf32>
          %add3A_268 = arith.addf %exp3A_265, %add3A_267 : vector<16xf32>
          %div3A_269 = arith.constant 2.000000e+00 : f32
          %div3A_270 = vector.broadcast %div3A_269 : f32 to vector<16xf32>
          %div3A_271 = arith.divf %div3A_270, %add3A_268 : vector<16xf32>
          %sub3A_272 = arith.constant 1.000000e+00 : f32
          %sub3A_273 = vector.broadcast %sub3A_272 : f32 to vector<16xf32>
          %sub3A_274 = arith.subf %sub3A_273, %div3A_271 : vector<16xf32>
          %mul3A_275 = arith.mulf %get3A_262, %sub3A_274 : vector<16xf32>
          %add3A_276 = arith.addf %mul3A_121, %mul3A_143 : vector<16xf32>
          %add3A_277 = arith.addf %mul3A_165, %mul3A_187 : vector<16xf32>
          %add3A_278 = arith.addf %add3A_276, %add3A_277 : vector<16xf32>
          %add3A_279 = arith.addf %mul3A_209, %mul3A_231 : vector<16xf32>
          %add3A_280 = arith.addf %mul3A_253, %mul3A_275 : vector<16xf32>
          %add3A_281 = arith.addf %add3A_279, %add3A_280 : vector<16xf32>
          %add3A_282 = arith.addf %add3A_278, %add3A_281 : vector<16xf32>
          %reduce_sum3A = arith.constant true
          %reduce_sum3A_283 = vector.broadcast %reduce_sum3A : i1 to vector<16xi1>
          %reduce_sum3A_284 = tpu.scan <sum>, %add3A_282 masked %reduce_sum3A_283 : vector<16xf32>, vector<16xi1> -> vector<16xf32>
          %reduce_sum3A_285 = vector.extract %reduce_sum3A_284[15] : f32 from vector<16xf32>
          %mul3A_286 = arith.constant 80 : i32
          %mul3A_287 = arith.muli %add3A_51, %mul3A_286 : i32
          %add3A_288 = arith.addi %mul3A_287, %scan3A_102 : i32
          %broadcast_in_dim3A_289 = vector.broadcast %add3A_288 : i32 to vector<16xi32>
          %broadcast_in_dim3A_290 = vector.broadcast %reduce_sum3A_285 : f32 to vector<16xf32>
          %eq3A = arith.constant 0 : i32
          %eq3A_291 = vector.broadcast %eq3A : i32 to vector<16xi32>
          %eq3A_292 = arith.cmpi eq, %iota3A, %eq3A_291 : vector<16xi32>
          tpu.vector_store_idx %arg19[%broadcast_in_dim3A_289], %broadcast_in_dim3A_290 masked %eq3A_292 : memref<10000xf32, #tpu.memory_space<vmem>>[vector<16xi32>], vector<16xf32>, vector<16xi1>
          %scan3A_293 = arith.constant 0 : i32
          %scan3A_294 = arith.constant 1 : i32
          %scan3A_295 = arith.addi %scan3A_102, %scan3A_294 : i32
          %get3A_296 = arith.index_cast %scan3A_295 : i32 to index
          %get3A_297 = arith.constant 0 : index
          %get3A_298 = tpu.vector_load %arg14[%get3A_296, %get3A_297] {strides = array<i32>} : memref<80x128xf32, #tpu.memory_space<vmem>>, vector<16xf32>,
          %get3A_299 = arith.index_cast %scan3A_295 : i32 to index
          %get3A_300 = arith.constant 0 : index
          %get3A_301 = tpu.vector_load %arg15[%get3A_299, %get3A_300] {strides = array<i32>} : memref<80x128xf32, #tpu.memory_space<vmem>>, vector<16xf32>,
          %get3A_302 = arith.index_cast %scan3A_295 : i32 to index
          %get3A_303 = arith.constant 0 : index
          %get3A_304 = tpu.vector_load %arg13[%get3A_302, %get3A_303] {strides = array<i32>} : memref<80x128xf32, #tpu.memory_space<vmem>>, vector<16xf32>,
          %add3A_305 = arith.addf %get3A_298, %get3A_301 : vector<16xf32>
          %add3A_306 = arith.addf %add3A_305, %add3A_305 : vector<16xf32>
          %exp3A_307 = math.exp %add3A_306 : vector<16xf32>
          %add3A_308 = arith.constant 1.000000e+00 : f32
          %add3A_309 = vector.broadcast %add3A_308 : f32 to vector<16xf32>
          %add3A_310 = arith.addf %exp3A_307, %add3A_309 : vector<16xf32>
          %div3A_311 = arith.constant 2.000000e+00 : f32
          %div3A_312 = vector.broadcast %div3A_311 : f32 to vector<16xf32>
          %div3A_313 = arith.divf %div3A_312, %add3A_310 : vector<16xf32>
          %sub3A_314 = arith.constant 1.000000e+00 : f32
          %sub3A_315 = vector.broadcast %sub3A_314 : f32 to vector<16xf32>
          %sub3A_316 = arith.subf %sub3A_315, %div3A_313 : vector<16xf32>
          %mul3A_317 = arith.mulf %get3A_304, %sub3A_316 : vector<16xf32>
          %get3A_318 = arith.index_cast %scan3A_295 : i32 to index
          %get3A_319 = arith.constant 16 : index
          %get3A_320 = tpu.vector_load %arg14[%get3A_318, %get3A_319] {strides = array<i32>} : memref<80x128xf32, #tpu.memory_space<vmem>>, vector<16xf32>,
          %get3A_321 = arith.index_cast %scan3A_295 : i32 to index
          %get3A_322 = arith.constant 16 : index
          %get3A_323 = tpu.vector_load %arg15[%get3A_321, %get3A_322] {strides = array<i32>} : memref<80x128xf32, #tpu.memory_space<vmem>>, vector<16xf32>,
          %get3A_324 = arith.index_cast %scan3A_295 : i32 to index
          %get3A_325 = arith.constant 16 : index
          %get3A_326 = tpu.vector_load %arg13[%get3A_324, %get3A_325] {strides = array<i32>} : memref<80x128xf32, #tpu.memory_space<vmem>>, vector<16xf32>,
          %add3A_327 = arith.addf %get3A_320, %get3A_323 : vector<16xf32>
          %add3A_328 = arith.addf %add3A_327, %add3A_327 : vector<16xf32>
          %exp3A_329 = math.exp %add3A_328 : vector<16xf32>
          %add3A_330 = arith.constant 1.000000e+00 : f32
          %add3A_331 = vector.broadcast %add3A_330 : f32 to vector<16xf32>
          %add3A_332 = arith.addf %exp3A_329, %add3A_331 : vector<16xf32>
          %div3A_333 = arith.constant 2.000000e+00 : f32
          %div3A_334 = vector.broadcast %div3A_333 : f32 to vector<16xf32>
          %div3A_335 = arith.divf %div3A_334, %add3A_332 : vector<16xf32>
          %sub3A_336 = arith.constant 1.000000e+00 : f32
          %sub3A_337 = vector.broadcast %sub3A_336 : f32 to vector<16xf32>
          %sub3A_338 = arith.subf %sub3A_337, %div3A_335 : vector<16xf32>
          %mul3A_339 = arith.mulf %get3A_326, %sub3A_338 : vector<16xf32>
          %get3A_340 = arith.index_cast %scan3A_295 : i32 to index
          %get3A_341 = arith.constant 32 : index
          %get3A_342 = tpu.vector_load %arg14[%get3A_340, %get3A_341] {strides = array<i32>} : memref<80x128xf32, #tpu.memory_space<vmem>>, vector<16xf32>,
          %get3A_343 = arith.index_cast %scan3A_295 : i32 to index
          %get3A_344 = arith.constant 32 : index
          %get3A_345 = tpu.vector_load %arg15[%get3A_343, %get3A_344] {strides = array<i32>} : memref<80x128xf32, #tpu.memory_space<vmem>>, vector<16xf32>,
          %get3A_346 = arith.index_cast %scan3A_295 : i32 to index
          %get3A_347 = arith.constant 32 : index
          %get3A_348 = tpu.vector_load %arg13[%get3A_346, %get3A_347] {strides = array<i32>} : memref<80x128xf32, #tpu.memory_space<vmem>>, vector<16xf32>,
          %add3A_349 = arith.addf %get3A_342, %get3A_345 : vector<16xf32>
          %add3A_350 = arith.addf %add3A_349, %add3A_349 : vector<16xf32>
          %exp3A_351 = math.exp %add3A_350 : vector<16xf32>
          %add3A_352 = arith.constant 1.000000e+00 : f32
          %add3A_353 = vector.broadcast %add3A_352 : f32 to vector<16xf32>
          %add3A_354 = arith.addf %exp3A_351, %add3A_353 : vector<16xf32>
          %div3A_355 = arith.constant 2.000000e+00 : f32
          %div3A_356 = vector.broadcast %div3A_355 : f32 to vector<16xf32>
          %div3A_357 = arith.divf %div3A_356, %add3A_354 : vector<16xf32>
          %sub3A_358 = arith.constant 1.000000e+00 : f32
          %sub3A_359 = vector.broadcast %sub3A_358 : f32 to vector<16xf32>
          %sub3A_360 = arith.subf %sub3A_359, %div3A_357 : vector<16xf32>
          %mul3A_361 = arith.mulf %get3A_348, %sub3A_360 : vector<16xf32>
          %get3A_362 = arith.index_cast %scan3A_295 : i32 to index
          %get3A_363 = arith.constant 48 : index
          %get3A_364 = tpu.vector_load %arg14[%get3A_362, %get3A_363] {strides = array<i32>} : memref<80x128xf32, #tpu.memory_space<vmem>>, vector<16xf32>,
          %get3A_365 = arith.index_cast %scan3A_295 : i32 to index
          %get3A_366 = arith.constant 48 : index
          %get3A_367 = tpu.vector_load %arg15[%get3A_365, %get3A_366] {strides = array<i32>} : memref<80x128xf32, #tpu.memory_space<vmem>>, vector<16xf32>,
          %get3A_368 = arith.index_cast %scan3A_295 : i32 to index
          %get3A_369 = arith.constant 48 : index
          %get3A_370 = tpu.vector_load %arg13[%get3A_368, %get3A_369] {strides = array<i32>} : memref<80x128xf32, #tpu.memory_space<vmem>>, vector<16xf32>,
          %add3A_371 = arith.addf %get3A_364, %get3A_367 : vector<16xf32>
          %add3A_372 = arith.addf %add3A_371, %add3A_371 : vector<16xf32>
          %exp3A_373 = math.exp %add3A_372 : vector<16xf32>
          %add3A_374 = arith.constant 1.000000e+00 : f32
          %add3A_375 = vector.broadcast %add3A_374 : f32 to vector<16xf32>
          %add3A_376 = arith.addf %exp3A_373, %add3A_375 : vector<16xf32>
          %div3A_377 = arith.constant 2.000000e+00 : f32
          %div3A_378 = vector.broadcast %div3A_377 : f32 to vector<16xf32>
          %div3A_379 = arith.divf %div3A_378, %add3A_376 : vector<16xf32>
          %sub3A_380 = arith.constant 1.000000e+00 : f32
          %sub3A_381 = vector.broadcast %sub3A_380 : f32 to vector<16xf32>
          %sub3A_382 = arith.subf %sub3A_381, %div3A_379 : vector<16xf32>
          %mul3A_383 = arith.mulf %get3A_370, %sub3A_382 : vector<16xf32>
          %get3A_384 = arith.index_cast %scan3A_295 : i32 to index
          %get3A_385 = arith.constant 64 : index
          %get3A_386 = tpu.vector_load %arg14[%get3A_384, %get3A_385] {strides = array<i32>} : memref<80x128xf32, #tpu.memory_space<vmem>>, vector<16xf32>,
          %get3A_387 = arith.index_cast %scan3A_295 : i32 to index
          %get3A_388 = arith.constant 64 : index
          %get3A_389 = tpu.vector_load %arg15[%get3A_387, %get3A_388] {strides = array<i32>} : memref<80x128xf32, #tpu.memory_space<vmem>>, vector<16xf32>,
          %get3A_390 = arith.index_cast %scan3A_295 : i32 to index
          %get3A_391 = arith.constant 64 : index
          %get3A_392 = tpu.vector_load %arg13[%get3A_390, %get3A_391] {strides = array<i32>} : memref<80x128xf32, #tpu.memory_space<vmem>>, vector<16xf32>,
          %add3A_393 = arith.addf %get3A_386, %get3A_389 : vector<16xf32>
          %add3A_394 = arith.addf %add3A_393, %add3A_393 : vector<16xf32>
          %exp3A_395 = math.exp %add3A_394 : vector<16xf32>
          %add3A_396 = arith.constant 1.000000e+00 : f32
          %add3A_397 = vector.broadcast %add3A_396 : f32 to vector<16xf32>
          %add3A_398 = arith.addf %exp3A_395, %add3A_397 : vector<16xf32>
          %div3A_399 = arith.constant 2.000000e+00 : f32
          %div3A_400 = vector.broadcast %div3A_399 : f32 to vector<16xf32>
          %div3A_401 = arith.divf %div3A_400, %add3A_398 : vector<16xf32>
          %sub3A_402 = arith.constant 1.000000e+00 : f32
          %sub3A_403 = vector.broadcast %sub3A_402 : f32 to vector<16xf32>
          %sub3A_404 = arith.subf %sub3A_403, %div3A_401 : vector<16xf32>
          %mul3A_405 = arith.mulf %get3A_392, %sub3A_404 : vector<16xf32>
          %get3A_406 = arith.index_cast %scan3A_295 : i32 to index
          %get3A_407 = arith.constant 80 : index
          %get3A_408 = tpu.vector_load %arg14[%get3A_406, %get3A_407] {strides = array<i32>} : memref<80x128xf32, #tpu.memory_space<vmem>>, vector<16xf32>,
          %get3A_409 = arith.index_cast %scan3A_295 : i32 to index
          %get3A_410 = arith.constant 80 : index
          %get3A_411 = tpu.vector_load %arg15[%get3A_409, %get3A_410] {strides = array<i32>} : memref<80x128xf32, #tpu.memory_space<vmem>>, vector<16xf32>,
          %get3A_412 = arith.index_cast %scan3A_295 : i32 to index
          %get3A_413 = arith.constant 80 : index
          %get3A_414 = tpu.vector_load %arg13[%get3A_412, %get3A_413] {strides = array<i32>} : memref<80x128xf32, #tpu.memory_space<vmem>>, vector<16xf32>,
          %add3A_415 = arith.addf %get3A_408, %get3A_411 : vector<16xf32>
          %add3A_416 = arith.addf %add3A_415, %add3A_415 : vector<16xf32>
          %exp3A_417 = math.exp %add3A_416 : vector<16xf32>
          %add3A_418 = arith.constant 1.000000e+00 : f32
          %add3A_419 = vector.broadcast %add3A_418 : f32 to vector<16xf32>
          %add3A_420 = arith.addf %exp3A_417, %add3A_419 : vector<16xf32>
          %div3A_421 = arith.constant 2.000000e+00 : f32
          %div3A_422 = vector.broadcast %div3A_421 : f32 to vector<16xf32>
          %div3A_423 = arith.divf %div3A_422, %add3A_420 : vector<16xf32>
          %sub3A_424 = arith.constant 1.000000e+00 : f32
          %sub3A_425 = vector.broadcast %sub3A_424 : f32 to vector<16xf32>
          %sub3A_426 = arith.subf %sub3A_425, %div3A_423 : vector<16xf32>
          %mul3A_427 = arith.mulf %get3A_414, %sub3A_426 : vector<16xf32>
          %get3A_428 = arith.index_cast %scan3A_295 : i32 to index
          %get3A_429 = arith.constant 96 : index
          %get3A_430 = tpu.vector_load %arg14[%get3A_428, %get3A_429] {strides = array<i32>} : memref<80x128xf32, #tpu.memory_space<vmem>>, vector<16xf32>,
          %get3A_431 = arith.index_cast %scan3A_295 : i32 to index
          %get3A_432 = arith.constant 96 : index
          %get3A_433 = tpu.vector_load %arg15[%get3A_431, %get3A_432] {strides = array<i32>} : memref<80x128xf32, #tpu.memory_space<vmem>>, vector<16xf32>,
          %get3A_434 = arith.index_cast %scan3A_295 : i32 to index
          %get3A_435 = arith.constant 96 : index
          %get3A_436 = tpu.vector_load %arg13[%get3A_434, %get3A_435] {strides = array<i32>} : memref<80x128xf32, #tpu.memory_space<vmem>>, vector<16xf32>,
          %add3A_437 = arith.addf %get3A_430, %get3A_433 : vector<16xf32>
          %add3A_438 = arith.addf %add3A_437, %add3A_437 : vector<16xf32>
          %exp3A_439 = math.exp %add3A_438 : vector<16xf32>
          %add3A_440 = arith.constant 1.000000e+00 : f32
          %add3A_441 = vector.broadcast %add3A_440 : f32 to vector<16xf32>
          %add3A_442 = arith.addf %exp3A_439, %add3A_441 : vector<16xf32>
          %div3A_443 = arith.constant 2.000000e+00 : f32
          %div3A_444 = vector.broadcast %div3A_443 : f32 to vector<16xf32>
          %div3A_445 = arith.divf %div3A_444, %add3A_442 : vector<16xf32>
          %sub3A_446 = arith.constant 1.000000e+00 : f32
          %sub3A_447 = vector.broadcast %sub3A_446 : f32 to vector<16xf32>
          %sub3A_448 = arith.subf %sub3A_447, %div3A_445 : vector<16xf32>
          %mul3A_449 = arith.mulf %get3A_436, %sub3A_448 : vector<16xf32>
          %get3A_450 = arith.index_cast %scan3A_295 : i32 to index
          %get3A_451 = arith.constant 112 : index
          %get3A_452 = tpu.vector_load %arg14[%get3A_450, %get3A_451] {strides = array<i32>} : memref<80x128xf32, #tpu.memory_space<vmem>>, vector<16xf32>,
          %get3A_453 = arith.index_cast %scan3A_295 : i32 to index
          %get3A_454 = arith.constant 112 : index
          %get3A_455 = tpu.vector_load %arg15[%get3A_453, %get3A_454] {strides = array<i32>} : memref<80x128xf32, #tpu.memory_space<vmem>>, vector<16xf32>,
          %get3A_456 = arith.index_cast %scan3A_295 : i32 to index
          %get3A_457 = arith.constant 112 : index
          %get3A_458 = tpu.vector_load %arg13[%get3A_456, %get3A_457] {strides = array<i32>} : memref<80x128xf32, #tpu.memory_space<vmem>>, vector<16xf32>,
          %add3A_459 = arith.addf %get3A_452, %get3A_455 : vector<16xf32>
          %add3A_460 = arith.addf %add3A_459, %add3A_459 : vector<16xf32>
          %exp3A_461 = math.exp %add3A_460 : vector<16xf32>
          %add3A_462 = arith.constant 1.000000e+00 : f32
          %add3A_463 = vector.broadcast %add3A_462 : f32 to vector<16xf32>
          %add3A_464 = arith.addf %exp3A_461, %add3A_463 : vector<16xf32>
          %div3A_465 = arith.constant 2.000000e+00 : f32
          %div3A_466 = vector.broadcast %div3A_465 : f32 to vector<16xf32>
          %div3A_467 = arith.divf %div3A_466, %add3A_464 : vector<16xf32>
          %sub3A_468 = arith.constant 1.000000e+00 : f32
          %sub3A_469 = vector.broadcast %sub3A_468 : f32 to vector<16xf32>
          %sub3A_470 = arith.subf %sub3A_469, %div3A_467 : vector<16xf32>
          %mul3A_471 = arith.mulf %get3A_458, %sub3A_470 : vector<16xf32>
          %add3A_472 = arith.addf %mul3A_317, %mul3A_339 : vector<16xf32>
          %add3A_473 = arith.addf %mul3A_361, %mul3A_383 : vector<16xf32>
          %add3A_474 = arith.addf %add3A_472, %add3A_473 : vector<16xf32>
          %add3A_475 = arith.addf %mul3A_405, %mul3A_427 : vector<16xf32>
          %add3A_476 = arith.addf %mul3A_449, %mul3A_471 : vector<16xf32>
          %add3A_477 = arith.addf %add3A_475, %add3A_476 : vector<16xf32>
          %add3A_478 = arith.addf %add3A_474, %add3A_477 : vector<16xf32>
          %reduce_sum3A_479 = arith.constant true
          %reduce_sum3A_480 = vector.broadcast %reduce_sum3A_479 : i1 to vector<16xi1>
          %reduce_sum3A_481 = tpu.scan <sum>, %add3A_478 masked %reduce_sum3A_480 : vector<16xf32>, vector<16xi1> -> vector<16xf32>
          %reduce_sum3A_482 = vector.extract %reduce_sum3A_481[15] : f32 from vector<16xf32>
          %mul3A_483 = arith.constant 80 : i32
          %mul3A_484 = arith.muli %add3A_51, %mul3A_483 : i32
          %add3A_485 = arith.addi %mul3A_484, %scan3A_295 : i32
          %broadcast_in_dim3A_486 = vector.broadcast %add3A_485 : i32 to vector<16xi32>
          %broadcast_in_dim3A_487 = vector.broadcast %reduce_sum3A_482 : f32 to vector<16xf32>
          %eq3A_488 = arith.constant 0 : i32
          %eq3A_489 = vector.broadcast %eq3A_488 : i32 to vector<16xi32>
          %eq3A_490 = arith.cmpi eq, %iota3A, %eq3A_489 : vector<16xi32>
          tpu.vector_store_idx %arg19[%broadcast_in_dim3A_486], %broadcast_in_dim3A_487 masked %eq3A_490 : memref<10000xf32, #tpu.memory_space<vmem>>[vector<16xi32>], vector<16xf32>, vector<16xi1>
          %scan3A_491 = arith.constant 0 : i32
          scf.yield %scan3A_491 : i32
        }
        %scan3A_87 = arith.constant 80 : i32
        %scan3A_88 = arith.constant 0 : i32
        %scan3A_89 = arith.constant 0 : i32
        %scan3A_90 = arith.constant 5 : i32
        %scan3A_91 = arith.addi %scan3A_89, %scan3A_90 : i32
        %scan3A_92 = arith.constant 1 : i32
        %scan3A_93 = scf.for %scan3A_102 = %scan3A_89 to %scan3A_91 step %scan3A_92 iter_args(%scan3A_103 = %scan3A_88) -> (i32)  : i32 {
          %mul3A_104 = arith.constant 80 : i32
          %mul3A_105 = arith.muli %add3A_51, %mul3A_104 : i32
          %mul3A_106 = arith.constant 16 : i32
          %mul3A_107 = arith.muli %scan3A_102, %mul3A_106 : i32
          %add3A_108 = arith.addi %mul3A_105, %mul3A_107 : i32
          %get3A = arith.index_cast %add3A_108 : i32 to index
          %get3A_109 = tpu.vector_load %arg11[%get3A] {strides = array<i32>} : memref<10000xi32, #tpu.memory_space<vmem>>, vector<16xi32>,
          %mul3A_110 = arith.constant 80 : i32
          %mul3A_111 = arith.muli %add3A_51, %mul3A_110 : i32
          %mul3A_112 = arith.constant 16 : i32
          %mul3A_113 = arith.muli %scan3A_102, %mul3A_112 : i32
          %add3A_114 = arith.addi %mul3A_111, %mul3A_113 : i32
          %get3A_115 = arith.index_cast %add3A_114 : i32 to index
          %get3A_116 = tpu.vector_load %arg19[%get3A_115] {strides = array<i32>} : memref<10000xf32, #tpu.memory_space<vmem>>, vector<16xf32>,
          %while3A = arith.constant 0 : i32
          %while3A_117 = scf.while (%while3A_119 = %while3A) : (i32) -> i32 {
            %gather3A = tpu.vector_load_idx %arg20[%get3A_109] : memref<10000xf32, #tpu.memory_space<vmem>>[vector<16xi32>], vector<16xf32>,
            %gt3A = arith.cmpf ogt, %get3A_116, %gather3A : vector<16xf32>
            %reduce_or3A = arith.constant 1.000000e+00 : f32
            %reduce_or3A_120 = arith.constant 0.000000e+00 : f32
            %reduce_or3A_121 = vector.broadcast %reduce_or3A : f32 to vector<16xf32>
            %reduce_or3A_122 = vector.broadcast %reduce_or3A_120 : f32 to vector<16xf32>
            %reduce_or3A_123 = arith.select %gt3A, %reduce_or3A_121, %reduce_or3A_122 : vector<16xi1>, vector<16xf32>
            %reduce_or3A_124 = arith.constant true
            %reduce_or3A_125 = vector.broadcast %reduce_or3A_124 : i1 to vector<16xi1>
            %reduce_or3A_126 = tpu.scan <max>, %reduce_or3A_123 masked %reduce_or3A_125 : vector<16xf32>, vector<16xi1> -> vector<16xf32>
            %reduce_or3A_127 = vector.extract %reduce_or3A_126[15] : f32 from vector<16xf32>
            %reduce_or3A_128 = arith.constant 0.000000e+00 : f32
            %reduce_or3A_129 = arith.cmpf ogt, %reduce_or3A_127, %reduce_or3A_128 : f32
            scf.condition(%reduce_or3A_129) %while3A_119 : i32
          } do {
          ^bb0(%while3A_119: i32):
            %gather3A = tpu.vector_load_idx %arg20[%get3A_109] : memref<10000xf32, #tpu.memory_space<vmem>>[vector<16xi32>], vector<16xf32>,
            %gt3A = arith.cmpf ogt, %get3A_116, %gather3A : vector<16xf32>
            tpu.vector_store_idx %arg20[%get3A_109], %get3A_116 masked %gt3A : memref<10000xf32, #tpu.memory_space<vmem>>[vector<16xi32>], vector<16xf32>, vector<16xi1>
            %while3A_120 = arith.constant 0 : i32
            scf.yield %while3A_120 : i32
          }
          %scan3A_118 = arith.constant 0 : i32
          scf.yield %scan3A_118 : i32
        }
        %scan3A_94 = arith.constant 5 : i32
        %add3A_95 = arith.constant 2 : i32
        %add3A_96 = arith.addi %add3A_51, %add3A_95 : i32
        %lt3A_97 = arith.constant 125 : i32
        %lt3A_98 = arith.cmpi slt, %add3A_96, %lt3A_97 : i32
        %convert_element_type3A_99 = arith.extui %lt3A_98 : i1 to i32
        %cond3A_100 = arith.constant 0 : i32
        %cond3A_101 = arith.cmpi ne, %convert_element_type3A_99, %cond3A_100 : i32
        scf.if %cond3A_101 {
          %add3A_102 = arith.constant 2 : i32
          %add3A_103 = arith.addi %add3A_51, %add3A_102 : i32
          %mul3A_104 = arith.constant 80 : i32
          %mul3A_105 = arith.muli %add3A_103, %mul3A_104 : i32
          %dma_start3A_106 = tpu.memref_slice %arg10[%mul3A_105] : memref<10000xi32, #tpu.memory_space<vmem>> -> memref<80xi32, #tpu.memory_space<vmem>>
          %dma_start3A_107 = arith.constant 0 : i32
          %dma_start3A_108 = arith.constant 0 : i32
          %dma_start3A_109 = tpu.memref_slice %arg5[%dma_start3A_107, %dma_start3A_108] : memref<10000x128xf32, #tpu.memory_space<hbm>> -> memref<10000x128xf32, #tpu.memory_space<hbm>>
          tpu.enqueue_indirect_dma source(%dma_start3A_109 : memref<10000x128xf32, #tpu.memory_space<hbm>>) target(%arg13 : memref<80x128xf32, #tpu.memory_space<vmem>>) offsets(%dma_start3A_106 : memref<80xi32, #tpu.memory_space<vmem>>) semaphore(%arg21 : memref<!tpu.dma_semaphore, #tpu.memory_space<semaphore_mem>>)
          %mul3A_110 = arith.constant 80 : i32
          %mul3A_111 = arith.muli %add3A_103, %mul3A_110 : i32
          %dma_start3A_112 = tpu.memref_slice %arg11[%mul3A_111] : memref<10000xi32, #tpu.memory_space<vmem>> -> memref<80xi32, #tpu.memory_space<vmem>>
          %dma_start3A_113 = arith.constant 0 : i32
          %dma_start3A_114 = arith.constant 0 : i32
          %dma_start3A_115 = tpu.memref_slice %arg6[%dma_start3A_113, %dma_start3A_114] : memref<10000x128xf32, #tpu.memory_space<hbm>> -> memref<10000x128xf32, #tpu.memory_space<hbm>>
          tpu.enqueue_indirect_dma source(%dma_start3A_115 : memref<10000x128xf32, #tpu.memory_space<hbm>>) target(%arg14 : memref<80x128xf32, #tpu.memory_space<vmem>>) offsets(%dma_start3A_112 : memref<80xi32, #tpu.memory_space<vmem>>) semaphore(%arg21 : memref<!tpu.dma_semaphore, #tpu.memory_space<semaphore_mem>>)
          %mul3A_116 = arith.constant 80 : i32
          %mul3A_117 = arith.muli %add3A_103, %mul3A_116 : i32
          %dma_start3A_118 = tpu.memref_slice %arg12[%mul3A_117] : memref<10000xi32, #tpu.memory_space<vmem>> -> memref<80xi32, #tpu.memory_space<vmem>>
          %dma_start3A_119 = arith.constant 0 : i32
          %dma_start3A_120 = arith.constant 0 : i32
          %dma_start3A_121 = tpu.memref_slice %arg7[%dma_start3A_119, %dma_start3A_120] : memref<10000x128xf32, #tpu.memory_space<hbm>> -> memref<10000x128xf32, #tpu.memory_space<hbm>>
          tpu.enqueue_indirect_dma source(%dma_start3A_121 : memref<10000x128xf32, #tpu.memory_space<hbm>>) target(%arg15 : memref<80x128xf32, #tpu.memory_space<vmem>>) offsets(%dma_start3A_118 : memref<80xi32, #tpu.memory_space<vmem>>) semaphore(%arg21 : memref<!tpu.dma_semaphore, #tpu.memory_space<semaphore_mem>>)
        } else {
        }
      } else {
      }
      %mul3A_54 = arith.constant 2 : i32
      %mul3A_55 = arith.muli %mul3A_54, %scan3A_46 : i32
      %add3A_56 = arith.constant 1 : i32
      %add3A_57 = arith.addi %mul3A_55, %add3A_56 : i32
      %lt3A_58 = arith.constant 125 : i32
      %lt3A_59 = arith.cmpi slt, %add3A_57, %lt3A_58 : i32
      %convert_element_type3A_60 = arith.extui %lt3A_59 : i1 to i32
      %cond3A_61 = arith.constant 0 : i32
      %cond3A_62 = arith.cmpi ne, %convert_element_type3A_60, %cond3A_61 : i32
      scf.if %cond3A_62 {
        %dma_wait3A = arith.constant 0 : i32
        %dma_wait3A_64 = arith.constant 0 : i32
        %dma_wait3A_65 = tpu.memref_slice %arg5[%dma_wait3A, %dma_wait3A_64] : memref<10000x128xf32, #tpu.memory_space<hbm>> -> memref<80x128xf32, #tpu.memory_space<hbm>>
        %dma_wait3A_66 = arith.constant 0 : i32
        %dma_wait3A_67 = arith.constant 0 : i32
        %dma_wait3A_68 = tpu.memref_slice %arg5[%dma_wait3A_66, %dma_wait3A_67] : memref<10000x128xf32, #tpu.memory_space<hbm>> -> memref<80x128xf32, #tpu.memory_space<hbm>>
        tpu.wait_dma2 semaphore(%arg22 : memref<!tpu.dma_semaphore, #tpu.memory_space<semaphore_mem>>) src(%dma_wait3A_68 : memref<80x128xf32, #tpu.memory_space<hbm>>) dst(%arg16 : memref<80x128xf32, #tpu.memory_space<vmem>>)
        %dma_wait3A_69 = arith.constant 0 : i32
        %dma_wait3A_70 = arith.constant 0 : i32
        %dma_wait3A_71 = tpu.memref_slice %arg6[%dma_wait3A_69, %dma_wait3A_70] : memref<10000x128xf32, #tpu.memory_space<hbm>> -> memref<80x128xf32, #tpu.memory_space<hbm>>
        %dma_wait3A_72 = arith.constant 0 : i32
        %dma_wait3A_73 = arith.constant 0 : i32
        %dma_wait3A_74 = tpu.memref_slice %arg6[%dma_wait3A_72, %dma_wait3A_73] : memref<10000x128xf32, #tpu.memory_space<hbm>> -> memref<80x128xf32, #tpu.memory_space<hbm>>
        tpu.wait_dma2 semaphore(%arg22 : memref<!tpu.dma_semaphore, #tpu.memory_space<semaphore_mem>>) src(%dma_wait3A_74 : memref<80x128xf32, #tpu.memory_space<hbm>>) dst(%arg17 : memref<80x128xf32, #tpu.memory_space<vmem>>)
        %dma_wait3A_75 = arith.constant 0 : i32
        %dma_wait3A_76 = arith.constant 0 : i32
        %dma_wait3A_77 = tpu.memref_slice %arg7[%dma_wait3A_75, %dma_wait3A_76] : memref<10000x128xf32, #tpu.memory_space<hbm>> -> memref<80x128xf32, #tpu.memory_space<hbm>>
        %dma_wait3A_78 = arith.constant 0 : i32
        %dma_wait3A_79 = arith.constant 0 : i32
        %dma_wait3A_80 = tpu.memref_slice %arg7[%dma_wait3A_78, %dma_wait3A_79] : memref<10000x128xf32, #tpu.memory_space<hbm>> -> memref<80x128xf32, #tpu.memory_space<hbm>>
        tpu.wait_dma2 semaphore(%arg22 : memref<!tpu.dma_semaphore, #tpu.memory_space<semaphore_mem>>) src(%dma_wait3A_80 : memref<80x128xf32, #tpu.memory_space<hbm>>) dst(%arg18 : memref<80x128xf32, #tpu.memory_space<vmem>>)
        %scan3A_81 = arith.constant 0 : i32
        %scan3A_82 = arith.constant 0 : i32
        %scan3A_83 = arith.constant 80 : i32
        %scan3A_84 = arith.addi %scan3A_82, %scan3A_83 : i32
        %scan3A_85 = arith.constant 2 : i32
        %scan3A_86 = scf.for %scan3A_102 = %scan3A_82 to %scan3A_84 step %scan3A_85 iter_args(%scan3A_103 = %scan3A_81) -> (i32)  : i32 {
          %get3A = arith.index_cast %scan3A_102 : i32 to index
          %get3A_104 = arith.constant 0 : index
          %get3A_105 = tpu.vector_load %arg17[%get3A, %get3A_104] {strides = array<i32>} : memref<80x128xf32, #tpu.memory_space<vmem>>, vector<16xf32>,
          %get3A_106 = arith.index_cast %scan3A_102 : i32 to index
          %get3A_107 = arith.constant 0 : index
          %get3A_108 = tpu.vector_load %arg18[%get3A_106, %get3A_107] {strides = array<i32>} : memref<80x128xf32, #tpu.memory_space<vmem>>, vector<16xf32>,
          %get3A_109 = arith.index_cast %scan3A_102 : i32 to index
          %get3A_110 = arith.constant 0 : index
          %get3A_111 = tpu.vector_load %arg16[%get3A_109, %get3A_110] {strides = array<i32>} : memref<80x128xf32, #tpu.memory_space<vmem>>, vector<16xf32>,
          %add3A_112 = arith.addf %get3A_105, %get3A_108 : vector<16xf32>
          %add3A_113 = arith.addf %add3A_112, %add3A_112 : vector<16xf32>
          %exp3A = math.exp %add3A_113 : vector<16xf32>
          %add3A_114 = arith.constant 1.000000e+00 : f32
          %add3A_115 = vector.broadcast %add3A_114 : f32 to vector<16xf32>
          %add3A_116 = arith.addf %exp3A, %add3A_115 : vector<16xf32>
          %div3A = arith.constant 2.000000e+00 : f32
          %div3A_117 = vector.broadcast %div3A : f32 to vector<16xf32>
          %div3A_118 = arith.divf %div3A_117, %add3A_116 : vector<16xf32>
          %sub3A = arith.constant 1.000000e+00 : f32
          %sub3A_119 = vector.broadcast %sub3A : f32 to vector<16xf32>
          %sub3A_120 = arith.subf %sub3A_119, %div3A_118 : vector<16xf32>
          %mul3A_121 = arith.mulf %get3A_111, %sub3A_120 : vector<16xf32>
          %get3A_122 = arith.index_cast %scan3A_102 : i32 to index
          %get3A_123 = arith.constant 16 : index
          %get3A_124 = tpu.vector_load %arg17[%get3A_122, %get3A_123] {strides = array<i32>} : memref<80x128xf32, #tpu.memory_space<vmem>>, vector<16xf32>,
          %get3A_125 = arith.index_cast %scan3A_102 : i32 to index
          %get3A_126 = arith.constant 16 : index
          %get3A_127 = tpu.vector_load %arg18[%get3A_125, %get3A_126] {strides = array<i32>} : memref<80x128xf32, #tpu.memory_space<vmem>>, vector<16xf32>,
          %get3A_128 = arith.index_cast %scan3A_102 : i32 to index
          %get3A_129 = arith.constant 16 : index
          %get3A_130 = tpu.vector_load %arg16[%get3A_128, %get3A_129] {strides = array<i32>} : memref<80x128xf32, #tpu.memory_space<vmem>>, vector<16xf32>,
          %add3A_131 = arith.addf %get3A_124, %get3A_127 : vector<16xf32>
          %add3A_132 = arith.addf %add3A_131, %add3A_131 : vector<16xf32>
          %exp3A_133 = math.exp %add3A_132 : vector<16xf32>
          %add3A_134 = arith.constant 1.000000e+00 : f32
          %add3A_135 = vector.broadcast %add3A_134 : f32 to vector<16xf32>
          %add3A_136 = arith.addf %exp3A_133, %add3A_135 : vector<16xf32>
          %div3A_137 = arith.constant 2.000000e+00 : f32
          %div3A_138 = vector.broadcast %div3A_137 : f32 to vector<16xf32>
          %div3A_139 = arith.divf %div3A_138, %add3A_136 : vector<16xf32>
          %sub3A_140 = arith.constant 1.000000e+00 : f32
          %sub3A_141 = vector.broadcast %sub3A_140 : f32 to vector<16xf32>
          %sub3A_142 = arith.subf %sub3A_141, %div3A_139 : vector<16xf32>
          %mul3A_143 = arith.mulf %get3A_130, %sub3A_142 : vector<16xf32>
          %get3A_144 = arith.index_cast %scan3A_102 : i32 to index
          %get3A_145 = arith.constant 32 : index
          %get3A_146 = tpu.vector_load %arg17[%get3A_144, %get3A_145] {strides = array<i32>} : memref<80x128xf32, #tpu.memory_space<vmem>>, vector<16xf32>,
          %get3A_147 = arith.index_cast %scan3A_102 : i32 to index
          %get3A_148 = arith.constant 32 : index
          %get3A_149 = tpu.vector_load %arg18[%get3A_147, %get3A_148] {strides = array<i32>} : memref<80x128xf32, #tpu.memory_space<vmem>>, vector<16xf32>,
          %get3A_150 = arith.index_cast %scan3A_102 : i32 to index
          %get3A_151 = arith.constant 32 : index
          %get3A_152 = tpu.vector_load %arg16[%get3A_150, %get3A_151] {strides = array<i32>} : memref<80x128xf32, #tpu.memory_space<vmem>>, vector<16xf32>,
          %add3A_153 = arith.addf %get3A_146, %get3A_149 : vector<16xf32>
          %add3A_154 = arith.addf %add3A_153, %add3A_153 : vector<16xf32>
          %exp3A_155 = math.exp %add3A_154 : vector<16xf32>
          %add3A_156 = arith.constant 1.000000e+00 : f32
          %add3A_157 = vector.broadcast %add3A_156 : f32 to vector<16xf32>
          %add3A_158 = arith.addf %exp3A_155, %add3A_157 : vector<16xf32>
          %div3A_159 = arith.constant 2.000000e+00 : f32
          %div3A_160 = vector.broadcast %div3A_159 : f32 to vector<16xf32>
          %div3A_161 = arith.divf %div3A_160, %add3A_158 : vector<16xf32>
          %sub3A_162 = arith.constant 1.000000e+00 : f32
          %sub3A_163 = vector.broadcast %sub3A_162 : f32 to vector<16xf32>
          %sub3A_164 = arith.subf %sub3A_163, %div3A_161 : vector<16xf32>
          %mul3A_165 = arith.mulf %get3A_152, %sub3A_164 : vector<16xf32>
          %get3A_166 = arith.index_cast %scan3A_102 : i32 to index
          %get3A_167 = arith.constant 48 : index
          %get3A_168 = tpu.vector_load %arg17[%get3A_166, %get3A_167] {strides = array<i32>} : memref<80x128xf32, #tpu.memory_space<vmem>>, vector<16xf32>,
          %get3A_169 = arith.index_cast %scan3A_102 : i32 to index
          %get3A_170 = arith.constant 48 : index
          %get3A_171 = tpu.vector_load %arg18[%get3A_169, %get3A_170] {strides = array<i32>} : memref<80x128xf32, #tpu.memory_space<vmem>>, vector<16xf32>,
          %get3A_172 = arith.index_cast %scan3A_102 : i32 to index
          %get3A_173 = arith.constant 48 : index
          %get3A_174 = tpu.vector_load %arg16[%get3A_172, %get3A_173] {strides = array<i32>} : memref<80x128xf32, #tpu.memory_space<vmem>>, vector<16xf32>,
          %add3A_175 = arith.addf %get3A_168, %get3A_171 : vector<16xf32>
          %add3A_176 = arith.addf %add3A_175, %add3A_175 : vector<16xf32>
          %exp3A_177 = math.exp %add3A_176 : vector<16xf32>
          %add3A_178 = arith.constant 1.000000e+00 : f32
          %add3A_179 = vector.broadcast %add3A_178 : f32 to vector<16xf32>
          %add3A_180 = arith.addf %exp3A_177, %add3A_179 : vector<16xf32>
          %div3A_181 = arith.constant 2.000000e+00 : f32
          %div3A_182 = vector.broadcast %div3A_181 : f32 to vector<16xf32>
          %div3A_183 = arith.divf %div3A_182, %add3A_180 : vector<16xf32>
          %sub3A_184 = arith.constant 1.000000e+00 : f32
          %sub3A_185 = vector.broadcast %sub3A_184 : f32 to vector<16xf32>
          %sub3A_186 = arith.subf %sub3A_185, %div3A_183 : vector<16xf32>
          %mul3A_187 = arith.mulf %get3A_174, %sub3A_186 : vector<16xf32>
          %get3A_188 = arith.index_cast %scan3A_102 : i32 to index
          %get3A_189 = arith.constant 64 : index
          %get3A_190 = tpu.vector_load %arg17[%get3A_188, %get3A_189] {strides = array<i32>} : memref<80x128xf32, #tpu.memory_space<vmem>>, vector<16xf32>,
          %get3A_191 = arith.index_cast %scan3A_102 : i32 to index
          %get3A_192 = arith.constant 64 : index
          %get3A_193 = tpu.vector_load %arg18[%get3A_191, %get3A_192] {strides = array<i32>} : memref<80x128xf32, #tpu.memory_space<vmem>>, vector<16xf32>,
          %get3A_194 = arith.index_cast %scan3A_102 : i32 to index
          %get3A_195 = arith.constant 64 : index
          %get3A_196 = tpu.vector_load %arg16[%get3A_194, %get3A_195] {strides = array<i32>} : memref<80x128xf32, #tpu.memory_space<vmem>>, vector<16xf32>,
          %add3A_197 = arith.addf %get3A_190, %get3A_193 : vector<16xf32>
          %add3A_198 = arith.addf %add3A_197, %add3A_197 : vector<16xf32>
          %exp3A_199 = math.exp %add3A_198 : vector<16xf32>
          %add3A_200 = arith.constant 1.000000e+00 : f32
          %add3A_201 = vector.broadcast %add3A_200 : f32 to vector<16xf32>
          %add3A_202 = arith.addf %exp3A_199, %add3A_201 : vector<16xf32>
          %div3A_203 = arith.constant 2.000000e+00 : f32
          %div3A_204 = vector.broadcast %div3A_203 : f32 to vector<16xf32>
          %div3A_205 = arith.divf %div3A_204, %add3A_202 : vector<16xf32>
          %sub3A_206 = arith.constant 1.000000e+00 : f32
          %sub3A_207 = vector.broadcast %sub3A_206 : f32 to vector<16xf32>
          %sub3A_208 = arith.subf %sub3A_207, %div3A_205 : vector<16xf32>
          %mul3A_209 = arith.mulf %get3A_196, %sub3A_208 : vector<16xf32>
          %get3A_210 = arith.index_cast %scan3A_102 : i32 to index
          %get3A_211 = arith.constant 80 : index
          %get3A_212 = tpu.vector_load %arg17[%get3A_210, %get3A_211] {strides = array<i32>} : memref<80x128xf32, #tpu.memory_space<vmem>>, vector<16xf32>,
          %get3A_213 = arith.index_cast %scan3A_102 : i32 to index
          %get3A_214 = arith.constant 80 : index
          %get3A_215 = tpu.vector_load %arg18[%get3A_213, %get3A_214] {strides = array<i32>} : memref<80x128xf32, #tpu.memory_space<vmem>>, vector<16xf32>,
          %get3A_216 = arith.index_cast %scan3A_102 : i32 to index
          %get3A_217 = arith.constant 80 : index
          %get3A_218 = tpu.vector_load %arg16[%get3A_216, %get3A_217] {strides = array<i32>} : memref<80x128xf32, #tpu.memory_space<vmem>>, vector<16xf32>,
          %add3A_219 = arith.addf %get3A_212, %get3A_215 : vector<16xf32>
          %add3A_220 = arith.addf %add3A_219, %add3A_219 : vector<16xf32>
          %exp3A_221 = math.exp %add3A_220 : vector<16xf32>
          %add3A_222 = arith.constant 1.000000e+00 : f32
          %add3A_223 = vector.broadcast %add3A_222 : f32 to vector<16xf32>
          %add3A_224 = arith.addf %exp3A_221, %add3A_223 : vector<16xf32>
          %div3A_225 = arith.constant 2.000000e+00 : f32
          %div3A_226 = vector.broadcast %div3A_225 : f32 to vector<16xf32>
          %div3A_227 = arith.divf %div3A_226, %add3A_224 : vector<16xf32>
          %sub3A_228 = arith.constant 1.000000e+00 : f32
          %sub3A_229 = vector.broadcast %sub3A_228 : f32 to vector<16xf32>
          %sub3A_230 = arith.subf %sub3A_229, %div3A_227 : vector<16xf32>
          %mul3A_231 = arith.mulf %get3A_218, %sub3A_230 : vector<16xf32>
          %get3A_232 = arith.index_cast %scan3A_102 : i32 to index
          %get3A_233 = arith.constant 96 : index
          %get3A_234 = tpu.vector_load %arg17[%get3A_232, %get3A_233] {strides = array<i32>} : memref<80x128xf32, #tpu.memory_space<vmem>>, vector<16xf32>,
          %get3A_235 = arith.index_cast %scan3A_102 : i32 to index
          %get3A_236 = arith.constant 96 : index
          %get3A_237 = tpu.vector_load %arg18[%get3A_235, %get3A_236] {strides = array<i32>} : memref<80x128xf32, #tpu.memory_space<vmem>>, vector<16xf32>,
          %get3A_238 = arith.index_cast %scan3A_102 : i32 to index
          %get3A_239 = arith.constant 96 : index
          %get3A_240 = tpu.vector_load %arg16[%get3A_238, %get3A_239] {strides = array<i32>} : memref<80x128xf32, #tpu.memory_space<vmem>>, vector<16xf32>,
          %add3A_241 = arith.addf %get3A_234, %get3A_237 : vector<16xf32>
          %add3A_242 = arith.addf %add3A_241, %add3A_241 : vector<16xf32>
          %exp3A_243 = math.exp %add3A_242 : vector<16xf32>
          %add3A_244 = arith.constant 1.000000e+00 : f32
          %add3A_245 = vector.broadcast %add3A_244 : f32 to vector<16xf32>
          %add3A_246 = arith.addf %exp3A_243, %add3A_245 : vector<16xf32>
          %div3A_247 = arith.constant 2.000000e+00 : f32
          %div3A_248 = vector.broadcast %div3A_247 : f32 to vector<16xf32>
          %div3A_249 = arith.divf %div3A_248, %add3A_246 : vector<16xf32>
          %sub3A_250 = arith.constant 1.000000e+00 : f32
          %sub3A_251 = vector.broadcast %sub3A_250 : f32 to vector<16xf32>
          %sub3A_252 = arith.subf %sub3A_251, %div3A_249 : vector<16xf32>
          %mul3A_253 = arith.mulf %get3A_240, %sub3A_252 : vector<16xf32>
          %get3A_254 = arith.index_cast %scan3A_102 : i32 to index
          %get3A_255 = arith.constant 112 : index
          %get3A_256 = tpu.vector_load %arg17[%get3A_254, %get3A_255] {strides = array<i32>} : memref<80x128xf32, #tpu.memory_space<vmem>>, vector<16xf32>,
          %get3A_257 = arith.index_cast %scan3A_102 : i32 to index
          %get3A_258 = arith.constant 112 : index
          %get3A_259 = tpu.vector_load %arg18[%get3A_257, %get3A_258] {strides = array<i32>} : memref<80x128xf32, #tpu.memory_space<vmem>>, vector<16xf32>,
          %get3A_260 = arith.index_cast %scan3A_102 : i32 to index
          %get3A_261 = arith.constant 112 : index
          %get3A_262 = tpu.vector_load %arg16[%get3A_260, %get3A_261] {strides = array<i32>} : memref<80x128xf32, #tpu.memory_space<vmem>>, vector<16xf32>,
          %add3A_263 = arith.addf %get3A_256, %get3A_259 : vector<16xf32>
          %add3A_264 = arith.addf %add3A_263, %add3A_263 : vector<16xf32>
          %exp3A_265 = math.exp %add3A_264 : vector<16xf32>
          %add3A_266 = arith.constant 1.000000e+00 : f32
          %add3A_267 = vector.broadcast %add3A_266 : f32 to vector<16xf32>
          %add3A_268 = arith.addf %exp3A_265, %add3A_267 : vector<16xf32>
          %div3A_269 = arith.constant 2.000000e+00 : f32
          %div3A_270 = vector.broadcast %div3A_269 : f32 to vector<16xf32>
          %div3A_271 = arith.divf %div3A_270, %add3A_268 : vector<16xf32>
          %sub3A_272 = arith.constant 1.000000e+00 : f32
          %sub3A_273 = vector.broadcast %sub3A_272 : f32 to vector<16xf32>
          %sub3A_274 = arith.subf %sub3A_273, %div3A_271 : vector<16xf32>
          %mul3A_275 = arith.mulf %get3A_262, %sub3A_274 : vector<16xf32>
          %add3A_276 = arith.addf %mul3A_121, %mul3A_143 : vector<16xf32>
          %add3A_277 = arith.addf %mul3A_165, %mul3A_187 : vector<16xf32>
          %add3A_278 = arith.addf %add3A_276, %add3A_277 : vector<16xf32>
          %add3A_279 = arith.addf %mul3A_209, %mul3A_231 : vector<16xf32>
          %add3A_280 = arith.addf %mul3A_253, %mul3A_275 : vector<16xf32>
          %add3A_281 = arith.addf %add3A_279, %add3A_280 : vector<16xf32>
          %add3A_282 = arith.addf %add3A_278, %add3A_281 : vector<16xf32>
          %reduce_sum3A = arith.constant true
          %reduce_sum3A_283 = vector.broadcast %reduce_sum3A : i1 to vector<16xi1>
          %reduce_sum3A_284 = tpu.scan <sum>, %add3A_282 masked %reduce_sum3A_283 : vector<16xf32>, vector<16xi1> -> vector<16xf32>
          %reduce_sum3A_285 = vector.extract %reduce_sum3A_284[15] : f32 from vector<16xf32>
          %mul3A_286 = arith.constant 80 : i32
          %mul3A_287 = arith.muli %add3A_57, %mul3A_286 : i32
          %add3A_288 = arith.addi %mul3A_287, %scan3A_102 : i32
          %broadcast_in_dim3A_289 = vector.broadcast %add3A_288 : i32 to vector<16xi32>
          %broadcast_in_dim3A_290 = vector.broadcast %reduce_sum3A_285 : f32 to vector<16xf32>
          %eq3A = arith.constant 0 : i32
          %eq3A_291 = vector.broadcast %eq3A : i32 to vector<16xi32>
          %eq3A_292 = arith.cmpi eq, %iota3A, %eq3A_291 : vector<16xi32>
          tpu.vector_store_idx %arg19[%broadcast_in_dim3A_289], %broadcast_in_dim3A_290 masked %eq3A_292 : memref<10000xf32, #tpu.memory_space<vmem>>[vector<16xi32>], vector<16xf32>, vector<16xi1>
          %scan3A_293 = arith.constant 0 : i32
          %scan3A_294 = arith.constant 1 : i32
          %scan3A_295 = arith.addi %scan3A_102, %scan3A_294 : i32
          %get3A_296 = arith.index_cast %scan3A_295 : i32 to index
          %get3A_297 = arith.constant 0 : index
          %get3A_298 = tpu.vector_load %arg17[%get3A_296, %get3A_297] {strides = array<i32>} : memref<80x128xf32, #tpu.memory_space<vmem>>, vector<16xf32>,
          %get3A_299 = arith.index_cast %scan3A_295 : i32 to index
          %get3A_300 = arith.constant 0 : index
          %get3A_301 = tpu.vector_load %arg18[%get3A_299, %get3A_300] {strides = array<i32>} : memref<80x128xf32, #tpu.memory_space<vmem>>, vector<16xf32>,
          %get3A_302 = arith.index_cast %scan3A_295 : i32 to index
          %get3A_303 = arith.constant 0 : index
          %get3A_304 = tpu.vector_load %arg16[%get3A_302, %get3A_303] {strides = array<i32>} : memref<80x128xf32, #tpu.memory_space<vmem>>, vector<16xf32>,
          %add3A_305 = arith.addf %get3A_298, %get3A_301 : vector<16xf32>
          %add3A_306 = arith.addf %add3A_305, %add3A_305 : vector<16xf32>
          %exp3A_307 = math.exp %add3A_306 : vector<16xf32>
          %add3A_308 = arith.constant 1.000000e+00 : f32
          %add3A_309 = vector.broadcast %add3A_308 : f32 to vector<16xf32>
          %add3A_310 = arith.addf %exp3A_307, %add3A_309 : vector<16xf32>
          %div3A_311 = arith.constant 2.000000e+00 : f32
          %div3A_312 = vector.broadcast %div3A_311 : f32 to vector<16xf32>
          %div3A_313 = arith.divf %div3A_312, %add3A_310 : vector<16xf32>
          %sub3A_314 = arith.constant 1.000000e+00 : f32
          %sub3A_315 = vector.broadcast %sub3A_314 : f32 to vector<16xf32>
          %sub3A_316 = arith.subf %sub3A_315, %div3A_313 : vector<16xf32>
          %mul3A_317 = arith.mulf %get3A_304, %sub3A_316 : vector<16xf32>
          %get3A_318 = arith.index_cast %scan3A_295 : i32 to index
          %get3A_319 = arith.constant 16 : index
          %get3A_320 = tpu.vector_load %arg17[%get3A_318, %get3A_319] {strides = array<i32>} : memref<80x128xf32, #tpu.memory_space<vmem>>, vector<16xf32>,
          %get3A_321 = arith.index_cast %scan3A_295 : i32 to index
          %get3A_322 = arith.constant 16 : index
          %get3A_323 = tpu.vector_load %arg18[%get3A_321, %get3A_322] {strides = array<i32>} : memref<80x128xf32, #tpu.memory_space<vmem>>, vector<16xf32>,
          %get3A_324 = arith.index_cast %scan3A_295 : i32 to index
          %get3A_325 = arith.constant 16 : index
          %get3A_326 = tpu.vector_load %arg16[%get3A_324, %get3A_325] {strides = array<i32>} : memref<80x128xf32, #tpu.memory_space<vmem>>, vector<16xf32>,
          %add3A_327 = arith.addf %get3A_320, %get3A_323 : vector<16xf32>
          %add3A_328 = arith.addf %add3A_327, %add3A_327 : vector<16xf32>
          %exp3A_329 = math.exp %add3A_328 : vector<16xf32>
          %add3A_330 = arith.constant 1.000000e+00 : f32
          %add3A_331 = vector.broadcast %add3A_330 : f32 to vector<16xf32>
          %add3A_332 = arith.addf %exp3A_329, %add3A_331 : vector<16xf32>
          %div3A_333 = arith.constant 2.000000e+00 : f32
          %div3A_334 = vector.broadcast %div3A_333 : f32 to vector<16xf32>
          %div3A_335 = arith.divf %div3A_334, %add3A_332 : vector<16xf32>
          %sub3A_336 = arith.constant 1.000000e+00 : f32
          %sub3A_337 = vector.broadcast %sub3A_336 : f32 to vector<16xf32>
          %sub3A_338 = arith.subf %sub3A_337, %div3A_335 : vector<16xf32>
          %mul3A_339 = arith.mulf %get3A_326, %sub3A_338 : vector<16xf32>
          %get3A_340 = arith.index_cast %scan3A_295 : i32 to index
          %get3A_341 = arith.constant 32 : index
          %get3A_342 = tpu.vector_load %arg17[%get3A_340, %get3A_341] {strides = array<i32>} : memref<80x128xf32, #tpu.memory_space<vmem>>, vector<16xf32>,
          %get3A_343 = arith.index_cast %scan3A_295 : i32 to index
          %get3A_344 = arith.constant 32 : index
          %get3A_345 = tpu.vector_load %arg18[%get3A_343, %get3A_344] {strides = array<i32>} : memref<80x128xf32, #tpu.memory_space<vmem>>, vector<16xf32>,
          %get3A_346 = arith.index_cast %scan3A_295 : i32 to index
          %get3A_347 = arith.constant 32 : index
          %get3A_348 = tpu.vector_load %arg16[%get3A_346, %get3A_347] {strides = array<i32>} : memref<80x128xf32, #tpu.memory_space<vmem>>, vector<16xf32>,
          %add3A_349 = arith.addf %get3A_342, %get3A_345 : vector<16xf32>
          %add3A_350 = arith.addf %add3A_349, %add3A_349 : vector<16xf32>
          %exp3A_351 = math.exp %add3A_350 : vector<16xf32>
          %add3A_352 = arith.constant 1.000000e+00 : f32
          %add3A_353 = vector.broadcast %add3A_352 : f32 to vector<16xf32>
          %add3A_354 = arith.addf %exp3A_351, %add3A_353 : vector<16xf32>
          %div3A_355 = arith.constant 2.000000e+00 : f32
          %div3A_356 = vector.broadcast %div3A_355 : f32 to vector<16xf32>
          %div3A_357 = arith.divf %div3A_356, %add3A_354 : vector<16xf32>
          %sub3A_358 = arith.constant 1.000000e+00 : f32
          %sub3A_359 = vector.broadcast %sub3A_358 : f32 to vector<16xf32>
          %sub3A_360 = arith.subf %sub3A_359, %div3A_357 : vector<16xf32>
          %mul3A_361 = arith.mulf %get3A_348, %sub3A_360 : vector<16xf32>
          %get3A_362 = arith.index_cast %scan3A_295 : i32 to index
          %get3A_363 = arith.constant 48 : index
          %get3A_364 = tpu.vector_load %arg17[%get3A_362, %get3A_363] {strides = array<i32>} : memref<80x128xf32, #tpu.memory_space<vmem>>, vector<16xf32>,
          %get3A_365 = arith.index_cast %scan3A_295 : i32 to index
          %get3A_366 = arith.constant 48 : index
          %get3A_367 = tpu.vector_load %arg18[%get3A_365, %get3A_366] {strides = array<i32>} : memref<80x128xf32, #tpu.memory_space<vmem>>, vector<16xf32>,
          %get3A_368 = arith.index_cast %scan3A_295 : i32 to index
          %get3A_369 = arith.constant 48 : index
          %get3A_370 = tpu.vector_load %arg16[%get3A_368, %get3A_369] {strides = array<i32>} : memref<80x128xf32, #tpu.memory_space<vmem>>, vector<16xf32>,
          %add3A_371 = arith.addf %get3A_364, %get3A_367 : vector<16xf32>
          %add3A_372 = arith.addf %add3A_371, %add3A_371 : vector<16xf32>
          %exp3A_373 = math.exp %add3A_372 : vector<16xf32>
          %add3A_374 = arith.constant 1.000000e+00 : f32
          %add3A_375 = vector.broadcast %add3A_374 : f32 to vector<16xf32>
          %add3A_376 = arith.addf %exp3A_373, %add3A_375 : vector<16xf32>
          %div3A_377 = arith.constant 2.000000e+00 : f32
          %div3A_378 = vector.broadcast %div3A_377 : f32 to vector<16xf32>
          %div3A_379 = arith.divf %div3A_378, %add3A_376 : vector<16xf32>
          %sub3A_380 = arith.constant 1.000000e+00 : f32
          %sub3A_381 = vector.broadcast %sub3A_380 : f32 to vector<16xf32>
          %sub3A_382 = arith.subf %sub3A_381, %div3A_379 : vector<16xf32>
          %mul3A_383 = arith.mulf %get3A_370, %sub3A_382 : vector<16xf32>
          %get3A_384 = arith.index_cast %scan3A_295 : i32 to index
          %get3A_385 = arith.constant 64 : index
          %get3A_386 = tpu.vector_load %arg17[%get3A_384, %get3A_385] {strides = array<i32>} : memref<80x128xf32, #tpu.memory_space<vmem>>, vector<16xf32>,
          %get3A_387 = arith.index_cast %scan3A_295 : i32 to index
          %get3A_388 = arith.constant 64 : index
          %get3A_389 = tpu.vector_load %arg18[%get3A_387, %get3A_388] {strides = array<i32>} : memref<80x128xf32, #tpu.memory_space<vmem>>, vector<16xf32>,
          %get3A_390 = arith.index_cast %scan3A_295 : i32 to index
          %get3A_391 = arith.constant 64 : index
          %get3A_392 = tpu.vector_load %arg16[%get3A_390, %get3A_391] {strides = array<i32>} : memref<80x128xf32, #tpu.memory_space<vmem>>, vector<16xf32>,
          %add3A_393 = arith.addf %get3A_386, %get3A_389 : vector<16xf32>
          %add3A_394 = arith.addf %add3A_393, %add3A_393 : vector<16xf32>
          %exp3A_395 = math.exp %add3A_394 : vector<16xf32>
          %add3A_396 = arith.constant 1.000000e+00 : f32
          %add3A_397 = vector.broadcast %add3A_396 : f32 to vector<16xf32>
          %add3A_398 = arith.addf %exp3A_395, %add3A_397 : vector<16xf32>
          %div3A_399 = arith.constant 2.000000e+00 : f32
          %div3A_400 = vector.broadcast %div3A_399 : f32 to vector<16xf32>
          %div3A_401 = arith.divf %div3A_400, %add3A_398 : vector<16xf32>
          %sub3A_402 = arith.constant 1.000000e+00 : f32
          %sub3A_403 = vector.broadcast %sub3A_402 : f32 to vector<16xf32>
          %sub3A_404 = arith.subf %sub3A_403, %div3A_401 : vector<16xf32>
          %mul3A_405 = arith.mulf %get3A_392, %sub3A_404 : vector<16xf32>
          %get3A_406 = arith.index_cast %scan3A_295 : i32 to index
          %get3A_407 = arith.constant 80 : index
          %get3A_408 = tpu.vector_load %arg17[%get3A_406, %get3A_407] {strides = array<i32>} : memref<80x128xf32, #tpu.memory_space<vmem>>, vector<16xf32>,
          %get3A_409 = arith.index_cast %scan3A_295 : i32 to index
          %get3A_410 = arith.constant 80 : index
          %get3A_411 = tpu.vector_load %arg18[%get3A_409, %get3A_410] {strides = array<i32>} : memref<80x128xf32, #tpu.memory_space<vmem>>, vector<16xf32>,
          %get3A_412 = arith.index_cast %scan3A_295 : i32 to index
          %get3A_413 = arith.constant 80 : index
          %get3A_414 = tpu.vector_load %arg16[%get3A_412, %get3A_413] {strides = array<i32>} : memref<80x128xf32, #tpu.memory_space<vmem>>, vector<16xf32>,
          %add3A_415 = arith.addf %get3A_408, %get3A_411 : vector<16xf32>
          %add3A_416 = arith.addf %add3A_415, %add3A_415 : vector<16xf32>
          %exp3A_417 = math.exp %add3A_416 : vector<16xf32>
          %add3A_418 = arith.constant 1.000000e+00 : f32
          %add3A_419 = vector.broadcast %add3A_418 : f32 to vector<16xf32>
          %add3A_420 = arith.addf %exp3A_417, %add3A_419 : vector<16xf32>
          %div3A_421 = arith.constant 2.000000e+00 : f32
          %div3A_422 = vector.broadcast %div3A_421 : f32 to vector<16xf32>
          %div3A_423 = arith.divf %div3A_422, %add3A_420 : vector<16xf32>
          %sub3A_424 = arith.constant 1.000000e+00 : f32
          %sub3A_425 = vector.broadcast %sub3A_424 : f32 to vector<16xf32>
          %sub3A_426 = arith.subf %sub3A_425, %div3A_423 : vector<16xf32>
          %mul3A_427 = arith.mulf %get3A_414, %sub3A_426 : vector<16xf32>
          %get3A_428 = arith.index_cast %scan3A_295 : i32 to index
          %get3A_429 = arith.constant 96 : index
          %get3A_430 = tpu.vector_load %arg17[%get3A_428, %get3A_429] {strides = array<i32>} : memref<80x128xf32, #tpu.memory_space<vmem>>, vector<16xf32>,
          %get3A_431 = arith.index_cast %scan3A_295 : i32 to index
          %get3A_432 = arith.constant 96 : index
          %get3A_433 = tpu.vector_load %arg18[%get3A_431, %get3A_432] {strides = array<i32>} : memref<80x128xf32, #tpu.memory_space<vmem>>, vector<16xf32>,
          %get3A_434 = arith.index_cast %scan3A_295 : i32 to index
          %get3A_435 = arith.constant 96 : index
          %get3A_436 = tpu.vector_load %arg16[%get3A_434, %get3A_435] {strides = array<i32>} : memref<80x128xf32, #tpu.memory_space<vmem>>, vector<16xf32>,
          %add3A_437 = arith.addf %get3A_430, %get3A_433 : vector<16xf32>
          %add3A_438 = arith.addf %add3A_437, %add3A_437 : vector<16xf32>
          %exp3A_439 = math.exp %add3A_438 : vector<16xf32>
          %add3A_440 = arith.constant 1.000000e+00 : f32
          %add3A_441 = vector.broadcast %add3A_440 : f32 to vector<16xf32>
          %add3A_442 = arith.addf %exp3A_439, %add3A_441 : vector<16xf32>
          %div3A_443 = arith.constant 2.000000e+00 : f32
          %div3A_444 = vector.broadcast %div3A_443 : f32 to vector<16xf32>
          %div3A_445 = arith.divf %div3A_444, %add3A_442 : vector<16xf32>
          %sub3A_446 = arith.constant 1.000000e+00 : f32
          %sub3A_447 = vector.broadcast %sub3A_446 : f32 to vector<16xf32>
          %sub3A_448 = arith.subf %sub3A_447, %div3A_445 : vector<16xf32>
          %mul3A_449 = arith.mulf %get3A_436, %sub3A_448 : vector<16xf32>
          %get3A_450 = arith.index_cast %scan3A_295 : i32 to index
          %get3A_451 = arith.constant 112 : index
          %get3A_452 = tpu.vector_load %arg17[%get3A_450, %get3A_451] {strides = array<i32>} : memref<80x128xf32, #tpu.memory_space<vmem>>, vector<16xf32>,
          %get3A_453 = arith.index_cast %scan3A_295 : i32 to index
          %get3A_454 = arith.constant 112 : index
          %get3A_455 = tpu.vector_load %arg18[%get3A_453, %get3A_454] {strides = array<i32>} : memref<80x128xf32, #tpu.memory_space<vmem>>, vector<16xf32>,
          %get3A_456 = arith.index_cast %scan3A_295 : i32 to index
          %get3A_457 = arith.constant 112 : index
          %get3A_458 = tpu.vector_load %arg16[%get3A_456, %get3A_457] {strides = array<i32>} : memref<80x128xf32, #tpu.memory_space<vmem>>, vector<16xf32>,
          %add3A_459 = arith.addf %get3A_452, %get3A_455 : vector<16xf32>
          %add3A_460 = arith.addf %add3A_459, %add3A_459 : vector<16xf32>
          %exp3A_461 = math.exp %add3A_460 : vector<16xf32>
          %add3A_462 = arith.constant 1.000000e+00 : f32
          %add3A_463 = vector.broadcast %add3A_462 : f32 to vector<16xf32>
          %add3A_464 = arith.addf %exp3A_461, %add3A_463 : vector<16xf32>
          %div3A_465 = arith.constant 2.000000e+00 : f32
          %div3A_466 = vector.broadcast %div3A_465 : f32 to vector<16xf32>
          %div3A_467 = arith.divf %div3A_466, %add3A_464 : vector<16xf32>
          %sub3A_468 = arith.constant 1.000000e+00 : f32
          %sub3A_469 = vector.broadcast %sub3A_468 : f32 to vector<16xf32>
          %sub3A_470 = arith.subf %sub3A_469, %div3A_467 : vector<16xf32>
          %mul3A_471 = arith.mulf %get3A_458, %sub3A_470 : vector<16xf32>
          %add3A_472 = arith.addf %mul3A_317, %mul3A_339 : vector<16xf32>
          %add3A_473 = arith.addf %mul3A_361, %mul3A_383 : vector<16xf32>
          %add3A_474 = arith.addf %add3A_472, %add3A_473 : vector<16xf32>
          %add3A_475 = arith.addf %mul3A_405, %mul3A_427 : vector<16xf32>
          %add3A_476 = arith.addf %mul3A_449, %mul3A_471 : vector<16xf32>
          %add3A_477 = arith.addf %add3A_475, %add3A_476 : vector<16xf32>
          %add3A_478 = arith.addf %add3A_474, %add3A_477 : vector<16xf32>
          %reduce_sum3A_479 = arith.constant true
          %reduce_sum3A_480 = vector.broadcast %reduce_sum3A_479 : i1 to vector<16xi1>
          %reduce_sum3A_481 = tpu.scan <sum>, %add3A_478 masked %reduce_sum3A_480 : vector<16xf32>, vector<16xi1> -> vector<16xf32>
          %reduce_sum3A_482 = vector.extract %reduce_sum3A_481[15] : f32 from vector<16xf32>
          %mul3A_483 = arith.constant 80 : i32
          %mul3A_484 = arith.muli %add3A_57, %mul3A_483 : i32
          %add3A_485 = arith.addi %mul3A_484, %scan3A_295 : i32
          %broadcast_in_dim3A_486 = vector.broadcast %add3A_485 : i32 to vector<16xi32>
          %broadcast_in_dim3A_487 = vector.broadcast %reduce_sum3A_482 : f32 to vector<16xf32>
          %eq3A_488 = arith.constant 0 : i32
          %eq3A_489 = vector.broadcast %eq3A_488 : i32 to vector<16xi32>
          %eq3A_490 = arith.cmpi eq, %iota3A, %eq3A_489 : vector<16xi32>
          tpu.vector_store_idx %arg19[%broadcast_in_dim3A_486], %broadcast_in_dim3A_487 masked %eq3A_490 : memref<10000xf32, #tpu.memory_space<vmem>>[vector<16xi32>], vector<16xf32>, vector<16xi1>
          %scan3A_491 = arith.constant 0 : i32
          scf.yield %scan3A_491 : i32
        }
        %scan3A_87 = arith.constant 80 : i32
        %scan3A_88 = arith.constant 0 : i32
        %scan3A_89 = arith.constant 0 : i32
        %scan3A_90 = arith.constant 5 : i32
        %scan3A_91 = arith.addi %scan3A_89, %scan3A_90 : i32
        %scan3A_92 = arith.constant 1 : i32
        %scan3A_93 = scf.for %scan3A_102 = %scan3A_89 to %scan3A_91 step %scan3A_92 iter_args(%scan3A_103 = %scan3A_88) -> (i32)  : i32 {
          %mul3A_104 = arith.constant 80 : i32
          %mul3A_105 = arith.muli %add3A_57, %mul3A_104 : i32
          %mul3A_106 = arith.constant 16 : i32
          %mul3A_107 = arith.muli %scan3A_102, %mul3A_106 : i32
          %add3A_108 = arith.addi %mul3A_105, %mul3A_107 : i32
          %get3A = arith.index_cast %add3A_108 : i32 to index
          %get3A_109 = tpu.vector_load %arg11[%get3A] {strides = array<i32>} : memref<10000xi32, #tpu.memory_space<vmem>>, vector<16xi32>,
          %mul3A_110 = arith.constant 80 : i32
          %mul3A_111 = arith.muli %add3A_57, %mul3A_110 : i32
          %mul3A_112 = arith.constant 16 : i32
          %mul3A_113 = arith.muli %scan3A_102, %mul3A_112 : i32
          %add3A_114 = arith.addi %mul3A_111, %mul3A_113 : i32
          %get3A_115 = arith.index_cast %add3A_114 : i32 to index
          %get3A_116 = tpu.vector_load %arg19[%get3A_115] {strides = array<i32>} : memref<10000xf32, #tpu.memory_space<vmem>>, vector<16xf32>,
          %while3A = arith.constant 0 : i32
          %while3A_117 = scf.while (%while3A_119 = %while3A) : (i32) -> i32 {
            %gather3A = tpu.vector_load_idx %arg20[%get3A_109] : memref<10000xf32, #tpu.memory_space<vmem>>[vector<16xi32>], vector<16xf32>,
            %gt3A = arith.cmpf ogt, %get3A_116, %gather3A : vector<16xf32>
            %reduce_or3A = arith.constant 1.000000e+00 : f32
            %reduce_or3A_120 = arith.constant 0.000000e+00 : f32
            %reduce_or3A_121 = vector.broadcast %reduce_or3A : f32 to vector<16xf32>
            %reduce_or3A_122 = vector.broadcast %reduce_or3A_120 : f32 to vector<16xf32>
            %reduce_or3A_123 = arith.select %gt3A, %reduce_or3A_121, %reduce_or3A_122 : vector<16xi1>, vector<16xf32>
            %reduce_or3A_124 = arith.constant true
            %reduce_or3A_125 = vector.broadcast %reduce_or3A_124 : i1 to vector<16xi1>
            %reduce_or3A_126 = tpu.scan <max>, %reduce_or3A_123 masked %reduce_or3A_125 : vector<16xf32>, vector<16xi1> -> vector<16xf32>
            %reduce_or3A_127 = vector.extract %reduce_or3A_126[15] : f32 from vector<16xf32>
            %reduce_or3A_128 = arith.constant 0.000000e+00 : f32
            %reduce_or3A_129 = arith.cmpf ogt, %reduce_or3A_127, %reduce_or3A_128 : f32
            scf.condition(%reduce_or3A_129) %while3A_119 : i32
          } do {
          ^bb0(%while3A_119: i32):
            %gather3A = tpu.vector_load_idx %arg20[%get3A_109] : memref<10000xf32, #tpu.memory_space<vmem>>[vector<16xi32>], vector<16xf32>,
            %gt3A = arith.cmpf ogt, %get3A_116, %gather3A : vector<16xf32>
            tpu.vector_store_idx %arg20[%get3A_109], %get3A_116 masked %gt3A : memref<10000xf32, #tpu.memory_space<vmem>>[vector<16xi32>], vector<16xf32>, vector<16xi1>
            %while3A_120 = arith.constant 0 : i32
            scf.yield %while3A_120 : i32
          }
          %scan3A_118 = arith.constant 0 : i32
          scf.yield %scan3A_118 : i32
        }
        %scan3A_94 = arith.constant 5 : i32
        %add3A_95 = arith.constant 2 : i32
        %add3A_96 = arith.addi %add3A_57, %add3A_95 : i32
        %lt3A_97 = arith.constant 125 : i32
        %lt3A_98 = arith.cmpi slt, %add3A_96, %lt3A_97 : i32
        %convert_element_type3A_99 = arith.extui %lt3A_98 : i1 to i32
        %cond3A_100 = arith.constant 0 : i32
        %cond3A_101 = arith.cmpi ne, %convert_element_type3A_99, %cond3A_100 : i32
        scf.if %cond3A_101 {
          %add3A_102 = arith.constant 2 : i32
          %add3A_103 = arith.addi %add3A_57, %add3A_102 : i32
          %mul3A_104 = arith.constant 80 : i32
          %mul3A_105 = arith.muli %add3A_103, %mul3A_104 : i32
          %dma_start3A_106 = tpu.memref_slice %arg10[%mul3A_105] : memref<10000xi32, #tpu.memory_space<vmem>> -> memref<80xi32, #tpu.memory_space<vmem>>
          %dma_start3A_107 = arith.constant 0 : i32
          %dma_start3A_108 = arith.constant 0 : i32
          %dma_start3A_109 = tpu.memref_slice %arg5[%dma_start3A_107, %dma_start3A_108] : memref<10000x128xf32, #tpu.memory_space<hbm>> -> memref<10000x128xf32, #tpu.memory_space<hbm>>
          tpu.enqueue_indirect_dma source(%dma_start3A_109 : memref<10000x128xf32, #tpu.memory_space<hbm>>) target(%arg16 : memref<80x128xf32, #tpu.memory_space<vmem>>) offsets(%dma_start3A_106 : memref<80xi32, #tpu.memory_space<vmem>>) semaphore(%arg22 : memref<!tpu.dma_semaphore, #tpu.memory_space<semaphore_mem>>)
          %mul3A_110 = arith.constant 80 : i32
          %mul3A_111 = arith.muli %add3A_103, %mul3A_110 : i32
          %dma_start3A_112 = tpu.memref_slice %arg11[%mul3A_111] : memref<10000xi32, #tpu.memory_space<vmem>> -> memref<80xi32, #tpu.memory_space<vmem>>
          %dma_start3A_113 = arith.constant 0 : i32
          %dma_start3A_114 = arith.constant 0 : i32
          %dma_start3A_115 = tpu.memref_slice %arg6[%dma_start3A_113, %dma_start3A_114] : memref<10000x128xf32, #tpu.memory_space<hbm>> -> memref<10000x128xf32, #tpu.memory_space<hbm>>
          tpu.enqueue_indirect_dma source(%dma_start3A_115 : memref<10000x128xf32, #tpu.memory_space<hbm>>) target(%arg17 : memref<80x128xf32, #tpu.memory_space<vmem>>) offsets(%dma_start3A_112 : memref<80xi32, #tpu.memory_space<vmem>>) semaphore(%arg22 : memref<!tpu.dma_semaphore, #tpu.memory_space<semaphore_mem>>)
          %mul3A_116 = arith.constant 80 : i32
          %mul3A_117 = arith.muli %add3A_103, %mul3A_116 : i32
          %dma_start3A_118 = tpu.memref_slice %arg12[%mul3A_117] : memref<10000xi32, #tpu.memory_space<vmem>> -> memref<80xi32, #tpu.memory_space<vmem>>
          %dma_start3A_119 = arith.constant 0 : i32
          %dma_start3A_120 = arith.constant 0 : i32
          %dma_start3A_121 = tpu.memref_slice %arg7[%dma_start3A_119, %dma_start3A_120] : memref<10000x128xf32, #tpu.memory_space<hbm>> -> memref<10000x128xf32, #tpu.memory_space<hbm>>
          tpu.enqueue_indirect_dma source(%dma_start3A_121 : memref<10000x128xf32, #tpu.memory_space<hbm>>) target(%arg18 : memref<80x128xf32, #tpu.memory_space<vmem>>) offsets(%dma_start3A_118 : memref<80xi32, #tpu.memory_space<vmem>>) semaphore(%arg22 : memref<!tpu.dma_semaphore, #tpu.memory_space<semaphore_mem>>)
        } else {
        }
      } else {
      }
      %scan3A_63 = arith.constant 0 : i32
      scf.yield %scan3A_63 : i32
    }
    %scan3A_45 = arith.constant 63 : i32
    "tpu.region"() ({
      %run_scoped3A = tpu.sem_alloc : memref<!tpu.dma_semaphore, #tpu.memory_space<semaphore_mem>>
      %dma_start3A_46 = tpu.memref_slice %arg8[%mul3A_2] : memref<320000xf32, #tpu.memory_space<hbm>> -> memref<10000xf32, #tpu.memory_space<hbm>>
      %dma_start3A_47 = tpu.memref_slice %arg8[%mul3A_2] : memref<320000xf32, #tpu.memory_space<hbm>> -> memref<10000xf32, #tpu.memory_space<hbm>>
      tpu.enqueue_dma source(%arg19 : memref<10000xf32, #tpu.memory_space<vmem>>) target(%dma_start3A_47 : memref<10000xf32, #tpu.memory_space<hbm>>) target_semaphore(%run_scoped3A : memref<!tpu.dma_semaphore, #tpu.memory_space<semaphore_mem>>)
      %dma_wait3A = tpu.memref_slice %arg8[%mul3A_2] : memref<320000xf32, #tpu.memory_space<hbm>> -> memref<10000xf32, #tpu.memory_space<hbm>>
      %dma_wait3A_48 = tpu.memref_slice %arg8[%mul3A_2] : memref<320000xf32, #tpu.memory_space<hbm>> -> memref<10000xf32, #tpu.memory_space<hbm>>
      tpu.wait_dma2 semaphore(%run_scoped3A : memref<!tpu.dma_semaphore, #tpu.memory_space<semaphore_mem>>) src(%arg19 : memref<10000xf32, #tpu.memory_space<vmem>>) dst(%dma_wait3A_48 : memref<10000xf32, #tpu.memory_space<hbm>>)
      tpu.yield
    }) : () -> ()
    "tpu.region"() ({
      %run_scoped3A = tpu.sem_alloc : memref<!tpu.dma_semaphore, #tpu.memory_space<semaphore_mem>>
      %dma_start3A_46 = arith.constant 0 : i32
      %dma_start3A_47 = tpu.memref_slice %arg9[%add3A, %dma_start3A_46] : memref<32x10000xf32, #tpu.memory_space<hbm>> -> memref<1x10000xf32, #tpu.memory_space<hbm>>
      %dma_start3A_48 = tpu.memref_squeeze %dma_start3A_47 : memref<1x10000xf32, #tpu.memory_space<hbm>> -> memref<10000xf32, #tpu.memory_space<hbm>>
      %dma_start3A_49 = arith.constant 0 : i32
      %dma_start3A_50 = tpu.memref_slice %arg9[%add3A, %dma_start3A_49] : memref<32x10000xf32, #tpu.memory_space<hbm>> -> memref<1x10000xf32, #tpu.memory_space<hbm>>
      %dma_start3A_51 = tpu.memref_squeeze %dma_start3A_50 : memref<1x10000xf32, #tpu.memory_space<hbm>> -> memref<10000xf32, #tpu.memory_space<hbm>>
      tpu.enqueue_dma source(%arg20 : memref<10000xf32, #tpu.memory_space<vmem>>) target(%dma_start3A_51 : memref<10000xf32, #tpu.memory_space<hbm>>) target_semaphore(%run_scoped3A : memref<!tpu.dma_semaphore, #tpu.memory_space<semaphore_mem>>)
      %dma_wait3A = arith.constant 0 : i32
      %dma_wait3A_52 = tpu.memref_slice %arg9[%add3A, %dma_wait3A] : memref<32x10000xf32, #tpu.memory_space<hbm>> -> memref<1x10000xf32, #tpu.memory_space<hbm>>
      %dma_wait3A_53 = tpu.memref_squeeze %dma_wait3A_52 : memref<1x10000xf32, #tpu.memory_space<hbm>> -> memref<10000xf32, #tpu.memory_space<hbm>>
      %dma_wait3A_54 = arith.constant 0 : i32
      %dma_wait3A_55 = tpu.memref_slice %arg9[%add3A, %dma_wait3A_54] : memref<32x10000xf32, #tpu.memory_space<hbm>> -> memref<1x10000xf32, #tpu.memory_space<hbm>>
      %dma_wait3A_56 = tpu.memref_squeeze %dma_wait3A_55 : memref<1x10000xf32, #tpu.memory_space<hbm>> -> memref<10000xf32, #tpu.memory_space<hbm>>
      tpu.wait_dma2 semaphore(%run_scoped3A : memref<!tpu.dma_semaphore, #tpu.memory_space<semaphore_mem>>) src(%arg20 : memref<10000xf32, #tpu.memory_space<vmem>>) dst(%dma_wait3A_56 : memref<10000xf32, #tpu.memory_space<hbm>>)
      tpu.yield
    }) : () -> ()
    return
  }
}

#map = affine_map<(d0, d1) -> (0)>
#map1 = affine_map<(d0, d1) -> (0, 0)>
module attributes {stable_mosaic.version = 14 : i64} {
  func.func @_s3_body(%arg0: i32, %arg1: i32, %arg2: memref<320000xi32, #tpu.memory_space<hbm>>, %arg3: memref<320000xi32, #tpu.memory_space<hbm>>, %arg4: memref<320000xf32, #tpu.memory_space<hbm>>, %arg5: memref<1x10000xf32, #tpu.memory_space<hbm>>, %arg6: memref<10000x128xf32, #tpu.memory_space<hbm>>, %arg7: memref<5120x144xf32, #tpu.memory_space<hbm>>, %arg8: memref<5120x144xf32, #tpu.memory_space<hbm>>, %arg9: memref<32xi32, #tpu.memory_space<vmem>>, %arg10: memref<32xi32, #tpu.memory_space<vmem>>, %arg11: memref<32xi32, #tpu.memory_space<vmem>>, %arg12: memref<32xi32, #tpu.memory_space<vmem>>, %arg13: memref<32xf32, #tpu.memory_space<vmem>>, %arg14: memref<32xf32, #tpu.memory_space<vmem>>, %arg15: memref<32xi32, #tpu.memory_space<vmem>>, %arg16: memref<32xi32, #tpu.memory_space<vmem>>, %arg17: memref<32xf32, #tpu.memory_space<vmem>>, %arg18: memref<32x128xf32, #tpu.memory_space<vmem>>, %arg19: memref<32x128xf32, #tpu.memory_space<vmem>>, %arg20: memref<32x144xf32, #tpu.memory_space<vmem>>, %arg21: memref<32x144xf32, #tpu.memory_space<vmem>>, %arg22: memref<10000xf32, #tpu.memory_space<vmem>>, %arg23: memref<16x144xf32, #tpu.memory_space<vmem>>, %arg24: memref<!tpu.dma_semaphore, #tpu.memory_space<semaphore_mem>>, %arg25: memref<!tpu.dma_semaphore, #tpu.memory_space<semaphore_mem>>, %arg26: memref<!tpu.dma_semaphore, #tpu.memory_space<semaphore_mem>>, %arg27: memref<!tpu.dma_semaphore, #tpu.memory_space<semaphore_mem>>, %arg28: memref<!tpu.dma_semaphore, #tpu.memory_space<semaphore_mem>>, %arg29: memref<!tpu.dma_semaphore, #tpu.memory_space<semaphore_mem>>, %arg30: memref<5120x144xf32, #tpu.memory_space<vmem_shared>>) attributes {dimension_semantics = [#tpu.dimension_semantics<core_parallel>, #tpu.dimension_semantics<subcore_parallel>], iteration_bounds = array<i64: 2, 16>, scalar_prefetch = 0 : i64, scratch_operands = 22 : i64, tpu.core_type = #tpu.core_type<sc_vector_subcore>, window_params = [{transform_indices = #map}, {transform_indices = #map}, {transform_indices = #map}, {transform_indices = #map1}, {transform_indices = #map1}, {transform_indices = #map1}, {transform_indices = #map1}]} {
    %mul3A = arith.constant 20000 : i32
    %mul3A_0 = arith.muli %arg1, %mul3A : i32
    %iota3A = tpu.iota {dimensions = array<i32: 0>} : vector<16xi32>
    %mul3A_1 = arith.constant 5000 : i32
    %mul3A_2 = arith.muli %arg0, %mul3A_1 : i32
    %run_scoped3A = arith.constant 0 : i32
    "tpu.region"() ({
      %run_scoped3A_80 = tpu.sem_alloc : memref<!tpu.dma_semaphore, #tpu.memory_space<semaphore_mem>>
      %dma_start3A_81 = arith.constant 0 : i32
      %dma_start3A_82 = tpu.memref_slice %arg5[%run_scoped3A, %dma_start3A_81] : memref<1x10000xf32, #tpu.memory_space<hbm>> -> memref<1x10000xf32, #tpu.memory_space<hbm>>
      %dma_start3A_83 = tpu.memref_squeeze %dma_start3A_82 : memref<1x10000xf32, #tpu.memory_space<hbm>> -> memref<10000xf32, #tpu.memory_space<hbm>>
      %dma_start3A_84 = arith.constant 0 : i32
      %dma_start3A_85 = tpu.memref_slice %arg5[%run_scoped3A, %dma_start3A_84] : memref<1x10000xf32, #tpu.memory_space<hbm>> -> memref<1x10000xf32, #tpu.memory_space<hbm>>
      %dma_start3A_86 = tpu.memref_squeeze %dma_start3A_85 : memref<1x10000xf32, #tpu.memory_space<hbm>> -> memref<10000xf32, #tpu.memory_space<hbm>>
      tpu.enqueue_dma source(%dma_start3A_86 : memref<10000xf32, #tpu.memory_space<hbm>>) target(%arg22 : memref<10000xf32, #tpu.memory_space<vmem>>) target_semaphore(%run_scoped3A_80 : memref<!tpu.dma_semaphore, #tpu.memory_space<semaphore_mem>>)
      %dma_wait3A_87 = arith.constant 0 : i32
      %dma_wait3A_88 = tpu.memref_slice %arg5[%run_scoped3A, %dma_wait3A_87] : memref<1x10000xf32, #tpu.memory_space<hbm>> -> memref<1x10000xf32, #tpu.memory_space<hbm>>
      %dma_wait3A_89 = tpu.memref_squeeze %dma_wait3A_88 : memref<1x10000xf32, #tpu.memory_space<hbm>> -> memref<10000xf32, #tpu.memory_space<hbm>>
      %dma_wait3A_90 = arith.constant 0 : i32
      %dma_wait3A_91 = tpu.memref_slice %arg5[%run_scoped3A, %dma_wait3A_90] : memref<1x10000xf32, #tpu.memory_space<hbm>> -> memref<1x10000xf32, #tpu.memory_space<hbm>>
      %dma_wait3A_92 = tpu.memref_squeeze %dma_wait3A_91 : memref<1x10000xf32, #tpu.memory_space<hbm>> -> memref<10000xf32, #tpu.memory_space<hbm>>
      tpu.wait_dma2 semaphore(%run_scoped3A_80 : memref<!tpu.dma_semaphore, #tpu.memory_space<semaphore_mem>>) src(%dma_wait3A_92 : memref<10000xf32, #tpu.memory_space<hbm>>) dst(%arg22 : memref<10000xf32, #tpu.memory_space<vmem>>)
      tpu.yield
    }) : () -> ()
    %broadcast_in_dim3A = arith.constant 0.000000e+00 : f32
    %broadcast_in_dim3A_3 = vector.broadcast %broadcast_in_dim3A : f32 to vector<16xf32>
    %scan3A = arith.constant 0 : i32
    %scan3A_4 = arith.constant 0 : i32
    %scan3A_5 = arith.constant 16 : i32
    %scan3A_6 = arith.addi %scan3A_4, %scan3A_5 : i32
    %scan3A_7 = arith.constant 1 : i32
    %scan3A_8 = scf.for %scan3A_80 = %scan3A_4 to %scan3A_6 step %scan3A_7 iter_args(%scan3A_81 = %scan3A) -> (i32)  : i32 {
      %swap3A = arith.index_cast %scan3A_80 : i32 to index
      %swap3A_82 = arith.constant 0 : index
      %swap3A_83 = tpu.vector_load %arg23[%swap3A, %swap3A_82] {strides = array<i32>} : memref<16x144xf32, #tpu.memory_space<vmem>>, vector<16xf32>,
      tpu.vector_store %arg23[%swap3A, %swap3A_82], %broadcast_in_dim3A_3 {strides = array<i32>} : memref<16x144xf32, #tpu.memory_space<vmem>>, vector<16xf32>,
      %swap3A_84 = arith.index_cast %scan3A_80 : i32 to index
      %swap3A_85 = arith.constant 16 : index
      %swap3A_86 = tpu.vector_load %arg23[%swap3A_84, %swap3A_85] {strides = array<i32>} : memref<16x144xf32, #tpu.memory_space<vmem>>, vector<16xf32>,
      tpu.vector_store %arg23[%swap3A_84, %swap3A_85], %broadcast_in_dim3A_3 {strides = array<i32>} : memref<16x144xf32, #tpu.memory_space<vmem>>, vector<16xf32>,
      %swap3A_87 = arith.index_cast %scan3A_80 : i32 to index
      %swap3A_88 = arith.constant 32 : index
      %swap3A_89 = tpu.vector_load %arg23[%swap3A_87, %swap3A_88] {strides = array<i32>} : memref<16x144xf32, #tpu.memory_space<vmem>>, vector<16xf32>,
      tpu.vector_store %arg23[%swap3A_87, %swap3A_88], %broadcast_in_dim3A_3 {strides = array<i32>} : memref<16x144xf32, #tpu.memory_space<vmem>>, vector<16xf32>,
      %swap3A_90 = arith.index_cast %scan3A_80 : i32 to index
      %swap3A_91 = arith.constant 48 : index
      %swap3A_92 = tpu.vector_load %arg23[%swap3A_90, %swap3A_91] {strides = array<i32>} : memref<16x144xf32, #tpu.memory_space<vmem>>, vector<16xf32>,
      tpu.vector_store %arg23[%swap3A_90, %swap3A_91], %broadcast_in_dim3A_3 {strides = array<i32>} : memref<16x144xf32, #tpu.memory_space<vmem>>, vector<16xf32>,
      %swap3A_93 = arith.index_cast %scan3A_80 : i32 to index
      %swap3A_94 = arith.constant 64 : index
      %swap3A_95 = tpu.vector_load %arg23[%swap3A_93, %swap3A_94] {strides = array<i32>} : memref<16x144xf32, #tpu.memory_space<vmem>>, vector<16xf32>,
      tpu.vector_store %arg23[%swap3A_93, %swap3A_94], %broadcast_in_dim3A_3 {strides = array<i32>} : memref<16x144xf32, #tpu.memory_space<vmem>>, vector<16xf32>,
      %swap3A_96 = arith.index_cast %scan3A_80 : i32 to index
      %swap3A_97 = arith.constant 80 : index
      %swap3A_98 = tpu.vector_load %arg23[%swap3A_96, %swap3A_97] {strides = array<i32>} : memref<16x144xf32, #tpu.memory_space<vmem>>, vector<16xf32>,
      tpu.vector_store %arg23[%swap3A_96, %swap3A_97], %broadcast_in_dim3A_3 {strides = array<i32>} : memref<16x144xf32, #tpu.memory_space<vmem>>, vector<16xf32>,
      %swap3A_99 = arith.index_cast %scan3A_80 : i32 to index
      %swap3A_100 = arith.constant 96 : index
      %swap3A_101 = tpu.vector_load %arg23[%swap3A_99, %swap3A_100] {strides = array<i32>} : memref<16x144xf32, #tpu.memory_space<vmem>>, vector<16xf32>,
      tpu.vector_store %arg23[%swap3A_99, %swap3A_100], %broadcast_in_dim3A_3 {strides = array<i32>} : memref<16x144xf32, #tpu.memory_space<vmem>>, vector<16xf32>,
      %swap3A_102 = arith.index_cast %scan3A_80 : i32 to index
      %swap3A_103 = arith.constant 112 : index
      %swap3A_104 = tpu.vector_load %arg23[%swap3A_102, %swap3A_103] {strides = array<i32>} : memref<16x144xf32, #tpu.memory_space<vmem>>, vector<16xf32>,
      tpu.vector_store %arg23[%swap3A_102, %swap3A_103], %broadcast_in_dim3A_3 {strides = array<i32>} : memref<16x144xf32, #tpu.memory_space<vmem>>, vector<16xf32>,
      %swap3A_105 = arith.index_cast %scan3A_80 : i32 to index
      %swap3A_106 = arith.constant 128 : index
      %swap3A_107 = tpu.vector_load %arg23[%swap3A_105, %swap3A_106] {strides = array<i32>} : memref<16x144xf32, #tpu.memory_space<vmem>>, vector<16xf32>,
      tpu.vector_store %arg23[%swap3A_105, %swap3A_106], %broadcast_in_dim3A_3 {strides = array<i32>} : memref<16x144xf32, #tpu.memory_space<vmem>>, vector<16xf32>,
      %scan3A_108 = arith.constant 0 : i32
      scf.yield %scan3A_108 : i32
    }
    %scan3A_9 = arith.constant 16 : i32
    %scan3A_10 = arith.constant 0 : i32
    %scan3A_11 = arith.constant 0 : i32
    %scan3A_12 = arith.constant 20 : i32
    %scan3A_13 = arith.addi %scan3A_11, %scan3A_12 : i32
    %scan3A_14 = arith.constant 1 : i32
    %scan3A_15 = scf.for %scan3A_80 = %scan3A_11 to %scan3A_13 step %scan3A_14 iter_args(%scan3A_81 = %scan3A_10) -> (i32)  : i32 {
      %mul3A_82 = arith.constant 320 : i32
      %mul3A_83 = arith.muli %arg1, %mul3A_82 : i32
      %mul3A_84 = arith.constant 16 : i32
      %mul3A_85 = arith.muli %scan3A_80, %mul3A_84 : i32
      %add3A_86 = arith.addi %mul3A_83, %mul3A_85 : i32
      "tpu.region"() ({
        %run_scoped3A_88 = tpu.sem_alloc : memref<!tpu.dma_semaphore, #tpu.memory_space<semaphore_mem>>
        %dma_start3A_89 = arith.constant 0 : i32
        %dma_start3A_90 = tpu.memref_slice %arg30[%add3A_86, %dma_start3A_89] : memref<5120x144xf32, #tpu.memory_space<vmem_shared>> -> memref<16x144xf32, #tpu.memory_space<vmem_shared>>
        %dma_start3A_91 = arith.constant 0 : i32
        %dma_start3A_92 = tpu.memref_slice %arg30[%add3A_86, %dma_start3A_91] : memref<5120x144xf32, #tpu.memory_space<vmem_shared>> -> memref<16x144xf32, #tpu.memory_space<vmem_shared>>
        tpu.enqueue_dma source(%arg23 : memref<16x144xf32, #tpu.memory_space<vmem>>) target(%dma_start3A_92 : memref<16x144xf32, #tpu.memory_space<vmem_shared>>) target_semaphore(%run_scoped3A_88 : memref<!tpu.dma_semaphore, #tpu.memory_space<semaphore_mem>>)
        %dma_wait3A_93 = arith.constant 0 : i32
        %dma_wait3A_94 = tpu.memref_slice %arg30[%add3A_86, %dma_wait3A_93] : memref<5120x144xf32, #tpu.memory_space<vmem_shared>> -> memref<16x144xf32, #tpu.memory_space<vmem_shared>>
        %dma_wait3A_95 = arith.constant 0 : i32
        %dma_wait3A_96 = tpu.memref_slice %arg30[%add3A_86, %dma_wait3A_95] : memref<5120x144xf32, #tpu.memory_space<vmem_shared>> -> memref<16x144xf32, #tpu.memory_space<vmem_shared>>
        tpu.wait_dma2 semaphore(%run_scoped3A_88 : memref<!tpu.dma_semaphore, #tpu.memory_space<semaphore_mem>>) src(%arg23 : memref<16x144xf32, #tpu.memory_space<vmem>>) dst(%dma_wait3A_96 : memref<16x144xf32, #tpu.memory_space<vmem_shared>>)
        tpu.yield
      }) : () -> ()
      %scan3A_87 = arith.constant 0 : i32
      scf.yield %scan3A_87 : i32
    }
    %scan3A_16 = arith.constant 20 : i32
    %barrier3A = arith.constant 0 : index
    tpu.barrier barrier_id(%barrier3A)
    %add3A = arith.constant 0 : i32
    %add3A_17 = arith.addi %mul3A_0, %add3A : i32
    %dma_start3A = tpu.memref_slice %arg2[%add3A_17] : memref<320000xi32, #tpu.memory_space<hbm>> -> memref<32xi32, #tpu.memory_space<hbm>>
    %dma_start3A_18 = tpu.memref_slice %arg2[%add3A_17] : memref<320000xi32, #tpu.memory_space<hbm>> -> memref<32xi32, #tpu.memory_space<hbm>>
    tpu.enqueue_dma source(%dma_start3A_18 : memref<32xi32, #tpu.memory_space<hbm>>) target(%arg9 : memref<32xi32, #tpu.memory_space<vmem>>) target_semaphore(%arg24 : memref<!tpu.dma_semaphore, #tpu.memory_space<semaphore_mem>>)
    %add3A_19 = arith.constant 0 : i32
    %add3A_20 = arith.addi %mul3A_0, %add3A_19 : i32
    %dma_start3A_21 = tpu.memref_slice %arg3[%add3A_20] : memref<320000xi32, #tpu.memory_space<hbm>> -> memref<32xi32, #tpu.memory_space<hbm>>
    %dma_start3A_22 = tpu.memref_slice %arg3[%add3A_20] : memref<320000xi32, #tpu.memory_space<hbm>> -> memref<32xi32, #tpu.memory_space<hbm>>
    tpu.enqueue_dma source(%dma_start3A_22 : memref<32xi32, #tpu.memory_space<hbm>>) target(%arg11 : memref<32xi32, #tpu.memory_space<vmem>>) target_semaphore(%arg24 : memref<!tpu.dma_semaphore, #tpu.memory_space<semaphore_mem>>)
    %add3A_23 = arith.constant 0 : i32
    %add3A_24 = arith.addi %mul3A_0, %add3A_23 : i32
    %dma_start3A_25 = tpu.memref_slice %arg4[%add3A_24] : memref<320000xf32, #tpu.memory_space<hbm>> -> memref<32xf32, #tpu.memory_space<hbm>>
    %dma_start3A_26 = tpu.memref_slice %arg4[%add3A_24] : memref<320000xf32, #tpu.memory_space<hbm>> -> memref<32xf32, #tpu.memory_space<hbm>>
    tpu.enqueue_dma source(%dma_start3A_26 : memref<32xf32, #tpu.memory_space<hbm>>) target(%arg13 : memref<32xf32, #tpu.memory_space<vmem>>) target_semaphore(%arg24 : memref<!tpu.dma_semaphore, #tpu.memory_space<semaphore_mem>>)
    %add3A_27 = arith.constant 32 : i32
    %add3A_28 = arith.addi %mul3A_0, %add3A_27 : i32
    %dma_start3A_29 = tpu.memref_slice %arg2[%add3A_28] : memref<320000xi32, #tpu.memory_space<hbm>> -> memref<32xi32, #tpu.memory_space<hbm>>
    %dma_start3A_30 = tpu.memref_slice %arg2[%add3A_28] : memref<320000xi32, #tpu.memory_space<hbm>> -> memref<32xi32, #tpu.memory_space<hbm>>
    tpu.enqueue_dma source(%dma_start3A_30 : memref<32xi32, #tpu.memory_space<hbm>>) target(%arg10 : memref<32xi32, #tpu.memory_space<vmem>>) target_semaphore(%arg25 : memref<!tpu.dma_semaphore, #tpu.memory_space<semaphore_mem>>)
    %add3A_31 = arith.constant 32 : i32
    %add3A_32 = arith.addi %mul3A_0, %add3A_31 : i32
    %dma_start3A_33 = tpu.memref_slice %arg3[%add3A_32] : memref<320000xi32, #tpu.memory_space<hbm>> -> memref<32xi32, #tpu.memory_space<hbm>>
    %dma_start3A_34 = tpu.memref_slice %arg3[%add3A_32] : memref<320000xi32, #tpu.memory_space<hbm>> -> memref<32xi32, #tpu.memory_space<hbm>>
    tpu.enqueue_dma source(%dma_start3A_34 : memref<32xi32, #tpu.memory_space<hbm>>) target(%arg12 : memref<32xi32, #tpu.memory_space<vmem>>) target_semaphore(%arg25 : memref<!tpu.dma_semaphore, #tpu.memory_space<semaphore_mem>>)
    %add3A_35 = arith.constant 32 : i32
    %add3A_36 = arith.addi %mul3A_0, %add3A_35 : i32
    %dma_start3A_37 = tpu.memref_slice %arg4[%add3A_36] : memref<320000xf32, #tpu.memory_space<hbm>> -> memref<32xf32, #tpu.memory_space<hbm>>
    %dma_start3A_38 = tpu.memref_slice %arg4[%add3A_36] : memref<320000xf32, #tpu.memory_space<hbm>> -> memref<32xf32, #tpu.memory_space<hbm>>
    tpu.enqueue_dma source(%dma_start3A_38 : memref<32xf32, #tpu.memory_space<hbm>>) target(%arg14 : memref<32xf32, #tpu.memory_space<vmem>>) target_semaphore(%arg25 : memref<!tpu.dma_semaphore, #tpu.memory_space<semaphore_mem>>)
    %dma_wait3A = arith.constant 0 : i32
    %dma_wait3A_39 = tpu.memref_slice %arg2[%dma_wait3A] : memref<320000xi32, #tpu.memory_space<hbm>> -> memref<32xi32, #tpu.memory_space<hbm>>
    %dma_wait3A_40 = arith.constant 0 : i32
    %dma_wait3A_41 = tpu.memref_slice %arg2[%dma_wait3A_40] : memref<320000xi32, #tpu.memory_space<hbm>> -> memref<32xi32, #tpu.memory_space<hbm>>
    tpu.wait_dma2 semaphore(%arg24 : memref<!tpu.dma_semaphore, #tpu.memory_space<semaphore_mem>>) src(%dma_wait3A_41 : memref<32xi32, #tpu.memory_space<hbm>>) dst(%arg9 : memref<32xi32, #tpu.memory_space<vmem>>)
    %dma_wait3A_42 = arith.constant 0 : i32
    %dma_wait3A_43 = tpu.memref_slice %arg3[%dma_wait3A_42] : memref<320000xi32, #tpu.memory_space<hbm>> -> memref<32xi32, #tpu.memory_space<hbm>>
    %dma_wait3A_44 = arith.constant 0 : i32
    %dma_wait3A_45 = tpu.memref_slice %arg3[%dma_wait3A_44] : memref<320000xi32, #tpu.memory_space<hbm>> -> memref<32xi32, #tpu.memory_space<hbm>>
    tpu.wait_dma2 semaphore(%arg24 : memref<!tpu.dma_semaphore, #tpu.memory_space<semaphore_mem>>) src(%dma_wait3A_45 : memref<32xi32, #tpu.memory_space<hbm>>) dst(%arg11 : memref<32xi32, #tpu.memory_space<vmem>>)
    %dma_wait3A_46 = arith.constant 0 : i32
    %dma_wait3A_47 = tpu.memref_slice %arg4[%dma_wait3A_46] : memref<320000xf32, #tpu.memory_space<hbm>> -> memref<32xf32, #tpu.memory_space<hbm>>
    %dma_wait3A_48 = arith.constant 0 : i32
    %dma_wait3A_49 = tpu.memref_slice %arg4[%dma_wait3A_48] : memref<320000xf32, #tpu.memory_space<hbm>> -> memref<32xf32, #tpu.memory_space<hbm>>
    tpu.wait_dma2 semaphore(%arg24 : memref<!tpu.dma_semaphore, #tpu.memory_space<semaphore_mem>>) src(%dma_wait3A_49 : memref<32xf32, #tpu.memory_space<hbm>>) dst(%arg13 : memref<32xf32, #tpu.memory_space<vmem>>)
    %dma_start3A_50 = arith.constant 0 : i32
    %dma_start3A_51 = arith.constant 0 : i32
    %dma_start3A_52 = tpu.memref_slice %arg6[%dma_start3A_50, %dma_start3A_51] : memref<10000x128xf32, #tpu.memory_space<hbm>> -> memref<10000x128xf32, #tpu.memory_space<hbm>>
    tpu.enqueue_indirect_dma source(%dma_start3A_52 : memref<10000x128xf32, #tpu.memory_space<hbm>>) target(%arg18 : memref<32x128xf32, #tpu.memory_space<vmem>>) offsets(%arg9 : memref<32xi32, #tpu.memory_space<vmem>>) semaphore(%arg26 : memref<!tpu.dma_semaphore, #tpu.memory_space<semaphore_mem>>)
    %scan3A_53 = arith.constant 0 : i32
    %scan3A_54 = arith.constant 0 : i32
    %scan3A_55 = arith.constant 313 : i32
    %scan3A_56 = arith.addi %scan3A_54, %scan3A_55 : i32
    %scan3A_57 = arith.constant 1 : i32
    %scan3A_58 = scf.for %scan3A_80 = %scan3A_54 to %scan3A_56 step %scan3A_57 iter_args(%scan3A_81 = %scan3A_53) -> (i32)  : i32 {
      %mul3A_82 = arith.constant 2 : i32
      %mul3A_83 = arith.muli %mul3A_82, %scan3A_80 : i32
      %add3A_84 = arith.constant 0 : i32
      %add3A_85 = arith.addi %mul3A_83, %add3A_84 : i32
      %lt3A = arith.constant 625 : i32
      %lt3A_86 = arith.cmpi slt, %add3A_85, %lt3A : i32
      %convert_element_type3A_87 = arith.extui %lt3A_86 : i1 to i32
      %cond3A_88 = arith.constant 0 : i32
      %cond3A_89 = arith.cmpi ne, %convert_element_type3A_87, %cond3A_88 : i32
      scf.if %cond3A_89 {
        %add3A_100 = arith.constant 1 : i32
        %add3A_101 = arith.addi %add3A_85, %add3A_100 : i32
        %lt3A_102 = arith.constant 625 : i32
        %lt3A_103 = arith.cmpi slt, %add3A_101, %lt3A_102 : i32
        %convert_element_type3A_104 = arith.extui %lt3A_103 : i1 to i32
        %cond3A_105 = arith.constant 0 : i32
        %cond3A_106 = arith.cmpi ne, %convert_element_type3A_104, %cond3A_105 : i32
        scf.if %cond3A_106 {
          %dma_wait3A_167 = arith.constant 0 : i32
          %dma_wait3A_168 = tpu.memref_slice %arg2[%dma_wait3A_167] : memref<320000xi32, #tpu.memory_space<hbm>> -> memref<32xi32, #tpu.memory_space<hbm>>
          %dma_wait3A_169 = arith.constant 0 : i32
          %dma_wait3A_170 = tpu.memref_slice %arg2[%dma_wait3A_169] : memref<320000xi32, #tpu.memory_space<hbm>> -> memref<32xi32, #tpu.memory_space<hbm>>
          tpu.wait_dma2 semaphore(%arg25 : memref<!tpu.dma_semaphore, #tpu.memory_space<semaphore_mem>>) src(%dma_wait3A_170 : memref<32xi32, #tpu.memory_space<hbm>>) dst(%arg10 : memref<32xi32, #tpu.memory_space<vmem>>)
          %dma_wait3A_171 = arith.constant 0 : i32
          %dma_wait3A_172 = tpu.memref_slice %arg3[%dma_wait3A_171] : memref<320000xi32, #tpu.memory_space<hbm>> -> memref<32xi32, #tpu.memory_space<hbm>>
          %dma_wait3A_173 = arith.constant 0 : i32
          %dma_wait3A_174 = tpu.memref_slice %arg3[%dma_wait3A_173] : memref<320000xi32, #tpu.memory_space<hbm>> -> memref<32xi32, #tpu.memory_space<hbm>>
          tpu.wait_dma2 semaphore(%arg25 : memref<!tpu.dma_semaphore, #tpu.memory_space<semaphore_mem>>) src(%dma_wait3A_174 : memref<32xi32, #tpu.memory_space<hbm>>) dst(%arg12 : memref<32xi32, #tpu.memory_space<vmem>>)
          %dma_wait3A_175 = arith.constant 0 : i32
          %dma_wait3A_176 = tpu.memref_slice %arg4[%dma_wait3A_175] : memref<320000xf32, #tpu.memory_space<hbm>> -> memref<32xf32, #tpu.memory_space<hbm>>
          %dma_wait3A_177 = arith.constant 0 : i32
          %dma_wait3A_178 = tpu.memref_slice %arg4[%dma_wait3A_177] : memref<320000xf32, #tpu.memory_space<hbm>> -> memref<32xf32, #tpu.memory_space<hbm>>
          tpu.wait_dma2 semaphore(%arg25 : memref<!tpu.dma_semaphore, #tpu.memory_space<semaphore_mem>>) src(%dma_wait3A_178 : memref<32xf32, #tpu.memory_space<hbm>>) dst(%arg14 : memref<32xf32, #tpu.memory_space<vmem>>)
          %dma_start3A_179 = arith.constant 0 : i32
          %dma_start3A_180 = arith.constant 0 : i32
          %dma_start3A_181 = tpu.memref_slice %arg6[%dma_start3A_179, %dma_start3A_180] : memref<10000x128xf32, #tpu.memory_space<hbm>> -> memref<10000x128xf32, #tpu.memory_space<hbm>>
          tpu.enqueue_indirect_dma source(%dma_start3A_181 : memref<10000x128xf32, #tpu.memory_space<hbm>>) target(%arg19 : memref<32x128xf32, #tpu.memory_space<vmem>>) offsets(%arg10 : memref<32xi32, #tpu.memory_space<vmem>>) semaphore(%arg27 : memref<!tpu.dma_semaphore, #tpu.memory_space<semaphore_mem>>)
        } else {
        }
        %ge3A = arith.constant 2 : i32
        %ge3A_107 = arith.cmpi sge, %add3A_85, %ge3A : i32
        %convert_element_type3A_108 = arith.extui %ge3A_107 : i1 to i32
        %cond3A_109 = arith.constant 0 : i32
        %cond3A_110 = arith.cmpi ne, %convert_element_type3A_108, %cond3A_109 : i32
        scf.if %cond3A_110 {
          %dma_wait3A_167 = arith.constant 0 : i32
          %dma_wait3A_168 = arith.constant 0 : i32
          %dma_wait3A_169 = tpu.memref_slice %arg7[%dma_wait3A_167, %dma_wait3A_168] : memref<5120x144xf32, #tpu.memory_space<hbm>> -> memref<32x144xf32, #tpu.memory_space<hbm>>
          %dma_wait3A_170 = arith.constant 0 : i32
          %dma_wait3A_171 = arith.constant 0 : i32
          %dma_wait3A_172 = tpu.memref_slice %arg7[%dma_wait3A_170, %dma_wait3A_171] : memref<5120x144xf32, #tpu.memory_space<hbm>> -> memref<32x144xf32, #tpu.memory_space<hbm>>
          tpu.wait_dma2 semaphore(%arg28 : memref<!tpu.dma_semaphore, #tpu.memory_space<semaphore_mem>>) src(%dma_wait3A_172 : memref<32x144xf32, #tpu.memory_space<hbm>>) dst(%arg20 : memref<32x144xf32, #tpu.memory_space<vmem>>)
        } else {
        }
        %scan3A_111 = arith.constant 0 : i32
        %scan3A_112 = arith.constant 0 : i32
        %scan3A_113 = arith.constant 2 : i32
        %scan3A_114 = arith.addi %scan3A_112, %scan3A_113 : i32
        %scan3A_115 = arith.constant 1 : i32
        %scan3A_116 = scf.for %scan3A_167 = %scan3A_112 to %scan3A_114 step %scan3A_115 iter_args(%scan3A_168 = %scan3A_111) -> (i32)  : i32 {
          %mul3A_169 = arith.constant 16 : i32
          %mul3A_170 = arith.muli %scan3A_167, %mul3A_169 : i32
          %get3A_171 = arith.index_cast %mul3A_170 : i32 to index
          %get3A_172 = tpu.vector_load %arg11[%get3A_171] {strides = array<i32>} : memref<32xi32, #tpu.memory_space<vmem>>, vector<16xi32>,
          %mul3A_173 = arith.constant 16 : i32
          %mul3A_174 = arith.muli %scan3A_167, %mul3A_173 : i32
          %get3A_175 = arith.index_cast %mul3A_174 : i32 to index
          %get3A_176 = tpu.vector_load %arg13[%get3A_175] {strides = array<i32>} : memref<32xf32, #tpu.memory_space<vmem>>, vector<16xf32>,
          %gather3A = tpu.vector_load_idx %arg22[%get3A_172] : memref<10000xf32, #tpu.memory_space<vmem>>[vector<16xi32>], vector<16xf32>,
          %sub3A_177 = arith.subf %get3A_176, %gather3A : vector<16xf32>
          %exp3A = math.exp %sub3A_177 : vector<16xf32>
          %mul3A_178 = arith.constant 16 : i32
          %mul3A_179 = arith.muli %scan3A_167, %mul3A_178 : i32
          %swap3A_180 = arith.index_cast %mul3A_179 : i32 to index
          %swap3A_181 = tpu.vector_load %arg17[%swap3A_180] {strides = array<i32>} : memref<32xf32, #tpu.memory_space<vmem>>, vector<16xf32>,
          tpu.vector_store %arg17[%swap3A_180], %exp3A {strides = array<i32>} : memref<32xf32, #tpu.memory_space<vmem>>, vector<16xf32>,
          %scan3A_182 = arith.constant 0 : i32
          scf.yield %scan3A_182 : i32
        }
        %scan3A_117 = arith.constant 2 : i32
        %dma_wait3A_118 = arith.constant 0 : i32
        %dma_wait3A_119 = arith.constant 0 : i32
        %dma_wait3A_120 = tpu.memref_slice %arg6[%dma_wait3A_118, %dma_wait3A_119] : memref<10000x128xf32, #tpu.memory_space<hbm>> -> memref<32x128xf32, #tpu.memory_space<hbm>>
        %dma_wait3A_121 = arith.constant 0 : i32
        %dma_wait3A_122 = arith.constant 0 : i32
        %dma_wait3A_123 = tpu.memref_slice %arg6[%dma_wait3A_121, %dma_wait3A_122] : memref<10000x128xf32, #tpu.memory_space<hbm>> -> memref<32x128xf32, #tpu.memory_space<hbm>>
        tpu.wait_dma2 semaphore(%arg26 : memref<!tpu.dma_semaphore, #tpu.memory_space<semaphore_mem>>) src(%dma_wait3A_123 : memref<32x128xf32, #tpu.memory_space<hbm>>) dst(%arg18 : memref<32x128xf32, #tpu.memory_space<vmem>>)
        %scan3A_124 = arith.constant 0 : i32
        %scan3A_125 = arith.constant 0 : i32
        %scan3A_126 = arith.constant 32 : i32
        %scan3A_127 = arith.addi %scan3A_125, %scan3A_126 : i32
        %scan3A_128 = arith.constant 4 : i32
        %scan3A_129 = scf.for %scan3A_167 = %scan3A_125 to %scan3A_127 step %scan3A_128 iter_args(%scan3A_168 = %scan3A_124) -> (i32)  : i32 {
          %broadcast_in_dim3A_169 = vector.broadcast %scan3A_167 : i32 to vector<16xi32>
          %gather3A = tpu.vector_load_idx %arg17[%broadcast_in_dim3A_169] : memref<32xf32, #tpu.memory_space<vmem>>[vector<16xi32>], vector<16xf32>,
          %get3A_170 = arith.index_cast %scan3A_167 : i32 to index
          %get3A_171 = arith.constant 0 : index
          %get3A_172 = tpu.vector_load %arg18[%get3A_170, %get3A_171] {strides = array<i32>} : memref<32x128xf32, #tpu.memory_space<vmem>>, vector<16xf32>,
          %mul3A_173 = arith.mulf %get3A_172, %gather3A : vector<16xf32>
          %swap3A_174 = arith.index_cast %scan3A_167 : i32 to index
          %swap3A_175 = arith.constant 0 : index
          %swap3A_176 = tpu.vector_load %arg20[%swap3A_174, %swap3A_175] {strides = array<i32>} : memref<32x144xf32, #tpu.memory_space<vmem>>, vector<16xf32>,
          tpu.vector_store %arg20[%swap3A_174, %swap3A_175], %mul3A_173 {strides = array<i32>} : memref<32x144xf32, #tpu.memory_space<vmem>>, vector<16xf32>,
          %get3A_177 = arith.index_cast %scan3A_167 : i32 to index
          %get3A_178 = arith.constant 16 : index
          %get3A_179 = tpu.vector_load %arg18[%get3A_177, %get3A_178] {strides = array<i32>} : memref<32x128xf32, #tpu.memory_space<vmem>>, vector<16xf32>,
          %mul3A_180 = arith.mulf %get3A_179, %gather3A : vector<16xf32>
          %swap3A_181 = arith.index_cast %scan3A_167 : i32 to index
          %swap3A_182 = arith.constant 16 : index
          %swap3A_183 = tpu.vector_load %arg20[%swap3A_181, %swap3A_182] {strides = array<i32>} : memref<32x144xf32, #tpu.memory_space<vmem>>, vector<16xf32>,
          tpu.vector_store %arg20[%swap3A_181, %swap3A_182], %mul3A_180 {strides = array<i32>} : memref<32x144xf32, #tpu.memory_space<vmem>>, vector<16xf32>,
          %get3A_184 = arith.index_cast %scan3A_167 : i32 to index
          %get3A_185 = arith.constant 32 : index
          %get3A_186 = tpu.vector_load %arg18[%get3A_184, %get3A_185] {strides = array<i32>} : memref<32x128xf32, #tpu.memory_space<vmem>>, vector<16xf32>,
          %mul3A_187 = arith.mulf %get3A_186, %gather3A : vector<16xf32>
          %swap3A_188 = arith.index_cast %scan3A_167 : i32 to index
          %swap3A_189 = arith.constant 32 : index
          %swap3A_190 = tpu.vector_load %arg20[%swap3A_188, %swap3A_189] {strides = array<i32>} : memref<32x144xf32, #tpu.memory_space<vmem>>, vector<16xf32>,
          tpu.vector_store %arg20[%swap3A_188, %swap3A_189], %mul3A_187 {strides = array<i32>} : memref<32x144xf32, #tpu.memory_space<vmem>>, vector<16xf32>,
          %get3A_191 = arith.index_cast %scan3A_167 : i32 to index
          %get3A_192 = arith.constant 48 : index
          %get3A_193 = tpu.vector_load %arg18[%get3A_191, %get3A_192] {strides = array<i32>} : memref<32x128xf32, #tpu.memory_space<vmem>>, vector<16xf32>,
          %mul3A_194 = arith.mulf %get3A_193, %gather3A : vector<16xf32>
          %swap3A_195 = arith.index_cast %scan3A_167 : i32 to index
          %swap3A_196 = arith.constant 48 : index
          %swap3A_197 = tpu.vector_load %arg20[%swap3A_195, %swap3A_196] {strides = array<i32>} : memref<32x144xf32, #tpu.memory_space<vmem>>, vector<16xf32>,
          tpu.vector_store %arg20[%swap3A_195, %swap3A_196], %mul3A_194 {strides = array<i32>} : memref<32x144xf32, #tpu.memory_space<vmem>>, vector<16xf32>,
          %get3A_198 = arith.index_cast %scan3A_167 : i32 to index
          %get3A_199 = arith.constant 64 : index
          %get3A_200 = tpu.vector_load %arg18[%get3A_198, %get3A_199] {strides = array<i32>} : memref<32x128xf32, #tpu.memory_space<vmem>>, vector<16xf32>,
          %mul3A_201 = arith.mulf %get3A_200, %gather3A : vector<16xf32>
          %swap3A_202 = arith.index_cast %scan3A_167 : i32 to index
          %swap3A_203 = arith.constant 64 : index
          %swap3A_204 = tpu.vector_load %arg20[%swap3A_202, %swap3A_203] {strides = array<i32>} : memref<32x144xf32, #tpu.memory_space<vmem>>, vector<16xf32>,
          tpu.vector_store %arg20[%swap3A_202, %swap3A_203], %mul3A_201 {strides = array<i32>} : memref<32x144xf32, #tpu.memory_space<vmem>>, vector<16xf32>,
          %get3A_205 = arith.index_cast %scan3A_167 : i32 to index
          %get3A_206 = arith.constant 80 : index
          %get3A_207 = tpu.vector_load %arg18[%get3A_205, %get3A_206] {strides = array<i32>} : memref<32x128xf32, #tpu.memory_space<vmem>>, vector<16xf32>,
          %mul3A_208 = arith.mulf %get3A_207, %gather3A : vector<16xf32>
          %swap3A_209 = arith.index_cast %scan3A_167 : i32 to index
          %swap3A_210 = arith.constant 80 : index
          %swap3A_211 = tpu.vector_load %arg20[%swap3A_209, %swap3A_210] {strides = array<i32>} : memref<32x144xf32, #tpu.memory_space<vmem>>, vector<16xf32>,
          tpu.vector_store %arg20[%swap3A_209, %swap3A_210], %mul3A_208 {strides = array<i32>} : memref<32x144xf32, #tpu.memory_space<vmem>>, vector<16xf32>,
          %get3A_212 = arith.index_cast %scan3A_167 : i32 to index
          %get3A_213 = arith.constant 96 : index
          %get3A_214 = tpu.vector_load %arg18[%get3A_212, %get3A_213] {strides = array<i32>} : memref<32x128xf32, #tpu.memory_space<vmem>>, vector<16xf32>,
          %mul3A_215 = arith.mulf %get3A_214, %gather3A : vector<16xf32>
          %swap3A_216 = arith.index_cast %scan3A_167 : i32 to index
          %swap3A_217 = arith.constant 96 : index
          %swap3A_218 = tpu.vector_load %arg20[%swap3A_216, %swap3A_217] {strides = array<i32>} : memref<32x144xf32, #tpu.memory_space<vmem>>, vector<16xf32>,
          tpu.vector_store %arg20[%swap3A_216, %swap3A_217], %mul3A_215 {strides = array<i32>} : memref<32x144xf32, #tpu.memory_space<vmem>>, vector<16xf32>,
          %get3A_219 = arith.index_cast %scan3A_167 : i32 to index
          %get3A_220 = arith.constant 112 : index
          %get3A_221 = tpu.vector_load %arg18[%get3A_219, %get3A_220] {strides = array<i32>} : memref<32x128xf32, #tpu.memory_space<vmem>>, vector<16xf32>,
          %mul3A_222 = arith.mulf %get3A_221, %gather3A : vector<16xf32>
          %swap3A_223 = arith.index_cast %scan3A_167 : i32 to index
          %swap3A_224 = arith.constant 112 : index
          %swap3A_225 = tpu.vector_load %arg20[%swap3A_223, %swap3A_224] {strides = array<i32>} : memref<32x144xf32, #tpu.memory_space<vmem>>, vector<16xf32>,
          tpu.vector_store %arg20[%swap3A_223, %swap3A_224], %mul3A_222 {strides = array<i32>} : memref<32x144xf32, #tpu.memory_space<vmem>>, vector<16xf32>,
          %eq3A_226 = arith.constant 0 : i32
          %eq3A_227 = vector.broadcast %eq3A_226 : i32 to vector<16xi32>
          %eq3A_228 = arith.cmpi eq, %iota3A, %eq3A_227 : vector<16xi32>
          %jit3A_229 = arith.constant 0.000000e+00 : f32
          %broadcast_in_dim3A_230 = vector.broadcast %jit3A_229 : f32 to vector<16xf32>
          %select_n3A_231 = arith.select %eq3A_228, %gather3A, %broadcast_in_dim3A_230 : vector<16xi1>, vector<16xf32>
          %swap3A_232 = arith.index_cast %scan3A_167 : i32 to index
          %swap3A_233 = arith.constant 128 : index
          %swap3A_234 = tpu.vector_load %arg20[%swap3A_232, %swap3A_233] {strides = array<i32>} : memref<32x144xf32, #tpu.memory_space<vmem>>, vector<16xf32>,
          tpu.vector_store %arg20[%swap3A_232, %swap3A_233], %select_n3A_231 {strides = array<i32>} : memref<32x144xf32, #tpu.memory_space<vmem>>, vector<16xf32>,
          %scan3A_235 = arith.constant 0 : i32
          %scan3A_236 = arith.constant 1 : i32
          %scan3A_237 = arith.addi %scan3A_167, %scan3A_236 : i32
          %broadcast_in_dim3A_238 = vector.broadcast %scan3A_237 : i32 to vector<16xi32>
          %gather3A_239 = tpu.vector_load_idx %arg17[%broadcast_in_dim3A_238] : memref<32xf32, #tpu.memory_space<vmem>>[vector<16xi32>], vector<16xf32>,
          %get3A_240 = arith.index_cast %scan3A_237 : i32 to index
          %get3A_241 = arith.constant 0 : index
          %get3A_242 = tpu.vector_load %arg18[%get3A_240, %get3A_241] {strides = array<i32>} : memref<32x128xf32, #tpu.memory_space<vmem>>, vector<16xf32>,
          %mul3A_243 = arith.mulf %get3A_242, %gather3A_239 : vector<16xf32>
          %swap3A_244 = arith.index_cast %scan3A_237 : i32 to index
          %swap3A_245 = arith.constant 0 : index
          %swap3A_246 = tpu.vector_load %arg20[%swap3A_244, %swap3A_245] {strides = array<i32>} : memref<32x144xf32, #tpu.memory_space<vmem>>, vector<16xf32>,
          tpu.vector_store %arg20[%swap3A_244, %swap3A_245], %mul3A_243 {strides = array<i32>} : memref<32x144xf32, #tpu.memory_space<vmem>>, vector<16xf32>,
          %get3A_247 = arith.index_cast %scan3A_237 : i32 to index
          %get3A_248 = arith.constant 16 : index
          %get3A_249 = tpu.vector_load %arg18[%get3A_247, %get3A_248] {strides = array<i32>} : memref<32x128xf32, #tpu.memory_space<vmem>>, vector<16xf32>,
          %mul3A_250 = arith.mulf %get3A_249, %gather3A_239 : vector<16xf32>
          %swap3A_251 = arith.index_cast %scan3A_237 : i32 to index
          %swap3A_252 = arith.constant 16 : index
          %swap3A_253 = tpu.vector_load %arg20[%swap3A_251, %swap3A_252] {strides = array<i32>} : memref<32x144xf32, #tpu.memory_space<vmem>>, vector<16xf32>,
          tpu.vector_store %arg20[%swap3A_251, %swap3A_252], %mul3A_250 {strides = array<i32>} : memref<32x144xf32, #tpu.memory_space<vmem>>, vector<16xf32>,
          %get3A_254 = arith.index_cast %scan3A_237 : i32 to index
          %get3A_255 = arith.constant 32 : index
          %get3A_256 = tpu.vector_load %arg18[%get3A_254, %get3A_255] {strides = array<i32>} : memref<32x128xf32, #tpu.memory_space<vmem>>, vector<16xf32>,
          %mul3A_257 = arith.mulf %get3A_256, %gather3A_239 : vector<16xf32>
          %swap3A_258 = arith.index_cast %scan3A_237 : i32 to index
          %swap3A_259 = arith.constant 32 : index
          %swap3A_260 = tpu.vector_load %arg20[%swap3A_258, %swap3A_259] {strides = array<i32>} : memref<32x144xf32, #tpu.memory_space<vmem>>, vector<16xf32>,
          tpu.vector_store %arg20[%swap3A_258, %swap3A_259], %mul3A_257 {strides = array<i32>} : memref<32x144xf32, #tpu.memory_space<vmem>>, vector<16xf32>,
          %get3A_261 = arith.index_cast %scan3A_237 : i32 to index
          %get3A_262 = arith.constant 48 : index
          %get3A_263 = tpu.vector_load %arg18[%get3A_261, %get3A_262] {strides = array<i32>} : memref<32x128xf32, #tpu.memory_space<vmem>>, vector<16xf32>,
          %mul3A_264 = arith.mulf %get3A_263, %gather3A_239 : vector<16xf32>
          %swap3A_265 = arith.index_cast %scan3A_237 : i32 to index
          %swap3A_266 = arith.constant 48 : index
          %swap3A_267 = tpu.vector_load %arg20[%swap3A_265, %swap3A_266] {strides = array<i32>} : memref<32x144xf32, #tpu.memory_space<vmem>>, vector<16xf32>,
          tpu.vector_store %arg20[%swap3A_265, %swap3A_266], %mul3A_264 {strides = array<i32>} : memref<32x144xf32, #tpu.memory_space<vmem>>, vector<16xf32>,
          %get3A_268 = arith.index_cast %scan3A_237 : i32 to index
          %get3A_269 = arith.constant 64 : index
          %get3A_270 = tpu.vector_load %arg18[%get3A_268, %get3A_269] {strides = array<i32>} : memref<32x128xf32, #tpu.memory_space<vmem>>, vector<16xf32>,
          %mul3A_271 = arith.mulf %get3A_270, %gather3A_239 : vector<16xf32>
          %swap3A_272 = arith.index_cast %scan3A_237 : i32 to index
          %swap3A_273 = arith.constant 64 : index
          %swap3A_274 = tpu.vector_load %arg20[%swap3A_272, %swap3A_273] {strides = array<i32>} : memref<32x144xf32, #tpu.memory_space<vmem>>, vector<16xf32>,
          tpu.vector_store %arg20[%swap3A_272, %swap3A_273], %mul3A_271 {strides = array<i32>} : memref<32x144xf32, #tpu.memory_space<vmem>>, vector<16xf32>,
          %get3A_275 = arith.index_cast %scan3A_237 : i32 to index
          %get3A_276 = arith.constant 80 : index
          %get3A_277 = tpu.vector_load %arg18[%get3A_275, %get3A_276] {strides = array<i32>} : memref<32x128xf32, #tpu.memory_space<vmem>>, vector<16xf32>,
          %mul3A_278 = arith.mulf %get3A_277, %gather3A_239 : vector<16xf32>
          %swap3A_279 = arith.index_cast %scan3A_237 : i32 to index
          %swap3A_280 = arith.constant 80 : index
          %swap3A_281 = tpu.vector_load %arg20[%swap3A_279, %swap3A_280] {strides = array<i32>} : memref<32x144xf32, #tpu.memory_space<vmem>>, vector<16xf32>,
          tpu.vector_store %arg20[%swap3A_279, %swap3A_280], %mul3A_278 {strides = array<i32>} : memref<32x144xf32, #tpu.memory_space<vmem>>, vector<16xf32>,
          %get3A_282 = arith.index_cast %scan3A_237 : i32 to index
          %get3A_283 = arith.constant 96 : index
          %get3A_284 = tpu.vector_load %arg18[%get3A_282, %get3A_283] {strides = array<i32>} : memref<32x128xf32, #tpu.memory_space<vmem>>, vector<16xf32>,
          %mul3A_285 = arith.mulf %get3A_284, %gather3A_239 : vector<16xf32>
          %swap3A_286 = arith.index_cast %scan3A_237 : i32 to index
          %swap3A_287 = arith.constant 96 : index
          %swap3A_288 = tpu.vector_load %arg20[%swap3A_286, %swap3A_287] {strides = array<i32>} : memref<32x144xf32, #tpu.memory_space<vmem>>, vector<16xf32>,
          tpu.vector_store %arg20[%swap3A_286, %swap3A_287], %mul3A_285 {strides = array<i32>} : memref<32x144xf32, #tpu.memory_space<vmem>>, vector<16xf32>,
          %get3A_289 = arith.index_cast %scan3A_237 : i32 to index
          %get3A_290 = arith.constant 112 : index
          %get3A_291 = tpu.vector_load %arg18[%get3A_289, %get3A_290] {strides = array<i32>} : memref<32x128xf32, #tpu.memory_space<vmem>>, vector<16xf32>,
          %mul3A_292 = arith.mulf %get3A_291, %gather3A_239 : vector<16xf32>
          %swap3A_293 = arith.index_cast %scan3A_237 : i32 to index
          %swap3A_294 = arith.constant 112 : index
          %swap3A_295 = tpu.vector_load %arg20[%swap3A_293, %swap3A_294] {strides = array<i32>} : memref<32x144xf32, #tpu.memory_space<vmem>>, vector<16xf32>,
          tpu.vector_store %arg20[%swap3A_293, %swap3A_294], %mul3A_292 {strides = array<i32>} : memref<32x144xf32, #tpu.memory_space<vmem>>, vector<16xf32>,
          %eq3A_296 = arith.constant 0 : i32
          %eq3A_297 = vector.broadcast %eq3A_296 : i32 to vector<16xi32>
          %eq3A_298 = arith.cmpi eq, %iota3A, %eq3A_297 : vector<16xi32>
          %jit3A_299 = arith.constant 0.000000e+00 : f32
          %broadcast_in_dim3A_300 = vector.broadcast %jit3A_299 : f32 to vector<16xf32>
          %select_n3A_301 = arith.select %eq3A_298, %gather3A_239, %broadcast_in_dim3A_300 : vector<16xi1>, vector<16xf32>
          %swap3A_302 = arith.index_cast %scan3A_237 : i32 to index
          %swap3A_303 = arith.constant 128 : index
          %swap3A_304 = tpu.vector_load %arg20[%swap3A_302, %swap3A_303] {strides = array<i32>} : memref<32x144xf32, #tpu.memory_space<vmem>>, vector<16xf32>,
          tpu.vector_store %arg20[%swap3A_302, %swap3A_303], %select_n3A_301 {strides = array<i32>} : memref<32x144xf32, #tpu.memory_space<vmem>>, vector<16xf32>,
          %scan3A_305 = arith.constant 0 : i32
          %scan3A_306 = arith.constant 2 : i32
          %scan3A_307 = arith.addi %scan3A_167, %scan3A_306 : i32
          %broadcast_in_dim3A_308 = vector.broadcast %scan3A_307 : i32 to vector<16xi32>
          %gather3A_309 = tpu.vector_load_idx %arg17[%broadcast_in_dim3A_308] : memref<32xf32, #tpu.memory_space<vmem>>[vector<16xi32>], vector<16xf32>,
          %get3A_310 = arith.index_cast %scan3A_307 : i32 to index
          %get3A_311 = arith.constant 0 : index
          %get3A_312 = tpu.vector_load %arg18[%get3A_310, %get3A_311] {strides = array<i32>} : memref<32x128xf32, #tpu.memory_space<vmem>>, vector<16xf32>,
          %mul3A_313 = arith.mulf %get3A_312, %gather3A_309 : vector<16xf32>
          %swap3A_314 = arith.index_cast %scan3A_307 : i32 to index
          %swap3A_315 = arith.constant 0 : index
          %swap3A_316 = tpu.vector_load %arg20[%swap3A_314, %swap3A_315] {strides = array<i32>} : memref<32x144xf32, #tpu.memory_space<vmem>>, vector<16xf32>,
          tpu.vector_store %arg20[%swap3A_314, %swap3A_315], %mul3A_313 {strides = array<i32>} : memref<32x144xf32, #tpu.memory_space<vmem>>, vector<16xf32>,
          %get3A_317 = arith.index_cast %scan3A_307 : i32 to index
          %get3A_318 = arith.constant 16 : index
          %get3A_319 = tpu.vector_load %arg18[%get3A_317, %get3A_318] {strides = array<i32>} : memref<32x128xf32, #tpu.memory_space<vmem>>, vector<16xf32>,
          %mul3A_320 = arith.mulf %get3A_319, %gather3A_309 : vector<16xf32>
          %swap3A_321 = arith.index_cast %scan3A_307 : i32 to index
          %swap3A_322 = arith.constant 16 : index
          %swap3A_323 = tpu.vector_load %arg20[%swap3A_321, %swap3A_322] {strides = array<i32>} : memref<32x144xf32, #tpu.memory_space<vmem>>, vector<16xf32>,
          tpu.vector_store %arg20[%swap3A_321, %swap3A_322], %mul3A_320 {strides = array<i32>} : memref<32x144xf32, #tpu.memory_space<vmem>>, vector<16xf32>,
          %get3A_324 = arith.index_cast %scan3A_307 : i32 to index
          %get3A_325 = arith.constant 32 : index
          %get3A_326 = tpu.vector_load %arg18[%get3A_324, %get3A_325] {strides = array<i32>} : memref<32x128xf32, #tpu.memory_space<vmem>>, vector<16xf32>,
          %mul3A_327 = arith.mulf %get3A_326, %gather3A_309 : vector<16xf32>
          %swap3A_328 = arith.index_cast %scan3A_307 : i32 to index
          %swap3A_329 = arith.constant 32 : index
          %swap3A_330 = tpu.vector_load %arg20[%swap3A_328, %swap3A_329] {strides = array<i32>} : memref<32x144xf32, #tpu.memory_space<vmem>>, vector<16xf32>,
          tpu.vector_store %arg20[%swap3A_328, %swap3A_329], %mul3A_327 {strides = array<i32>} : memref<32x144xf32, #tpu.memory_space<vmem>>, vector<16xf32>,
          %get3A_331 = arith.index_cast %scan3A_307 : i32 to index
          %get3A_332 = arith.constant 48 : index
          %get3A_333 = tpu.vector_load %arg18[%get3A_331, %get3A_332] {strides = array<i32>} : memref<32x128xf32, #tpu.memory_space<vmem>>, vector<16xf32>,
          %mul3A_334 = arith.mulf %get3A_333, %gather3A_309 : vector<16xf32>
          %swap3A_335 = arith.index_cast %scan3A_307 : i32 to index
          %swap3A_336 = arith.constant 48 : index
          %swap3A_337 = tpu.vector_load %arg20[%swap3A_335, %swap3A_336] {strides = array<i32>} : memref<32x144xf32, #tpu.memory_space<vmem>>, vector<16xf32>,
          tpu.vector_store %arg20[%swap3A_335, %swap3A_336], %mul3A_334 {strides = array<i32>} : memref<32x144xf32, #tpu.memory_space<vmem>>, vector<16xf32>,
          %get3A_338 = arith.index_cast %scan3A_307 : i32 to index
          %get3A_339 = arith.constant 64 : index
          %get3A_340 = tpu.vector_load %arg18[%get3A_338, %get3A_339] {strides = array<i32>} : memref<32x128xf32, #tpu.memory_space<vmem>>, vector<16xf32>,
          %mul3A_341 = arith.mulf %get3A_340, %gather3A_309 : vector<16xf32>
          %swap3A_342 = arith.index_cast %scan3A_307 : i32 to index
          %swap3A_343 = arith.constant 64 : index
          %swap3A_344 = tpu.vector_load %arg20[%swap3A_342, %swap3A_343] {strides = array<i32>} : memref<32x144xf32, #tpu.memory_space<vmem>>, vector<16xf32>,
          tpu.vector_store %arg20[%swap3A_342, %swap3A_343], %mul3A_341 {strides = array<i32>} : memref<32x144xf32, #tpu.memory_space<vmem>>, vector<16xf32>,
          %get3A_345 = arith.index_cast %scan3A_307 : i32 to index
          %get3A_346 = arith.constant 80 : index
          %get3A_347 = tpu.vector_load %arg18[%get3A_345, %get3A_346] {strides = array<i32>} : memref<32x128xf32, #tpu.memory_space<vmem>>, vector<16xf32>,
          %mul3A_348 = arith.mulf %get3A_347, %gather3A_309 : vector<16xf32>
          %swap3A_349 = arith.index_cast %scan3A_307 : i32 to index
          %swap3A_350 = arith.constant 80 : index
          %swap3A_351 = tpu.vector_load %arg20[%swap3A_349, %swap3A_350] {strides = array<i32>} : memref<32x144xf32, #tpu.memory_space<vmem>>, vector<16xf32>,
          tpu.vector_store %arg20[%swap3A_349, %swap3A_350], %mul3A_348 {strides = array<i32>} : memref<32x144xf32, #tpu.memory_space<vmem>>, vector<16xf32>,
          %get3A_352 = arith.index_cast %scan3A_307 : i32 to index
          %get3A_353 = arith.constant 96 : index
          %get3A_354 = tpu.vector_load %arg18[%get3A_352, %get3A_353] {strides = array<i32>} : memref<32x128xf32, #tpu.memory_space<vmem>>, vector<16xf32>,
          %mul3A_355 = arith.mulf %get3A_354, %gather3A_309 : vector<16xf32>
          %swap3A_356 = arith.index_cast %scan3A_307 : i32 to index
          %swap3A_357 = arith.constant 96 : index
          %swap3A_358 = tpu.vector_load %arg20[%swap3A_356, %swap3A_357] {strides = array<i32>} : memref<32x144xf32, #tpu.memory_space<vmem>>, vector<16xf32>,
          tpu.vector_store %arg20[%swap3A_356, %swap3A_357], %mul3A_355 {strides = array<i32>} : memref<32x144xf32, #tpu.memory_space<vmem>>, vector<16xf32>,
          %get3A_359 = arith.index_cast %scan3A_307 : i32 to index
          %get3A_360 = arith.constant 112 : index
          %get3A_361 = tpu.vector_load %arg18[%get3A_359, %get3A_360] {strides = array<i32>} : memref<32x128xf32, #tpu.memory_space<vmem>>, vector<16xf32>,
          %mul3A_362 = arith.mulf %get3A_361, %gather3A_309 : vector<16xf32>
          %swap3A_363 = arith.index_cast %scan3A_307 : i32 to index
          %swap3A_364 = arith.constant 112 : index
          %swap3A_365 = tpu.vector_load %arg20[%swap3A_363, %swap3A_364] {strides = array<i32>} : memref<32x144xf32, #tpu.memory_space<vmem>>, vector<16xf32>,
          tpu.vector_store %arg20[%swap3A_363, %swap3A_364], %mul3A_362 {strides = array<i32>} : memref<32x144xf32, #tpu.memory_space<vmem>>, vector<16xf32>,
          %eq3A_366 = arith.constant 0 : i32
          %eq3A_367 = vector.broadcast %eq3A_366 : i32 to vector<16xi32>
          %eq3A_368 = arith.cmpi eq, %iota3A, %eq3A_367 : vector<16xi32>
          %jit3A_369 = arith.constant 0.000000e+00 : f32
          %broadcast_in_dim3A_370 = vector.broadcast %jit3A_369 : f32 to vector<16xf32>
          %select_n3A_371 = arith.select %eq3A_368, %gather3A_309, %broadcast_in_dim3A_370 : vector<16xi1>, vector<16xf32>
          %swap3A_372 = arith.index_cast %scan3A_307 : i32 to index
          %swap3A_373 = arith.constant 128 : index
          %swap3A_374 = tpu.vector_load %arg20[%swap3A_372, %swap3A_373] {strides = array<i32>} : memref<32x144xf32, #tpu.memory_space<vmem>>, vector<16xf32>,
          tpu.vector_store %arg20[%swap3A_372, %swap3A_373], %select_n3A_371 {strides = array<i32>} : memref<32x144xf32, #tpu.memory_space<vmem>>, vector<16xf32>,
          %scan3A_375 = arith.constant 0 : i32
          %scan3A_376 = arith.constant 3 : i32
          %scan3A_377 = arith.addi %scan3A_167, %scan3A_376 : i32
          %broadcast_in_dim3A_378 = vector.broadcast %scan3A_377 : i32 to vector<16xi32>
          %gather3A_379 = tpu.vector_load_idx %arg17[%broadcast_in_dim3A_378] : memref<32xf32, #tpu.memory_space<vmem>>[vector<16xi32>], vector<16xf32>,
          %get3A_380 = arith.index_cast %scan3A_377 : i32 to index
          %get3A_381 = arith.constant 0 : index
          %get3A_382 = tpu.vector_load %arg18[%get3A_380, %get3A_381] {strides = array<i32>} : memref<32x128xf32, #tpu.memory_space<vmem>>, vector<16xf32>,
          %mul3A_383 = arith.mulf %get3A_382, %gather3A_379 : vector<16xf32>
          %swap3A_384 = arith.index_cast %scan3A_377 : i32 to index
          %swap3A_385 = arith.constant 0 : index
          %swap3A_386 = tpu.vector_load %arg20[%swap3A_384, %swap3A_385] {strides = array<i32>} : memref<32x144xf32, #tpu.memory_space<vmem>>, vector<16xf32>,
          tpu.vector_store %arg20[%swap3A_384, %swap3A_385], %mul3A_383 {strides = array<i32>} : memref<32x144xf32, #tpu.memory_space<vmem>>, vector<16xf32>,
          %get3A_387 = arith.index_cast %scan3A_377 : i32 to index
          %get3A_388 = arith.constant 16 : index
          %get3A_389 = tpu.vector_load %arg18[%get3A_387, %get3A_388] {strides = array<i32>} : memref<32x128xf32, #tpu.memory_space<vmem>>, vector<16xf32>,
          %mul3A_390 = arith.mulf %get3A_389, %gather3A_379 : vector<16xf32>
          %swap3A_391 = arith.index_cast %scan3A_377 : i32 to index
          %swap3A_392 = arith.constant 16 : index
          %swap3A_393 = tpu.vector_load %arg20[%swap3A_391, %swap3A_392] {strides = array<i32>} : memref<32x144xf32, #tpu.memory_space<vmem>>, vector<16xf32>,
          tpu.vector_store %arg20[%swap3A_391, %swap3A_392], %mul3A_390 {strides = array<i32>} : memref<32x144xf32, #tpu.memory_space<vmem>>, vector<16xf32>,
          %get3A_394 = arith.index_cast %scan3A_377 : i32 to index
          %get3A_395 = arith.constant 32 : index
          %get3A_396 = tpu.vector_load %arg18[%get3A_394, %get3A_395] {strides = array<i32>} : memref<32x128xf32, #tpu.memory_space<vmem>>, vector<16xf32>,
          %mul3A_397 = arith.mulf %get3A_396, %gather3A_379 : vector<16xf32>
          %swap3A_398 = arith.index_cast %scan3A_377 : i32 to index
          %swap3A_399 = arith.constant 32 : index
          %swap3A_400 = tpu.vector_load %arg20[%swap3A_398, %swap3A_399] {strides = array<i32>} : memref<32x144xf32, #tpu.memory_space<vmem>>, vector<16xf32>,
          tpu.vector_store %arg20[%swap3A_398, %swap3A_399], %mul3A_397 {strides = array<i32>} : memref<32x144xf32, #tpu.memory_space<vmem>>, vector<16xf32>,
          %get3A_401 = arith.index_cast %scan3A_377 : i32 to index
          %get3A_402 = arith.constant 48 : index
          %get3A_403 = tpu.vector_load %arg18[%get3A_401, %get3A_402] {strides = array<i32>} : memref<32x128xf32, #tpu.memory_space<vmem>>, vector<16xf32>,
          %mul3A_404 = arith.mulf %get3A_403, %gather3A_379 : vector<16xf32>
          %swap3A_405 = arith.index_cast %scan3A_377 : i32 to index
          %swap3A_406 = arith.constant 48 : index
          %swap3A_407 = tpu.vector_load %arg20[%swap3A_405, %swap3A_406] {strides = array<i32>} : memref<32x144xf32, #tpu.memory_space<vmem>>, vector<16xf32>,
          tpu.vector_store %arg20[%swap3A_405, %swap3A_406], %mul3A_404 {strides = array<i32>} : memref<32x144xf32, #tpu.memory_space<vmem>>, vector<16xf32>,
          %get3A_408 = arith.index_cast %scan3A_377 : i32 to index
          %get3A_409 = arith.constant 64 : index
          %get3A_410 = tpu.vector_load %arg18[%get3A_408, %get3A_409] {strides = array<i32>} : memref<32x128xf32, #tpu.memory_space<vmem>>, vector<16xf32>,
          %mul3A_411 = arith.mulf %get3A_410, %gather3A_379 : vector<16xf32>
          %swap3A_412 = arith.index_cast %scan3A_377 : i32 to index
          %swap3A_413 = arith.constant 64 : index
          %swap3A_414 = tpu.vector_load %arg20[%swap3A_412, %swap3A_413] {strides = array<i32>} : memref<32x144xf32, #tpu.memory_space<vmem>>, vector<16xf32>,
          tpu.vector_store %arg20[%swap3A_412, %swap3A_413], %mul3A_411 {strides = array<i32>} : memref<32x144xf32, #tpu.memory_space<vmem>>, vector<16xf32>,
          %get3A_415 = arith.index_cast %scan3A_377 : i32 to index
          %get3A_416 = arith.constant 80 : index
          %get3A_417 = tpu.vector_load %arg18[%get3A_415, %get3A_416] {strides = array<i32>} : memref<32x128xf32, #tpu.memory_space<vmem>>, vector<16xf32>,
          %mul3A_418 = arith.mulf %get3A_417, %gather3A_379 : vector<16xf32>
          %swap3A_419 = arith.index_cast %scan3A_377 : i32 to index
          %swap3A_420 = arith.constant 80 : index
          %swap3A_421 = tpu.vector_load %arg20[%swap3A_419, %swap3A_420] {strides = array<i32>} : memref<32x144xf32, #tpu.memory_space<vmem>>, vector<16xf32>,
          tpu.vector_store %arg20[%swap3A_419, %swap3A_420], %mul3A_418 {strides = array<i32>} : memref<32x144xf32, #tpu.memory_space<vmem>>, vector<16xf32>,
          %get3A_422 = arith.index_cast %scan3A_377 : i32 to index
          %get3A_423 = arith.constant 96 : index
          %get3A_424 = tpu.vector_load %arg18[%get3A_422, %get3A_423] {strides = array<i32>} : memref<32x128xf32, #tpu.memory_space<vmem>>, vector<16xf32>,
          %mul3A_425 = arith.mulf %get3A_424, %gather3A_379 : vector<16xf32>
          %swap3A_426 = arith.index_cast %scan3A_377 : i32 to index
          %swap3A_427 = arith.constant 96 : index
          %swap3A_428 = tpu.vector_load %arg20[%swap3A_426, %swap3A_427] {strides = array<i32>} : memref<32x144xf32, #tpu.memory_space<vmem>>, vector<16xf32>,
          tpu.vector_store %arg20[%swap3A_426, %swap3A_427], %mul3A_425 {strides = array<i32>} : memref<32x144xf32, #tpu.memory_space<vmem>>, vector<16xf32>,
          %get3A_429 = arith.index_cast %scan3A_377 : i32 to index
          %get3A_430 = arith.constant 112 : index
          %get3A_431 = tpu.vector_load %arg18[%get3A_429, %get3A_430] {strides = array<i32>} : memref<32x128xf32, #tpu.memory_space<vmem>>, vector<16xf32>,
          %mul3A_432 = arith.mulf %get3A_431, %gather3A_379 : vector<16xf32>
          %swap3A_433 = arith.index_cast %scan3A_377 : i32 to index
          %swap3A_434 = arith.constant 112 : index
          %swap3A_435 = tpu.vector_load %arg20[%swap3A_433, %swap3A_434] {strides = array<i32>} : memref<32x144xf32, #tpu.memory_space<vmem>>, vector<16xf32>,
          tpu.vector_store %arg20[%swap3A_433, %swap3A_434], %mul3A_432 {strides = array<i32>} : memref<32x144xf32, #tpu.memory_space<vmem>>, vector<16xf32>,
          %eq3A_436 = arith.constant 0 : i32
          %eq3A_437 = vector.broadcast %eq3A_436 : i32 to vector<16xi32>
          %eq3A_438 = arith.cmpi eq, %iota3A, %eq3A_437 : vector<16xi32>
          %jit3A_439 = arith.constant 0.000000e+00 : f32
          %broadcast_in_dim3A_440 = vector.broadcast %jit3A_439 : f32 to vector<16xf32>
          %select_n3A_441 = arith.select %eq3A_438, %gather3A_379, %broadcast_in_dim3A_440 : vector<16xi1>, vector<16xf32>
          %swap3A_442 = arith.index_cast %scan3A_377 : i32 to index
          %swap3A_443 = arith.constant 128 : index
          %swap3A_444 = tpu.vector_load %arg20[%swap3A_442, %swap3A_443] {strides = array<i32>} : memref<32x144xf32, #tpu.memory_space<vmem>>, vector<16xf32>,
          tpu.vector_store %arg20[%swap3A_442, %swap3A_443], %select_n3A_441 {strides = array<i32>} : memref<32x144xf32, #tpu.memory_space<vmem>>, vector<16xf32>,
          %scan3A_445 = arith.constant 0 : i32
          scf.yield %scan3A_445 : i32
        }
        %scan3A_130 = arith.constant 32 : i32
        %get3A = arith.constant 0 : index
        %get3A_131 = tpu.vector_load %arg11[%get3A] {strides = array<i32>} : memref<32xi32, #tpu.memory_space<vmem>>, vector<16xi32>,
        %sub3A = vector.broadcast %mul3A_2 : i32 to vector<16xi32>
        %sub3A_132 = arith.subi %get3A_131, %sub3A : vector<16xi32>
        %ge3A_133 = arith.constant 0 : i32
        %ge3A_134 = vector.broadcast %ge3A_133 : i32 to vector<16xi32>
        %ge3A_135 = arith.cmpi sge, %sub3A_132, %ge3A_134 : vector<16xi32>
        %lt3A_136 = arith.constant 5000 : i32
        %lt3A_137 = vector.broadcast %lt3A_136 : i32 to vector<16xi32>
        %lt3A_138 = arith.cmpi slt, %sub3A_132, %lt3A_137 : vector<16xi32>
        %and3A = arith.andi %ge3A_135, %lt3A_138 : vector<16xi1>
        %jit3A = arith.constant 5000 : i32
        %broadcast_in_dim3A_139 = vector.broadcast %jit3A : i32 to vector<16xi32>
        %select_n3A = arith.select %and3A, %sub3A_132, %broadcast_in_dim3A_139 : vector<16xi1>, vector<16xi32>
        %swap3A = arith.constant 0 : index
        %swap3A_140 = tpu.vector_load %arg15[%swap3A] {strides = array<i32>} : memref<32xi32, #tpu.memory_space<vmem>>, vector<16xi32>,
        tpu.vector_store %arg15[%swap3A], %select_n3A {strides = array<i32>} : memref<32xi32, #tpu.memory_space<vmem>>, vector<16xi32>,
        %get3A_141 = arith.constant 16 : index
        %get3A_142 = tpu.vector_load %arg11[%get3A_141] {strides = array<i32>} : memref<32xi32, #tpu.memory_space<vmem>>, vector<16xi32>,
        %sub3A_143 = vector.broadcast %mul3A_2 : i32 to vector<16xi32>
        %sub3A_144 = arith.subi %get3A_142, %sub3A_143 : vector<16xi32>
        %ge3A_145 = arith.constant 0 : i32
        %ge3A_146 = vector.broadcast %ge3A_145 : i32 to vector<16xi32>
        %ge3A_147 = arith.cmpi sge, %sub3A_144, %ge3A_146 : vector<16xi32>
        %lt3A_148 = arith.constant 5000 : i32
        %lt3A_149 = vector.broadcast %lt3A_148 : i32 to vector<16xi32>
        %lt3A_150 = arith.cmpi slt, %sub3A_144, %lt3A_149 : vector<16xi32>
        %and3A_151 = arith.andi %ge3A_147, %lt3A_150 : vector<16xi1>
        %jit3A_152 = arith.constant 5000 : i32
        %broadcast_in_dim3A_153 = vector.broadcast %jit3A_152 : i32 to vector<16xi32>
        %select_n3A_154 = arith.select %and3A_151, %sub3A_144, %broadcast_in_dim3A_153 : vector<16xi1>, vector<16xi32>
        %swap3A_155 = arith.constant 16 : index
        %swap3A_156 = tpu.vector_load %arg15[%swap3A_155] {strides = array<i32>} : memref<32xi32, #tpu.memory_space<vmem>>, vector<16xi32>,
        tpu.vector_store %arg15[%swap3A_155], %select_n3A_154 {strides = array<i32>} : memref<32xi32, #tpu.memory_space<vmem>>, vector<16xi32>,
        %dma_start3A_157 = arith.constant 0 : i32
        %dma_start3A_158 = arith.constant 0 : i32
        %dma_start3A_159 = tpu.memref_slice %arg30[%dma_start3A_157, %dma_start3A_158] : memref<5120x144xf32, #tpu.memory_space<vmem_shared>> -> memref<5120x144xf32, #tpu.memory_space<vmem_shared>>
        tpu.enqueue_indirect_dma source(%arg20 : memref<32x144xf32, #tpu.memory_space<vmem>>) target(%dma_start3A_159 : memref<5120x144xf32, #tpu.memory_space<vmem_shared>>) offsets(%arg15 : memref<32xi32, #tpu.memory_space<vmem>>) semaphore(%arg28 : memref<!tpu.dma_semaphore, #tpu.memory_space<semaphore_mem>>) {add = true}
        %add3A_160 = arith.constant 2 : i32
        %add3A_161 = arith.addi %add3A_85, %add3A_160 : i32
        %lt3A_162 = arith.constant 625 : i32
        %lt3A_163 = arith.cmpi slt, %add3A_161, %lt3A_162 : i32
        %convert_element_type3A_164 = arith.extui %lt3A_163 : i1 to i32
        %cond3A_165 = arith.constant 0 : i32
        %cond3A_166 = arith.cmpi ne, %convert_element_type3A_164, %cond3A_165 : i32
        scf.if %cond3A_166 {
          %add3A_167 = arith.constant 2 : i32
          %add3A_168 = arith.addi %add3A_85, %add3A_167 : i32
          %mul3A_169 = arith.constant 32 : i32
          %mul3A_170 = arith.muli %add3A_168, %mul3A_169 : i32
          %add3A_171 = arith.addi %mul3A_0, %mul3A_170 : i32
          %dma_start3A_172 = tpu.memref_slice %arg2[%add3A_171] : memref<320000xi32, #tpu.memory_space<hbm>> -> memref<32xi32, #tpu.memory_space<hbm>>
          %dma_start3A_173 = tpu.memref_slice %arg2[%add3A_171] : memref<320000xi32, #tpu.memory_space<hbm>> -> memref<32xi32, #tpu.memory_space<hbm>>
          tpu.enqueue_dma source(%dma_start3A_173 : memref<32xi32, #tpu.memory_space<hbm>>) target(%arg9 : memref<32xi32, #tpu.memory_space<vmem>>) target_semaphore(%arg24 : memref<!tpu.dma_semaphore, #tpu.memory_space<semaphore_mem>>)
          %mul3A_174 = arith.constant 32 : i32
          %mul3A_175 = arith.muli %add3A_168, %mul3A_174 : i32
          %add3A_176 = arith.addi %mul3A_0, %mul3A_175 : i32
          %dma_start3A_177 = tpu.memref_slice %arg3[%add3A_176] : memref<320000xi32, #tpu.memory_space<hbm>> -> memref<32xi32, #tpu.memory_space<hbm>>
          %dma_start3A_178 = tpu.memref_slice %arg3[%add3A_176] : memref<320000xi32, #tpu.memory_space<hbm>> -> memref<32xi32, #tpu.memory_space<hbm>>
          tpu.enqueue_dma source(%dma_start3A_178 : memref<32xi32, #tpu.memory_space<hbm>>) target(%arg11 : memref<32xi32, #tpu.memory_space<vmem>>) target_semaphore(%arg24 : memref<!tpu.dma_semaphore, #tpu.memory_space<semaphore_mem>>)
          %mul3A_179 = arith.constant 32 : i32
          %mul3A_180 = arith.muli %add3A_168, %mul3A_179 : i32
          %add3A_181 = arith.addi %mul3A_0, %mul3A_180 : i32
          %dma_start3A_182 = tpu.memref_slice %arg4[%add3A_181] : memref<320000xf32, #tpu.memory_space<hbm>> -> memref<32xf32, #tpu.memory_space<hbm>>
          %dma_start3A_183 = tpu.memref_slice %arg4[%add3A_181] : memref<320000xf32, #tpu.memory_space<hbm>> -> memref<32xf32, #tpu.memory_space<hbm>>
          tpu.enqueue_dma source(%dma_start3A_183 : memref<32xf32, #tpu.memory_space<hbm>>) target(%arg13 : memref<32xf32, #tpu.memory_space<vmem>>) target_semaphore(%arg24 : memref<!tpu.dma_semaphore, #tpu.memory_space<semaphore_mem>>)
        } else {
        }
      } else {
      }
      %mul3A_90 = arith.constant 2 : i32
      %mul3A_91 = arith.muli %mul3A_90, %scan3A_80 : i32
      %add3A_92 = arith.constant 1 : i32
      %add3A_93 = arith.addi %mul3A_91, %add3A_92 : i32
      %lt3A_94 = arith.constant 625 : i32
      %lt3A_95 = arith.cmpi slt, %add3A_93, %lt3A_94 : i32
      %convert_element_type3A_96 = arith.extui %lt3A_95 : i1 to i32
      %cond3A_97 = arith.constant 0 : i32
      %cond3A_98 = arith.cmpi ne, %convert_element_type3A_96, %cond3A_97 : i32
      scf.if %cond3A_98 {
        %add3A_100 = arith.constant 1 : i32
        %add3A_101 = arith.addi %add3A_93, %add3A_100 : i32
        %lt3A_102 = arith.constant 625 : i32
        %lt3A_103 = arith.cmpi slt, %add3A_101, %lt3A_102 : i32
        %convert_element_type3A_104 = arith.extui %lt3A_103 : i1 to i32
        %cond3A_105 = arith.constant 0 : i32
        %cond3A_106 = arith.cmpi ne, %convert_element_type3A_104, %cond3A_105 : i32
        scf.if %cond3A_106 {
          %dma_wait3A_167 = arith.constant 0 : i32
          %dma_wait3A_168 = tpu.memref_slice %arg2[%dma_wait3A_167] : memref<320000xi32, #tpu.memory_space<hbm>> -> memref<32xi32, #tpu.memory_space<hbm>>
          %dma_wait3A_169 = arith.constant 0 : i32
          %dma_wait3A_170 = tpu.memref_slice %arg2[%dma_wait3A_169] : memref<320000xi32, #tpu.memory_space<hbm>> -> memref<32xi32, #tpu.memory_space<hbm>>
          tpu.wait_dma2 semaphore(%arg24 : memref<!tpu.dma_semaphore, #tpu.memory_space<semaphore_mem>>) src(%dma_wait3A_170 : memref<32xi32, #tpu.memory_space<hbm>>) dst(%arg9 : memref<32xi32, #tpu.memory_space<vmem>>)
          %dma_wait3A_171 = arith.constant 0 : i32
          %dma_wait3A_172 = tpu.memref_slice %arg3[%dma_wait3A_171] : memref<320000xi32, #tpu.memory_space<hbm>> -> memref<32xi32, #tpu.memory_space<hbm>>
          %dma_wait3A_173 = arith.constant 0 : i32
          %dma_wait3A_174 = tpu.memref_slice %arg3[%dma_wait3A_173] : memref<320000xi32, #tpu.memory_space<hbm>> -> memref<32xi32, #tpu.memory_space<hbm>>
          tpu.wait_dma2 semaphore(%arg24 : memref<!tpu.dma_semaphore, #tpu.memory_space<semaphore_mem>>) src(%dma_wait3A_174 : memref<32xi32, #tpu.memory_space<hbm>>) dst(%arg11 : memref<32xi32, #tpu.memory_space<vmem>>)
          %dma_wait3A_175 = arith.constant 0 : i32
          %dma_wait3A_176 = tpu.memref_slice %arg4[%dma_wait3A_175] : memref<320000xf32, #tpu.memory_space<hbm>> -> memref<32xf32, #tpu.memory_space<hbm>>
          %dma_wait3A_177 = arith.constant 0 : i32
          %dma_wait3A_178 = tpu.memref_slice %arg4[%dma_wait3A_177] : memref<320000xf32, #tpu.memory_space<hbm>> -> memref<32xf32, #tpu.memory_space<hbm>>
          tpu.wait_dma2 semaphore(%arg24 : memref<!tpu.dma_semaphore, #tpu.memory_space<semaphore_mem>>) src(%dma_wait3A_178 : memref<32xf32, #tpu.memory_space<hbm>>) dst(%arg13 : memref<32xf32, #tpu.memory_space<vmem>>)
          %dma_start3A_179 = arith.constant 0 : i32
          %dma_start3A_180 = arith.constant 0 : i32
          %dma_start3A_181 = tpu.memref_slice %arg6[%dma_start3A_179, %dma_start3A_180] : memref<10000x128xf32, #tpu.memory_space<hbm>> -> memref<10000x128xf32, #tpu.memory_space<hbm>>
          tpu.enqueue_indirect_dma source(%dma_start3A_181 : memref<10000x128xf32, #tpu.memory_space<hbm>>) target(%arg18 : memref<32x128xf32, #tpu.memory_space<vmem>>) offsets(%arg9 : memref<32xi32, #tpu.memory_space<vmem>>) semaphore(%arg26 : memref<!tpu.dma_semaphore, #tpu.memory_space<semaphore_mem>>)
        } else {
        }
        %ge3A = arith.constant 2 : i32
        %ge3A_107 = arith.cmpi sge, %add3A_93, %ge3A : i32
        %convert_element_type3A_108 = arith.extui %ge3A_107 : i1 to i32
        %cond3A_109 = arith.constant 0 : i32
        %cond3A_110 = arith.cmpi ne, %convert_element_type3A_108, %cond3A_109 : i32
        scf.if %cond3A_110 {
          %dma_wait3A_167 = arith.constant 0 : i32
          %dma_wait3A_168 = arith.constant 0 : i32
          %dma_wait3A_169 = tpu.memref_slice %arg7[%dma_wait3A_167, %dma_wait3A_168] : memref<5120x144xf32, #tpu.memory_space<hbm>> -> memref<32x144xf32, #tpu.memory_space<hbm>>
          %dma_wait3A_170 = arith.constant 0 : i32
          %dma_wait3A_171 = arith.constant 0 : i32
          %dma_wait3A_172 = tpu.memref_slice %arg7[%dma_wait3A_170, %dma_wait3A_171] : memref<5120x144xf32, #tpu.memory_space<hbm>> -> memref<32x144xf32, #tpu.memory_space<hbm>>
          tpu.wait_dma2 semaphore(%arg29 : memref<!tpu.dma_semaphore, #tpu.memory_space<semaphore_mem>>) src(%dma_wait3A_172 : memref<32x144xf32, #tpu.memory_space<hbm>>) dst(%arg21 : memref<32x144xf32, #tpu.memory_space<vmem>>)
        } else {
        }
        %scan3A_111 = arith.constant 0 : i32
        %scan3A_112 = arith.constant 0 : i32
        %scan3A_113 = arith.constant 2 : i32
        %scan3A_114 = arith.addi %scan3A_112, %scan3A_113 : i32
        %scan3A_115 = arith.constant 1 : i32
        %scan3A_116 = scf.for %scan3A_167 = %scan3A_112 to %scan3A_114 step %scan3A_115 iter_args(%scan3A_168 = %scan3A_111) -> (i32)  : i32 {
          %mul3A_169 = arith.constant 16 : i32
          %mul3A_170 = arith.muli %scan3A_167, %mul3A_169 : i32
          %get3A_171 = arith.index_cast %mul3A_170 : i32 to index
          %get3A_172 = tpu.vector_load %arg12[%get3A_171] {strides = array<i32>} : memref<32xi32, #tpu.memory_space<vmem>>, vector<16xi32>,
          %mul3A_173 = arith.constant 16 : i32
          %mul3A_174 = arith.muli %scan3A_167, %mul3A_173 : i32
          %get3A_175 = arith.index_cast %mul3A_174 : i32 to index
          %get3A_176 = tpu.vector_load %arg14[%get3A_175] {strides = array<i32>} : memref<32xf32, #tpu.memory_space<vmem>>, vector<16xf32>,
          %gather3A = tpu.vector_load_idx %arg22[%get3A_172] : memref<10000xf32, #tpu.memory_space<vmem>>[vector<16xi32>], vector<16xf32>,
          %sub3A_177 = arith.subf %get3A_176, %gather3A : vector<16xf32>
          %exp3A = math.exp %sub3A_177 : vector<16xf32>
          %mul3A_178 = arith.constant 16 : i32
          %mul3A_179 = arith.muli %scan3A_167, %mul3A_178 : i32
          %swap3A_180 = arith.index_cast %mul3A_179 : i32 to index
          %swap3A_181 = tpu.vector_load %arg17[%swap3A_180] {strides = array<i32>} : memref<32xf32, #tpu.memory_space<vmem>>, vector<16xf32>,
          tpu.vector_store %arg17[%swap3A_180], %exp3A {strides = array<i32>} : memref<32xf32, #tpu.memory_space<vmem>>, vector<16xf32>,
          %scan3A_182 = arith.constant 0 : i32
          scf.yield %scan3A_182 : i32
        }
        %scan3A_117 = arith.constant 2 : i32
        %dma_wait3A_118 = arith.constant 0 : i32
        %dma_wait3A_119 = arith.constant 0 : i32
        %dma_wait3A_120 = tpu.memref_slice %arg6[%dma_wait3A_118, %dma_wait3A_119] : memref<10000x128xf32, #tpu.memory_space<hbm>> -> memref<32x128xf32, #tpu.memory_space<hbm>>
        %dma_wait3A_121 = arith.constant 0 : i32
        %dma_wait3A_122 = arith.constant 0 : i32
        %dma_wait3A_123 = tpu.memref_slice %arg6[%dma_wait3A_121, %dma_wait3A_122] : memref<10000x128xf32, #tpu.memory_space<hbm>> -> memref<32x128xf32, #tpu.memory_space<hbm>>
        tpu.wait_dma2 semaphore(%arg27 : memref<!tpu.dma_semaphore, #tpu.memory_space<semaphore_mem>>) src(%dma_wait3A_123 : memref<32x128xf32, #tpu.memory_space<hbm>>) dst(%arg19 : memref<32x128xf32, #tpu.memory_space<vmem>>)
        %scan3A_124 = arith.constant 0 : i32
        %scan3A_125 = arith.constant 0 : i32
        %scan3A_126 = arith.constant 32 : i32
        %scan3A_127 = arith.addi %scan3A_125, %scan3A_126 : i32
        %scan3A_128 = arith.constant 4 : i32
        %scan3A_129 = scf.for %scan3A_167 = %scan3A_125 to %scan3A_127 step %scan3A_128 iter_args(%scan3A_168 = %scan3A_124) -> (i32)  : i32 {
          %broadcast_in_dim3A_169 = vector.broadcast %scan3A_167 : i32 to vector<16xi32>
          %gather3A = tpu.vector_load_idx %arg17[%broadcast_in_dim3A_169] : memref<32xf32, #tpu.memory_space<vmem>>[vector<16xi32>], vector<16xf32>,
          %get3A_170 = arith.index_cast %scan3A_167 : i32 to index
          %get3A_171 = arith.constant 0 : index
          %get3A_172 = tpu.vector_load %arg19[%get3A_170, %get3A_171] {strides = array<i32>} : memref<32x128xf32, #tpu.memory_space<vmem>>, vector<16xf32>,
          %mul3A_173 = arith.mulf %get3A_172, %gather3A : vector<16xf32>
          %swap3A_174 = arith.index_cast %scan3A_167 : i32 to index
          %swap3A_175 = arith.constant 0 : index
          %swap3A_176 = tpu.vector_load %arg21[%swap3A_174, %swap3A_175] {strides = array<i32>} : memref<32x144xf32, #tpu.memory_space<vmem>>, vector<16xf32>,
          tpu.vector_store %arg21[%swap3A_174, %swap3A_175], %mul3A_173 {strides = array<i32>} : memref<32x144xf32, #tpu.memory_space<vmem>>, vector<16xf32>,
          %get3A_177 = arith.index_cast %scan3A_167 : i32 to index
          %get3A_178 = arith.constant 16 : index
          %get3A_179 = tpu.vector_load %arg19[%get3A_177, %get3A_178] {strides = array<i32>} : memref<32x128xf32, #tpu.memory_space<vmem>>, vector<16xf32>,
          %mul3A_180 = arith.mulf %get3A_179, %gather3A : vector<16xf32>
          %swap3A_181 = arith.index_cast %scan3A_167 : i32 to index
          %swap3A_182 = arith.constant 16 : index
          %swap3A_183 = tpu.vector_load %arg21[%swap3A_181, %swap3A_182] {strides = array<i32>} : memref<32x144xf32, #tpu.memory_space<vmem>>, vector<16xf32>,
          tpu.vector_store %arg21[%swap3A_181, %swap3A_182], %mul3A_180 {strides = array<i32>} : memref<32x144xf32, #tpu.memory_space<vmem>>, vector<16xf32>,
          %get3A_184 = arith.index_cast %scan3A_167 : i32 to index
          %get3A_185 = arith.constant 32 : index
          %get3A_186 = tpu.vector_load %arg19[%get3A_184, %get3A_185] {strides = array<i32>} : memref<32x128xf32, #tpu.memory_space<vmem>>, vector<16xf32>,
          %mul3A_187 = arith.mulf %get3A_186, %gather3A : vector<16xf32>
          %swap3A_188 = arith.index_cast %scan3A_167 : i32 to index
          %swap3A_189 = arith.constant 32 : index
          %swap3A_190 = tpu.vector_load %arg21[%swap3A_188, %swap3A_189] {strides = array<i32>} : memref<32x144xf32, #tpu.memory_space<vmem>>, vector<16xf32>,
          tpu.vector_store %arg21[%swap3A_188, %swap3A_189], %mul3A_187 {strides = array<i32>} : memref<32x144xf32, #tpu.memory_space<vmem>>, vector<16xf32>,
          %get3A_191 = arith.index_cast %scan3A_167 : i32 to index
          %get3A_192 = arith.constant 48 : index
          %get3A_193 = tpu.vector_load %arg19[%get3A_191, %get3A_192] {strides = array<i32>} : memref<32x128xf32, #tpu.memory_space<vmem>>, vector<16xf32>,
          %mul3A_194 = arith.mulf %get3A_193, %gather3A : vector<16xf32>
          %swap3A_195 = arith.index_cast %scan3A_167 : i32 to index
          %swap3A_196 = arith.constant 48 : index
          %swap3A_197 = tpu.vector_load %arg21[%swap3A_195, %swap3A_196] {strides = array<i32>} : memref<32x144xf32, #tpu.memory_space<vmem>>, vector<16xf32>,
          tpu.vector_store %arg21[%swap3A_195, %swap3A_196], %mul3A_194 {strides = array<i32>} : memref<32x144xf32, #tpu.memory_space<vmem>>, vector<16xf32>,
          %get3A_198 = arith.index_cast %scan3A_167 : i32 to index
          %get3A_199 = arith.constant 64 : index
          %get3A_200 = tpu.vector_load %arg19[%get3A_198, %get3A_199] {strides = array<i32>} : memref<32x128xf32, #tpu.memory_space<vmem>>, vector<16xf32>,
          %mul3A_201 = arith.mulf %get3A_200, %gather3A : vector<16xf32>
          %swap3A_202 = arith.index_cast %scan3A_167 : i32 to index
          %swap3A_203 = arith.constant 64 : index
          %swap3A_204 = tpu.vector_load %arg21[%swap3A_202, %swap3A_203] {strides = array<i32>} : memref<32x144xf32, #tpu.memory_space<vmem>>, vector<16xf32>,
          tpu.vector_store %arg21[%swap3A_202, %swap3A_203], %mul3A_201 {strides = array<i32>} : memref<32x144xf32, #tpu.memory_space<vmem>>, vector<16xf32>,
          %get3A_205 = arith.index_cast %scan3A_167 : i32 to index
          %get3A_206 = arith.constant 80 : index
          %get3A_207 = tpu.vector_load %arg19[%get3A_205, %get3A_206] {strides = array<i32>} : memref<32x128xf32, #tpu.memory_space<vmem>>, vector<16xf32>,
          %mul3A_208 = arith.mulf %get3A_207, %gather3A : vector<16xf32>
          %swap3A_209 = arith.index_cast %scan3A_167 : i32 to index
          %swap3A_210 = arith.constant 80 : index
          %swap3A_211 = tpu.vector_load %arg21[%swap3A_209, %swap3A_210] {strides = array<i32>} : memref<32x144xf32, #tpu.memory_space<vmem>>, vector<16xf32>,
          tpu.vector_store %arg21[%swap3A_209, %swap3A_210], %mul3A_208 {strides = array<i32>} : memref<32x144xf32, #tpu.memory_space<vmem>>, vector<16xf32>,
          %get3A_212 = arith.index_cast %scan3A_167 : i32 to index
          %get3A_213 = arith.constant 96 : index
          %get3A_214 = tpu.vector_load %arg19[%get3A_212, %get3A_213] {strides = array<i32>} : memref<32x128xf32, #tpu.memory_space<vmem>>, vector<16xf32>,
          %mul3A_215 = arith.mulf %get3A_214, %gather3A : vector<16xf32>
          %swap3A_216 = arith.index_cast %scan3A_167 : i32 to index
          %swap3A_217 = arith.constant 96 : index
          %swap3A_218 = tpu.vector_load %arg21[%swap3A_216, %swap3A_217] {strides = array<i32>} : memref<32x144xf32, #tpu.memory_space<vmem>>, vector<16xf32>,
          tpu.vector_store %arg21[%swap3A_216, %swap3A_217], %mul3A_215 {strides = array<i32>} : memref<32x144xf32, #tpu.memory_space<vmem>>, vector<16xf32>,
          %get3A_219 = arith.index_cast %scan3A_167 : i32 to index
          %get3A_220 = arith.constant 112 : index
          %get3A_221 = tpu.vector_load %arg19[%get3A_219, %get3A_220] {strides = array<i32>} : memref<32x128xf32, #tpu.memory_space<vmem>>, vector<16xf32>,
          %mul3A_222 = arith.mulf %get3A_221, %gather3A : vector<16xf32>
          %swap3A_223 = arith.index_cast %scan3A_167 : i32 to index
          %swap3A_224 = arith.constant 112 : index
          %swap3A_225 = tpu.vector_load %arg21[%swap3A_223, %swap3A_224] {strides = array<i32>} : memref<32x144xf32, #tpu.memory_space<vmem>>, vector<16xf32>,
          tpu.vector_store %arg21[%swap3A_223, %swap3A_224], %mul3A_222 {strides = array<i32>} : memref<32x144xf32, #tpu.memory_space<vmem>>, vector<16xf32>,
          %eq3A_226 = arith.constant 0 : i32
          %eq3A_227 = vector.broadcast %eq3A_226 : i32 to vector<16xi32>
          %eq3A_228 = arith.cmpi eq, %iota3A, %eq3A_227 : vector<16xi32>
          %jit3A_229 = arith.constant 0.000000e+00 : f32
          %broadcast_in_dim3A_230 = vector.broadcast %jit3A_229 : f32 to vector<16xf32>
          %select_n3A_231 = arith.select %eq3A_228, %gather3A, %broadcast_in_dim3A_230 : vector<16xi1>, vector<16xf32>
          %swap3A_232 = arith.index_cast %scan3A_167 : i32 to index
          %swap3A_233 = arith.constant 128 : index
          %swap3A_234 = tpu.vector_load %arg21[%swap3A_232, %swap3A_233] {strides = array<i32>} : memref<32x144xf32, #tpu.memory_space<vmem>>, vector<16xf32>,
          tpu.vector_store %arg21[%swap3A_232, %swap3A_233], %select_n3A_231 {strides = array<i32>} : memref<32x144xf32, #tpu.memory_space<vmem>>, vector<16xf32>,
          %scan3A_235 = arith.constant 0 : i32
          %scan3A_236 = arith.constant 1 : i32
          %scan3A_237 = arith.addi %scan3A_167, %scan3A_236 : i32
          %broadcast_in_dim3A_238 = vector.broadcast %scan3A_237 : i32 to vector<16xi32>
          %gather3A_239 = tpu.vector_load_idx %arg17[%broadcast_in_dim3A_238] : memref<32xf32, #tpu.memory_space<vmem>>[vector<16xi32>], vector<16xf32>,
          %get3A_240 = arith.index_cast %scan3A_237 : i32 to index
          %get3A_241 = arith.constant 0 : index
          %get3A_242 = tpu.vector_load %arg19[%get3A_240, %get3A_241] {strides = array<i32>} : memref<32x128xf32, #tpu.memory_space<vmem>>, vector<16xf32>,
          %mul3A_243 = arith.mulf %get3A_242, %gather3A_239 : vector<16xf32>
          %swap3A_244 = arith.index_cast %scan3A_237 : i32 to index
          %swap3A_245 = arith.constant 0 : index
          %swap3A_246 = tpu.vector_load %arg21[%swap3A_244, %swap3A_245] {strides = array<i32>} : memref<32x144xf32, #tpu.memory_space<vmem>>, vector<16xf32>,
          tpu.vector_store %arg21[%swap3A_244, %swap3A_245], %mul3A_243 {strides = array<i32>} : memref<32x144xf32, #tpu.memory_space<vmem>>, vector<16xf32>,
          %get3A_247 = arith.index_cast %scan3A_237 : i32 to index
          %get3A_248 = arith.constant 16 : index
          %get3A_249 = tpu.vector_load %arg19[%get3A_247, %get3A_248] {strides = array<i32>} : memref<32x128xf32, #tpu.memory_space<vmem>>, vector<16xf32>,
          %mul3A_250 = arith.mulf %get3A_249, %gather3A_239 : vector<16xf32>
          %swap3A_251 = arith.index_cast %scan3A_237 : i32 to index
          %swap3A_252 = arith.constant 16 : index
          %swap3A_253 = tpu.vector_load %arg21[%swap3A_251, %swap3A_252] {strides = array<i32>} : memref<32x144xf32, #tpu.memory_space<vmem>>, vector<16xf32>,
          tpu.vector_store %arg21[%swap3A_251, %swap3A_252], %mul3A_250 {strides = array<i32>} : memref<32x144xf32, #tpu.memory_space<vmem>>, vector<16xf32>,
          %get3A_254 = arith.index_cast %scan3A_237 : i32 to index
          %get3A_255 = arith.constant 32 : index
          %get3A_256 = tpu.vector_load %arg19[%get3A_254, %get3A_255] {strides = array<i32>} : memref<32x128xf32, #tpu.memory_space<vmem>>, vector<16xf32>,
          %mul3A_257 = arith.mulf %get3A_256, %gather3A_239 : vector<16xf32>
          %swap3A_258 = arith.index_cast %scan3A_237 : i32 to index
          %swap3A_259 = arith.constant 32 : index
          %swap3A_260 = tpu.vector_load %arg21[%swap3A_258, %swap3A_259] {strides = array<i32>} : memref<32x144xf32, #tpu.memory_space<vmem>>, vector<16xf32>,
          tpu.vector_store %arg21[%swap3A_258, %swap3A_259], %mul3A_257 {strides = array<i32>} : memref<32x144xf32, #tpu.memory_space<vmem>>, vector<16xf32>,
          %get3A_261 = arith.index_cast %scan3A_237 : i32 to index
          %get3A_262 = arith.constant 48 : index
          %get3A_263 = tpu.vector_load %arg19[%get3A_261, %get3A_262] {strides = array<i32>} : memref<32x128xf32, #tpu.memory_space<vmem>>, vector<16xf32>,
          %mul3A_264 = arith.mulf %get3A_263, %gather3A_239 : vector<16xf32>
          %swap3A_265 = arith.index_cast %scan3A_237 : i32 to index
          %swap3A_266 = arith.constant 48 : index
          %swap3A_267 = tpu.vector_load %arg21[%swap3A_265, %swap3A_266] {strides = array<i32>} : memref<32x144xf32, #tpu.memory_space<vmem>>, vector<16xf32>,
          tpu.vector_store %arg21[%swap3A_265, %swap3A_266], %mul3A_264 {strides = array<i32>} : memref<32x144xf32, #tpu.memory_space<vmem>>, vector<16xf32>,
          %get3A_268 = arith.index_cast %scan3A_237 : i32 to index
          %get3A_269 = arith.constant 64 : index
          %get3A_270 = tpu.vector_load %arg19[%get3A_268, %get3A_269] {strides = array<i32>} : memref<32x128xf32, #tpu.memory_space<vmem>>, vector<16xf32>,
          %mul3A_271 = arith.mulf %get3A_270, %gather3A_239 : vector<16xf32>
          %swap3A_272 = arith.index_cast %scan3A_237 : i32 to index
          %swap3A_273 = arith.constant 64 : index
          %swap3A_274 = tpu.vector_load %arg21[%swap3A_272, %swap3A_273] {strides = array<i32>} : memref<32x144xf32, #tpu.memory_space<vmem>>, vector<16xf32>,
          tpu.vector_store %arg21[%swap3A_272, %swap3A_273], %mul3A_271 {strides = array<i32>} : memref<32x144xf32, #tpu.memory_space<vmem>>, vector<16xf32>,
          %get3A_275 = arith.index_cast %scan3A_237 : i32 to index
          %get3A_276 = arith.constant 80 : index
          %get3A_277 = tpu.vector_load %arg19[%get3A_275, %get3A_276] {strides = array<i32>} : memref<32x128xf32, #tpu.memory_space<vmem>>, vector<16xf32>,
          %mul3A_278 = arith.mulf %get3A_277, %gather3A_239 : vector<16xf32>
          %swap3A_279 = arith.index_cast %scan3A_237 : i32 to index
          %swap3A_280 = arith.constant 80 : index
          %swap3A_281 = tpu.vector_load %arg21[%swap3A_279, %swap3A_280] {strides = array<i32>} : memref<32x144xf32, #tpu.memory_space<vmem>>, vector<16xf32>,
          tpu.vector_store %arg21[%swap3A_279, %swap3A_280], %mul3A_278 {strides = array<i32>} : memref<32x144xf32, #tpu.memory_space<vmem>>, vector<16xf32>,
          %get3A_282 = arith.index_cast %scan3A_237 : i32 to index
          %get3A_283 = arith.constant 96 : index
          %get3A_284 = tpu.vector_load %arg19[%get3A_282, %get3A_283] {strides = array<i32>} : memref<32x128xf32, #tpu.memory_space<vmem>>, vector<16xf32>,
          %mul3A_285 = arith.mulf %get3A_284, %gather3A_239 : vector<16xf32>
          %swap3A_286 = arith.index_cast %scan3A_237 : i32 to index
          %swap3A_287 = arith.constant 96 : index
          %swap3A_288 = tpu.vector_load %arg21[%swap3A_286, %swap3A_287] {strides = array<i32>} : memref<32x144xf32, #tpu.memory_space<vmem>>, vector<16xf32>,
          tpu.vector_store %arg21[%swap3A_286, %swap3A_287], %mul3A_285 {strides = array<i32>} : memref<32x144xf32, #tpu.memory_space<vmem>>, vector<16xf32>,
          %get3A_289 = arith.index_cast %scan3A_237 : i32 to index
          %get3A_290 = arith.constant 112 : index
          %get3A_291 = tpu.vector_load %arg19[%get3A_289, %get3A_290] {strides = array<i32>} : memref<32x128xf32, #tpu.memory_space<vmem>>, vector<16xf32>,
          %mul3A_292 = arith.mulf %get3A_291, %gather3A_239 : vector<16xf32>
          %swap3A_293 = arith.index_cast %scan3A_237 : i32 to index
          %swap3A_294 = arith.constant 112 : index
          %swap3A_295 = tpu.vector_load %arg21[%swap3A_293, %swap3A_294] {strides = array<i32>} : memref<32x144xf32, #tpu.memory_space<vmem>>, vector<16xf32>,
          tpu.vector_store %arg21[%swap3A_293, %swap3A_294], %mul3A_292 {strides = array<i32>} : memref<32x144xf32, #tpu.memory_space<vmem>>, vector<16xf32>,
          %eq3A_296 = arith.constant 0 : i32
          %eq3A_297 = vector.broadcast %eq3A_296 : i32 to vector<16xi32>
          %eq3A_298 = arith.cmpi eq, %iota3A, %eq3A_297 : vector<16xi32>
          %jit3A_299 = arith.constant 0.000000e+00 : f32
          %broadcast_in_dim3A_300 = vector.broadcast %jit3A_299 : f32 to vector<16xf32>
          %select_n3A_301 = arith.select %eq3A_298, %gather3A_239, %broadcast_in_dim3A_300 : vector<16xi1>, vector<16xf32>
          %swap3A_302 = arith.index_cast %scan3A_237 : i32 to index
          %swap3A_303 = arith.constant 128 : index
          %swap3A_304 = tpu.vector_load %arg21[%swap3A_302, %swap3A_303] {strides = array<i32>} : memref<32x144xf32, #tpu.memory_space<vmem>>, vector<16xf32>,
          tpu.vector_store %arg21[%swap3A_302, %swap3A_303], %select_n3A_301 {strides = array<i32>} : memref<32x144xf32, #tpu.memory_space<vmem>>, vector<16xf32>,
          %scan3A_305 = arith.constant 0 : i32
          %scan3A_306 = arith.constant 2 : i32
          %scan3A_307 = arith.addi %scan3A_167, %scan3A_306 : i32
          %broadcast_in_dim3A_308 = vector.broadcast %scan3A_307 : i32 to vector<16xi32>
          %gather3A_309 = tpu.vector_load_idx %arg17[%broadcast_in_dim3A_308] : memref<32xf32, #tpu.memory_space<vmem>>[vector<16xi32>], vector<16xf32>,
          %get3A_310 = arith.index_cast %scan3A_307 : i32 to index
          %get3A_311 = arith.constant 0 : index
          %get3A_312 = tpu.vector_load %arg19[%get3A_310, %get3A_311] {strides = array<i32>} : memref<32x128xf32, #tpu.memory_space<vmem>>, vector<16xf32>,
          %mul3A_313 = arith.mulf %get3A_312, %gather3A_309 : vector<16xf32>
          %swap3A_314 = arith.index_cast %scan3A_307 : i32 to index
          %swap3A_315 = arith.constant 0 : index
          %swap3A_316 = tpu.vector_load %arg21[%swap3A_314, %swap3A_315] {strides = array<i32>} : memref<32x144xf32, #tpu.memory_space<vmem>>, vector<16xf32>,
          tpu.vector_store %arg21[%swap3A_314, %swap3A_315], %mul3A_313 {strides = array<i32>} : memref<32x144xf32, #tpu.memory_space<vmem>>, vector<16xf32>,
          %get3A_317 = arith.index_cast %scan3A_307 : i32 to index
          %get3A_318 = arith.constant 16 : index
          %get3A_319 = tpu.vector_load %arg19[%get3A_317, %get3A_318] {strides = array<i32>} : memref<32x128xf32, #tpu.memory_space<vmem>>, vector<16xf32>,
          %mul3A_320 = arith.mulf %get3A_319, %gather3A_309 : vector<16xf32>
          %swap3A_321 = arith.index_cast %scan3A_307 : i32 to index
          %swap3A_322 = arith.constant 16 : index
          %swap3A_323 = tpu.vector_load %arg21[%swap3A_321, %swap3A_322] {strides = array<i32>} : memref<32x144xf32, #tpu.memory_space<vmem>>, vector<16xf32>,
          tpu.vector_store %arg21[%swap3A_321, %swap3A_322], %mul3A_320 {strides = array<i32>} : memref<32x144xf32, #tpu.memory_space<vmem>>, vector<16xf32>,
          %get3A_324 = arith.index_cast %scan3A_307 : i32 to index
          %get3A_325 = arith.constant 32 : index
          %get3A_326 = tpu.vector_load %arg19[%get3A_324, %get3A_325] {strides = array<i32>} : memref<32x128xf32, #tpu.memory_space<vmem>>, vector<16xf32>,
          %mul3A_327 = arith.mulf %get3A_326, %gather3A_309 : vector<16xf32>
          %swap3A_328 = arith.index_cast %scan3A_307 : i32 to index
          %swap3A_329 = arith.constant 32 : index
          %swap3A_330 = tpu.vector_load %arg21[%swap3A_328, %swap3A_329] {strides = array<i32>} : memref<32x144xf32, #tpu.memory_space<vmem>>, vector<16xf32>,
          tpu.vector_store %arg21[%swap3A_328, %swap3A_329], %mul3A_327 {strides = array<i32>} : memref<32x144xf32, #tpu.memory_space<vmem>>, vector<16xf32>,
          %get3A_331 = arith.index_cast %scan3A_307 : i32 to index
          %get3A_332 = arith.constant 48 : index
          %get3A_333 = tpu.vector_load %arg19[%get3A_331, %get3A_332] {strides = array<i32>} : memref<32x128xf32, #tpu.memory_space<vmem>>, vector<16xf32>,
          %mul3A_334 = arith.mulf %get3A_333, %gather3A_309 : vector<16xf32>
          %swap3A_335 = arith.index_cast %scan3A_307 : i32 to index
          %swap3A_336 = arith.constant 48 : index
          %swap3A_337 = tpu.vector_load %arg21[%swap3A_335, %swap3A_336] {strides = array<i32>} : memref<32x144xf32, #tpu.memory_space<vmem>>, vector<16xf32>,
          tpu.vector_store %arg21[%swap3A_335, %swap3A_336], %mul3A_334 {strides = array<i32>} : memref<32x144xf32, #tpu.memory_space<vmem>>, vector<16xf32>,
          %get3A_338 = arith.index_cast %scan3A_307 : i32 to index
          %get3A_339 = arith.constant 64 : index
          %get3A_340 = tpu.vector_load %arg19[%get3A_338, %get3A_339] {strides = array<i32>} : memref<32x128xf32, #tpu.memory_space<vmem>>, vector<16xf32>,
          %mul3A_341 = arith.mulf %get3A_340, %gather3A_309 : vector<16xf32>
          %swap3A_342 = arith.index_cast %scan3A_307 : i32 to index
          %swap3A_343 = arith.constant 64 : index
          %swap3A_344 = tpu.vector_load %arg21[%swap3A_342, %swap3A_343] {strides = array<i32>} : memref<32x144xf32, #tpu.memory_space<vmem>>, vector<16xf32>,
          tpu.vector_store %arg21[%swap3A_342, %swap3A_343], %mul3A_341 {strides = array<i32>} : memref<32x144xf32, #tpu.memory_space<vmem>>, vector<16xf32>,
          %get3A_345 = arith.index_cast %scan3A_307 : i32 to index
          %get3A_346 = arith.constant 80 : index
          %get3A_347 = tpu.vector_load %arg19[%get3A_345, %get3A_346] {strides = array<i32>} : memref<32x128xf32, #tpu.memory_space<vmem>>, vector<16xf32>,
          %mul3A_348 = arith.mulf %get3A_347, %gather3A_309 : vector<16xf32>
          %swap3A_349 = arith.index_cast %scan3A_307 : i32 to index
          %swap3A_350 = arith.constant 80 : index
          %swap3A_351 = tpu.vector_load %arg21[%swap3A_349, %swap3A_350] {strides = array<i32>} : memref<32x144xf32, #tpu.memory_space<vmem>>, vector<16xf32>,
          tpu.vector_store %arg21[%swap3A_349, %swap3A_350], %mul3A_348 {strides = array<i32>} : memref<32x144xf32, #tpu.memory_space<vmem>>, vector<16xf32>,
          %get3A_352 = arith.index_cast %scan3A_307 : i32 to index
          %get3A_353 = arith.constant 96 : index
          %get3A_354 = tpu.vector_load %arg19[%get3A_352, %get3A_353] {strides = array<i32>} : memref<32x128xf32, #tpu.memory_space<vmem>>, vector<16xf32>,
          %mul3A_355 = arith.mulf %get3A_354, %gather3A_309 : vector<16xf32>
          %swap3A_356 = arith.index_cast %scan3A_307 : i32 to index
          %swap3A_357 = arith.constant 96 : index
          %swap3A_358 = tpu.vector_load %arg21[%swap3A_356, %swap3A_357] {strides = array<i32>} : memref<32x144xf32, #tpu.memory_space<vmem>>, vector<16xf32>,
          tpu.vector_store %arg21[%swap3A_356, %swap3A_357], %mul3A_355 {strides = array<i32>} : memref<32x144xf32, #tpu.memory_space<vmem>>, vector<16xf32>,
          %get3A_359 = arith.index_cast %scan3A_307 : i32 to index
          %get3A_360 = arith.constant 112 : index
          %get3A_361 = tpu.vector_load %arg19[%get3A_359, %get3A_360] {strides = array<i32>} : memref<32x128xf32, #tpu.memory_space<vmem>>, vector<16xf32>,
          %mul3A_362 = arith.mulf %get3A_361, %gather3A_309 : vector<16xf32>
          %swap3A_363 = arith.index_cast %scan3A_307 : i32 to index
          %swap3A_364 = arith.constant 112 : index
          %swap3A_365 = tpu.vector_load %arg21[%swap3A_363, %swap3A_364] {strides = array<i32>} : memref<32x144xf32, #tpu.memory_space<vmem>>, vector<16xf32>,
          tpu.vector_store %arg21[%swap3A_363, %swap3A_364], %mul3A_362 {strides = array<i32>} : memref<32x144xf32, #tpu.memory_space<vmem>>, vector<16xf32>,
          %eq3A_366 = arith.constant 0 : i32
          %eq3A_367 = vector.broadcast %eq3A_366 : i32 to vector<16xi32>
          %eq3A_368 = arith.cmpi eq, %iota3A, %eq3A_367 : vector<16xi32>
          %jit3A_369 = arith.constant 0.000000e+00 : f32
          %broadcast_in_dim3A_370 = vector.broadcast %jit3A_369 : f32 to vector<16xf32>
          %select_n3A_371 = arith.select %eq3A_368, %gather3A_309, %broadcast_in_dim3A_370 : vector<16xi1>, vector<16xf32>
          %swap3A_372 = arith.index_cast %scan3A_307 : i32 to index
          %swap3A_373 = arith.constant 128 : index
          %swap3A_374 = tpu.vector_load %arg21[%swap3A_372, %swap3A_373] {strides = array<i32>} : memref<32x144xf32, #tpu.memory_space<vmem>>, vector<16xf32>,
          tpu.vector_store %arg21[%swap3A_372, %swap3A_373], %select_n3A_371 {strides = array<i32>} : memref<32x144xf32, #tpu.memory_space<vmem>>, vector<16xf32>,
          %scan3A_375 = arith.constant 0 : i32
          %scan3A_376 = arith.constant 3 : i32
          %scan3A_377 = arith.addi %scan3A_167, %scan3A_376 : i32
          %broadcast_in_dim3A_378 = vector.broadcast %scan3A_377 : i32 to vector<16xi32>
          %gather3A_379 = tpu.vector_load_idx %arg17[%broadcast_in_dim3A_378] : memref<32xf32, #tpu.memory_space<vmem>>[vector<16xi32>], vector<16xf32>,
          %get3A_380 = arith.index_cast %scan3A_377 : i32 to index
          %get3A_381 = arith.constant 0 : index
          %get3A_382 = tpu.vector_load %arg19[%get3A_380, %get3A_381] {strides = array<i32>} : memref<32x128xf32, #tpu.memory_space<vmem>>, vector<16xf32>,
          %mul3A_383 = arith.mulf %get3A_382, %gather3A_379 : vector<16xf32>
          %swap3A_384 = arith.index_cast %scan3A_377 : i32 to index
          %swap3A_385 = arith.constant 0 : index
          %swap3A_386 = tpu.vector_load %arg21[%swap3A_384, %swap3A_385] {strides = array<i32>} : memref<32x144xf32, #tpu.memory_space<vmem>>, vector<16xf32>,
          tpu.vector_store %arg21[%swap3A_384, %swap3A_385], %mul3A_383 {strides = array<i32>} : memref<32x144xf32, #tpu.memory_space<vmem>>, vector<16xf32>,
          %get3A_387 = arith.index_cast %scan3A_377 : i32 to index
          %get3A_388 = arith.constant 16 : index
          %get3A_389 = tpu.vector_load %arg19[%get3A_387, %get3A_388] {strides = array<i32>} : memref<32x128xf32, #tpu.memory_space<vmem>>, vector<16xf32>,
          %mul3A_390 = arith.mulf %get3A_389, %gather3A_379 : vector<16xf32>
          %swap3A_391 = arith.index_cast %scan3A_377 : i32 to index
          %swap3A_392 = arith.constant 16 : index
          %swap3A_393 = tpu.vector_load %arg21[%swap3A_391, %swap3A_392] {strides = array<i32>} : memref<32x144xf32, #tpu.memory_space<vmem>>, vector<16xf32>,
          tpu.vector_store %arg21[%swap3A_391, %swap3A_392], %mul3A_390 {strides = array<i32>} : memref<32x144xf32, #tpu.memory_space<vmem>>, vector<16xf32>,
          %get3A_394 = arith.index_cast %scan3A_377 : i32 to index
          %get3A_395 = arith.constant 32 : index
          %get3A_396 = tpu.vector_load %arg19[%get3A_394, %get3A_395] {strides = array<i32>} : memref<32x128xf32, #tpu.memory_space<vmem>>, vector<16xf32>,
          %mul3A_397 = arith.mulf %get3A_396, %gather3A_379 : vector<16xf32>
          %swap3A_398 = arith.index_cast %scan3A_377 : i32 to index
          %swap3A_399 = arith.constant 32 : index
          %swap3A_400 = tpu.vector_load %arg21[%swap3A_398, %swap3A_399] {strides = array<i32>} : memref<32x144xf32, #tpu.memory_space<vmem>>, vector<16xf32>,
          tpu.vector_store %arg21[%swap3A_398, %swap3A_399], %mul3A_397 {strides = array<i32>} : memref<32x144xf32, #tpu.memory_space<vmem>>, vector<16xf32>,
          %get3A_401 = arith.index_cast %scan3A_377 : i32 to index
          %get3A_402 = arith.constant 48 : index
          %get3A_403 = tpu.vector_load %arg19[%get3A_401, %get3A_402] {strides = array<i32>} : memref<32x128xf32, #tpu.memory_space<vmem>>, vector<16xf32>,
          %mul3A_404 = arith.mulf %get3A_403, %gather3A_379 : vector<16xf32>
          %swap3A_405 = arith.index_cast %scan3A_377 : i32 to index
          %swap3A_406 = arith.constant 48 : index
          %swap3A_407 = tpu.vector_load %arg21[%swap3A_405, %swap3A_406] {strides = array<i32>} : memref<32x144xf32, #tpu.memory_space<vmem>>, vector<16xf32>,
          tpu.vector_store %arg21[%swap3A_405, %swap3A_406], %mul3A_404 {strides = array<i32>} : memref<32x144xf32, #tpu.memory_space<vmem>>, vector<16xf32>,
          %get3A_408 = arith.index_cast %scan3A_377 : i32 to index
          %get3A_409 = arith.constant 64 : index
          %get3A_410 = tpu.vector_load %arg19[%get3A_408, %get3A_409] {strides = array<i32>} : memref<32x128xf32, #tpu.memory_space<vmem>>, vector<16xf32>,
          %mul3A_411 = arith.mulf %get3A_410, %gather3A_379 : vector<16xf32>
          %swap3A_412 = arith.index_cast %scan3A_377 : i32 to index
          %swap3A_413 = arith.constant 64 : index
          %swap3A_414 = tpu.vector_load %arg21[%swap3A_412, %swap3A_413] {strides = array<i32>} : memref<32x144xf32, #tpu.memory_space<vmem>>, vector<16xf32>,
          tpu.vector_store %arg21[%swap3A_412, %swap3A_413], %mul3A_411 {strides = array<i32>} : memref<32x144xf32, #tpu.memory_space<vmem>>, vector<16xf32>,
          %get3A_415 = arith.index_cast %scan3A_377 : i32 to index
          %get3A_416 = arith.constant 80 : index
          %get3A_417 = tpu.vector_load %arg19[%get3A_415, %get3A_416] {strides = array<i32>} : memref<32x128xf32, #tpu.memory_space<vmem>>, vector<16xf32>,
          %mul3A_418 = arith.mulf %get3A_417, %gather3A_379 : vector<16xf32>
          %swap3A_419 = arith.index_cast %scan3A_377 : i32 to index
          %swap3A_420 = arith.constant 80 : index
          %swap3A_421 = tpu.vector_load %arg21[%swap3A_419, %swap3A_420] {strides = array<i32>} : memref<32x144xf32, #tpu.memory_space<vmem>>, vector<16xf32>,
          tpu.vector_store %arg21[%swap3A_419, %swap3A_420], %mul3A_418 {strides = array<i32>} : memref<32x144xf32, #tpu.memory_space<vmem>>, vector<16xf32>,
          %get3A_422 = arith.index_cast %scan3A_377 : i32 to index
          %get3A_423 = arith.constant 96 : index
          %get3A_424 = tpu.vector_load %arg19[%get3A_422, %get3A_423] {strides = array<i32>} : memref<32x128xf32, #tpu.memory_space<vmem>>, vector<16xf32>,
          %mul3A_425 = arith.mulf %get3A_424, %gather3A_379 : vector<16xf32>
          %swap3A_426 = arith.index_cast %scan3A_377 : i32 to index
          %swap3A_427 = arith.constant 96 : index
          %swap3A_428 = tpu.vector_load %arg21[%swap3A_426, %swap3A_427] {strides = array<i32>} : memref<32x144xf32, #tpu.memory_space<vmem>>, vector<16xf32>,
          tpu.vector_store %arg21[%swap3A_426, %swap3A_427], %mul3A_425 {strides = array<i32>} : memref<32x144xf32, #tpu.memory_space<vmem>>, vector<16xf32>,
          %get3A_429 = arith.index_cast %scan3A_377 : i32 to index
          %get3A_430 = arith.constant 112 : index
          %get3A_431 = tpu.vector_load %arg19[%get3A_429, %get3A_430] {strides = array<i32>} : memref<32x128xf32, #tpu.memory_space<vmem>>, vector<16xf32>,
          %mul3A_432 = arith.mulf %get3A_431, %gather3A_379 : vector<16xf32>
          %swap3A_433 = arith.index_cast %scan3A_377 : i32 to index
          %swap3A_434 = arith.constant 112 : index
          %swap3A_435 = tpu.vector_load %arg21[%swap3A_433, %swap3A_434] {strides = array<i32>} : memref<32x144xf32, #tpu.memory_space<vmem>>, vector<16xf32>,
          tpu.vector_store %arg21[%swap3A_433, %swap3A_434], %mul3A_432 {strides = array<i32>} : memref<32x144xf32, #tpu.memory_space<vmem>>, vector<16xf32>,
          %eq3A_436 = arith.constant 0 : i32
          %eq3A_437 = vector.broadcast %eq3A_436 : i32 to vector<16xi32>
          %eq3A_438 = arith.cmpi eq, %iota3A, %eq3A_437 : vector<16xi32>
          %jit3A_439 = arith.constant 0.000000e+00 : f32
          %broadcast_in_dim3A_440 = vector.broadcast %jit3A_439 : f32 to vector<16xf32>
          %select_n3A_441 = arith.select %eq3A_438, %gather3A_379, %broadcast_in_dim3A_440 : vector<16xi1>, vector<16xf32>
          %swap3A_442 = arith.index_cast %scan3A_377 : i32 to index
          %swap3A_443 = arith.constant 128 : index
          %swap3A_444 = tpu.vector_load %arg21[%swap3A_442, %swap3A_443] {strides = array<i32>} : memref<32x144xf32, #tpu.memory_space<vmem>>, vector<16xf32>,
          tpu.vector_store %arg21[%swap3A_442, %swap3A_443], %select_n3A_441 {strides = array<i32>} : memref<32x144xf32, #tpu.memory_space<vmem>>, vector<16xf32>,
          %scan3A_445 = arith.constant 0 : i32
          scf.yield %scan3A_445 : i32
        }
        %scan3A_130 = arith.constant 32 : i32
        %get3A = arith.constant 0 : index
        %get3A_131 = tpu.vector_load %arg12[%get3A] {strides = array<i32>} : memref<32xi32, #tpu.memory_space<vmem>>, vector<16xi32>,
        %sub3A = vector.broadcast %mul3A_2 : i32 to vector<16xi32>
        %sub3A_132 = arith.subi %get3A_131, %sub3A : vector<16xi32>
        %ge3A_133 = arith.constant 0 : i32
        %ge3A_134 = vector.broadcast %ge3A_133 : i32 to vector<16xi32>
        %ge3A_135 = arith.cmpi sge, %sub3A_132, %ge3A_134 : vector<16xi32>
        %lt3A_136 = arith.constant 5000 : i32
        %lt3A_137 = vector.broadcast %lt3A_136 : i32 to vector<16xi32>
        %lt3A_138 = arith.cmpi slt, %sub3A_132, %lt3A_137 : vector<16xi32>
        %and3A = arith.andi %ge3A_135, %lt3A_138 : vector<16xi1>
        %jit3A = arith.constant 5000 : i32
        %broadcast_in_dim3A_139 = vector.broadcast %jit3A : i32 to vector<16xi32>
        %select_n3A = arith.select %and3A, %sub3A_132, %broadcast_in_dim3A_139 : vector<16xi1>, vector<16xi32>
        %swap3A = arith.constant 0 : index
        %swap3A_140 = tpu.vector_load %arg16[%swap3A] {strides = array<i32>} : memref<32xi32, #tpu.memory_space<vmem>>, vector<16xi32>,
        tpu.vector_store %arg16[%swap3A], %select_n3A {strides = array<i32>} : memref<32xi32, #tpu.memory_space<vmem>>, vector<16xi32>,
        %get3A_141 = arith.constant 16 : index
        %get3A_142 = tpu.vector_load %arg12[%get3A_141] {strides = array<i32>} : memref<32xi32, #tpu.memory_space<vmem>>, vector<16xi32>,
        %sub3A_143 = vector.broadcast %mul3A_2 : i32 to vector<16xi32>
        %sub3A_144 = arith.subi %get3A_142, %sub3A_143 : vector<16xi32>
        %ge3A_145 = arith.constant 0 : i32
        %ge3A_146 = vector.broadcast %ge3A_145 : i32 to vector<16xi32>
        %ge3A_147 = arith.cmpi sge, %sub3A_144, %ge3A_146 : vector<16xi32>
        %lt3A_148 = arith.constant 5000 : i32
        %lt3A_149 = vector.broadcast %lt3A_148 : i32 to vector<16xi32>
        %lt3A_150 = arith.cmpi slt, %sub3A_144, %lt3A_149 : vector<16xi32>
        %and3A_151 = arith.andi %ge3A_147, %lt3A_150 : vector<16xi1>
        %jit3A_152 = arith.constant 5000 : i32
        %broadcast_in_dim3A_153 = vector.broadcast %jit3A_152 : i32 to vector<16xi32>
        %select_n3A_154 = arith.select %and3A_151, %sub3A_144, %broadcast_in_dim3A_153 : vector<16xi1>, vector<16xi32>
        %swap3A_155 = arith.constant 16 : index
        %swap3A_156 = tpu.vector_load %arg16[%swap3A_155] {strides = array<i32>} : memref<32xi32, #tpu.memory_space<vmem>>, vector<16xi32>,
        tpu.vector_store %arg16[%swap3A_155], %select_n3A_154 {strides = array<i32>} : memref<32xi32, #tpu.memory_space<vmem>>, vector<16xi32>,
        %dma_start3A_157 = arith.constant 0 : i32
        %dma_start3A_158 = arith.constant 0 : i32
        %dma_start3A_159 = tpu.memref_slice %arg30[%dma_start3A_157, %dma_start3A_158] : memref<5120x144xf32, #tpu.memory_space<vmem_shared>> -> memref<5120x144xf32, #tpu.memory_space<vmem_shared>>
        tpu.enqueue_indirect_dma source(%arg21 : memref<32x144xf32, #tpu.memory_space<vmem>>) target(%dma_start3A_159 : memref<5120x144xf32, #tpu.memory_space<vmem_shared>>) offsets(%arg16 : memref<32xi32, #tpu.memory_space<vmem>>) semaphore(%arg29 : memref<!tpu.dma_semaphore, #tpu.memory_space<semaphore_mem>>) {add = true}
        %add3A_160 = arith.constant 2 : i32
        %add3A_161 = arith.addi %add3A_93, %add3A_160 : i32
        %lt3A_162 = arith.constant 625 : i32
        %lt3A_163 = arith.cmpi slt, %add3A_161, %lt3A_162 : i32
        %convert_element_type3A_164 = arith.extui %lt3A_163 : i1 to i32
        %cond3A_165 = arith.constant 0 : i32
        %cond3A_166 = arith.cmpi ne, %convert_element_type3A_164, %cond3A_165 : i32
        scf.if %cond3A_166 {
          %add3A_167 = arith.constant 2 : i32
          %add3A_168 = arith.addi %add3A_93, %add3A_167 : i32
          %mul3A_169 = arith.constant 32 : i32
          %mul3A_170 = arith.muli %add3A_168, %mul3A_169 : i32
          %add3A_171 = arith.addi %mul3A_0, %mul3A_170 : i32
          %dma_start3A_172 = tpu.memref_slice %arg2[%add3A_171] : memref<320000xi32, #tpu.memory_space<hbm>> -> memref<32xi32, #tpu.memory_space<hbm>>
          %dma_start3A_173 = tpu.memref_slice %arg2[%add3A_171] : memref<320000xi32, #tpu.memory_space<hbm>> -> memref<32xi32, #tpu.memory_space<hbm>>
          tpu.enqueue_dma source(%dma_start3A_173 : memref<32xi32, #tpu.memory_space<hbm>>) target(%arg10 : memref<32xi32, #tpu.memory_space<vmem>>) target_semaphore(%arg25 : memref<!tpu.dma_semaphore, #tpu.memory_space<semaphore_mem>>)
          %mul3A_174 = arith.constant 32 : i32
          %mul3A_175 = arith.muli %add3A_168, %mul3A_174 : i32
          %add3A_176 = arith.addi %mul3A_0, %mul3A_175 : i32
          %dma_start3A_177 = tpu.memref_slice %arg3[%add3A_176] : memref<320000xi32, #tpu.memory_space<hbm>> -> memref<32xi32, #tpu.memory_space<hbm>>
          %dma_start3A_178 = tpu.memref_slice %arg3[%add3A_176] : memref<320000xi32, #tpu.memory_space<hbm>> -> memref<32xi32, #tpu.memory_space<hbm>>
          tpu.enqueue_dma source(%dma_start3A_178 : memref<32xi32, #tpu.memory_space<hbm>>) target(%arg12 : memref<32xi32, #tpu.memory_space<vmem>>) target_semaphore(%arg25 : memref<!tpu.dma_semaphore, #tpu.memory_space<semaphore_mem>>)
          %mul3A_179 = arith.constant 32 : i32
          %mul3A_180 = arith.muli %add3A_168, %mul3A_179 : i32
          %add3A_181 = arith.addi %mul3A_0, %mul3A_180 : i32
          %dma_start3A_182 = tpu.memref_slice %arg4[%add3A_181] : memref<320000xf32, #tpu.memory_space<hbm>> -> memref<32xf32, #tpu.memory_space<hbm>>
          %dma_start3A_183 = tpu.memref_slice %arg4[%add3A_181] : memref<320000xf32, #tpu.memory_space<hbm>> -> memref<32xf32, #tpu.memory_space<hbm>>
          tpu.enqueue_dma source(%dma_start3A_183 : memref<32xf32, #tpu.memory_space<hbm>>) target(%arg14 : memref<32xf32, #tpu.memory_space<vmem>>) target_semaphore(%arg25 : memref<!tpu.dma_semaphore, #tpu.memory_space<semaphore_mem>>)
        } else {
        }
      } else {
      }
      %scan3A_99 = arith.constant 0 : i32
      scf.yield %scan3A_99 : i32
    }
    %scan3A_59 = arith.constant 313 : i32
    %dma_wait3A_60 = arith.constant 0 : i32
    %dma_wait3A_61 = arith.constant 0 : i32
    %dma_wait3A_62 = tpu.memref_slice %arg7[%dma_wait3A_60, %dma_wait3A_61] : memref<5120x144xf32, #tpu.memory_space<hbm>> -> memref<32x144xf32, #tpu.memory_space<hbm>>
    %dma_wait3A_63 = arith.constant 0 : i32
    %dma_wait3A_64 = arith.constant 0 : i32
    %dma_wait3A_65 = tpu.memref_slice %arg7[%dma_wait3A_63, %dma_wait3A_64] : memref<5120x144xf32, #tpu.memory_space<hbm>> -> memref<32x144xf32, #tpu.memory_space<hbm>>
    tpu.wait_dma2 semaphore(%arg29 : memref<!tpu.dma_semaphore, #tpu.memory_space<semaphore_mem>>) src(%dma_wait3A_65 : memref<32x144xf32, #tpu.memory_space<hbm>>) dst(%arg21 : memref<32x144xf32, #tpu.memory_space<vmem>>)
    %dma_wait3A_66 = arith.constant 0 : i32
    %dma_wait3A_67 = arith.constant 0 : i32
    %dma_wait3A_68 = tpu.memref_slice %arg7[%dma_wait3A_66, %dma_wait3A_67] : memref<5120x144xf32, #tpu.memory_space<hbm>> -> memref<32x144xf32, #tpu.memory_space<hbm>>
    %dma_wait3A_69 = arith.constant 0 : i32
    %dma_wait3A_70 = arith.constant 0 : i32
    %dma_wait3A_71 = tpu.memref_slice %arg7[%dma_wait3A_69, %dma_wait3A_70] : memref<5120x144xf32, #tpu.memory_space<hbm>> -> memref<32x144xf32, #tpu.memory_space<hbm>>
    tpu.wait_dma2 semaphore(%arg28 : memref<!tpu.dma_semaphore, #tpu.memory_space<semaphore_mem>>) src(%dma_wait3A_71 : memref<32x144xf32, #tpu.memory_space<hbm>>) dst(%arg20 : memref<32x144xf32, #tpu.memory_space<vmem>>)
    %barrier3A_72 = arith.constant 0 : index
    tpu.barrier barrier_id(%barrier3A_72)
    %eq3A = arith.constant 0 : i32
    %eq3A_73 = arith.cmpi eq, %arg0, %eq3A : i32
    %convert_element_type3A = arith.extui %eq3A_73 : i1 to i32
    %cond3A = arith.constant 0 : i32
    %cond3A_74 = arith.cmpi ne, %convert_element_type3A, %cond3A : i32
    scf.if %cond3A_74 {
      %mul3A_80 = arith.constant 320 : i32
      %mul3A_81 = arith.muli %arg1, %mul3A_80 : i32
      %mul3A_82 = arith.constant 320 : i32
      %mul3A_83 = arith.muli %arg1, %mul3A_82 : i32
      "tpu.region"() ({
        %run_scoped3A_84 = tpu.sem_alloc : memref<!tpu.dma_semaphore, #tpu.memory_space<semaphore_mem>>
        %dma_start3A_85 = arith.constant 0 : i32
        %dma_start3A_86 = tpu.memref_slice %arg7[%mul3A_83, %dma_start3A_85] : memref<5120x144xf32, #tpu.memory_space<hbm>> -> memref<320x144xf32, #tpu.memory_space<hbm>>
        %dma_start3A_87 = arith.constant 0 : i32
        %dma_start3A_88 = tpu.memref_slice %arg30[%mul3A_81, %dma_start3A_87] : memref<5120x144xf32, #tpu.memory_space<vmem_shared>> -> memref<320x144xf32, #tpu.memory_space<vmem_shared>>
        tpu.enqueue_dma source(%dma_start3A_88 : memref<320x144xf32, #tpu.memory_space<vmem_shared>>) target(%dma_start3A_86 : memref<320x144xf32, #tpu.memory_space<hbm>>) target_semaphore(%run_scoped3A_84 : memref<!tpu.dma_semaphore, #tpu.memory_space<semaphore_mem>>)
        %dma_wait3A_89 = arith.constant 0 : i32
        %dma_wait3A_90 = tpu.memref_slice %arg7[%mul3A_83, %dma_wait3A_89] : memref<5120x144xf32, #tpu.memory_space<hbm>> -> memref<320x144xf32, #tpu.memory_space<hbm>>
        %dma_wait3A_91 = arith.constant 0 : i32
        %dma_wait3A_92 = tpu.memref_slice %arg30[%mul3A_81, %dma_wait3A_91] : memref<5120x144xf32, #tpu.memory_space<vmem_shared>> -> memref<320x144xf32, #tpu.memory_space<vmem_shared>>
        tpu.wait_dma2 semaphore(%run_scoped3A_84 : memref<!tpu.dma_semaphore, #tpu.memory_space<semaphore_mem>>) src(%dma_wait3A_92 : memref<320x144xf32, #tpu.memory_space<vmem_shared>>) dst(%dma_wait3A_90 : memref<320x144xf32, #tpu.memory_space<hbm>>)
        tpu.yield
      }) : () -> ()
    } else {
    }
    %eq3A_75 = arith.constant 1 : i32
    %eq3A_76 = arith.cmpi eq, %arg0, %eq3A_75 : i32
    %convert_element_type3A_77 = arith.extui %eq3A_76 : i1 to i32
    %cond3A_78 = arith.constant 0 : i32
    %cond3A_79 = arith.cmpi ne, %convert_element_type3A_77, %cond3A_78 : i32
    scf.if %cond3A_79 {
      %mul3A_80 = arith.constant 320 : i32
      %mul3A_81 = arith.muli %arg1, %mul3A_80 : i32
      %mul3A_82 = arith.constant 320 : i32
      %mul3A_83 = arith.muli %arg1, %mul3A_82 : i32
      "tpu.region"() ({
        %run_scoped3A_84 = tpu.sem_alloc : memref<!tpu.dma_semaphore, #tpu.memory_space<semaphore_mem>>
        %dma_start3A_85 = arith.constant 0 : i32
        %dma_start3A_86 = tpu.memref_slice %arg8[%mul3A_83, %dma_start3A_85] : memref<5120x144xf32, #tpu.memory_space<hbm>> -> memref<320x144xf32, #tpu.memory_space<hbm>>
        %dma_start3A_87 = arith.constant 0 : i32
        %dma_start3A_88 = tpu.memref_slice %arg30[%mul3A_81, %dma_start3A_87] : memref<5120x144xf32, #tpu.memory_space<vmem_shared>> -> memref<320x144xf32, #tpu.memory_space<vmem_shared>>
        tpu.enqueue_dma source(%dma_start3A_88 : memref<320x144xf32, #tpu.memory_space<vmem_shared>>) target(%dma_start3A_86 : memref<320x144xf32, #tpu.memory_space<hbm>>) target_semaphore(%run_scoped3A_84 : memref<!tpu.dma_semaphore, #tpu.memory_space<semaphore_mem>>)
        %dma_wait3A_89 = arith.constant 0 : i32
        %dma_wait3A_90 = tpu.memref_slice %arg8[%mul3A_83, %dma_wait3A_89] : memref<5120x144xf32, #tpu.memory_space<hbm>> -> memref<320x144xf32, #tpu.memory_space<hbm>>
        %dma_wait3A_91 = arith.constant 0 : i32
        %dma_wait3A_92 = tpu.memref_slice %arg30[%mul3A_81, %dma_wait3A_91] : memref<5120x144xf32, #tpu.memory_space<vmem_shared>> -> memref<320x144xf32, #tpu.memory_space<vmem_shared>>
        tpu.wait_dma2 semaphore(%run_scoped3A_84 : memref<!tpu.dma_semaphore, #tpu.memory_space<semaphore_mem>>) src(%dma_wait3A_92 : memref<320x144xf32, #tpu.memory_space<vmem_shared>>) dst(%dma_wait3A_90 : memref<320x144xf32, #tpu.memory_space<hbm>>)
        tpu.yield
      }) : () -> ()
    } else {
    }
    return
  }
}

module attributes {stable_mosaic.version = 14 : i64} {
  func.func @_p0_body(%arg0: i32, %arg1: memref<1000x128xf32, #tpu.memory_space<vmem>>, %arg2: memref<1000x128xf32, #tpu.memory_space<vmem>>, %arg3: memref<1000x16xf32, #tpu.memory_space<vmem>>, %arg4: memref<128x128xf32, #tpu.memory_space<vmem>>, %arg5: memref<128x128xf32, #tpu.memory_space<vmem>>, %arg6: memref<16x128xf32, #tpu.memory_space<vmem>>, %arg7: memref<1x128xf32, #tpu.memory_space<vmem>>, %arg8: memref<1000x128xf32, #tpu.memory_space<vmem>>, %arg9: memref<1000x128xf32, #tpu.memory_space<vmem>>, %arg10: memref<1000x128xf32, #tpu.memory_space<vmem>>, %arg11: memref<1000x128xf32, #tpu.memory_space<vmem>>) attributes {dimension_semantics = [#tpu.dimension_semantics<arbitrary>], iteration_bounds = array<i64: 10>, scalar_prefetch = 0 : i64, scratch_operands = 0 : i64, tpu.core_type = #tpu.core_type<tc>, window_params = [{transform_indices = @transform_0, window_bounds = array<i64: 1000, 128>}, {transform_indices = @transform_1, window_bounds = array<i64: 1000, 128>}, {transform_indices = @transform_2, window_bounds = array<i64: 1000, 16>}, {pipeline_mode = #tpu.pipeline_mode<synchronous>, transform_indices = @transform_3, window_bounds = array<i64: 128, 128>}, {pipeline_mode = #tpu.pipeline_mode<synchronous>, transform_indices = @transform_4, window_bounds = array<i64: 128, 128>}, {pipeline_mode = #tpu.pipeline_mode<synchronous>, transform_indices = @transform_5, window_bounds = array<i64: 16, 128>}, {pipeline_mode = #tpu.pipeline_mode<synchronous>, transform_indices = @transform_6, window_bounds = array<i64: 1, 128>}, {transform_indices = @transform_7, window_bounds = array<i64: 1000, 128>}, {transform_indices = @transform_8, window_bounds = array<i64: 1000, 128>}, {transform_indices = @transform_9, window_bounds = array<i64: 1000, 128>}, {transform_indices = @transform_10, window_bounds = array<i64: 1000, 128>}]} {
    %get3A = arith.constant 0 : index
    %get3A_0 = arith.constant 0 : index
    %get3A_1 = vector.load %arg1[%get3A, %get3A_0] : memref<1000x128xf32, #tpu.memory_space<vmem>>, vector<1000x128xf32>
    %get3A_2 = arith.constant 0 : index
    %get3A_3 = arith.constant 0 : index
    %get3A_4 = vector.load %arg4[%get3A_2, %get3A_3] : memref<128x128xf32, #tpu.memory_space<vmem>>, vector<128x128xf32>
    %dot_general3A = arith.constant dense<0.000000e+00> : vector<1000x128xf32>
    %dot_general3A_5 = tpu.matmul %get3A_1, %get3A_4, %dot_general3A {dimension_numbers = #tpu.dot_dimension_numbers<[1], [0], [0], [1], [0, 0, 1, 1], [], []>, transpose_lhs_hint = false} : vector<1000x128xf32>, vector<128x128xf32>, vector<1000x128xf32> -> vector<1000x128xf32>
    %swap3A = arith.constant 0 : index
    %swap3A_6 = arith.constant 0 : index
    %swap3A_7 = vector.load %arg8[%swap3A, %swap3A_6] : memref<1000x128xf32, #tpu.memory_space<vmem>>, vector<1000x128xf32>
    tpu.vector_store %arg8[%swap3A, %swap3A_6], %dot_general3A_5 {strides = array<i32>} : memref<1000x128xf32, #tpu.memory_space<vmem>>, vector<1000x128xf32>,
    %get3A_8 = arith.constant 0 : index
    %get3A_9 = arith.constant 0 : index
    %get3A_10 = vector.load %arg5[%get3A_8, %get3A_9] : memref<128x128xf32, #tpu.memory_space<vmem>>, vector<128x128xf32>
    %dot_general3A_11 = arith.constant dense<0.000000e+00> : vector<1000x128xf32>
    %dot_general3A_12 = tpu.matmul %get3A_1, %get3A_10, %dot_general3A_11 {dimension_numbers = #tpu.dot_dimension_numbers<[1], [0], [0], [1], [0, 0, 1, 1], [], []>, transpose_lhs_hint = false} : vector<1000x128xf32>, vector<128x128xf32>, vector<1000x128xf32> -> vector<1000x128xf32>
    %swap3A_13 = arith.constant 0 : index
    %swap3A_14 = arith.constant 0 : index
    %swap3A_15 = vector.load %arg9[%swap3A_13, %swap3A_14] : memref<1000x128xf32, #tpu.memory_space<vmem>>, vector<1000x128xf32>
    tpu.vector_store %arg9[%swap3A_13, %swap3A_14], %dot_general3A_12 {strides = array<i32>} : memref<1000x128xf32, #tpu.memory_space<vmem>>, vector<1000x128xf32>,
    %get3A_16 = arith.constant 0 : index
    %get3A_17 = arith.constant 0 : index
    %get3A_18 = vector.load %arg2[%get3A_16, %get3A_17] : memref<1000x128xf32, #tpu.memory_space<vmem>>, vector<1000x128xf32>
    %get3A_19 = arith.constant 0 : index
    %get3A_20 = arith.constant 0 : index
    %get3A_21 = vector.load %arg4[%get3A_19, %get3A_20] : memref<128x128xf32, #tpu.memory_space<vmem>>, vector<128x128xf32>
    %dot_general3A_22 = arith.constant dense<0.000000e+00> : vector<1000x128xf32>
    %dot_general3A_23 = tpu.matmul %get3A_18, %get3A_21, %dot_general3A_22 {dimension_numbers = #tpu.dot_dimension_numbers<[1], [0], [0], [1], [0, 0, 1, 1], [], []>, transpose_lhs_hint = false} : vector<1000x128xf32>, vector<128x128xf32>, vector<1000x128xf32> -> vector<1000x128xf32>
    %swap3A_24 = arith.constant 0 : index
    %swap3A_25 = arith.constant 0 : index
    %swap3A_26 = vector.load %arg10[%swap3A_24, %swap3A_25] : memref<1000x128xf32, #tpu.memory_space<vmem>>, vector<1000x128xf32>
    tpu.vector_store %arg10[%swap3A_24, %swap3A_25], %dot_general3A_23 {strides = array<i32>} : memref<1000x128xf32, #tpu.memory_space<vmem>>, vector<1000x128xf32>,
    %get3A_27 = arith.constant 0 : index
    %get3A_28 = arith.constant 0 : index
    %get3A_29 = vector.load %arg3[%get3A_27, %get3A_28] : memref<1000x16xf32, #tpu.memory_space<vmem>>, vector<1000x16xf32>
    %get3A_30 = arith.constant 0 : index
    %get3A_31 = arith.constant 0 : index
    %get3A_32 = vector.load %arg6[%get3A_30, %get3A_31] : memref<16x128xf32, #tpu.memory_space<vmem>>, vector<16x128xf32>
    %dot_general3A_33 = arith.constant dense<0.000000e+00> : vector<1000x128xf32>
    %dot_general3A_34 = tpu.matmul %get3A_29, %get3A_32, %dot_general3A_33 {dimension_numbers = #tpu.dot_dimension_numbers<[1], [0], [0], [1], [0, 0, 1, 1], [], []>, transpose_lhs_hint = false} : vector<1000x16xf32>, vector<16x128xf32>, vector<1000x128xf32> -> vector<1000x128xf32>
    %get3A_35 = arith.constant 0 : index
    %get3A_36 = arith.constant 0 : index
    %get3A_37 = vector.load %arg7[%get3A_35, %get3A_36] : memref<1x128xf32, #tpu.memory_space<vmem>>, vector<1x128xf32>
    %add3A = vector.broadcast %get3A_37 : vector<1x128xf32> to vector<1000x128xf32>
    %add3A_38 = arith.addf %dot_general3A_34, %add3A : vector<1000x128xf32>
    %swap3A_39 = arith.constant 0 : index
    %swap3A_40 = arith.constant 0 : index
    %swap3A_41 = vector.load %arg11[%swap3A_39, %swap3A_40] : memref<1000x128xf32, #tpu.memory_space<vmem>>, vector<1000x128xf32>
    tpu.vector_store %arg11[%swap3A_39, %swap3A_40], %add3A_38 {strides = array<i32>} : memref<1000x128xf32, #tpu.memory_space<vmem>>, vector<1000x128xf32>,
    return
  }
  func.func @transform_0(%arg0: i32) -> (i32, i32) {
    %c0_i32 = arith.constant 0 : i32
    %c0_i32_0 = arith.constant 0 : i32
    return %arg0, %c0_i32 : i32, i32
  }
  func.func @transform_1(%arg0: i32) -> (i32, i32) {
    %c0_i32 = arith.constant 0 : i32
    %c0_i32_0 = arith.constant 0 : i32
    return %arg0, %c0_i32 : i32, i32
  }
  func.func @transform_2(%arg0: i32) -> (i32, i32) {
    %c0_i32 = arith.constant 0 : i32
    %c0_i32_0 = arith.constant 0 : i32
    return %arg0, %c0_i32 : i32, i32
  }
  func.func @transform_3(%arg0: i32) -> (i32, i32) {
    %c0_i32 = arith.constant 0 : i32
    %c0_i32_0 = arith.constant 0 : i32
    %c0_i32_1 = arith.constant 0 : i32
    return %c0_i32, %c0_i32_0 : i32, i32
  }
  func.func @transform_4(%arg0: i32) -> (i32, i32) {
    %c0_i32 = arith.constant 0 : i32
    %c0_i32_0 = arith.constant 0 : i32
    %c0_i32_1 = arith.constant 0 : i32
    return %c0_i32, %c0_i32_0 : i32, i32
  }
  func.func @transform_5(%arg0: i32) -> (i32, i32) {
    %c0_i32 = arith.constant 0 : i32
    %c0_i32_0 = arith.constant 0 : i32
    %c0_i32_1 = arith.constant 0 : i32
    return %c0_i32, %c0_i32_0 : i32, i32
  }
  func.func @transform_6(%arg0: i32) -> (i32, i32) {
    %c0_i32 = arith.constant 0 : i32
    %c0_i32_0 = arith.constant 0 : i32
    %c0_i32_1 = arith.constant 0 : i32
    return %c0_i32, %c0_i32_0 : i32, i32
  }
  func.func @transform_7(%arg0: i32) -> (i32, i32) {
    %c0_i32 = arith.constant 0 : i32
    %c0_i32_0 = arith.constant 0 : i32
    return %arg0, %c0_i32 : i32, i32
  }
  func.func @transform_8(%arg0: i32) -> (i32, i32) {
    %c0_i32 = arith.constant 0 : i32
    %c0_i32_0 = arith.constant 0 : i32
    return %arg0, %c0_i32 : i32, i32
  }
  func.func @transform_9(%arg0: i32) -> (i32, i32) {
    %c0_i32 = arith.constant 0 : i32
    %c0_i32_0 = arith.constant 0 : i32
    return %arg0, %c0_i32 : i32, i32
  }
  func.func @transform_10(%arg0: i32) -> (i32, i32) {
    %c0_i32 = arith.constant 0 : i32
    %c0_i32_0 = arith.constant 0 : i32
    return %arg0, %c0_i32 : i32, i32
  }
}

module attributes {stable_mosaic.version = 14 : i64} {
  func.func @_p2_body(%arg0: memref<32x10000xf32, #tpu.memory_space<vmem>>, %arg1: memref<1x10000xf32, #tpu.memory_space<vmem>>) attributes {dimension_semantics = [], scalar_prefetch = 0 : i64, scratch_operands = 0 : i64, tpu.core_type = #tpu.core_type<tc>} {
    %get3A = arith.constant 0 : index
    %get3A_0 = arith.constant 0 : index
    %get3A_1 = vector.load %arg0[%get3A, %get3A_0] : memref<32x10000xf32, #tpu.memory_space<vmem>>, vector<32x10000xf32>
    %reduce_max3A = arith.constant dense<0xFF800000> : vector<10000xf32>
    %reduce_max3A_2 = vector.multi_reduction <maximumf>, %get3A_1, %reduce_max3A [0] : vector<32x10000xf32> to vector<10000xf32>
    %broadcast_in_dim3A = vector.shape_cast %reduce_max3A_2 : vector<10000xf32> to vector<1x10000xf32>
    %is_finite3A = tpu.weird %broadcast_in_dim3A : vector<1x10000xf32> -> vector<1x10000xi1>
    %is_finite3A_3 = arith.constant dense<true> : vector<1x10000xi1>
    %is_finite3A_4 = arith.xori %is_finite3A, %is_finite3A_3 : vector<1x10000xi1>
    %jit3A = arith.constant 0.000000e+00 : f32
    %broadcast_in_dim3A_5 = vector.broadcast %jit3A : f32 to vector<1x10000xf32>
    %select_n3A = arith.select %is_finite3A_4, %broadcast_in_dim3A, %broadcast_in_dim3A_5 : vector<1x10000xi1>, vector<1x10000xf32>
    %swap3A = arith.constant 0 : index
    %swap3A_6 = arith.constant 0 : index
    %swap3A_7 = vector.load %arg1[%swap3A, %swap3A_6] : memref<1x10000xf32, #tpu.memory_space<vmem>>, vector<1x10000xf32>
    tpu.vector_store %arg1[%swap3A, %swap3A_6], %select_n3A {strides = array<i32>} : memref<1x10000xf32, #tpu.memory_space<vmem>>, vector<1x10000xf32>,
    return
  }
}

module attributes {stable_mosaic.version = 14 : i64} {
  func.func @_p4_body(%arg0: i32, %arg1: memref<1000x144xf32, #tpu.memory_space<vmem>>, %arg2: memref<1x128xf32, #tpu.memory_space<vmem>>, %arg3: memref<1x128xf32, #tpu.memory_space<vmem>>, %arg4: memref<1x128xf32, #tpu.memory_space<vmem>>, %arg5: memref<1000x128xf32, #tpu.memory_space<vmem>>) attributes {dimension_semantics = [#tpu.dimension_semantics<arbitrary>], iteration_bounds = array<i64: 10>, scalar_prefetch = 0 : i64, scratch_operands = 0 : i64, tpu.core_type = #tpu.core_type<tc>, window_params = [{transform_indices = @transform_0, window_bounds = array<i64: 1000, 144>}, {pipeline_mode = #tpu.pipeline_mode<synchronous>, transform_indices = @transform_1, window_bounds = array<i64: 1, 128>}, {pipeline_mode = #tpu.pipeline_mode<synchronous>, transform_indices = @transform_2, window_bounds = array<i64: 1, 128>}, {pipeline_mode = #tpu.pipeline_mode<synchronous>, transform_indices = @transform_3, window_bounds = array<i64: 1, 128>}, {transform_indices = @transform_4, window_bounds = array<i64: 1000, 128>}]} {
    %get3A = arith.constant 0 : index
    %get3A_0 = arith.constant 0 : index
    %get3A_1 = vector.load %arg1[%get3A, %get3A_0] : memref<1000x144xf32, #tpu.memory_space<vmem>>, vector<1000x144xf32>
    %slice3A = vector.extract_strided_slice %get3A_1 {offsets = [0, 0], sizes = [1000, 128], strides = [1, 1]} : vector<1000x144xf32> to vector<1000x128xf32>
    %slice3A_2 = vector.extract_strided_slice %get3A_1 {offsets = [0, 128], sizes = [1000, 1], strides = [1, 1]} : vector<1000x144xf32> to vector<1000x1xf32>
    %max3A = arith.constant 1.000000e-16 : f32
    %max3A_3 = vector.broadcast %max3A : f32 to vector<1000x1xf32>
    %max3A_4 = arith.maximumf %slice3A_2, %max3A_3 : vector<1000x1xf32>
    %div3A = vector.broadcast %max3A_4 : vector<1000x1xf32> to vector<1000x128xf32>
    %div3A_5 = arith.divf %slice3A, %div3A : vector<1000x128xf32>
    %get3A_6 = arith.constant 0 : index
    %get3A_7 = arith.constant 0 : index
    %get3A_8 = vector.load %arg2[%get3A_6, %get3A_7] : memref<1x128xf32, #tpu.memory_space<vmem>>, vector<1x128xf32>
    %add3A = vector.broadcast %get3A_8 : vector<1x128xf32> to vector<1000x128xf32>
    %add3A_9 = arith.addf %div3A_5, %add3A : vector<1000x128xf32>
    %gt3A = arith.constant 0.000000e+00 : f32
    %gt3A_10 = vector.broadcast %gt3A : f32 to vector<1000x128xf32>
    %gt3A_11 = arith.cmpf ogt, %add3A_9, %gt3A_10 : vector<1000x128xf32>
    %mul3A = arith.constant 0.00999999977 : f32
    %mul3A_12 = vector.broadcast %mul3A : f32 to vector<1000x128xf32>
    %mul3A_13 = arith.mulf %mul3A_12, %add3A_9 : vector<1000x128xf32>
    %select_n3A = arith.select %gt3A_11, %add3A_9, %mul3A_13 : vector<1000x128xi1>, vector<1000x128xf32>
    %reduce_sum3A = arith.constant dense<0.000000e+00> : vector<1000xf32>
    %reduce_sum3A_14 = vector.multi_reduction <add>, %select_n3A, %reduce_sum3A [1] : vector<1000x128xf32> to vector<1000xf32>
    %broadcast_in_dim3A = vector.shape_cast %reduce_sum3A_14 : vector<1000xf32> to vector<1000x1xf32>
    %div3A_15 = arith.constant 1.280000e+02 : f32
    %div3A_16 = vector.broadcast %div3A_15 : f32 to vector<1000x1xf32>
    %div3A_17 = arith.divf %broadcast_in_dim3A, %div3A_16 : vector<1000x1xf32>
    %sub3A = vector.broadcast %div3A_17 : vector<1000x1xf32> to vector<1000x128xf32>
    %sub3A_18 = arith.subf %select_n3A, %sub3A : vector<1000x128xf32>
    %integer_pow3A = arith.mulf %sub3A_18, %sub3A_18 : vector<1000x128xf32>
    %reduce_sum3A_19 = arith.constant dense<0.000000e+00> : vector<1000xf32>
    %reduce_sum3A_20 = vector.multi_reduction <add>, %integer_pow3A, %reduce_sum3A_19 [1] : vector<1000x128xf32> to vector<1000xf32>
    %broadcast_in_dim3A_21 = vector.shape_cast %reduce_sum3A_20 : vector<1000xf32> to vector<1000x1xf32>
    %div3A_22 = arith.constant 1.280000e+02 : f32
    %div3A_23 = vector.broadcast %div3A_22 : f32 to vector<1000x1xf32>
    %div3A_24 = arith.divf %broadcast_in_dim3A_21, %div3A_23 : vector<1000x1xf32>
    %sub3A_25 = vector.broadcast %div3A_17 : vector<1000x1xf32> to vector<1000x128xf32>
    %sub3A_26 = arith.subf %select_n3A, %sub3A_25 : vector<1000x128xf32>
    %add3A_27 = arith.constant 9.99999974E-6 : f32
    %add3A_28 = vector.broadcast %add3A_27 : f32 to vector<1000x1xf32>
    %add3A_29 = arith.addf %div3A_24, %add3A_28 : vector<1000x1xf32>
    %rsqrt3A = math.rsqrt %add3A_29 : vector<1000x1xf32>
    %mul3A_30 = vector.broadcast %rsqrt3A : vector<1000x1xf32> to vector<1000x128xf32>
    %mul3A_31 = arith.mulf %sub3A_26, %mul3A_30 : vector<1000x128xf32>
    %get3A_32 = arith.constant 0 : index
    %get3A_33 = arith.constant 0 : index
    %get3A_34 = vector.load %arg3[%get3A_32, %get3A_33] : memref<1x128xf32, #tpu.memory_space<vmem>>, vector<1x128xf32>
    %mul3A_35 = vector.broadcast %get3A_34 : vector<1x128xf32> to vector<1000x128xf32>
    %mul3A_36 = arith.mulf %mul3A_31, %mul3A_35 : vector<1000x128xf32>
    %get3A_37 = arith.constant 0 : index
    %get3A_38 = arith.constant 0 : index
    %get3A_39 = vector.load %arg4[%get3A_37, %get3A_38] : memref<1x128xf32, #tpu.memory_space<vmem>>, vector<1x128xf32>
    %add3A_40 = vector.broadcast %get3A_39 : vector<1x128xf32> to vector<1000x128xf32>
    %add3A_41 = arith.addf %mul3A_36, %add3A_40 : vector<1000x128xf32>
    %swap3A = arith.constant 0 : index
    %swap3A_42 = arith.constant 0 : index
    %swap3A_43 = vector.load %arg5[%swap3A, %swap3A_42] : memref<1000x128xf32, #tpu.memory_space<vmem>>, vector<1000x128xf32>
    tpu.vector_store %arg5[%swap3A, %swap3A_42], %add3A_41 {strides = array<i32>} : memref<1000x128xf32, #tpu.memory_space<vmem>>, vector<1000x128xf32>,
    return
  }
  func.func @transform_0(%arg0: i32) -> (i32, i32) {
    %c0_i32 = arith.constant 0 : i32
    %c0_i32_0 = arith.constant 0 : i32
    return %arg0, %c0_i32 : i32, i32
  }
  func.func @transform_1(%arg0: i32) -> (i32, i32) {
    %c0_i32 = arith.constant 0 : i32
    %c0_i32_0 = arith.constant 0 : i32
    %c0_i32_1 = arith.constant 0 : i32
    return %c0_i32, %c0_i32_0 : i32, i32
  }
  func.func @transform_2(%arg0: i32) -> (i32, i32) {
    %c0_i32 = arith.constant 0 : i32
    %c0_i32_0 = arith.constant 0 : i32
    %c0_i32_1 = arith.constant 0 : i32
    return %c0_i32, %c0_i32_0 : i32, i32
  }
  func.func @transform_3(%arg0: i32) -> (i32, i32) {
    %c0_i32 = arith.constant 0 : i32
    %c0_i32_0 = arith.constant 0 : i32
    %c0_i32_1 = arith.constant 0 : i32
    return %c0_i32, %c0_i32_0 : i32, i32
  }
  func.func @transform_4(%arg0: i32) -> (i32, i32) {
    %c0_i32 = arith.constant 0 : i32
    %c0_i32_0 = arith.constant 0 : i32
    return %arg0, %c0_i32 : i32, i32
  }
}

</mosaic_0001>

<sc_bundles>
// kernel: kernel.10.cloned.1.call-start
scs
__scs_entry_jumppad:
0x0: {  	(pc) =	sbr.rel $0x88, $3  }
0x1: {  	(tag) =	ssettag $0x0;
	lr =	simm.s32 $0x1  }
0x2: {  	[smem:$0x3F96] =	sst lr;
	_ =	strace $0xD0000000  }
0x3: {  	_ = 	snop  }
0x4: {  	_ = 	snop  }
0x5: {  	_ = 	snop  }
0x6: {  	_ = 	snop  }
0x7: {  	_ = 	snop  }
__scs_overlays_trampoline_lowered:
0x8: {  	[smem:$0x3FA5] =	sst s0  }
0x9: {  	[smem:$0x3FA6] =	sst s1  }
0xa: {  	[smem:$0x3FA7] =	sst s2  }
0xb: {  	[smem:$0x3FA8] =	sst s3  }
0xc: {  	[smem:$0x3FA9] =	sst s4  }
0xd: {  	[smem:$0x3FAA] =	sst s5  }
0xe: {  	[smem:$0x3FAB] =	sst s6  }
0xf: {  	[smem:$0x3FAC] =	sst s7  }
0x10: {  	[smem:$0x3FAD] =	sst s8  }
0x11: {  	[smem:$0x3FAE] =	sst s9;
	s0 =	simm.s32 @!p0 $0x0  }
0x12: {  	s1 =	sld [smem:$0x3F94];
	s0 =	simm.s32 @p0 $0x1  }
0x13: {  	[smem:$0x3FAF] =	sst s0;
	s0 =	simm.s32 @!p1 $0x0  }
0x14: {  	s2 =	sld [smem:$0x3F93];
	s0 =	simm.s32 @p1 $0x1  }
0x15: {  	[smem:$0x3FB0] =	sst s0;
	s0 =	simm.s32 @!p2 $0x0  }
0x16: {  	s3 =	sld [smem:$0x3FDB];
	s0 =	simm.s32 @p2 $0x1  }
0x17: {  	s4 =	simm.s32 $0x1BF5;
	[smem:$0x3FB2] =	sst s0  }
0x18: {  	s0 =	sld [smem:$0x3F95];
	_ =	swait.ge [sflag:s4], $0x0  }
0x19: {  	s7 =	sld [smem:$0x3F96]  }
0x1a: {  	s8 =	sadd.s32 $0xFFFFE003, lr  }
0x1b: {  	s9 =	sadd.s32 $0xFFFFFEF7, lr;
	s5 =	simm.s32 $0xFFFFFFFF;
	p2 =	slt.u32 s8, $0xFFFFF086  }
0x1c: {  	p1 =	slt.u32 s9, $0xF7A;
	s5 =	simm.s32 @!p2 $0x0  }
0x1d: {  	s5 =	simm.s32 @p1 $0x1;
	p0 =	seq.s32 s7, s2  }
0x1e: {  	s7 =	smul.u32 @!p0 $0xF7A, s2;
	p2 =	seq.s32 @!p0 s5, $0x0  }
0x1f: {  	s9 =	smul.u32 $0xF7A, s1;
	s8 =	simm.s32 @!p0 $0x1BF5;
	p2 =	por !p2, p0  }
0x20: {  	[sflag:s8] =	ssyncset.s32 @!p0 $0xFFFFF086;
	s6 =	sadd.s32 @!p0 s3, s7;
	s7 =	simm.s32 @!p0 $0x108  }
0x21: {  	s3 =	sadd.s32 s3, s9;
	s6 =	sadd.s32 @!p0 $0x88, s6;
	s7 =	simm.s32 @p2 $0x1082  }
0x22: {  	[simem:s7], [sflag:s8] =	dma.local @!p0 [hbm:s6], $0xF7A  }
0x23: {  	s9 =	sor.u32 $0xD0000000, s2;
	s6 =	simm.s32 $0x108;
	_ =	swait.ge @!p0 [sflag:s8], $0x0  }
0x24: {  	s3 =	sadd.s32 $0x88, s3;
	s6 =	simm.s32 @!p1 $0x1082;
	[sflag:s4] =	ssyncset.s32 $0xFFFFF086  }
0x25: {  	[simem:s6], [sflag:s4] =	dma.local [hbm:s3], $0xF7A  }
0x26: {  	[smem:$0x3F96] =	sst s1;
	(tag) =	ssettag s2;
	_ =	strace s9  }
0x27: {  	s1 =	sld [smem:$0x3FA6]  }
0x28: {  	s2 =	sld [smem:$0x3FA7]  }
0x29: {  	s4 =	sld [smem:$0x3FA9]  }
0x2a: {  	p0 =	seq.s32 s5, $0x0;
	s5 =	sld [smem:$0x3FAA]  }
0x2b: {  	s6 =	sld [smem:$0x3FAB]  }
0x2c: {  	s7 =	sld [smem:$0x3FAC]  }
0x2d: {  	s3 =	simm.s32 $0x108;
	s8 =	sld [smem:$0x3FAD]  }
0x2e: {  	s3 =	simm.s32 @!p0 $0x1082;
	s9 =	sld [smem:$0x3FAE]  }
0x2f: {  	lr =	sadd.s32 s0, s3;
	s0 =	sld [smem:$0x3FA5]  }
0x30: {  	s3 =	sld [smem:$0x3FA8]  }
0x31: {  	[smem:$0x3FB1] =	sst s10  }
0x32: {  	s10 =	sld [smem:$0x3FAF];
	_ =	sdelay $0x3  }
0x33: {  	p0 =	seq.s32 s10, $0x1;
	s10 =	sld [smem:$0x3FB1];
	_ =	sdelay $0x3  }
0x34: {  	[smem:$0x3FB1] =	sst s10  }
0x35: {  	s10 =	sld [smem:$0x3FB0];
	_ =	sdelay $0x3  }
0x36: {  	p1 =	seq.s32 s10, $0x1;
	s10 =	sld [smem:$0x3FB1];
	_ =	sdelay $0x3  }
0x37: {  	[smem:$0x3FB1] =	sst s10  }
0x38: {  	s10 =	sld [smem:$0x3FB2]  }
0x39: {  	_ = 	snop;
	(pc) =	sbr.ind lr, $3  }
0x3a: {  	_ = 	snop  }
0x3b: {  	_ = 	snop  }
0x3c: {  	p2 =	seq.s32 s10, $0x1;
	s10 =	sld [smem:$0x3FB1]  }
0x3d: {  	_ =	shalt  }
0x3e: {  	_ =	shalt  }
0x3f: {  	_ =	shalt  }
0x40: {  	_ =	shalt  }
0x41: {  	_ =	shalt  }
0x42: {  	_ =	shalt  }
0x43: {  	_ =	shalt  }
0x44: {  	_ =	shalt  }
0x45: {  	_ =	shalt  }
0x46: {  	_ =	shalt  }
0x47: {  	_ =	shalt  }
0x48: {  	_ =	shalt  }
0x49: {  	_ =	shalt  }
0x4a: {  	_ =	shalt  }
0x4b: {  	_ =	shalt  }
0x4c: {  	_ =	shalt  }
0x4d: {  	_ =	shalt  }
0x4e: {  	_ =	shalt  }
0x4f: {  	_ =	shalt  }
0x50: {  	_ =	shalt  }
0x51: {  	_ =	shalt  }
0x52: {  	_ =	shalt  }
0x53: {  	_ =	shalt  }
0x54: {  	_ =	shalt  }
0x55: {  	_ =	shalt  }
0x56: {  	_ =	shalt  }
0x57: {  	_ =	shalt  }
0x58: {  	_ =	shalt  }
0x59: {  	_ =	shalt  }
0x5a: {  	_ =	shalt  }
0x5b: {  	_ =	shalt  }
0x5c: {  	_ =	shalt  }
0x5d: {  	_ =	shalt  }
0x5e: {  	_ =	shalt  }
0x5f: {  	_ =	shalt  }
0x60: {  	_ =	shalt  }
0x61: {  	_ =	shalt  }
0x62: {  	_ =	shalt  }
0x63: {  	_ =	shalt  }
0x64: {  	_ =	shalt  }
0x65: {  	_ =	shalt  }
0x66: {  	_ =	shalt  }
0x67: {  	_ =	shalt  }
0x68: {  	_ =	shalt  }
0x69: {  	_ =	shalt  }
0x6a: {  	_ =	shalt  }
0x6b: {  	_ =	shalt  }
0x6c: {  	_ =	shalt  }
0x6d: {  	_ =	shalt  }
0x6e: {  	_ =	shalt  }
0x6f: {  	_ =	shalt  }
0x70: {  	_ =	shalt  }
0x71: {  	_ =	shalt  }
0x72: {  	_ =	shalt  }
0x73: {  	_ =	shalt  }
0x74: {  	_ =	shalt  }
0x75: {  	_ =	shalt  }
0x76: {  	_ =	shalt  }
0x77: {  	_ =	shalt  }
0x78: {  	_ =	shalt  }
0x79: {  	_ =	shalt  }
0x7a: {  	_ =	shalt  }
0x7b: {  	_ =	shalt  }
0x7c: {  	_ =	shalt  }
0x7d: {  	_ =	shalt  }
0x7e: {  	_ =	shalt  }
0x7f: {  	_ =	shalt  }
0x80: {  	_ =	shalt  }
0x81: {  	_ =	shalt  }
0x82: {  	_ =	shalt  }
0x83: {  	_ =	shalt  }
0x84: {  	_ =	shalt  }
0x85: {  	_ =	shalt  }
0x86: {  	_ =	shalt  }
0x87: {  	_ =	shalt  }
.Lfunc_end0:
.L_simem_size_0:
called_computation.1_lowered:
.L_overlay_start_0:
0x88: {  	s2 =	sld [smem:$0x3FD9]  }
0x89: {  	s3 =	sld [smem:$0x3FFE];
	_ =	sdelay $0x1  }
0x8a: {  	s1 =	srdreg.scid  }
0x8b: {  	s0 =	sand.u32 $0x1, s1  }
0x8c: {  	s17 =	sshll.u32 s0, $0xA;
	s2 =	sadd.s32 s3, s2  }
0x8d: {  	s2 =	sadd.s32 s2, s17  }
0x8e: {  	[smem:$0x3FBD] =	sst s2  }
0x8f: {  	_ = 	snop  }
0x90: {  	s2 =	sld [smem:$0x3FD0];
	(tm) =	ssettm $0x1  }
0x91: {  	s18 =	sld [smem:$0x3FFB];
	_ =	sdelay $0x3  }
0x92: {  	_ =	strace s18  }
0x93: {  	s3 =	sld [smem:$0x3FFC];
	_ =	sdelay $0x3  }
0x94: {  	_ =	strace s3  }
0x95: {  	s3 =	sld [smem:$0x3FFD];
	_ =	sdelay $0x3  }
0x96: {  	_ =	strace s3  }
0x97: {  	_ =	strace $0x8FFFFFFF  }
0x98: {  	s19 =	sld [smem:$0x3FDB];
	_ =	sdelay $0x1  }
0x99: {  	s4 =	simm.s32 $_scs_section_size  }
0x9a: {  	s5 =	simm.s32 $_size__tile_overlayer_lowered;
	s6 =	simm.s32 $_tile_overlayer_lowered  }
0x9b: {  	s22 =	simm.s32 $0x1BFF;
	s21 =	sshll.u32 s6, $0x1;
	s3 =	sadd.s32 s4, s19  }
0x9c: {  	s7 =	simm.s32 $0x0;
	s20 =	sshll.u32 s5, $0x1;
	s5 =	sadd.s32 s21, s3  }
0x9d: {  	[timem:s7], [sflag:s22] =	dma.local [hbm:s5], s20  }
0x9e: {  	_ =	swait.ge [sflag:s22], s20  }
0x9f: {  	s4 =	ssub.s32 $0x0, s20;
	[sflag:s22] =	ssyncset.done $0x0  }
0xa0: {  	[sflag:s22] =	ssyncadd.s32 s4;
	_ =	sdelay $0x1  }
0xa1: {  	s23 =	simm.s32 $0x1B8B  }
0xa2: {  	_ =	swait.ge [sflag:s23], $0x1  }
0xa3: {  	[sflag:s23] =	ssyncset.done $0x0  }
0xa4: {  	s25 =	simm.s32 $0x1B8E;
	s24 =	sld [smem:$0x3FFE];
	[sflag:s23] =	ssyncadd.s32 $0xFFFFFFFF  }
0xa5: {  	s26 =	simm.s32 $execute0_lowered;
	[smem:$0x3FD2] =	sst s25  }
0xa6: {  	s5 =	sshll.u32 s26, $0x1;
	_ =	strace $0x80000049;
	[dreg:$0x1] =	wrdreg $0xFFFFFFFF  }
0xa7: {  	s28 =	simm.s32 $_size_execute0_lowered;
	s3 =	sadd.s32 s3, s5;
	[dreg:$0x0] =	wrdreg $0x0  }
0xa8: {  	s5 =	sshll.u32 s28, $0x1;
	[dreg:$0x2] =	wrdreg s3  }
0xa9: {  	[dreg:$0x3] =	wrdreg s5  }
0xaa: {  	[dreg:$0x4] =	wrdreg $0xC0  }
0xab: {  	_ =	task [dreg:s7], $0x5FFFF  }
0xac: {  	[dreg:$0x1] =	wrdreg $0xFFFFFFFF  }
0xad: {  	[dreg:$0x0] =	wrdreg $0x60  }
0xae: {  	[dreg:$0x2] =	wrdreg s24  }
0xaf: {  	[dreg:$0x3] =	wrdreg s2  }
0xb0: {  	[dreg:$0x4] =	wrdreg $0x75300  }
0xb1: {  	[dreg:$0x5] =	wrdreg $0x9  }
0xb2: {  	_ =	task.clear_ibuf [dreg:s7], $0x6FFFF;
	_ =	strace $0x90000049  }
0xb3: {  	s29 =	simm.s32 $0x9;
	_ =	strace $0x8000004B  }
0xb4: {  	_ =	swait.ge [sflag:s29], $0x1  }
0xb5: {  	[sflag:s29] =	ssyncadd.s32 $0xFFFFFFFF  }
0xb6: {  	_ =	strace $0x9000004B  }
0xb7: {  	_ =	sfence  }
0xb8: {  	s30 =	sld [smem:$0x0];
	_ =	sdelay $0x2  }
0xb9: {  	s31 =	sshll.u32 s1, $0xD;
	s1 =	sshrl.u32 s1, $0x2  }
0xba: {  	s3 =	sand.u32 $0x4000, s31;
	s1 =	sadd.s32 s1, s30  }
0xbb: {  	s0 =	sor.u32 s3, s0;
	s1 =	sshll.u32 s1, $0x11  }
0xbc: {  	s0 =	sor.u32 s1, s0  }
0xbd: {  	s0 =	sadd.s32 $0x8F2B, s0  }
0xbe: {  	[sflag:s0] =	ssyncadd.remote.s32 $0x1  }
0xbf: {  	_ =	sfence.sel $0xFFFF  }
0xc0: {  	[dreg:$0x0] =	wrdreg $0xFFFFFFFF;
	(pc) =	sbr.abs _section_cstart, $3  }
0xc1: {  	[dreg:$0x1] =	wrdreg $0xFFFFFFFF  }
0xc2: {  	_ =	task.clear_ibuf [dreg:s7], $0x2FFFF;
	_ =	strace $0x9FFFFFFF  }
0xc3: {  	(tm) =	ssettm $0x7FFFFFFF  }
tec
execute0_lowered:
.L_overlay_start_1:
0x0: {  	(tag) =	ssettag $0x1  }
0x1: {  	s0 =	rddreg [dreg:$0x0]  }
0x2: {  	s3 =	rddreg [dreg:$0x1]  }
0x3: {  	s1 =	rddreg [dreg:$0x2];
	s2 =	simm.s32 $0x0;
	s7 =	srdreg.scid  }
0x4: {  	s14 =	stileid.u32;
	s30 =	simm.s32 $0x1;
	s31 =	simm.s32 $0x120  }
0x5: {  	s28 =	simm.s32 $0x100;
	s29 =	simm.s32 $0xC0;
	[smem:$0x7FF] =	sst s2  }
0x6: {  	s4 =	sadd.s32 $0x15A00, s0;
	s5 =	sadd.s32 $0xBC00, s0;
	s9 =	smul.u32 $0x4E20, s14  }
0x7: {  	s6 =	sadd.s32 $0x9EC00, s0;
	s7 =	sand.u32 $0x1, s7;
	s21 =	smul.u32 $0xB400, s14  }
0x8: {  	s8 =	sadd.s32 $0x1E00, s0;
	s22 =	smul.u32 $0x2D000, s14;
	_ =	strace $0x8000004A  }
0x9: {  	[dreg:$0x4] =	wrdreg s8;
	s8 =	sadd.s32 $0x6DC00, s0;
	s10 =	ssub.s32 $0x2, s7  }
0xa: {  	s0 =	sadd.s32 $0x1F800, s0;
	p0 =	seq.s32 s7, $0x1;
	s11 =	sshrl.u32 s10, $0x1  }
0xb: {  	s12 =	sshrl.u32 s9, $0x3;
	s15 =	sadd.s32 $0x40, s9;
	s16 =	sadd.s32 $0x60, s9  }
0xc: {  	s23 =	sshrl.u32 s21, $0x3;
	s24 =	sadd.s32 s21, s1;
	s3 =	smov.u32 @p0 s0  }
0xd: {  	s25 =	sshrl.u32 s22, $0x2;
	s21 =	simm.s32 $0x7;
	s13 =	sadd.s32 s4, s12  }
0xe: {  	s22 =	simm.s32 $0x6C30;
	s17 =	sadd.s32 s5, s12;
	[dreg:$0x5] =	wrdreg s13  }
0xf: {  	s0 =	simm.s32 $0x3;
	s18 =	sadd.s32 s6, s12;
	[dreg:$0x6] =	wrdreg s17  }
0x10: {  	s9 =	simm.s32 $0x5;
	s3 =	sadd.s32 s3, s23;
	[dreg:$0x7] =	wrdreg s18  }
0x11: {  	s12 =	sadd.s32 $0x4, s12;
	s26 =	sshrl.u32 s24, $0x3;
	[dreg:$0xc] =	wrdreg s3  }
0x12: {  	s10 =	ssub.s32 s10, s11;
	s19 =	sadd.s32 s4, s12;
	[dreg:$0xd] =	wrdreg s26  }
0x13: {  	s11 =	smul.u32 $0x1388, s7;
	s20 =	sadd.s32 s5, s12;
	[dreg:$0x8] =	wrdreg s19  }
.Ltmp0:
0x14: {  	s12 =	sadd.s32 s6, s12;
	[dreg:$0x9] =	wrdreg s20;
	(pc) =	sbr.rel .LBB2_1-.Ltmp0, $4  }
0x15: {  	s23 =	simm.s32 $0x40;
	s10 =	smax.u32 s10, $0x1;
	[dreg:$0xa] =	wrdreg s12  }
0x16: {  	s26 =	simm.s32 $0x20;
	s3 =	simm.s32 $0x2120;
	[dreg:$0xb] =	wrdreg s10  }
0x17: {  	s19 =	sadd.s32 s25, s1;
	s20 =	simm.s32 $0x4520;
	s25 =	simm.s32 $0x80  }
0x18: {  	v1 =	vimm.f32 $0.0e+00;
	vm0 =	vmmov $0x1;
	s10 =	simm.s32 $0x4;
	v0 =	vmov s11;
	s12 =	simm.s32 $0x3320;
	s11 =	simm.s32 $0x0  }
.LBB2_17:
0x19: {  	s7 =	simm.s32 $0x6  }
0x1a: {  	_ =	swait.ge [sflag:s7], $0x1200  }
0x1b: {  	[sflag:s7] =	ssyncset.done $0x0  }
0x1c: {  	[sflag:s7] =	ssyncadd.s32 $0xFFFFEE00  }
0x1d: {  	_ =	swait.ge [sflag:s9], $0x1200  }
0x1e: {  	[sflag:s9] =	ssyncset.done $0x0  }
0x1f: {  	[sflag:s9] =	ssyncadd.s32 $0xFFFFEE00  }
0x20: {  	s17 =	stileid.u32;
	[bflag:$0x0] =	sbarrier.arrive $0xFFFF  }
0x21: {  	s7 =	sshll.u32 s17, $0x6;
	s11 =	rddreg [dreg:$0xc]  }
0x22: {  	s7 =	sor.u32 $0x1C07, s7;
	s13 =	rddreg [dreg:$0xd]  }
0x23: {  	[hbm:s11], [sflag:s7] =	dma.local [spmem:s13], $0x1680  }
0x24: {  	_ =	swait.ge [sflag:s21], $0x1680  }
0x25: {  	s18 =	rddreg [dreg:$0xe]  }
0x26: {  	s24 =	rddreg [dreg:$0xb];
	s11 =	sadd.s32 $0x1, s18  }
0x27: {  	p0 =	sne.s32 s11, s24  }
.Ltmp1:
0x28: {  	_ = 	snop;
	(pc) =	sbr.rel @!p0 .LBB2_18-.Ltmp1, $3  }
0x29: {  	_ =	sdelay $0x1  }
0x2a: {  	[sflag:s21] =	ssyncset.done $0x0  }
0x2b: {  	[sflag:s21] =	ssyncadd.s32 $0xFFFFE980  }
.LBB2_1:
0x2c: {  	s7 =	rddreg [dreg:$0x4]  }
0x2d: {  	[tilespmem:s20], [sflag:$0x7] =	stream.linear.gather [hbm4b:s7+s2], $0x2710, $0x38;
	[tilespmem:$0x12930] =	vst v63  }
0x2e: {  	_ =	swait.ge [sflag:s21], $0x2710  }
0x2f: {  	[sflag:s21] =	ssyncset.done $0x0  }
0x30: {  	s13 =	simm.s32 $0x240;
	s7 =	simm.s32 $0x0;
	[sflag:s21] =	ssyncadd.s32 $0xFFFFD8F0  }
.LBB2_2:
0x31: {  	p0 =	sne.s32 s13, $0x21C0;
	[tilespmem:s7+$0x6CB0] =	vst v1  }
0x32: {  	[tilespmem:s7+$0x6C30] =	vst v1  }
0x33: {  	[tilespmem:s7+$0x6C40] =	vst v1  }
0x34: {  	[tilespmem:s7+$0x6C50] =	vst v1  }
.Ltmp2:
0x35: {  	[tilespmem:s7+$0x6C60] =	vst v1;
	(pc) =	sbr.rel @p0 .LBB2_2-.Ltmp2, $4  }
0x36: {  	[tilespmem:s7+$0x6C70] =	vst v1  }
0x37: {  	[tilespmem:s7+$0x6C80] =	vst v1  }
0x38: {  	[tilespmem:s7+$0x6C90] =	vst v1  }
0x39: {  	[tilespmem:s7+$0x6CA0] =	vst v1;
	s7 =	sshra.s32 s13, $0x2;
	s13 =	sadd.s32 $0x240, s13  }
0x3a: {  	[tilespmem:s7+$0x6CB0] =	vst v1  }
0x3b: {  	[tilespmem:s7+$0x6C30] =	vst v1  }
0x3c: {  	[tilespmem:s7+$0x6C40] =	vst v1  }
0x3d: {  	[tilespmem:s7+$0x6C50] =	vst v1  }
0x3e: {  	[tilespmem:s7+$0x6C60] =	vst v1  }
0x3f: {  	[tilespmem:s7+$0x6C70] =	vst v1  }
0x40: {  	[tilespmem:s7+$0x6C80] =	vst v1  }
0x41: {  	[tilespmem:s7+$0x6C90] =	vst v1  }
0x42: {  	[dreg:$0xe] =	wrdreg s11;
	[tilespmem:s7+$0x6CA0] =	vst v1;
	s24 =	sadd.s32 $0x0, s19  }
0x43: {  	[spmem:s24] =	stream.linear.scatter [tilespmem:s22], [sflag:$0x7], $0x900, $0x38;
	[tilespmem:$0x12930] =	vst v63  }
0x44: {  	s7 =	simm.s32 $0x2400;
	_ =	swait.ge [sflag:s21], $0x900  }
.LBB2_4:
0x45: {  	s13 =	sshra.s32 s7, $0x2;
	[sflag:s21] =	ssyncset.done $0x0;
	p0 =	sne.s32 s7, $0x2AC00  }
.Ltmp3:
0x46: {  	s13 =	sadd.s32 s13, s19;
	[sflag:s21] =	ssyncadd.s32 $0xFFFFF700;
	(pc) =	sbr.rel @p0 .LBB2_4-.Ltmp3, $3  }
0x47: {  	[spmem:s13] =	stream.linear.scatter [tilespmem:s22], [sflag:$0x7], $0x900, $0x38;
	[tilespmem:$0x12930] =	vst v63  }
0x48: {  	s7 =	sadd.s32 $0x2400, s7;
	_ =	sdelay $0x1  }
0x49: {  	_ =	swait.ge [sflag:s21], $0x900  }
0x4a: {  	[sflag:s21] =	ssyncset.done $0x0  }
0x4b: {  	[sflag:s21] =	ssyncadd.s32 $0xFFFFF700  }
0x4c: {  	[bflag:$0x0] =	sbarrier.arrive $0xFFFF  }
0x4d: {  	s14 =	simm.s32 $0x0;
	s7 =	rddreg [dreg:$0x5]  }
0x4e: {  	[tilespmem:s14], [sflag:$0x1] =	stream.linear.gather [hbm4b:s7+s14], $0x20, $0x38;
	[tilespmem:$0x12930] =	vst v63  }
0x4f: {  	s24 =	rddreg [dreg:$0x6]  }
0x50: {  	[tilespmem:s23], [sflag:$0x1] =	stream.linear.gather [hbm4b:s24+s14], $0x20, $0x38;
	[tilespmem:$0x12930] =	vst v63  }
0x51: {  	s11 =	rddreg [dreg:$0x7]  }
0x52: {  	[tilespmem:s25], [sflag:$0x1] =	stream.linear.gather [hbm4b:s11+s14], $0x20, $0x38;
	[tilespmem:$0x12930] =	vst v63  }
0x53: {  	s13 =	rddreg [dreg:$0x8]  }
0x54: {  	[tilespmem:s26], [sflag:$0x2] =	stream.linear.gather [hbm4b:s13+s14], $0x20, $0x38;
	[tilespmem:$0x12930] =	vst v63  }
0x55: {  	s17 =	rddreg [dreg:$0x9];
	s11 =	simm.s32 $0x60  }
0x56: {  	[tilespmem:s11], [sflag:$0x2] =	stream.linear.gather [hbm4b:s17+s14], $0x20, $0x38;
	[tilespmem:$0x12930] =	vst v63  }
0x57: {  	s18 =	rddreg [dreg:$0xa];
	s24 =	simm.s32 $0xA0  }
0x58: {  	[tilespmem:s24], [sflag:$0x2] =	stream.linear.gather [hbm4b:s18+s14], $0x20, $0x38;
	[tilespmem:$0x12930] =	vst v63  }
0x59: {  	_ =	swait.ge [sflag:s30], $0x20  }
0x5a: {  	[sflag:s30] =	ssyncset.done $0x0  }
0x5b: {  	[sflag:s30] =	ssyncadd.s32 $0xFFFFFFE0  }
0x5c: {  	_ =	swait.ge [sflag:s30], $0x20  }
0x5d: {  	[sflag:s30] =	ssyncset.done $0x0  }
.Ltmp4:
0x5e: {  	[sflag:s30] =	ssyncadd.s32 $0xFFFFFFE0;
	(pc) =	sbr.rel .LBB2_6-.Ltmp4, $4  }
0x5f: {  	_ =	swait.ge [sflag:s30], $0x20  }
0x60: {  	[sflag:s30] =	ssyncset.done $0x0  }
0x61: {  	[sflag:s30] =	ssyncadd.s32 $0xFFFFFFE0  }
0x62: {  	[tilespmem:s31], [sflag:$0x3] =	stream.indirect.gather [hbm4b:s8+s26], $0x80, s14, s26, $0xb8;
	[tilespmem:$0x12930] =	vst v63  }
.LBB2_16:
0x63: {  	s14 =	sadd.s32 $0x1, s14  }
.LBB2_6:
0x64: {  	p0 =	sgt.u32 s14, $0x137  }
0x65: {  	s7 =	simm.s32 @!p0 $0x2  }
0x66: {  	_ =	swait.ge @!p0 [sflag:s7], $0x20  }
0x67: {  	[sflag:s7] =	ssyncset.done @!p0 $0x0  }
0x68: {  	[sflag:s7] =	ssyncadd.s32 @!p0 $0xFFFFFFE0  }
0x69: {  	p1 =	seq.s32 @!p0 s14, $0x0;
	_ =	swait.ge @!p0 [sflag:s7], $0x20  }
0x6a: {  	p1 =	por p0, !p1;
	[sflag:s7] =	ssyncset.done @!p0 $0x0  }
.Ltmp5:
0x6b: {  	[sflag:s7] =	ssyncadd.s32 @!p0 $0xFFFFFFE0;
	(pc) =	sbr.rel @!p1 .LBB2_7-.Ltmp5, $4  }
0x6c: {  	_ =	swait.ge @!p0 [sflag:s7], $0x20  }
0x6d: {  	[sflag:s7] =	ssyncset.done @!p0 $0x0  }
0x6e: {  	s13 =	simm.s32 @!p0 $0x1120;
	[sflag:s7] =	ssyncadd.s32 @!p0 $0xFFFFFFE0;
	s7 =	simm.s32 @!p0 $0x20  }
0x6f: {  	[tilespmem:s13], [sflag:$0x4] =	stream.indirect.gather @!p0 [hbm4b:s8+s7], $0x80, s7, s7, $0xb8;
	[tilespmem:$0x12930] =	vst v63  }
.Ltmp6:
0x70: {  	(pc) =	sbr.rel .LBB2_9-.Ltmp6, $4  }
0x71: {  	_ = 	snop  }
0x72: {  	_ =	swait.ge [sflag:s9], $0x1200  }
0x73: {  	[sflag:s9] =	ssyncset.done $0x0  }
0x74: {  	p1 =	por $0x0, $0x0;
	[sflag:s9] =	ssyncadd.s32 $0xFFFFEE00  }
.LBB2_7:
0x75: {  	p1 =	por @!p0 $0x1, $0x1  }
.LBB2_9:
0x76: {  	v2 =	vld [tilespmem:$0x40];
	_ =	sdelay $0x6  }
0x77: {  	v3 =	vld [tilespmem:$0x80]  }
0x78: {  	v2 =	vld.idx.msk [tilespmem:v2+s20+$0x0], $0xffff;
	_ =	sdelay $0x4  }
0x79: {  	v2 =	vsub.f32 v3, v2;
	_ =	sdelay $0x1  }
0x7a: {  	v2 =	vmul.f32 $1.442695020e+00, v2;
	_ =	sdelay $0x1  }
0x7b: {  	(erf) = vpow2.f32 v2;
	_ =	sdelay $0x2  }
0x7c: {  	v2 =	vld [tilespmem:$0x50];
	_ =	sdelay $0x5  }
0x7d: {  	v3 =	vpop (erf)  }
0x7e: {  	[tilespmem:$0x100] =	vst v3;
	v3 =	vld [tilespmem:$0x90]  }
0x7f: {  	v2 =	vld.idx.msk [tilespmem:v2+s20+$0x0], $0xffff;
	_ =	sdelay $0x4  }
0x80: {  	v2 =	vsub.f32 v3, v2;
	_ =	sdelay $0x1  }
0x81: {  	v2 =	vmul.f32 $1.442695020e+00, v2;
	_ =	sdelay $0x1  }
0x82: {  	(erf) = vpow2.f32 v2;
	_ =	sdelay $0x4  }
0x83: {  	s7 =	simm.s32 $0x0  }
0x84: {  	v2 =	vmov s7  }
0x85: {  	v2 =	vand.u32 $0xFFFFFFFC, v2  }
0x86: {  	v2 =	vbroadcast v2, $0x0  }
0x87: {  	v3 =	vpop (erf)  }
0x88: {  	[tilespmem:$0x110] =	vst v3  }
0x89: {  	_ =	swait.ge [sflag:s0], $0x1000  }
0x8a: {  	[sflag:s0] =	ssyncset.done $0x0  }
0x8b: {  	[sflag:s0] =	ssyncadd.s32 $0xFFFFF000  }
0x8c: {  	s17 =	simm.s32 $0x220;
	v2 =	vld.idx.msk [tilespmem:v2+s28+$0x0], $0xffff  }
0x8d: {  	v3 =	vld [tilespmem:s17+$0xFFFFFF00];
	_ =	sdelay $0x4  }
0x8e: {  	v3 =	vmul.f32 v3, v2  }
0x8f: {  	s18 =	simm.s32 $0x2240  }
0x90: {  	[tilespmem:s18+$0xFFFFFEE0] =	vst v3  }
0x91: {  	v3 =	vld [tilespmem:s17+$0xFFFFFF10];
	_ =	sdelay $0x4  }
0x92: {  	v3 =	vmul.f32 v3, v2;
	_ =	sdelay $0x1  }
0x93: {  	[tilespmem:s18+$0xFFFFFEF0] =	vst v3  }
0x94: {  	v3 =	vld [tilespmem:s17+$0xFFFFFF20];
	_ =	sdelay $0x4  }
0x95: {  	v3 =	vmul.f32 v3, v2;
	_ =	sdelay $0x1  }
0x96: {  	[tilespmem:s18+$0xFFFFFF00] =	vst v3  }
0x97: {  	v3 =	vld [tilespmem:s17+$0xFFFFFF30];
	_ =	sdelay $0x4  }
0x98: {  	v3 =	vmul.f32 v3, v2;
	_ =	sdelay $0x1  }
0x99: {  	[tilespmem:s18+$0xFFFFFF10] =	vst v3  }
0x9a: {  	v3 =	vld [tilespmem:s17+$0xFFFFFF40];
	_ =	sdelay $0x4  }
0x9b: {  	v3 =	vmul.f32 v3, v2;
	_ =	sdelay $0x1  }
0x9c: {  	[tilespmem:s18+$0xFFFFFF20] =	vst v3  }
0x9d: {  	v3 =	vld [tilespmem:s17+$0xFFFFFF50];
	_ =	sdelay $0x4  }
0x9e: {  	v3 =	vmul.f32 v3, v2;
	_ =	sdelay $0x1  }
0x9f: {  	[tilespmem:s18+$0xFFFFFF30] =	vst v3  }
0xa0: {  	v3 =	vld [tilespmem:s17+$0xFFFFFF60];
	_ =	sdelay $0x4  }
0xa1: {  	v3 =	vmul.f32 v3, v2;
	_ =	sdelay $0x1  }
0xa2: {  	s11 =	simm.s32 $0x1;
	[tilespmem:s18+$0xFFFFFF40] =	vst v3  }
0xa3: {  	v4 =	vmov s11;
	v3 =	vld [tilespmem:s17+$0xFFFFFF70]  }
0xa4: {  	v4 =	vand.u32 $0xFFFFFFFD, v4  }
0xa5: {  	v4 =	vbroadcast v4, $0x0;
	_ =	sdelay $0x2  }
0xa6: {  	v3 =	vmul.f32 v3, v2;
	v2 =	vnsel vm0, $0x0, v2  }
0xa7: {  	[tilespmem:s18+$0xFFFFFF60] =	vst v2  }
0xa8: {  	[tilespmem:s18+$0xFFFFFF50] =	vst v3  }
0xa9: {  	v2 =	vld.idx.msk [tilespmem:v4+s28+$0x0], $0xffff  }
0xaa: {  	v3 =	vld [tilespmem:s17+$0xFFFFFF80];
	_ =	sdelay $0x4  }
0xab: {  	v3 =	vmul.f32 v3, v2;
	_ =	sdelay $0x1  }
0xac: {  	[tilespmem:s18+$0xFFFFFF70] =	vst v3  }
0xad: {  	v3 =	vld [tilespmem:s17+$0xFFFFFF90];
	_ =	sdelay $0x4  }
0xae: {  	v3 =	vmul.f32 v3, v2;
	_ =	sdelay $0x1  }
0xaf: {  	[tilespmem:s18+$0xFFFFFF80] =	vst v3  }
0xb0: {  	v3 =	vld [tilespmem:s17+$0xFFFFFFA0];
	_ =	sdelay $0x4  }
0xb1: {  	v3 =	vmul.f32 v3, v2;
	_ =	sdelay $0x1  }
0xb2: {  	[tilespmem:s18+$0xFFFFFF90] =	vst v3  }
0xb3: {  	v3 =	vld [tilespmem:s17+$0xFFFFFFB0];
	_ =	sdelay $0x4  }
0xb4: {  	v3 =	vmul.f32 v3, v2;
	_ =	sdelay $0x1  }
0xb5: {  	[tilespmem:s18+$0xFFFFFFA0] =	vst v3  }
0xb6: {  	v3 =	vld [tilespmem:s17+$0xFFFFFFC0];
	_ =	sdelay $0x4  }
0xb7: {  	v3 =	vmul.f32 v3, v2;
	_ =	sdelay $0x1  }
0xb8: {  	[tilespmem:s18+$0xFFFFFFB0] =	vst v3  }
0xb9: {  	v3 =	vld [tilespmem:s17+$0xFFFFFFD0];
	_ =	sdelay $0x4  }
0xba: {  	v3 =	vmul.f32 v3, v2;
	_ =	sdelay $0x1  }
0xbb: {  	[tilespmem:s18+$0xFFFFFFC0] =	vst v3  }
0xbc: {  	v3 =	vld [tilespmem:s17+$0xFFFFFFE0];
	_ =	sdelay $0x4  }
0xbd: {  	v3 =	vmul.f32 v3, v2;
	_ =	sdelay $0x1  }
0xbe: {  	s13 =	simm.s32 $0x2;
	[tilespmem:s18+$0xFFFFFFD0] =	vst v3  }
0xbf: {  	v4 =	vmov s13;
	v3 =	vld [tilespmem:s17+$0xFFFFFFF0]  }
0xc0: {  	v4 =	vand.u32 $0xFFFFFFFE, v4  }
0xc1: {  	v4 =	vbroadcast v4, $0x0;
	_ =	sdelay $0x2  }
0xc2: {  	v3 =	vmul.f32 v3, v2;
	v2 =	vnsel vm0, $0x0, v2  }
0xc3: {  	[tilespmem:s18+$0xFFFFFFF0] =	vst v2  }
0xc4: {  	[tilespmem:s18+$0xFFFFFFE0] =	vst v3  }
0xc5: {  	v2 =	vld.idx.msk [tilespmem:v4+s28+$0x0], $0xffff  }
0xc6: {  	v3 =	vld [tilespmem:s17+$0x0];
	_ =	sdelay $0x4  }
0xc7: {  	v3 =	vmul.f32 v3, v2;
	_ =	sdelay $0x1  }
0xc8: {  	[tilespmem:s18+$0x0] =	vst v3  }
0xc9: {  	v3 =	vld [tilespmem:s17+$0x10];
	_ =	sdelay $0x4  }
0xca: {  	v3 =	vmul.f32 v3, v2;
	_ =	sdelay $0x1  }
0xcb: {  	[tilespmem:s18+$0x10] =	vst v3  }
0xcc: {  	v3 =	vld [tilespmem:s17+$0x20];
	_ =	sdelay $0x4  }
0xcd: {  	v3 =	vmul.f32 v3, v2;
	_ =	sdelay $0x1  }
0xce: {  	[tilespmem:s18+$0x20] =	vst v3  }
0xcf: {  	v3 =	vld [tilespmem:s17+$0x30];
	_ =	sdelay $0x4  }
0xd0: {  	v3 =	vmul.f32 v3, v2;
	_ =	sdelay $0x1  }
0xd1: {  	[tilespmem:s18+$0x30] =	vst v3  }
0xd2: {  	v3 =	vld [tilespmem:s17+$0x40];
	_ =	sdelay $0x4  }
0xd3: {  	v3 =	vmul.f32 v3, v2;
	_ =	sdelay $0x1  }
0xd4: {  	[tilespmem:s18+$0x40] =	vst v3  }
0xd5: {  	v3 =	vld [tilespmem:s17+$0x50];
	_ =	sdelay $0x4  }
0xd6: {  	v3 =	vmul.f32 v3, v2;
	_ =	sdelay $0x1  }
0xd7: {  	[tilespmem:s18+$0x50] =	vst v3  }
0xd8: {  	v3 =	vld [tilespmem:s17+$0x60];
	_ =	sdelay $0x4  }
0xd9: {  	v3 =	vmul.f32 v3, v2;
	_ =	sdelay $0x1  }
0xda: {  	[tilespmem:s18+$0x60] =	vst v3  }
0xdb: {  	v3 =	vld [tilespmem:s17+$0x70];
	_ =	sdelay $0x1  }
0xdc: {  	s24 =	simm.s32 $0x3  }
0xdd: {  	v4 =	vmov s24;
	_ =	sdelay $0x1  }
0xde: {  	v3 =	vmul.f32 v3, v2;
	v2 =	vnsel vm0, $0x0, v2  }
0xdf: {  	[tilespmem:s18+$0x80] =	vst v2  }
0xe0: {  	[tilespmem:s18+$0x70] =	vst v3  }
0xe1: {  	v2 =	vld.idx.msk [tilespmem:v4+s28+$0x0], $0xffff  }
0xe2: {  	v3 =	vld [tilespmem:s17+$0x80];
	_ =	sdelay $0x4  }
0xe3: {  	v3 =	vmul.f32 v3, v2;
	_ =	sdelay $0x1  }
0xe4: {  	[tilespmem:s18+$0x90] =	vst v3  }
0xe5: {  	v3 =	vld [tilespmem:s17+$0x90];
	_ =	sdelay $0x4  }
0xe6: {  	v3 =	vmul.f32 v3, v2;
	_ =	sdelay $0x1  }
0xe7: {  	[tilespmem:s18+$0xA0] =	vst v3  }
0xe8: {  	v3 =	vld [tilespmem:s17+$0xA0];
	_ =	sdelay $0x4  }
0xe9: {  	v3 =	vmul.f32 v3, v2;
	_ =	sdelay $0x1  }
0xea: {  	[tilespmem:s18+$0xB0] =	vst v3  }
0xeb: {  	v3 =	vld [tilespmem:s17+$0xB0];
	_ =	sdelay $0x4  }
0xec: {  	v3 =	vmul.f32 v3, v2;
	_ =	sdelay $0x1  }
0xed: {  	[tilespmem:s18+$0xC0] =	vst v3  }
0xee: {  	v3 =	vld [tilespmem:s17+$0xC0];
	_ =	sdelay $0x4  }
0xef: {  	v3 =	vmul.f32 v3, v2;
	_ =	sdelay $0x1  }
0xf0: {  	[tilespmem:s18+$0xD0] =	vst v3  }
0xf1: {  	v3 =	vld [tilespmem:s17+$0xD0];
	_ =	sdelay $0x4  }
0xf2: {  	v3 =	vmul.f32 v3, v2;
	_ =	sdelay $0x1  }
0xf3: {  	[tilespmem:s18+$0xE0] =	vst v3  }
0xf4: {  	v3 =	vld [tilespmem:s17+$0xE0];
	_ =	sdelay $0x4  }
0xf5: {  	v3 =	vmul.f32 v3, v2;
	_ =	sdelay $0x1  }
0xf6: {  	s24 =	simm.s32 $0x4;
	v5 =	vnsel vm0, $0x0, v2;
	[tilespmem:s18+$0xF0] =	vst v3  }
0xf7: {  	s7 =	simm.s32 $0x8;
	v4 =	vmov s24;
	v3 =	vld [tilespmem:s17+$0xF0];
	[tilespmem:s18+$0x110] =	vst v5  }
.LBB2_10:
0xf8: {  	p2 =	slt.u32 s7, $0x1C;
	v4 =	vand.u32 $0xFFFFFFFC, v4  }
0xf9: {  	v4 =	vbroadcast v4, $0x0;
	_ =	sdelay $0x2  }
0xfa: {  	v2 =	vmul.f32 v3, v2;
	_ =	sdelay $0x1  }
0xfb: {  	[tilespmem:s18+$0x100] =	vst v2  }
0xfc: {  	s17 =	sadd.s32 $0x200, s17;
	v2 =	vld.idx.msk [tilespmem:v4+s28+$0x0], $0xffff  }
0xfd: {  	v3 =	vld [tilespmem:s17+$0xFFFFFF00];
	_ =	sdelay $0x4  }
0xfe: {  	v3 =	vmul.f32 v3, v2  }
0xff: {  	s18 =	sadd.s32 $0x240, s18  }
0x100: {  	[tilespmem:s18+$0xFFFFFEE0] =	vst v3  }
0x101: {  	v3 =	vld [tilespmem:s17+$0xFFFFFF10];
	_ =	sdelay $0x4  }
0x102: {  	v3 =	vmul.f32 v3, v2;
	_ =	sdelay $0x1  }
0x103: {  	[tilespmem:s18+$0xFFFFFEF0] =	vst v3  }
0x104: {  	v3 =	vld [tilespmem:s17+$0xFFFFFF20];
	_ =	sdelay $0x4  }
0x105: {  	v3 =	vmul.f32 v3, v2;
	_ =	sdelay $0x1  }
0x106: {  	[tilespmem:s18+$0xFFFFFF00] =	vst v3  }
0x107: {  	v3 =	vld [tilespmem:s17+$0xFFFFFF30];
	_ =	sdelay $0x4  }
0x108: {  	v3 =	vmul.f32 v3, v2;
	_ =	sdelay $0x1  }
0x109: {  	[tilespmem:s18+$0xFFFFFF10] =	vst v3  }
0x10a: {  	v3 =	vld [tilespmem:s17+$0xFFFFFF40];
	_ =	sdelay $0x4  }
0x10b: {  	v3 =	vmul.f32 v3, v2;
	_ =	sdelay $0x1  }
0x10c: {  	[tilespmem:s18+$0xFFFFFF20] =	vst v3  }
0x10d: {  	v3 =	vld [tilespmem:s17+$0xFFFFFF50];
	_ =	sdelay $0x4  }
0x10e: {  	v3 =	vmul.f32 v3, v2;
	_ =	sdelay $0x1  }
0x10f: {  	[tilespmem:s18+$0xFFFFFF30] =	vst v3  }
0x110: {  	v3 =	vld [tilespmem:s17+$0xFFFFFF60];
	_ =	sdelay $0x4  }
0x111: {  	v3 =	vmul.f32 v3, v2;
	_ =	sdelay $0x1  }
0x112: {  	s13 =	sadd.s32 $0x1, s24;
	[tilespmem:s18+$0xFFFFFF40] =	vst v3  }
0x113: {  	v4 =	vmov s13;
	v3 =	vld [tilespmem:s17+$0xFFFFFF70]  }
0x114: {  	v4 =	vand.u32 $0xFFFFFFFD, v4  }
0x115: {  	v4 =	vbroadcast v4, $0x0;
	_ =	sdelay $0x2  }
0x116: {  	v3 =	vmul.f32 v3, v2;
	v2 =	vnsel vm0, $0x0, v2  }
0x117: {  	[tilespmem:s18+$0xFFFFFF60] =	vst v2  }
0x118: {  	[tilespmem:s18+$0xFFFFFF50] =	vst v3  }
0x119: {  	v2 =	vld.idx.msk [tilespmem:v4+s28+$0x0], $0xffff  }
0x11a: {  	v3 =	vld [tilespmem:s17+$0xFFFFFF80];
	_ =	sdelay $0x4  }
0x11b: {  	v3 =	vmul.f32 v3, v2;
	_ =	sdelay $0x1  }
0x11c: {  	[tilespmem:s18+$0xFFFFFF70] =	vst v3  }
0x11d: {  	v3 =	vld [tilespmem:s17+$0xFFFFFF90];
	_ =	sdelay $0x4  }
0x11e: {  	v3 =	vmul.f32 v3, v2;
	_ =	sdelay $0x1  }
0x11f: {  	[tilespmem:s18+$0xFFFFFF80] =	vst v3  }
0x120: {  	v3 =	vld [tilespmem:s17+$0xFFFFFFA0];
	_ =	sdelay $0x4  }
0x121: {  	v3 =	vmul.f32 v3, v2;
	_ =	sdelay $0x1  }
0x122: {  	[tilespmem:s18+$0xFFFFFF90] =	vst v3  }
0x123: {  	v3 =	vld [tilespmem:s17+$0xFFFFFFB0];
	_ =	sdelay $0x4  }
0x124: {  	v3 =	vmul.f32 v3, v2;
	_ =	sdelay $0x1  }
0x125: {  	[tilespmem:s18+$0xFFFFFFA0] =	vst v3  }
0x126: {  	v3 =	vld [tilespmem:s17+$0xFFFFFFC0];
	_ =	sdelay $0x4  }
0x127: {  	v3 =	vmul.f32 v3, v2;
	_ =	sdelay $0x1  }
0x128: {  	[tilespmem:s18+$0xFFFFFFB0] =	vst v3  }
0x129: {  	v3 =	vld [tilespmem:s17+$0xFFFFFFD0];
	_ =	sdelay $0x4  }
0x12a: {  	v3 =	vmul.f32 v3, v2;
	_ =	sdelay $0x1  }
0x12b: {  	[tilespmem:s18+$0xFFFFFFC0] =	vst v3  }
0x12c: {  	v3 =	vld [tilespmem:s17+$0xFFFFFFE0];
	_ =	sdelay $0x4  }
0x12d: {  	v3 =	vmul.f32 v3, v2;
	_ =	sdelay $0x1  }
0x12e: {  	s13 =	sadd.s32 $0x2, s24;
	[tilespmem:s18+$0xFFFFFFD0] =	vst v3  }
0x12f: {  	v4 =	vmov s13;
	v3 =	vld [tilespmem:s17+$0xFFFFFFF0]  }
0x130: {  	v4 =	vand.u32 $0xFFFFFFFE, v4  }
0x131: {  	v4 =	vbroadcast v4, $0x0;
	_ =	sdelay $0x2  }
0x132: {  	v3 =	vmul.f32 v3, v2;
	v2 =	vnsel vm0, $0x0, v2  }
0x133: {  	[tilespmem:s18+$0xFFFFFFF0] =	vst v2  }
0x134: {  	[tilespmem:s18+$0xFFFFFFE0] =	vst v3  }
0x135: {  	v2 =	vld.idx.msk [tilespmem:v4+s28+$0x0], $0xffff  }
0x136: {  	v3 =	vld [tilespmem:s17+$0x0];
	_ =	sdelay $0x4  }
0x137: {  	v3 =	vmul.f32 v3, v2;
	_ =	sdelay $0x1  }
0x138: {  	[tilespmem:s18+$0x0] =	vst v3  }
0x139: {  	v3 =	vld [tilespmem:s17+$0x10];
	_ =	sdelay $0x4  }
0x13a: {  	v3 =	vmul.f32 v3, v2;
	_ =	sdelay $0x1  }
0x13b: {  	[tilespmem:s18+$0x10] =	vst v3  }
0x13c: {  	v3 =	vld [tilespmem:s17+$0x20];
	_ =	sdelay $0x4  }
0x13d: {  	v3 =	vmul.f32 v3, v2;
	_ =	sdelay $0x1  }
0x13e: {  	[tilespmem:s18+$0x20] =	vst v3  }
0x13f: {  	v3 =	vld [tilespmem:s17+$0x30];
	_ =	sdelay $0x4  }
0x140: {  	v3 =	vmul.f32 v3, v2;
	_ =	sdelay $0x1  }
0x141: {  	[tilespmem:s18+$0x30] =	vst v3  }
0x142: {  	v3 =	vld [tilespmem:s17+$0x40];
	_ =	sdelay $0x4  }
0x143: {  	v3 =	vmul.f32 v3, v2;
	_ =	sdelay $0x1  }
0x144: {  	[tilespmem:s18+$0x40] =	vst v3  }
0x145: {  	v3 =	vld [tilespmem:s17+$0x50];
	_ =	sdelay $0x4  }
0x146: {  	v3 =	vmul.f32 v3, v2;
	_ =	sdelay $0x1  }
0x147: {  	[tilespmem:s18+$0x50] =	vst v3  }
0x148: {  	v3 =	vld [tilespmem:s17+$0x60];
	_ =	sdelay $0x4  }
0x149: {  	v3 =	vmul.f32 v3, v2;
	_ =	sdelay $0x1  }
0x14a: {  	[tilespmem:s18+$0x60] =	vst v3  }
0x14b: {  	v3 =	vld [tilespmem:s17+$0x70];
	_ =	sdelay $0x1  }
0x14c: {  	s13 =	sadd.s32 $0x3, s24;
	s24 =	smov.u32 s7  }
0x14d: {  	v4 =	vmov s13;
	_ =	sdelay $0x1  }
0x14e: {  	v3 =	vmul.f32 v3, v2;
	v2 =	vnsel vm0, $0x0, v2  }
0x14f: {  	[tilespmem:s18+$0x80] =	vst v2  }
0x150: {  	[tilespmem:s18+$0x70] =	vst v3  }
0x151: {  	v2 =	vld.idx.msk [tilespmem:v4+s28+$0x0], $0xffff  }
0x152: {  	v3 =	vld [tilespmem:s17+$0x80];
	_ =	sdelay $0x4  }
0x153: {  	v5 =	vnsel vm0, $0x0, v2;
	v3 =	vmul.f32 v3, v2;
	_ =	sdelay $0x1  }
0x154: {  	[tilespmem:s18+$0x90] =	vst v3  }
0x155: {  	v3 =	vld [tilespmem:s17+$0x90];
	_ =	sdelay $0x4  }
0x156: {  	v3 =	vmul.f32 v3, v2;
	_ =	sdelay $0x1  }
0x157: {  	[tilespmem:s18+$0xA0] =	vst v3  }
0x158: {  	v3 =	vld [tilespmem:s17+$0xA0];
	_ =	sdelay $0x4  }
0x159: {  	v3 =	vmul.f32 v3, v2;
	_ =	sdelay $0x1  }
0x15a: {  	[tilespmem:s18+$0xB0] =	vst v3  }
0x15b: {  	v3 =	vld [tilespmem:s17+$0xB0];
	_ =	sdelay $0x4  }
0x15c: {  	v3 =	vmul.f32 v3, v2;
	_ =	sdelay $0x1  }
0x15d: {  	[tilespmem:s18+$0xC0] =	vst v3  }
0x15e: {  	v3 =	vld [tilespmem:s17+$0xC0];
	_ =	sdelay $0x4  }
0x15f: {  	v3 =	vmul.f32 v3, v2;
	_ =	sdelay $0x1  }
0x160: {  	[tilespmem:s18+$0xD0] =	vst v3  }
0x161: {  	v3 =	vld [tilespmem:s17+$0xD0];
	_ =	sdelay $0x4  }
0x162: {  	v3 =	vmul.f32 v3, v2;
	_ =	sdelay $0x1  }
0x163: {  	[tilespmem:s18+$0xE0] =	vst v3  }
0x164: {  	v3 =	vld [tilespmem:s17+$0xE0];
	_ =	sdelay $0x3  }
.Ltmp7:
0x165: {  	(pc) =	sbr.rel @p2 .LBB2_10-.Ltmp7, $3  }
0x166: {  	v3 =	vmul.f32 v3, v2;
	_ =	sdelay $0x1  }
0x167: {  	[tilespmem:s18+$0xF0] =	vst v3  }
0x168: {  	s7 =	sadd.s32 $0x4, s7;
	v4 =	vmov s24;
	v3 =	vld [tilespmem:s17+$0xF0];
	[tilespmem:s18+$0x110] =	vst v5  }
0x169: {  	v4 =	vand.u32 $0xFFFFFFFC, v4  }
0x16a: {  	v4 =	vbroadcast v4, $0x0;
	_ =	sdelay $0x2  }
0x16b: {  	v2 =	vmul.f32 v3, v2;
	_ =	sdelay $0x1  }
0x16c: {  	[tilespmem:s18+$0x100] =	vst v2  }
0x16d: {  	s13 =	sadd.s32 $0x200, s17;
	v2 =	vld.idx.msk [tilespmem:v4+s28+$0x0], $0xffff  }
0x16e: {  	v3 =	vld [tilespmem:s13+$0xFFFFFF00];
	_ =	sdelay $0x4  }
0x16f: {  	v3 =	vmul.f32 v3, v2  }
0x170: {  	s7 =	sadd.s32 $0x240, s18  }
0x171: {  	[tilespmem:s7+$0xFFFFFEE0] =	vst v3  }
0x172: {  	v3 =	vld [tilespmem:s13+$0xFFFFFF10];
	_ =	sdelay $0x4  }
0x173: {  	v3 =	vmul.f32 v3, v2;
	_ =	sdelay $0x1  }
0x174: {  	[tilespmem:s7+$0xFFFFFEF0] =	vst v3  }
0x175: {  	v3 =	vld [tilespmem:s13+$0xFFFFFF20];
	_ =	sdelay $0x4  }
0x176: {  	v3 =	vmul.f32 v3, v2;
	_ =	sdelay $0x1  }
0x177: {  	[tilespmem:s7+$0xFFFFFF00] =	vst v3  }
0x178: {  	v3 =	vld [tilespmem:s13+$0xFFFFFF30];
	_ =	sdelay $0x4  }
0x179: {  	v3 =	vmul.f32 v3, v2;
	_ =	sdelay $0x1  }
0x17a: {  	[tilespmem:s7+$0xFFFFFF10] =	vst v3  }
0x17b: {  	v3 =	vld [tilespmem:s13+$0xFFFFFF40];
	_ =	sdelay $0x4  }
0x17c: {  	v3 =	vmul.f32 v3, v2;
	_ =	sdelay $0x1  }
0x17d: {  	[tilespmem:s7+$0xFFFFFF20] =	vst v3  }
0x17e: {  	v3 =	vld [tilespmem:s13+$0xFFFFFF50];
	_ =	sdelay $0x4  }
0x17f: {  	v3 =	vmul.f32 v3, v2;
	_ =	sdelay $0x1  }
0x180: {  	[tilespmem:s7+$0xFFFFFF30] =	vst v3  }
0x181: {  	v3 =	vld [tilespmem:s13+$0xFFFFFF60];
	_ =	sdelay $0x4  }
0x182: {  	v3 =	vmul.f32 v3, v2;
	_ =	sdelay $0x1  }
0x183: {  	s11 =	sadd.s32 $0x1, s24;
	[tilespmem:s7+$0xFFFFFF40] =	vst v3  }
0x184: {  	v61 =	vmov s11;
	v3 =	vld [tilespmem:s13+$0xFFFFFF70]  }
0x185: {  	v4 =	vand.u32 $0xFFFFFFFD, v61  }
0x186: {  	v4 =	vbroadcast v4, $0x0;
	_ =	sdelay $0x2  }
0x187: {  	v3 =	vmul.f32 v3, v2;
	v2 =	vnsel vm0, $0x0, v2  }
0x188: {  	[tilespmem:s7+$0xFFFFFF60] =	vst v2  }
0x189: {  	[tilespmem:s7+$0xFFFFFF50] =	vst v3  }
0x18a: {  	v2 =	vld.idx.msk [tilespmem:v4+s28+$0x0], $0xffff  }
0x18b: {  	v3 =	vld [tilespmem:s13+$0xFFFFFF80];
	_ =	sdelay $0x4  }
0x18c: {  	v3 =	vmul.f32 v3, v2;
	_ =	sdelay $0x1  }
0x18d: {  	[tilespmem:s7+$0xFFFFFF70] =	vst v3  }
0x18e: {  	v3 =	vld [tilespmem:s13+$0xFFFFFF90];
	_ =	sdelay $0x4  }
0x18f: {  	v3 =	vmul.f32 v3, v2;
	_ =	sdelay $0x1  }
0x190: {  	[tilespmem:s7+$0xFFFFFF80] =	vst v3  }
0x191: {  	v3 =	vld [tilespmem:s13+$0xFFFFFFA0];
	_ =	sdelay $0x4  }
0x192: {  	v3 =	vmul.f32 v3, v2;
	_ =	sdelay $0x1  }
0x193: {  	[tilespmem:s7+$0xFFFFFF90] =	vst v3  }
0x194: {  	v3 =	vld [tilespmem:s13+$0xFFFFFFB0];
	_ =	sdelay $0x4  }
0x195: {  	v3 =	vmul.f32 v3, v2;
	_ =	sdelay $0x1  }
0x196: {  	[tilespmem:s7+$0xFFFFFFA0] =	vst v3  }
0x197: {  	v3 =	vld [tilespmem:s13+$0xFFFFFFC0];
	_ =	sdelay $0x4  }
0x198: {  	v3 =	vmul.f32 v3, v2;
	_ =	sdelay $0x1  }
0x199: {  	[tilespmem:s7+$0xFFFFFFB0] =	vst v3  }
0x19a: {  	v3 =	vld [tilespmem:s13+$0xFFFFFFD0];
	_ =	sdelay $0x4  }
0x19b: {  	v3 =	vmul.f32 v3, v2;
	_ =	sdelay $0x1  }
0x19c: {  	[tilespmem:s7+$0xFFFFFFC0] =	vst v3  }
0x19d: {  	v3 =	vld [tilespmem:s13+$0xFFFFFFE0];
	_ =	sdelay $0x4  }
0x19e: {  	v3 =	vmul.f32 v3, v2;
	_ =	sdelay $0x1  }
0x19f: {  	s18 =	sadd.s32 $0x2, s24;
	[tilespmem:s7+$0xFFFFFFD0] =	vst v3  }
0x1a0: {  	v62 =	vmov s18;
	v3 =	vld [tilespmem:s13+$0xFFFFFFF0]  }
0x1a1: {  	v4 =	vand.u32 $0xFFFFFFFE, v62  }
0x1a2: {  	v4 =	vbroadcast v4, $0x0;
	_ =	sdelay $0x2  }
0x1a3: {  	v3 =	vmul.f32 v3, v2;
	v2 =	vnsel vm0, $0x0, v2  }
0x1a4: {  	[tilespmem:s7+$0xFFFFFFF0] =	vst v2  }
0x1a5: {  	[tilespmem:s7+$0xFFFFFFE0] =	vst v3  }
0x1a6: {  	v2 =	vld.idx.msk [tilespmem:v4+s28+$0x0], $0xffff  }
0x1a7: {  	v3 =	vld [tilespmem:s13+$0x0];
	_ =	sdelay $0x4  }
0x1a8: {  	v3 =	vmul.f32 v3, v2;
	_ =	sdelay $0x1  }
0x1a9: {  	[tilespmem:s7+$0x0] =	vst v3  }
0x1aa: {  	v3 =	vld [tilespmem:s13+$0x10];
	_ =	sdelay $0x4  }
0x1ab: {  	v3 =	vmul.f32 v3, v2;
	_ =	sdelay $0x1  }
0x1ac: {  	[tilespmem:s7+$0x10] =	vst v3  }
0x1ad: {  	v3 =	vld [tilespmem:s13+$0x20];
	_ =	sdelay $0x4  }
0x1ae: {  	v3 =	vmul.f32 v3, v2;
	_ =	sdelay $0x1  }
0x1af: {  	[tilespmem:s7+$0x20] =	vst v3  }
0x1b0: {  	v3 =	vld [tilespmem:s13+$0x30];
	_ =	sdelay $0x4  }
0x1b1: {  	v3 =	vmul.f32 v3, v2;
	_ =	sdelay $0x1  }
0x1b2: {  	[tilespmem:s7+$0x30] =	vst v3  }
0x1b3: {  	v3 =	vld [tilespmem:s13+$0x40];
	_ =	sdelay $0x4  }
0x1b4: {  	v3 =	vmul.f32 v3, v2;
	_ =	sdelay $0x1  }
0x1b5: {  	[tilespmem:s7+$0x40] =	vst v3  }
0x1b6: {  	v3 =	vld [tilespmem:s13+$0x50];
	_ =	sdelay $0x4  }
0x1b7: {  	v3 =	vmul.f32 v3, v2;
	_ =	sdelay $0x1  }
0x1b8: {  	[tilespmem:s7+$0x50] =	vst v3  }
0x1b9: {  	v3 =	vld [tilespmem:s13+$0x60];
	_ =	sdelay $0x4  }
0x1ba: {  	v3 =	vmul.f32 v3, v2;
	_ =	sdelay $0x1  }
0x1bb: {  	[tilespmem:s7+$0x60] =	vst v3  }
0x1bc: {  	v3 =	vld [tilespmem:s13+$0x70];
	_ =	sdelay $0x1  }
0x1bd: {  	s24 =	sadd.s32 $0x3, s24  }
0x1be: {  	v63 =	vmov s24;
	_ =	sdelay $0x1  }
0x1bf: {  	v3 =	vmul.f32 v3, v2;
	v2 =	vnsel vm0, $0x0, v2  }
0x1c0: {  	[tilespmem:s7+$0x80] =	vst v2  }
0x1c1: {  	[tilespmem:s7+$0x70] =	vst v3  }
0x1c2: {  	v2 =	vld.idx.msk [tilespmem:v63+s28+$0x0], $0xffff  }
0x1c3: {  	v3 =	vld [tilespmem:s13+$0x80];
	_ =	sdelay $0x4  }
0x1c4: {  	v3 =	vmul.f32 v3, v2;
	_ =	sdelay $0x1  }
0x1c5: {  	[tilespmem:s7+$0x90] =	vst v3  }
0x1c6: {  	v3 =	vld [tilespmem:s13+$0x90];
	_ =	sdelay $0x4  }
0x1c7: {  	v3 =	vmul.f32 v3, v2;
	_ =	sdelay $0x1  }
0x1c8: {  	[tilespmem:s7+$0xA0] =	vst v3  }
0x1c9: {  	v3 =	vld [tilespmem:s13+$0xA0];
	_ =	sdelay $0x4  }
0x1ca: {  	v3 =	vmul.f32 v3, v2;
	_ =	sdelay $0x1  }
0x1cb: {  	[tilespmem:s7+$0xB0] =	vst v3  }
0x1cc: {  	v3 =	vld [tilespmem:s13+$0xB0];
	_ =	sdelay $0x4  }
0x1cd: {  	v3 =	vmul.f32 v3, v2;
	_ =	sdelay $0x1  }
0x1ce: {  	[tilespmem:s7+$0xC0] =	vst v3  }
0x1cf: {  	v3 =	vld [tilespmem:s13+$0xC0];
	_ =	sdelay $0x4  }
0x1d0: {  	v3 =	vmul.f32 v3, v2;
	_ =	sdelay $0x1  }
0x1d1: {  	[tilespmem:s7+$0xD0] =	vst v3  }
0x1d2: {  	v3 =	vld [tilespmem:s13+$0xD0];
	_ =	sdelay $0x4  }
0x1d3: {  	v3 =	vmul.f32 v3, v2;
	_ =	sdelay $0x1  }
0x1d4: {  	[tilespmem:s7+$0xE0] =	vst v3  }
0x1d5: {  	v3 =	vld [tilespmem:s13+$0xE0];
	_ =	sdelay $0x4  }
0x1d6: {  	v3 =	vmul.f32 v3, v2;
	_ =	sdelay $0x1  }
0x1d7: {  	[tilespmem:s7+$0xF0] =	vst v3  }
0x1d8: {  	v3 =	vld [tilespmem:s13+$0xF0];
	_ =	sdelay $0x4  }
0x1d9: {  	v4 =	vnsel vm0, $0x0, v2;
	v2 =	vmul.f32 v3, v2  }
0x1da: {  	[tilespmem:s7+$0x110] =	vst v4  }
0x1db: {  	[tilespmem:s7+$0x100] =	vst v2  }
0x1dc: {  	v2 =	vld [tilespmem:$0x40]  }
0x1dd: {  	v3 =	vld [tilespmem:$0x50];
	_ =	sdelay $0x2  }
0x1de: {  	p2 =	seq.s32 s14, $0x138  }
.Ltmp8:
0x1df: {  	v2 =	vsub.s32 v2, v0;
	(pc) =	sbr.rel @p2 .LBB2_17-.Ltmp8, $4  }
0x1e0: {  	v3 =	vsub.s32 v3, v0;
	v2 =	vmin.u32 v2, $0x1388  }
0x1e1: {  	[tilespmem:$0xC0] =	vst v2;
	v2 =	vmin.u32 v3, $0x1388  }
0x1e2: {  	[tilespmem:$0xD0] =	vst v2  }
0x1e3: {  	[spmem:s1] =	stream.indirect.scatter.add.f32 [tilespmem:s3], [sflag:$0x5], $0x90, s29, s26, $0xb8;
	[tilespmem:$0x12930] =	vst v63  }
0x1e4: {  	s17 =	sshll.u32 s14, $0x6  }
0x1e5: {  	s7 =	sadd.s32 s17, s15  }
0x1e6: {  	s7 =	sshrl.u32 s7, $0x3  }
0x1e7: {  	s13 =	sadd.s32 s4, s7  }
0x1e8: {  	[tilespmem:s2], [sflag:$0x1] =	stream.linear.gather [hbm4b:s13+s2], $0x20, $0x38;
	[tilespmem:$0x12930] =	vst v63  }
.Ltmp9:
0x1e9: {  	_ = 	snop;
	(pc) =	sbr.rel @p0 .LBB2_16-.Ltmp9, $4  }
0x1ea: {  	s24 =	sadd.s32 s5, s7  }
0x1eb: {  	[tilespmem:s23], [sflag:$0x1] =	stream.linear.gather [hbm4b:s24+s2], $0x20, $0x38;
	[tilespmem:$0x12930] =	vst v63  }
0x1ec: {  	s7 =	sadd.s32 s6, s7  }
0x1ed: {  	[tilespmem:s25], [sflag:$0x1] =	stream.linear.gather [hbm4b:s7+s2], $0x20, $0x38;
	[tilespmem:$0x12930] =	vst v63  }
0x1ee: {  	_ =	swait.ge [sflag:s30], $0x20  }
0x1ef: {  	[sflag:s30] =	ssyncset.done $0x0  }
0x1f0: {  	[sflag:s30] =	ssyncadd.s32 $0xFFFFFFE0  }
0x1f1: {  	_ =	swait.ge [sflag:s30], $0x20  }
0x1f2: {  	[sflag:s30] =	ssyncset.done $0x0  }
0x1f3: {  	[sflag:s30] =	ssyncadd.s32 $0xFFFFFFE0  }
0x1f4: {  	_ =	swait.ge [sflag:s30], $0x20  }
0x1f5: {  	[sflag:s30] =	ssyncset.done $0x0  }
0x1f6: {  	s7 =	simm.s32 @!p1 $0x6;
	[sflag:s30] =	ssyncadd.s32 $0xFFFFFFE0  }
0x1f7: {  	[tilespmem:s31], [sflag:$0x3] =	stream.indirect.gather [hbm4b:s8+s26], $0x80, s2, s26, $0xb8;
	[tilespmem:$0x12930] =	vst v63  }
0x1f8: {  	_ =	swait.ge @!p1 [sflag:s7], $0x1200  }
0x1f9: {  	[sflag:s7] =	ssyncset.done @!p1 $0x0  }
0x1fa: {  	[sflag:s7] =	ssyncadd.s32 @!p1 $0xFFFFEE00  }
0x1fb: {  	v2 =	vld [tilespmem:$0x60];
	_ =	sdelay $0x6  }
0x1fc: {  	v3 =	vld [tilespmem:$0xA0]  }
0x1fd: {  	v2 =	vld.idx.msk [tilespmem:v2+s20+$0x0], $0xffff;
	_ =	sdelay $0x4  }
0x1fe: {  	v2 =	vsub.f32 v3, v2;
	_ =	sdelay $0x1  }
0x1ff: {  	v2 =	vmul.f32 $1.442695020e+00, v2;
	_ =	sdelay $0x1  }
0x200: {  	(erf) = vpow2.f32 v2;
	_ =	sdelay $0x2  }
0x201: {  	v2 =	vld [tilespmem:$0x70];
	_ =	sdelay $0x5  }
0x202: {  	v3 =	vpop (erf)  }
0x203: {  	[tilespmem:$0x100] =	vst v3;
	v3 =	vld [tilespmem:$0xB0]  }
0x204: {  	v2 =	vld.idx.msk [tilespmem:v2+s20+$0x0], $0xffff;
	_ =	sdelay $0x4  }
0x205: {  	v2 =	vsub.f32 v3, v2;
	_ =	sdelay $0x1  }
0x206: {  	v2 =	vmul.f32 $1.442695020e+00, v2;
	_ =	sdelay $0x1  }
0x207: {  	(erf) = vpow2.f32 v2;
	_ =	sdelay $0x4  }
0x208: {  	s11 =	simm.s32 $0x0  }
0x209: {  	v2 =	vmov s11  }
0x20a: {  	v2 =	vand.u32 $0xFFFFFFFC, v2  }
0x20b: {  	v2 =	vbroadcast v2, $0x0  }
0x20c: {  	v3 =	vpop (erf)  }
0x20d: {  	[tilespmem:$0x110] =	vst v3  }
0x20e: {  	_ =	swait.ge [sflag:s10], $0x1000  }
0x20f: {  	[sflag:s10] =	ssyncset.done $0x0  }
0x210: {  	[sflag:s10] =	ssyncadd.s32 $0xFFFFF000  }
0x211: {  	s18 =	simm.s32 $0x1220;
	v2 =	vld.idx.msk [tilespmem:v2+s28+$0x0], $0xffff  }
0x212: {  	v3 =	vld [tilespmem:s18+$0xFFFFFF00];
	_ =	sdelay $0x4  }
0x213: {  	v3 =	vmul.f32 v3, v2  }
0x214: {  	s24 =	simm.s32 $0x3440  }
0x215: {  	[tilespmem:s24+$0xFFFFFEE0] =	vst v3  }
0x216: {  	v3 =	vld [tilespmem:s18+$0xFFFFFF10];
	_ =	sdelay $0x4  }
0x217: {  	v3 =	vmul.f32 v3, v2;
	_ =	sdelay $0x1  }
0x218: {  	[tilespmem:s24+$0xFFFFFEF0] =	vst v3  }
0x219: {  	v3 =	vld [tilespmem:s18+$0xFFFFFF20];
	_ =	sdelay $0x4  }
0x21a: {  	v3 =	vmul.f32 v3, v2;
	_ =	sdelay $0x1  }
0x21b: {  	[tilespmem:s24+$0xFFFFFF00] =	vst v3  }
0x21c: {  	v3 =	vld [tilespmem:s18+$0xFFFFFF30];
	_ =	sdelay $0x4  }
0x21d: {  	v3 =	vmul.f32 v3, v2;
	_ =	sdelay $0x1  }
0x21e: {  	[tilespmem:s24+$0xFFFFFF10] =	vst v3  }
0x21f: {  	v3 =	vld [tilespmem:s18+$0xFFFFFF40];
	_ =	sdelay $0x4  }
0x220: {  	v3 =	vmul.f32 v3, v2;
	_ =	sdelay $0x1  }
0x221: {  	[tilespmem:s24+$0xFFFFFF20] =	vst v3  }
0x222: {  	v3 =	vld [tilespmem:s18+$0xFFFFFF50];
	_ =	sdelay $0x4  }
0x223: {  	v3 =	vmul.f32 v3, v2;
	_ =	sdelay $0x1  }
0x224: {  	[tilespmem:s24+$0xFFFFFF30] =	vst v3  }
0x225: {  	v3 =	vld [tilespmem:s18+$0xFFFFFF60];
	_ =	sdelay $0x4  }
0x226: {  	v3 =	vmul.f32 v3, v2;
	_ =	sdelay $0x1  }
0x227: {  	s13 =	simm.s32 $0x1;
	[tilespmem:s24+$0xFFFFFF40] =	vst v3  }
0x228: {  	v4 =	vmov s13;
	v3 =	vld [tilespmem:s18+$0xFFFFFF70]  }
0x229: {  	v4 =	vand.u32 $0xFFFFFFFD, v4  }
0x22a: {  	v4 =	vbroadcast v4, $0x0;
	_ =	sdelay $0x2  }
0x22b: {  	v3 =	vmul.f32 v3, v2;
	v2 =	vnsel vm0, $0x0, v2  }
0x22c: {  	[tilespmem:s24+$0xFFFFFF60] =	vst v2  }
0x22d: {  	[tilespmem:s24+$0xFFFFFF50] =	vst v3  }
0x22e: {  	v2 =	vld.idx.msk [tilespmem:v4+s28+$0x0], $0xffff  }
0x22f: {  	v3 =	vld [tilespmem:s18+$0xFFFFFF80];
	_ =	sdelay $0x4  }
0x230: {  	v3 =	vmul.f32 v3, v2;
	_ =	sdelay $0x1  }
0x231: {  	[tilespmem:s24+$0xFFFFFF70] =	vst v3  }
0x232: {  	v3 =	vld [tilespmem:s18+$0xFFFFFF90];
	_ =	sdelay $0x4  }
0x233: {  	v3 =	vmul.f32 v3, v2;
	_ =	sdelay $0x1  }
0x234: {  	[tilespmem:s24+$0xFFFFFF80] =	vst v3  }
0x235: {  	v3 =	vld [tilespmem:s18+$0xFFFFFFA0];
	_ =	sdelay $0x4  }
0x236: {  	v3 =	vmul.f32 v3, v2;
	_ =	sdelay $0x1  }
0x237: {  	[tilespmem:s24+$0xFFFFFF90] =	vst v3  }
0x238: {  	v3 =	vld [tilespmem:s18+$0xFFFFFFB0];
	_ =	sdelay $0x4  }
0x239: {  	v3 =	vmul.f32 v3, v2;
	_ =	sdelay $0x1  }
0x23a: {  	[tilespmem:s24+$0xFFFFFFA0] =	vst v3  }
0x23b: {  	v3 =	vld [tilespmem:s18+$0xFFFFFFC0];
	_ =	sdelay $0x4  }
0x23c: {  	v3 =	vmul.f32 v3, v2;
	_ =	sdelay $0x1  }
0x23d: {  	[tilespmem:s24+$0xFFFFFFB0] =	vst v3  }
0x23e: {  	v3 =	vld [tilespmem:s18+$0xFFFFFFD0];
	_ =	sdelay $0x4  }
0x23f: {  	v3 =	vmul.f32 v3, v2;
	_ =	sdelay $0x1  }
0x240: {  	[tilespmem:s24+$0xFFFFFFC0] =	vst v3  }
0x241: {  	v3 =	vld [tilespmem:s18+$0xFFFFFFE0];
	_ =	sdelay $0x4  }
0x242: {  	v3 =	vmul.f32 v3, v2;
	_ =	sdelay $0x1  }
0x243: {  	s11 =	simm.s32 $0x2;
	[tilespmem:s24+$0xFFFFFFD0] =	vst v3  }
0x244: {  	v4 =	vmov s11;
	v3 =	vld [tilespmem:s18+$0xFFFFFFF0]  }
0x245: {  	v4 =	vand.u32 $0xFFFFFFFE, v4  }
0x246: {  	v4 =	vbroadcast v4, $0x0;
	_ =	sdelay $0x2  }
0x247: {  	v3 =	vmul.f32 v3, v2;
	v2 =	vnsel vm0, $0x0, v2  }
0x248: {  	[tilespmem:s24+$0xFFFFFFF0] =	vst v2  }
0x249: {  	[tilespmem:s24+$0xFFFFFFE0] =	vst v3  }
0x24a: {  	v2 =	vld.idx.msk [tilespmem:v4+s28+$0x0], $0xffff  }
0x24b: {  	v3 =	vld [tilespmem:s18+$0x0];
	_ =	sdelay $0x4  }
0x24c: {  	v3 =	vmul.f32 v3, v2;
	_ =	sdelay $0x1  }
0x24d: {  	[tilespmem:s24+$0x0] =	vst v3  }
0x24e: {  	v3 =	vld [tilespmem:s18+$0x10];
	_ =	sdelay $0x4  }
0x24f: {  	v3 =	vmul.f32 v3, v2;
	_ =	sdelay $0x1  }
0x250: {  	[tilespmem:s24+$0x10] =	vst v3  }
0x251: {  	v3 =	vld [tilespmem:s18+$0x20];
	_ =	sdelay $0x4  }
0x252: {  	v3 =	vmul.f32 v3, v2;
	_ =	sdelay $0x1  }
0x253: {  	[tilespmem:s24+$0x20] =	vst v3  }
0x254: {  	v3 =	vld [tilespmem:s18+$0x30];
	_ =	sdelay $0x4  }
0x255: {  	v3 =	vmul.f32 v3, v2;
	_ =	sdelay $0x1  }
0x256: {  	[tilespmem:s24+$0x30] =	vst v3  }
0x257: {  	v3 =	vld [tilespmem:s18+$0x40];
	_ =	sdelay $0x4  }
0x258: {  	v3 =	vmul.f32 v3, v2;
	_ =	sdelay $0x1  }
0x259: {  	[tilespmem:s24+$0x40] =	vst v3  }
0x25a: {  	v3 =	vld [tilespmem:s18+$0x50];
	_ =	sdelay $0x4  }
0x25b: {  	v3 =	vmul.f32 v3, v2;
	_ =	sdelay $0x1  }
0x25c: {  	[tilespmem:s24+$0x50] =	vst v3  }
0x25d: {  	v3 =	vld [tilespmem:s18+$0x60];
	_ =	sdelay $0x4  }
0x25e: {  	v3 =	vmul.f32 v3, v2;
	_ =	sdelay $0x1  }
0x25f: {  	[tilespmem:s24+$0x60] =	vst v3  }
0x260: {  	v3 =	vld [tilespmem:s18+$0x70];
	_ =	sdelay $0x1  }
0x261: {  	s13 =	simm.s32 $0x3  }
0x262: {  	v4 =	vmov s13;
	_ =	sdelay $0x1  }
0x263: {  	v3 =	vmul.f32 v3, v2;
	v2 =	vnsel vm0, $0x0, v2  }
0x264: {  	[tilespmem:s24+$0x80] =	vst v2  }
0x265: {  	[tilespmem:s24+$0x70] =	vst v3  }
0x266: {  	v2 =	vld.idx.msk [tilespmem:v4+s28+$0x0], $0xffff  }
0x267: {  	v3 =	vld [tilespmem:s18+$0x80];
	_ =	sdelay $0x4  }
0x268: {  	v3 =	vmul.f32 v3, v2;
	_ =	sdelay $0x1  }
0x269: {  	[tilespmem:s24+$0x90] =	vst v3  }
0x26a: {  	v3 =	vld [tilespmem:s18+$0x90];
	_ =	sdelay $0x4  }
0x26b: {  	v3 =	vmul.f32 v3, v2;
	_ =	sdelay $0x1  }
0x26c: {  	[tilespmem:s24+$0xA0] =	vst v3  }
0x26d: {  	v3 =	vld [tilespmem:s18+$0xA0];
	_ =	sdelay $0x4  }
0x26e: {  	v3 =	vmul.f32 v3, v2;
	_ =	sdelay $0x1  }
0x26f: {  	[tilespmem:s24+$0xB0] =	vst v3  }
0x270: {  	v3 =	vld [tilespmem:s18+$0xB0];
	_ =	sdelay $0x4  }
0x271: {  	v3 =	vmul.f32 v3, v2;
	_ =	sdelay $0x1  }
0x272: {  	[tilespmem:s24+$0xC0] =	vst v3  }
0x273: {  	v3 =	vld [tilespmem:s18+$0xC0];
	_ =	sdelay $0x4  }
0x274: {  	v3 =	vmul.f32 v3, v2;
	_ =	sdelay $0x1  }
0x275: {  	[tilespmem:s24+$0xD0] =	vst v3  }
0x276: {  	v3 =	vld [tilespmem:s18+$0xD0];
	_ =	sdelay $0x4  }
0x277: {  	v3 =	vmul.f32 v3, v2;
	_ =	sdelay $0x1  }
0x278: {  	[tilespmem:s24+$0xE0] =	vst v3  }
0x279: {  	v3 =	vld [tilespmem:s18+$0xE0];
	_ =	sdelay $0x4  }
0x27a: {  	v3 =	vmul.f32 v3, v2;
	_ =	sdelay $0x1  }
0x27b: {  	s7 =	simm.s32 $0x4;
	v5 =	vnsel vm0, $0x0, v2;
	[tilespmem:s24+$0xF0] =	vst v3  }
0x27c: {  	s13 =	simm.s32 $0x8;
	v4 =	vmov s7;
	v3 =	vld [tilespmem:s18+$0xF0];
	[tilespmem:s24+$0x110] =	vst v5  }
.LBB2_14:
0x27d: {  	p0 =	slt.u32 s13, $0x1C;
	v4 =	vand.u32 $0xFFFFFFFC, v4  }
0x27e: {  	v4 =	vbroadcast v4, $0x0;
	_ =	sdelay $0x2  }
0x27f: {  	v2 =	vmul.f32 v3, v2;
	_ =	sdelay $0x1  }
0x280: {  	[tilespmem:s24+$0x100] =	vst v2  }
0x281: {  	s18 =	sadd.s32 $0x200, s18;
	v2 =	vld.idx.msk [tilespmem:v4+s28+$0x0], $0xffff  }
0x282: {  	v3 =	vld [tilespmem:s18+$0xFFFFFF00];
	_ =	sdelay $0x4  }
0x283: {  	v3 =	vmul.f32 v3, v2  }
0x284: {  	s24 =	sadd.s32 $0x240, s24  }
0x285: {  	[tilespmem:s24+$0xFFFFFEE0] =	vst v3  }
0x286: {  	v3 =	vld [tilespmem:s18+$0xFFFFFF10];
	_ =	sdelay $0x4  }
0x287: {  	v3 =	vmul.f32 v3, v2;
	_ =	sdelay $0x1  }
0x288: {  	[tilespmem:s24+$0xFFFFFEF0] =	vst v3  }
0x289: {  	v3 =	vld [tilespmem:s18+$0xFFFFFF20];
	_ =	sdelay $0x4  }
0x28a: {  	v3 =	vmul.f32 v3, v2;
	_ =	sdelay $0x1  }
0x28b: {  	[tilespmem:s24+$0xFFFFFF00] =	vst v3  }
0x28c: {  	v3 =	vld [tilespmem:s18+$0xFFFFFF30];
	_ =	sdelay $0x4  }
0x28d: {  	v3 =	vmul.f32 v3, v2;
	_ =	sdelay $0x1  }
0x28e: {  	[tilespmem:s24+$0xFFFFFF10] =	vst v3  }
0x28f: {  	v3 =	vld [tilespmem:s18+$0xFFFFFF40];
	_ =	sdelay $0x4  }
0x290: {  	v3 =	vmul.f32 v3, v2;
	_ =	sdelay $0x1  }
0x291: {  	[tilespmem:s24+$0xFFFFFF20] =	vst v3  }
0x292: {  	v3 =	vld [tilespmem:s18+$0xFFFFFF50];
	_ =	sdelay $0x4  }
0x293: {  	v3 =	vmul.f32 v3, v2;
	_ =	sdelay $0x1  }
0x294: {  	[tilespmem:s24+$0xFFFFFF30] =	vst v3  }
0x295: {  	v3 =	vld [tilespmem:s18+$0xFFFFFF60];
	_ =	sdelay $0x4  }
0x296: {  	v3 =	vmul.f32 v3, v2;
	_ =	sdelay $0x1  }
0x297: {  	s11 =	sadd.s32 $0x1, s7;
	[tilespmem:s24+$0xFFFFFF40] =	vst v3  }
0x298: {  	v4 =	vmov s11;
	v3 =	vld [tilespmem:s18+$0xFFFFFF70]  }
0x299: {  	v4 =	vand.u32 $0xFFFFFFFD, v4  }
0x29a: {  	v4 =	vbroadcast v4, $0x0;
	_ =	sdelay $0x2  }
0x29b: {  	v3 =	vmul.f32 v3, v2;
	v2 =	vnsel vm0, $0x0, v2  }
0x29c: {  	[tilespmem:s24+$0xFFFFFF60] =	vst v2  }
0x29d: {  	[tilespmem:s24+$0xFFFFFF50] =	vst v3  }
0x29e: {  	v2 =	vld.idx.msk [tilespmem:v4+s28+$0x0], $0xffff  }
0x29f: {  	v3 =	vld [tilespmem:s18+$0xFFFFFF80];
	_ =	sdelay $0x4  }
0x2a0: {  	v3 =	vmul.f32 v3, v2;
	_ =	sdelay $0x1  }
0x2a1: {  	[tilespmem:s24+$0xFFFFFF70] =	vst v3  }
0x2a2: {  	v3 =	vld [tilespmem:s18+$0xFFFFFF90];
	_ =	sdelay $0x4  }
0x2a3: {  	v3 =	vmul.f32 v3, v2;
	_ =	sdelay $0x1  }
0x2a4: {  	[tilespmem:s24+$0xFFFFFF80] =	vst v3  }
0x2a5: {  	v3 =	vld [tilespmem:s18+$0xFFFFFFA0];
	_ =	sdelay $0x4  }
0x2a6: {  	v3 =	vmul.f32 v3, v2;
	_ =	sdelay $0x1  }
0x2a7: {  	[tilespmem:s24+$0xFFFFFF90] =	vst v3  }
0x2a8: {  	v3 =	vld [tilespmem:s18+$0xFFFFFFB0];
	_ =	sdelay $0x4  }
0x2a9: {  	v3 =	vmul.f32 v3, v2;
	_ =	sdelay $0x1  }
0x2aa: {  	[tilespmem:s24+$0xFFFFFFA0] =	vst v3  }
0x2ab: {  	v3 =	vld [tilespmem:s18+$0xFFFFFFC0];
	_ =	sdelay $0x4  }
0x2ac: {  	v3 =	vmul.f32 v3, v2;
	_ =	sdelay $0x1  }
0x2ad: {  	[tilespmem:s24+$0xFFFFFFB0] =	vst v3  }
0x2ae: {  	v3 =	vld [tilespmem:s18+$0xFFFFFFD0];
	_ =	sdelay $0x4  }
0x2af: {  	v3 =	vmul.f32 v3, v2;
	_ =	sdelay $0x1  }
0x2b0: {  	[tilespmem:s24+$0xFFFFFFC0] =	vst v3  }
0x2b1: {  	v3 =	vld [tilespmem:s18+$0xFFFFFFE0];
	_ =	sdelay $0x4  }
0x2b2: {  	v3 =	vmul.f32 v3, v2;
	_ =	sdelay $0x1  }
0x2b3: {  	s11 =	sadd.s32 $0x2, s7;
	[tilespmem:s24+$0xFFFFFFD0] =	vst v3  }
0x2b4: {  	v4 =	vmov s11;
	v3 =	vld [tilespmem:s18+$0xFFFFFFF0]  }
0x2b5: {  	v4 =	vand.u32 $0xFFFFFFFE, v4  }
0x2b6: {  	v4 =	vbroadcast v4, $0x0;
	_ =	sdelay $0x2  }
0x2b7: {  	v3 =	vmul.f32 v3, v2;
	v2 =	vnsel vm0, $0x0, v2  }
0x2b8: {  	[tilespmem:s24+$0xFFFFFFF0] =	vst v2  }
0x2b9: {  	[tilespmem:s24+$0xFFFFFFE0] =	vst v3  }
0x2ba: {  	v2 =	vld.idx.msk [tilespmem:v4+s28+$0x0], $0xffff  }
0x2bb: {  	v3 =	vld [tilespmem:s18+$0x0];
	_ =	sdelay $0x4  }
0x2bc: {  	v3 =	vmul.f32 v3, v2;
	_ =	sdelay $0x1  }
0x2bd: {  	[tilespmem:s24+$0x0] =	vst v3  }
0x2be: {  	v3 =	vld [tilespmem:s18+$0x10];
	_ =	sdelay $0x4  }
0x2bf: {  	v3 =	vmul.f32 v3, v2;
	_ =	sdelay $0x1  }
0x2c0: {  	[tilespmem:s24+$0x10] =	vst v3  }
0x2c1: {  	v3 =	vld [tilespmem:s18+$0x20];
	_ =	sdelay $0x4  }
0x2c2: {  	v3 =	vmul.f32 v3, v2;
	_ =	sdelay $0x1  }
0x2c3: {  	[tilespmem:s24+$0x20] =	vst v3  }
0x2c4: {  	v3 =	vld [tilespmem:s18+$0x30];
	_ =	sdelay $0x4  }
0x2c5: {  	v3 =	vmul.f32 v3, v2;
	_ =	sdelay $0x1  }
0x2c6: {  	[tilespmem:s24+$0x30] =	vst v3  }
0x2c7: {  	v3 =	vld [tilespmem:s18+$0x40];
	_ =	sdelay $0x4  }
0x2c8: {  	v3 =	vmul.f32 v3, v2;
	_ =	sdelay $0x1  }
0x2c9: {  	[tilespmem:s24+$0x40] =	vst v3  }
0x2ca: {  	v3 =	vld [tilespmem:s18+$0x50];
	_ =	sdelay $0x4  }
0x2cb: {  	v3 =	vmul.f32 v3, v2;
	_ =	sdelay $0x1  }
0x2cc: {  	[tilespmem:s24+$0x50] =	vst v3  }
0x2cd: {  	v3 =	vld [tilespmem:s18+$0x60];
	_ =	sdelay $0x4  }
0x2ce: {  	v3 =	vmul.f32 v3, v2;
	_ =	sdelay $0x1  }
0x2cf: {  	[tilespmem:s24+$0x60] =	vst v3  }
0x2d0: {  	v3 =	vld [tilespmem:s18+$0x70];
	_ =	sdelay $0x1  }
0x2d1: {  	s11 =	sadd.s32 $0x3, s7;
	s7 =	smov.u32 s13  }
0x2d2: {  	v4 =	vmov s11;
	_ =	sdelay $0x1  }
0x2d3: {  	v3 =	vmul.f32 v3, v2;
	v2 =	vnsel vm0, $0x0, v2  }
0x2d4: {  	[tilespmem:s24+$0x80] =	vst v2  }
0x2d5: {  	[tilespmem:s24+$0x70] =	vst v3  }
0x2d6: {  	v2 =	vld.idx.msk [tilespmem:v4+s28+$0x0], $0xffff  }
0x2d7: {  	v3 =	vld [tilespmem:s18+$0x80];
	_ =	sdelay $0x4  }
0x2d8: {  	v5 =	vnsel vm0, $0x0, v2;
	v3 =	vmul.f32 v3, v2;
	_ =	sdelay $0x1  }
0x2d9: {  	[tilespmem:s24+$0x90] =	vst v3  }
0x2da: {  	v3 =	vld [tilespmem:s18+$0x90];
	_ =	sdelay $0x4  }
0x2db: {  	v3 =	vmul.f32 v3, v2;
	_ =	sdelay $0x1  }
0x2dc: {  	[tilespmem:s24+$0xA0] =	vst v3  }
0x2dd: {  	v3 =	vld [tilespmem:s18+$0xA0];
	_ =	sdelay $0x4  }
0x2de: {  	v3 =	vmul.f32 v3, v2;
	_ =	sdelay $0x1  }
0x2df: {  	[tilespmem:s24+$0xB0] =	vst v3  }
0x2e0: {  	v3 =	vld [tilespmem:s18+$0xB0];
	_ =	sdelay $0x4  }
0x2e1: {  	v3 =	vmul.f32 v3, v2;
	_ =	sdelay $0x1  }
0x2e2: {  	[tilespmem:s24+$0xC0] =	vst v3  }
0x2e3: {  	v3 =	vld [tilespmem:s18+$0xC0];
	_ =	sdelay $0x4  }
0x2e4: {  	v3 =	vmul.f32 v3, v2;
	_ =	sdelay $0x1  }
0x2e5: {  	[tilespmem:s24+$0xD0] =	vst v3  }
0x2e6: {  	v3 =	vld [tilespmem:s18+$0xD0];
	_ =	sdelay $0x4  }
0x2e7: {  	v3 =	vmul.f32 v3, v2;
	_ =	sdelay $0x1  }
0x2e8: {  	[tilespmem:s24+$0xE0] =	vst v3  }
0x2e9: {  	v3 =	vld [tilespmem:s18+$0xE0];
	_ =	sdelay $0x3  }
.Ltmp10:
0x2ea: {  	(pc) =	sbr.rel @p0 .LBB2_14-.Ltmp10, $3  }
0x2eb: {  	v3 =	vmul.f32 v3, v2;
	_ =	sdelay $0x1  }
0x2ec: {  	[tilespmem:s24+$0xF0] =	vst v3  }
0x2ed: {  	s13 =	sadd.s32 $0x4, s13;
	v4 =	vmov s7;
	v3 =	vld [tilespmem:s18+$0xF0];
	[tilespmem:s24+$0x110] =	vst v5  }
0x2ee: {  	v4 =	vand.u32 $0xFFFFFFFC, v4  }
0x2ef: {  	v4 =	vbroadcast v4, $0x0;
	_ =	sdelay $0x2  }
0x2f0: {  	v2 =	vmul.f32 v3, v2;
	_ =	sdelay $0x1  }
0x2f1: {  	[tilespmem:s24+$0x100] =	vst v2  }
0x2f2: {  	s18 =	sadd.s32 $0x200, s18;
	v2 =	vld.idx.msk [tilespmem:v4+s28+$0x0], $0xffff  }
0x2f3: {  	v3 =	vld [tilespmem:s18+$0xFFFFFF00];
	_ =	sdelay $0x4  }
0x2f4: {  	v3 =	vmul.f32 v3, v2  }
0x2f5: {  	s13 =	sadd.s32 $0x240, s24  }
0x2f6: {  	[tilespmem:s13+$0xFFFFFEE0] =	vst v3  }
0x2f7: {  	v3 =	vld [tilespmem:s18+$0xFFFFFF10];
	_ =	sdelay $0x4  }
0x2f8: {  	v3 =	vmul.f32 v3, v2;
	_ =	sdelay $0x1  }
0x2f9: {  	[tilespmem:s13+$0xFFFFFEF0] =	vst v3  }
0x2fa: {  	v3 =	vld [tilespmem:s18+$0xFFFFFF20];
	_ =	sdelay $0x4  }
0x2fb: {  	v3 =	vmul.f32 v3, v2;
	_ =	sdelay $0x1  }
0x2fc: {  	[tilespmem:s13+$0xFFFFFF00] =	vst v3  }
0x2fd: {  	v3 =	vld [tilespmem:s18+$0xFFFFFF30];
	_ =	sdelay $0x4  }
0x2fe: {  	v3 =	vmul.f32 v3, v2;
	_ =	sdelay $0x1  }
0x2ff: {  	[tilespmem:s13+$0xFFFFFF10] =	vst v3  }
0x300: {  	v3 =	vld [tilespmem:s18+$0xFFFFFF40];
	_ =	sdelay $0x4  }
0x301: {  	v3 =	vmul.f32 v3, v2;
	_ =	sdelay $0x1  }
0x302: {  	[tilespmem:s13+$0xFFFFFF20] =	vst v3  }
0x303: {  	v3 =	vld [tilespmem:s18+$0xFFFFFF50];
	_ =	sdelay $0x4  }
0x304: {  	v3 =	vmul.f32 v3, v2;
	_ =	sdelay $0x1  }
0x305: {  	[tilespmem:s13+$0xFFFFFF30] =	vst v3  }
0x306: {  	v3 =	vld [tilespmem:s18+$0xFFFFFF60];
	_ =	sdelay $0x4  }
0x307: {  	v3 =	vmul.f32 v3, v2;
	_ =	sdelay $0x1  }
0x308: {  	s11 =	sadd.s32 $0x1, s7;
	[tilespmem:s13+$0xFFFFFF40] =	vst v3  }
0x309: {  	v61 =	vmov s11;
	v3 =	vld [tilespmem:s18+$0xFFFFFF70]  }
0x30a: {  	v4 =	vand.u32 $0xFFFFFFFD, v61  }
0x30b: {  	v4 =	vbroadcast v4, $0x0;
	_ =	sdelay $0x2  }
0x30c: {  	v3 =	vmul.f32 v3, v2;
	v2 =	vnsel vm0, $0x0, v2  }
0x30d: {  	[tilespmem:s13+$0xFFFFFF60] =	vst v2  }
0x30e: {  	[tilespmem:s13+$0xFFFFFF50] =	vst v3  }
0x30f: {  	v2 =	vld.idx.msk [tilespmem:v4+s28+$0x0], $0xffff  }
0x310: {  	v3 =	vld [tilespmem:s18+$0xFFFFFF80];
	_ =	sdelay $0x4  }
0x311: {  	v3 =	vmul.f32 v3, v2;
	_ =	sdelay $0x1  }
0x312: {  	[tilespmem:s13+$0xFFFFFF70] =	vst v3  }
0x313: {  	v3 =	vld [tilespmem:s18+$0xFFFFFF90];
	_ =	sdelay $0x4  }
0x314: {  	v3 =	vmul.f32 v3, v2;
	_ =	sdelay $0x1  }
0x315: {  	[tilespmem:s13+$0xFFFFFF80] =	vst v3  }
0x316: {  	v3 =	vld [tilespmem:s18+$0xFFFFFFA0];
	_ =	sdelay $0x4  }
0x317: {  	v3 =	vmul.f32 v3, v2;
	_ =	sdelay $0x1  }
0x318: {  	[tilespmem:s13+$0xFFFFFF90] =	vst v3  }
0x319: {  	v3 =	vld [tilespmem:s18+$0xFFFFFFB0];
	_ =	sdelay $0x4  }
0x31a: {  	v3 =	vmul.f32 v3, v2;
	_ =	sdelay $0x1  }
0x31b: {  	[tilespmem:s13+$0xFFFFFFA0] =	vst v3  }
0x31c: {  	v3 =	vld [tilespmem:s18+$0xFFFFFFC0];
	_ =	sdelay $0x4  }
0x31d: {  	v3 =	vmul.f32 v3, v2;
	_ =	sdelay $0x1  }
0x31e: {  	[tilespmem:s13+$0xFFFFFFB0] =	vst v3  }
0x31f: {  	v3 =	vld [tilespmem:s18+$0xFFFFFFD0];
	_ =	sdelay $0x4  }
0x320: {  	v3 =	vmul.f32 v3, v2;
	_ =	sdelay $0x1  }
0x321: {  	[tilespmem:s13+$0xFFFFFFC0] =	vst v3  }
0x322: {  	v3 =	vld [tilespmem:s18+$0xFFFFFFE0];
	_ =	sdelay $0x4  }
0x323: {  	v3 =	vmul.f32 v3, v2;
	_ =	sdelay $0x1  }
0x324: {  	s24 =	sadd.s32 $0x2, s7;
	[tilespmem:s13+$0xFFFFFFD0] =	vst v3  }
0x325: {  	v62 =	vmov s24;
	v3 =	vld [tilespmem:s18+$0xFFFFFFF0]  }
0x326: {  	v4 =	vand.u32 $0xFFFFFFFE, v62  }
0x327: {  	v4 =	vbroadcast v4, $0x0;
	_ =	sdelay $0x2  }
0x328: {  	v3 =	vmul.f32 v3, v2;
	v2 =	vnsel vm0, $0x0, v2  }
0x329: {  	[tilespmem:s13+$0xFFFFFFF0] =	vst v2  }
0x32a: {  	[tilespmem:s13+$0xFFFFFFE0] =	vst v3  }
0x32b: {  	v2 =	vld.idx.msk [tilespmem:v4+s28+$0x0], $0xffff  }
0x32c: {  	v3 =	vld [tilespmem:s18+$0x0];
	_ =	sdelay $0x4  }
0x32d: {  	v3 =	vmul.f32 v3, v2;
	_ =	sdelay $0x1  }
0x32e: {  	[tilespmem:s13+$0x0] =	vst v3  }
0x32f: {  	v3 =	vld [tilespmem:s18+$0x10];
	_ =	sdelay $0x4  }
0x330: {  	v3 =	vmul.f32 v3, v2;
	_ =	sdelay $0x1  }
0x331: {  	[tilespmem:s13+$0x10] =	vst v3  }
0x332: {  	v3 =	vld [tilespmem:s18+$0x20];
	_ =	sdelay $0x4  }
0x333: {  	v3 =	vmul.f32 v3, v2;
	_ =	sdelay $0x1  }
0x334: {  	[tilespmem:s13+$0x20] =	vst v3  }
0x335: {  	v3 =	vld [tilespmem:s18+$0x30];
	_ =	sdelay $0x4  }
0x336: {  	v3 =	vmul.f32 v3, v2;
	_ =	sdelay $0x1  }
0x337: {  	[tilespmem:s13+$0x30] =	vst v3  }
0x338: {  	v3 =	vld [tilespmem:s18+$0x40];
	_ =	sdelay $0x4  }
0x339: {  	v3 =	vmul.f32 v3, v2;
	_ =	sdelay $0x1  }
0x33a: {  	[tilespmem:s13+$0x40] =	vst v3  }
0x33b: {  	v3 =	vld [tilespmem:s18+$0x50];
	_ =	sdelay $0x4  }
0x33c: {  	v3 =	vmul.f32 v3, v2;
	_ =	sdelay $0x1  }
0x33d: {  	[tilespmem:s13+$0x50] =	vst v3  }
0x33e: {  	v3 =	vld [tilespmem:s18+$0x60];
	_ =	sdelay $0x4  }
0x33f: {  	v3 =	vmul.f32 v3, v2;
	_ =	sdelay $0x1  }
0x340: {  	[tilespmem:s13+$0x60] =	vst v3  }
0x341: {  	v3 =	vld [tilespmem:s18+$0x70];
	_ =	sdelay $0x1  }
0x342: {  	s11 =	sadd.s32 $0x3, s7  }
0x343: {  	v63 =	vmov s11;
	_ =	sdelay $0x1  }
0x344: {  	v3 =	vmul.f32 v3, v2;
	v2 =	vnsel vm0, $0x0, v2  }
0x345: {  	[tilespmem:s13+$0x80] =	vst v2  }
0x346: {  	[tilespmem:s13+$0x70] =	vst v3  }
0x347: {  	v2 =	vld.idx.msk [tilespmem:v63+s28+$0x0], $0xffff  }
0x348: {  	v3 =	vld [tilespmem:s18+$0x80];
	_ =	sdelay $0x4  }
0x349: {  	v3 =	vmul.f32 v3, v2;
	_ =	sdelay $0x1  }
0x34a: {  	[tilespmem:s13+$0x90] =	vst v3  }
0x34b: {  	v3 =	vld [tilespmem:s18+$0x90];
	_ =	sdelay $0x4  }
0x34c: {  	v3 =	vmul.f32 v3, v2;
	_ =	sdelay $0x1  }
0x34d: {  	[tilespmem:s13+$0xA0] =	vst v3  }
0x34e: {  	v3 =	vld [tilespmem:s18+$0xA0];
	_ =	sdelay $0x4  }
0x34f: {  	v3 =	vmul.f32 v3, v2;
	_ =	sdelay $0x1  }
0x350: {  	[tilespmem:s13+$0xB0] =	vst v3  }
0x351: {  	v3 =	vld [tilespmem:s18+$0xB0];
	_ =	sdelay $0x4  }
0x352: {  	v3 =	vmul.f32 v3, v2;
	_ =	sdelay $0x1  }
0x353: {  	[tilespmem:s13+$0xC0] =	vst v3  }
0x354: {  	v3 =	vld [tilespmem:s18+$0xC0];
	_ =	sdelay $0x4  }
0x355: {  	v3 =	vmul.f32 v3, v2;
	_ =	sdelay $0x1  }
0x356: {  	[tilespmem:s13+$0xD0] =	vst v3  }
0x357: {  	v3 =	vld [tilespmem:s18+$0xD0];
	_ =	sdelay $0x4  }
0x358: {  	v3 =	vmul.f32 v3, v2;
	_ =	sdelay $0x1  }
0x359: {  	[tilespmem:s13+$0xE0] =	vst v3  }
0x35a: {  	v3 =	vld [tilespmem:s18+$0xE0];
	_ =	sdelay $0x4  }
0x35b: {  	v3 =	vmul.f32 v3, v2;
	_ =	sdelay $0x1  }
0x35c: {  	[tilespmem:s13+$0xF0] =	vst v3  }
0x35d: {  	v3 =	vld [tilespmem:s18+$0xF0];
	_ =	sdelay $0x4  }
0x35e: {  	v4 =	vnsel vm0, $0x0, v2;
	v2 =	vmul.f32 v3, v2  }
0x35f: {  	[tilespmem:s13+$0x110] =	vst v4  }
0x360: {  	[tilespmem:s13+$0x100] =	vst v2  }
0x361: {  	v2 =	vld [tilespmem:$0x60]  }
0x362: {  	v3 =	vld [tilespmem:$0x70];
	_ =	sdelay $0x3  }
0x363: {  	v2 =	vsub.s32 v2, v0  }
0x364: {  	p0 =	seq.s32 s14, $0x137;
	v3 =	vsub.s32 v3, v0;
	v2 =	vmin.u32 v2, $0x1388  }
0x365: {  	s7 =	sadd.s32 @!p0 s17, s16;
	[tilespmem:$0xE0] =	vst v2;
	v2 =	vmin.u32 v3, $0x1388  }
0x366: {  	s24 =	simm.s32 $0xE0;
	s7 =	sshrl.u32 @!p0 s7, $0x3;
	[tilespmem:$0xF0] =	vst v2  }
0x367: {  	[spmem:s1] =	stream.indirect.scatter.add.f32 [tilespmem:s12], [sflag:$0x6], $0x90, s24, s26, $0xb8;
	[tilespmem:$0x12930] =	vst v63  }
0x368: {  	s17 =	simm.s32 @!p0 $0x20;
	s11 =	sadd.s32 @!p0 s4, s7;
	s13 =	simm.s32 @!p0 $0x0  }
0x369: {  	[tilespmem:s17], [sflag:$0x2] =	stream.linear.gather @!p0 [hbm4b:s11+s13], $0x20, $0x38;
	[tilespmem:$0x12930] =	vst v63  }
.Ltmp11:
0x36a: {  	_ = 	snop;
	(pc) =	sbr.rel .LBB2_16-.Ltmp11, $4  }
0x36b: {  	s11 =	sadd.s32 @!p0 s5, s7;
	s17 =	simm.s32 @!p0 $0x60  }
0x36c: {  	[tilespmem:s17], [sflag:$0x2] =	stream.linear.gather @!p0 [hbm4b:s11+s13], $0x20, $0x38;
	[tilespmem:$0x12930] =	vst v63  }
0x36d: {  	s7 =	sadd.s32 @!p0 s6, s7;
	s11 =	simm.s32 @!p0 $0xA0  }
0x36e: {  	[tilespmem:s11], [sflag:$0x2] =	stream.linear.gather @!p0 [hbm4b:s7+s13], $0x20, $0x38;
	[tilespmem:$0x12930] =	vst v63  }
.LBB2_18:
0x36f: {  	_ =	sfence.sel $0x180000  }
0x370: {  	[bflag:$0x0] =	sbarrier.arrive $0xFFFF  }
0x371: {  	_ =	strace $0x9000004A  }
0x372: {  	s0 =	stileid.u32;
	[bflag:$0x2] =	sbarrier.arrive $0xFFFF  }
0x373: {  	p0 =	sne.s32 s0, $0x0;
	s0 =	rddreg [dreg:$0x3]  }
0x374: {  	s0 =	sadd.s32 @!p0 $0x100000, s0  }
0x375: {  	[sflag:s0] =	ssyncadd.tile.s32 @!p0 $0x1;
	_ =	shalt  }
.Lfunc_end2:
_tile_overlayer_lowered:
.L_overlay_start_2:
0x376: {  	(tag) =	ssettag $0x2  }
0x377: {  	s0 =	rddreg [dreg:$0x0];
	s2 =	stileid.u32  }
0x378: {  	s1 =	rddreg [dreg:$0x1];
	p0 =	sne.s32 s2, $0x0  }
0x379: {  	s3 =	rddreg [dreg:$0x2];
	[bflag:$0x3] =	sbarrier.arrive $0xFFFF;
	s2 =	simm.s32 @!p0 $0x1C07  }
0x37a: {  	[timem:s3], [sflag:s2] =	dma.local @!p0 [hbm:s0], s1  }
0x37b: {  	s0 =	simm.s32 @!p0 $0x7  }
0x37c: {  	_ =	swait.ge @!p0 [sflag:s0], s1  }
0x37d: {  	s1 =	ssub.s32 @!p0 $0x0, s1;
	[sflag:s0] =	ssyncset.done @!p0 $0x0  }
0x37e: {  	[sflag:s0] =	ssyncadd.s32 @!p0 s1  }
0x37f: {  	[bflag:$0x3] =	sbarrier.arrive $0xFFFF  }
0x380: {  	_ =	shalt  }

// kernel: kernel.7.cloned.1.call-start
scs
__scs_entry_jumppad:
0x0: {  	(pc) =	sbr.rel $0x88, $3  }
0x1: {  	(tag) =	ssettag $0x0;
	lr =	simm.s32 $0x1  }
0x2: {  	[smem:$0x3F96] =	sst lr;
	_ =	strace $0xD0000000  }
0x3: {  	_ = 	snop  }
0x4: {  	_ = 	snop  }
0x5: {  	_ = 	snop  }
0x6: {  	_ = 	snop  }
0x7: {  	_ = 	snop  }
__scs_overlays_trampoline_lowered:
0x8: {  	[smem:$0x3FA5] =	sst s0  }
0x9: {  	[smem:$0x3FA6] =	sst s1  }
0xa: {  	[smem:$0x3FA7] =	sst s2  }
0xb: {  	[smem:$0x3FA8] =	sst s3  }
0xc: {  	[smem:$0x3FA9] =	sst s4  }
0xd: {  	[smem:$0x3FAA] =	sst s5  }
0xe: {  	[smem:$0x3FAB] =	sst s6  }
0xf: {  	[smem:$0x3FAC] =	sst s7  }
0x10: {  	[smem:$0x3FAD] =	sst s8  }
0x11: {  	[smem:$0x3FAE] =	sst s9;
	s0 =	simm.s32 @!p0 $0x0  }
0x12: {  	s1 =	sld [smem:$0x3F94];
	s0 =	simm.s32 @p0 $0x1  }
0x13: {  	[smem:$0x3FAF] =	sst s0;
	s0 =	simm.s32 @!p1 $0x0  }
0x14: {  	s2 =	sld [smem:$0x3F93];
	s0 =	simm.s32 @p1 $0x1  }
0x15: {  	[smem:$0x3FB0] =	sst s0;
	s0 =	simm.s32 @!p2 $0x0  }
0x16: {  	s3 =	sld [smem:$0x3FDB];
	s0 =	simm.s32 @p2 $0x1  }
0x17: {  	s4 =	simm.s32 $0x1BF5;
	[smem:$0x3FB2] =	sst s0  }
0x18: {  	s0 =	sld [smem:$0x3F95];
	_ =	swait.ge [sflag:s4], $0x0  }
0x19: {  	s7 =	sld [smem:$0x3F96]  }
0x1a: {  	s8 =	sadd.s32 $0xFFFFE003, lr  }
0x1b: {  	s9 =	sadd.s32 $0xFFFFFEF7, lr;
	s5 =	simm.s32 $0xFFFFFFFF;
	p2 =	slt.u32 s8, $0xFFFFF086  }
0x1c: {  	p1 =	slt.u32 s9, $0xF7A;
	s5 =	simm.s32 @!p2 $0x0  }
0x1d: {  	s5 =	simm.s32 @p1 $0x1;
	p0 =	seq.s32 s7, s2  }
0x1e: {  	s7 =	smul.u32 @!p0 $0xF7A, s2;
	p2 =	seq.s32 @!p0 s5, $0x0  }
0x1f: {  	s9 =	smul.u32 $0xF7A, s1;
	s8 =	simm.s32 @!p0 $0x1BF5;
	p2 =	por !p2, p0  }
0x20: {  	[sflag:s8] =	ssyncset.s32 @!p0 $0xFFFFF086;
	s6 =	sadd.s32 @!p0 s3, s7;
	s7 =	simm.s32 @!p0 $0x108  }
0x21: {  	s3 =	sadd.s32 s3, s9;
	s6 =	sadd.s32 @!p0 $0x88, s6;
	s7 =	simm.s32 @p2 $0x1082  }
0x22: {  	[simem:s7], [sflag:s8] =	dma.local @!p0 [hbm:s6], $0xF7A  }
0x23: {  	s9 =	sor.u32 $0xD0000000, s2;
	s6 =	simm.s32 $0x108;
	_ =	swait.ge @!p0 [sflag:s8], $0x0  }
0x24: {  	s3 =	sadd.s32 $0x88, s3;
	s6 =	simm.s32 @!p1 $0x1082;
	[sflag:s4] =	ssyncset.s32 $0xFFFFF086  }
0x25: {  	[simem:s6], [sflag:s4] =	dma.local [hbm:s3], $0xF7A  }
0x26: {  	[smem:$0x3F96] =	sst s1;
	(tag) =	ssettag s2;
	_ =	strace s9  }
0x27: {  	s1 =	sld [smem:$0x3FA6]  }
0x28: {  	s2 =	sld [smem:$0x3FA7]  }
0x29: {  	s4 =	sld [smem:$0x3FA9]  }
0x2a: {  	p0 =	seq.s32 s5, $0x0;
	s5 =	sld [smem:$0x3FAA]  }
0x2b: {  	s6 =	sld [smem:$0x3FAB]  }
0x2c: {  	s7 =	sld [smem:$0x3FAC]  }
0x2d: {  	s3 =	simm.s32 $0x108;
	s8 =	sld [smem:$0x3FAD]  }
0x2e: {  	s3 =	simm.s32 @!p0 $0x1082;
	s9 =	sld [smem:$0x3FAE]  }
0x2f: {  	lr =	sadd.s32 s0, s3;
	s0 =	sld [smem:$0x3FA5]  }
0x30: {  	s3 =	sld [smem:$0x3FA8]  }
0x31: {  	[smem:$0x3FB1] =	sst s10  }
0x32: {  	s10 =	sld [smem:$0x3FAF];
	_ =	sdelay $0x3  }
0x33: {  	p0 =	seq.s32 s10, $0x1;
	s10 =	sld [smem:$0x3FB1];
	_ =	sdelay $0x3  }
0x34: {  	[smem:$0x3FB1] =	sst s10  }
0x35: {  	s10 =	sld [smem:$0x3FB0];
	_ =	sdelay $0x3  }
0x36: {  	p1 =	seq.s32 s10, $0x1;
	s10 =	sld [smem:$0x3FB1];
	_ =	sdelay $0x3  }
0x37: {  	[smem:$0x3FB1] =	sst s10  }
0x38: {  	s10 =	sld [smem:$0x3FB2]  }
0x39: {  	_ = 	snop;
	(pc) =	sbr.ind lr, $3  }
0x3a: {  	_ = 	snop  }
0x3b: {  	_ = 	snop  }
0x3c: {  	p2 =	seq.s32 s10, $0x1;
	s10 =	sld [smem:$0x3FB1]  }
0x3d: {  	_ =	shalt  }
0x3e: {  	_ =	shalt  }
0x3f: {  	_ =	shalt  }
0x40: {  	_ =	shalt  }
0x41: {  	_ =	shalt  }
0x42: {  	_ =	shalt  }
0x43: {  	_ =	shalt  }
0x44: {  	_ =	shalt  }
0x45: {  	_ =	shalt  }
0x46: {  	_ =	shalt  }
0x47: {  	_ =	shalt  }
0x48: {  	_ =	shalt  }
0x49: {  	_ =	shalt  }
0x4a: {  	_ =	shalt  }
0x4b: {  	_ =	shalt  }
0x4c: {  	_ =	shalt  }
0x4d: {  	_ =	shalt  }
0x4e: {  	_ =	shalt  }
0x4f: {  	_ =	shalt  }
0x50: {  	_ =	shalt  }
0x51: {  	_ =	shalt  }
0x52: {  	_ =	shalt  }
0x53: {  	_ =	shalt  }
0x54: {  	_ =	shalt  }
0x55: {  	_ =	shalt  }
0x56: {  	_ =	shalt  }
0x57: {  	_ =	shalt  }
0x58: {  	_ =	shalt  }
0x59: {  	_ =	shalt  }
0x5a: {  	_ =	shalt  }
0x5b: {  	_ =	shalt  }
0x5c: {  	_ =	shalt  }
0x5d: {  	_ =	shalt  }
0x5e: {  	_ =	shalt  }
0x5f: {  	_ =	shalt  }
0x60: {  	_ =	shalt  }
0x61: {  	_ =	shalt  }
0x62: {  	_ =	shalt  }
0x63: {  	_ =	shalt  }
0x64: {  	_ =	shalt  }
0x65: {  	_ =	shalt  }
0x66: {  	_ =	shalt  }
0x67: {  	_ =	shalt  }
0x68: {  	_ =	shalt  }
0x69: {  	_ =	shalt  }
0x6a: {  	_ =	shalt  }
0x6b: {  	_ =	shalt  }
0x6c: {  	_ =	shalt  }
0x6d: {  	_ =	shalt  }
0x6e: {  	_ =	shalt  }
0x6f: {  	_ =	shalt  }
0x70: {  	_ =	shalt  }
0x71: {  	_ =	shalt  }
0x72: {  	_ =	shalt  }
0x73: {  	_ =	shalt  }
0x74: {  	_ =	shalt  }
0x75: {  	_ =	shalt  }
0x76: {  	_ =	shalt  }
0x77: {  	_ =	shalt  }
0x78: {  	_ =	shalt  }
0x79: {  	_ =	shalt  }
0x7a: {  	_ =	shalt  }
0x7b: {  	_ =	shalt  }
0x7c: {  	_ =	shalt  }
0x7d: {  	_ =	shalt  }
0x7e: {  	_ =	shalt  }
0x7f: {  	_ =	shalt  }
0x80: {  	_ =	shalt  }
0x81: {  	_ =	shalt  }
0x82: {  	_ =	shalt  }
0x83: {  	_ =	shalt  }
0x84: {  	_ =	shalt  }
0x85: {  	_ =	shalt  }
0x86: {  	_ =	shalt  }
0x87: {  	_ =	shalt  }
.Lfunc_end0:
.L_simem_size_0:
called_computation_lowered:
.L_overlay_start_0:
0x88: {  	s2 =	sld [smem:$0x3FD9]  }
0x89: {  	s3 =	sld [smem:$0x3FFE];
	_ =	sdelay $0x1  }
0x8a: {  	s1 =	srdreg.scid  }
0x8b: {  	s0 =	sand.u32 $0x1, s1  }
0x8c: {  	s17 =	sshll.u32 s0, $0xA;
	s2 =	sadd.s32 s3, s2  }
0x8d: {  	s2 =	sadd.s32 s2, s17  }
0x8e: {  	[smem:$0x3FBD] =	sst s2  }
0x8f: {  	_ = 	snop  }
0x90: {  	s2 =	sld [smem:$0x3FD0];
	(tm) =	ssettm $0x1  }
0x91: {  	s18 =	sld [smem:$0x3FFB];
	_ =	sdelay $0x3  }
0x92: {  	_ =	strace s18  }
0x93: {  	s3 =	sld [smem:$0x3FFC];
	_ =	sdelay $0x3  }
0x94: {  	_ =	strace s3  }
0x95: {  	s3 =	sld [smem:$0x3FFD];
	_ =	sdelay $0x3  }
0x96: {  	_ =	strace s3  }
0x97: {  	_ =	strace $0x8FFFFFFF  }
0x98: {  	s19 =	sld [smem:$0x3FDB];
	_ =	sdelay $0x1  }
0x99: {  	s4 =	simm.s32 $_scs_section_size  }
0x9a: {  	s5 =	simm.s32 $_size__tile_overlayer_lowered;
	s6 =	simm.s32 $_tile_overlayer_lowered  }
0x9b: {  	s22 =	simm.s32 $0x1BFF;
	s21 =	sshll.u32 s6, $0x1;
	s3 =	sadd.s32 s4, s19  }
0x9c: {  	s7 =	simm.s32 $0x0;
	s20 =	sshll.u32 s5, $0x1;
	s5 =	sadd.s32 s21, s3  }
0x9d: {  	[timem:s7], [sflag:s22] =	dma.local [hbm:s5], s20  }
0x9e: {  	_ =	swait.ge [sflag:s22], s20  }
0x9f: {  	s4 =	ssub.s32 $0x0, s20;
	[sflag:s22] =	ssyncset.done $0x0  }
0xa0: {  	[sflag:s22] =	ssyncadd.s32 s4;
	_ =	sdelay $0x1  }
0xa1: {  	s23 =	simm.s32 $0x1B8B  }
0xa2: {  	_ =	swait.ge [sflag:s23], $0x1  }
0xa3: {  	[sflag:s23] =	ssyncset.done $0x0  }
0xa4: {  	s25 =	simm.s32 $0x1B8E;
	s24 =	sld [smem:$0x3FFE];
	[sflag:s23] =	ssyncadd.s32 $0xFFFFFFFF  }
0xa5: {  	s26 =	simm.s32 $execute0_lowered;
	[smem:$0x3FD2] =	sst s25  }
0xa6: {  	s5 =	sshll.u32 s26, $0x1;
	_ =	strace $0x80000046;
	[dreg:$0x1] =	wrdreg $0xFFFFFFFF  }
0xa7: {  	s28 =	simm.s32 $_size_execute0_lowered;
	s3 =	sadd.s32 s3, s5;
	[dreg:$0x0] =	wrdreg $0x0  }
0xa8: {  	s5 =	sshll.u32 s28, $0x1;
	[dreg:$0x2] =	wrdreg s3  }
0xa9: {  	[dreg:$0x3] =	wrdreg s5  }
0xaa: {  	[dreg:$0x4] =	wrdreg $0xC0  }
0xab: {  	_ =	task [dreg:s7], $0x5FFFF  }
0xac: {  	[dreg:$0x1] =	wrdreg $0xFFFFFFFF  }
0xad: {  	[dreg:$0x0] =	wrdreg $0x60  }
0xae: {  	[dreg:$0x2] =	wrdreg s24  }
0xaf: {  	[dreg:$0x3] =	wrdreg s2  }
0xb0: {  	[dreg:$0x4] =	wrdreg $0x9  }
0xb1: {  	_ =	task.clear_ibuf [dreg:s7], $0x5FFFF;
	_ =	strace $0x90000046  }
0xb2: {  	s29 =	simm.s32 $0x9;
	_ =	strace $0x80000048  }
0xb3: {  	_ =	swait.ge [sflag:s29], $0x1  }
0xb4: {  	[sflag:s29] =	ssyncadd.s32 $0xFFFFFFFF  }
0xb5: {  	_ =	strace $0x90000048  }
0xb6: {  	_ =	sfence  }
0xb7: {  	s30 =	sld [smem:$0x0];
	_ =	sdelay $0x2  }
0xb8: {  	s31 =	sshll.u32 s1, $0xD;
	s1 =	sshrl.u32 s1, $0x2  }
0xb9: {  	s3 =	sand.u32 $0x4000, s31;
	s1 =	sadd.s32 s1, s30  }
0xba: {  	s0 =	sor.u32 s3, s0;
	s1 =	sshll.u32 s1, $0x11  }
0xbb: {  	s0 =	sor.u32 s1, s0  }
0xbc: {  	s0 =	sadd.s32 $0x8F2B, s0  }
0xbd: {  	[sflag:s0] =	ssyncadd.remote.s32 $0x1  }
0xbe: {  	_ =	sfence.sel $0xFFFF  }
0xbf: {  	[dreg:$0x0] =	wrdreg $0xFFFFFFFF;
	(pc) =	sbr.abs _section_cstart, $3  }
0xc0: {  	[dreg:$0x1] =	wrdreg $0xFFFFFFFF  }
0xc1: {  	_ =	task.clear_ibuf [dreg:s7], $0x2FFFF;
	_ =	strace $0x9FFFFFFF  }
0xc2: {  	(tm) =	ssettm $0x7FFFFFFF  }
0xc3: {  	_ =	shalt  }
tec
execute0_lowered:
.L_overlay_start_1:
0x0: {  	(tag) =	ssettag $0x1  }
0x1: {  	s0 =	rddreg [dreg:$0x0];
	s1 =	srdreg.scid  }
0x2: {  	s3 =	stileid.u32;
	s2 =	rddreg [dreg:$0x1]  }
0x3: {  	s12 =	simm.s32 $0x3;
	s15 =	simm.s32 $0x50;
	s16 =	simm.s32 $0x7530  }
0x4: {  	s17 =	simm.s32 $0x9D30;
	s18 =	simm.s32 $0xC530;
	s24 =	simm.s32 $0x1  }
0x5: {  	s25 =	simm.s32 $0x16530;
	s1 =	sand.u32 $0x1, s1;
	s4 =	sshll.u32 s3, $0x1  }
0x6: {  	s26 =	simm.s32 $0x18C40;
	s28 =	simm.s32 $0x2;
	s4 =	sor.u32 s1, s4  }
0x7: {  	s29 =	simm.s32 $0x0;
	s3 =	simm.s32 $0x0;
	s6 =	smul.u32 $0x4E2, s4  }
.Ltmp0:
0x8: {  	[smem:$0x7FF] =	sst s3;
	s1 =	ssub.s32 $0x2, s1;
	(pc) =	sbr.rel .LBB2_1-.Ltmp0, $4  }
0x9: {  	s5 =	sadd.s32 $0x46A00, s0;
	_ =	strace $0x80000047;
	s31 =	sshrl.u32 s1, $0x1  }
0xa: {  	s4 =	sadd.s32 $0x1F800, s0;
	s1 =	ssub.s32 s1, s31;
	s0 =	sadd.s32 s6, s0  }
0xb: {  	s11 =	smax.u32 s1, $0x1;
	s6 =	sadd.s32 $0x15A00, s0;
	s7 =	sadd.s32 $0xBC00, s0  }
0xc: {  	v0 =	vimm.f32 $-Inf;
	v1 =	vimm.f32 $0.0e+00;
	s8 =	sadd.s32 $0x1E00, s0;
	s9 =	sadd.s32 $0x9EC00, s0;
	s10 =	sadd.s32 $0x94E00, s0  }
.LBB2_32:
0xd: {  	[hbm4b:s9+s3] =	stream.linear.scatter [tilespmem:s25], [sflag:$0x3], $0x2710, $0x38;
	[tilespmem:$0x1B350] =	vst v63  }
0xe: {  	s29 =	sadd.s32 $0x1, s29;
	_ =	swait.ge [sflag:s12], $0x2710  }
0xf: {  	p0 =	sne.s32 s29, s11;
	[sflag:s12] =	ssyncset.done $0x0  }
.Ltmp1:
0x10: {  	[sflag:s12] =	ssyncadd.s32 $0xFFFFD8F0;
	(pc) =	sbr.rel @!p0 .LBB2_33-.Ltmp1, $4  }
0x11: {  	[hbm4b:s10+s3] =	stream.linear.scatter [tilespmem:s26], [sflag:$0x3], $0x2710, $0x38;
	[tilespmem:$0x1B350] =	vst v63  }
0x12: {  	_ =	swait.ge [sflag:s12], $0x2710  }
0x13: {  	[sflag:s12] =	ssyncset.done $0x0  }
0x14: {  	[sflag:s12] =	ssyncadd.s32 $0xFFFFD8F0  }
.LBB2_1:
0x15: {  	s0 =	simm.s32 $0x40;
	s1 =	simm.s32 $0x0  }
.LBB2_2:
0x16: {  	p0 =	sne.s32 s0, $0x9C00;
	[tilespmem:s1+$0x18C40] =	vst v0;
	s1 =	smov.u32 s0;
	s0 =	sadd.s32 $0x40, s0  }
.Ltmp2:
0x17: {  	(pc) =	sbr.rel @p0 .LBB2_2-.Ltmp2, $2  }
0x18: {  	_ =	sdelay $0x2  }
0x19: {  	s1 =	sshra.s32 s1, $0x2  }
0x1a: {  	[tilespmem:s1+$0x18C40] =	vst v0;
	s30 =	simm.s32 $0x0  }
0x1b: {  	[tilespmem:s30], [sflag:$0x3] =	stream.linear.gather [hbm4b:s6+s30], $0x2710, $0x38;
	[tilespmem:$0x1B350] =	vst v63  }
0x1c: {  	_ =	swait.ge [sflag:s12], $0x2710  }
0x1d: {  	[sflag:s12] =	ssyncset.done $0x0  }
0x1e: {  	s0 =	simm.s32 $0x2710;
	[sflag:s12] =	ssyncadd.s32 $0xFFFFD8F0  }
0x1f: {  	[tilespmem:s0], [sflag:$0x3] =	stream.linear.gather [hbm4b:s7+s30], $0x2710, $0x38;
	[tilespmem:$0x1B350] =	vst v63  }
0x20: {  	_ =	swait.ge [sflag:s12], $0x2710  }
0x21: {  	[sflag:s12] =	ssyncset.done $0x0  }
0x22: {  	s14 =	simm.s32 $0x4E20;
	[sflag:s12] =	ssyncadd.s32 $0xFFFFD8F0  }
0x23: {  	[tilespmem:s14], [sflag:$0x3] =	stream.linear.gather [hbm4b:s8+s30], $0x2710, $0x38;
	[tilespmem:$0x1B350] =	vst v63  }
0x24: {  	_ =	swait.ge [sflag:s12], $0x2710  }
0x25: {  	[sflag:s12] =	ssyncset.done $0x0  }
0x26: {  	[sflag:s12] =	ssyncadd.s32 $0xFFFFD8F0  }
0x27: {  	[tilespmem:s16], [sflag:$0x1] =	stream.indirect.gather [hbm4b:s2+s15], $0x80, s30, s15, $0xb8;
	[tilespmem:$0x1B350] =	vst v63  }
0x28: {  	_ = 	snop  }
0x29: {  	[tilespmem:s17], [sflag:$0x1] =	stream.indirect.gather [hbm4b:s4+s15], $0x80, s0, s15, $0xb8;
	[tilespmem:$0x1B350] =	vst v63  }
0x2a: {  	_ = 	snop  }
0x2b: {  	[tilespmem:s18], [sflag:$0x1] =	stream.indirect.gather [hbm4b:s5+s15], $0x80, s14, s15, $0xb8;
	[tilespmem:$0x1B350] =	vst v63  }
0x2c: {  	s19 =	simm.s32 $0xED30  }
0x2d: {  	[tilespmem:s19], [sflag:$0x2] =	stream.indirect.gather [hbm4b:s2+s15], $0x80, s15, s15, $0xb8;
	[tilespmem:$0x1B350] =	vst v63  }
.Ltmp3:
0x2e: {  	_ = 	snop;
	(pc) =	sbr.rel .LBB2_4-.Ltmp3, $4  }
0x2f: {  	s20 =	simm.s32 $0x2760;
	s21 =	simm.s32 $0x11530  }
0x30: {  	[tilespmem:s21], [sflag:$0x2] =	stream.indirect.gather [hbm4b:s4+s15], $0x80, s20, s15, $0xb8;
	[tilespmem:$0x1B350] =	vst v63  }
0x31: {  	s22 =	simm.s32 $0x4E70;
	s23 =	simm.s32 $0x13D30;
	s31 =	simm.s32 $0x0  }
0x32: {  	[tilespmem:s23], [sflag:$0x2] =	stream.indirect.gather [hbm4b:s5+s15], $0x80, s22, s15, $0xb8;
	[tilespmem:$0x1B350] =	vst v63  }
.LBB2_30:
0x33: {  	p0 =	sgt.u32 s31, $0x3C  }
0x34: {  	s0 =	sadd.s32 @!p0 $0xF0, s1;
	s13 =	simm.s32 @!p0 $0x50;
	s14 =	simm.s32 @!p0 $0xED30  }
0x35: {  	[tilespmem:s14], [sflag:$0x2] =	stream.indirect.gather @!p0 [hbm4b:s2+s13], $0x80, s0, s13, $0xb8;
	[tilespmem:$0x1B350] =	vst v63  }
0x36: {  	s0 =	sadd.s32 @!p0 $0x2800, s1;
	s14 =	simm.s32 @!p0 $0x11530  }
0x37: {  	[tilespmem:s14], [sflag:$0x2] =	stream.indirect.gather @!p0 [hbm4b:s4+s13], $0x80, s0, s13, $0xb8;
	[tilespmem:$0x1B350] =	vst v63  }
0x38: {  	s0 =	sadd.s32 @!p0 $0x4F10, s1;
	s1 =	simm.s32 @!p0 $0x13D30  }
0x39: {  	[tilespmem:s1], [sflag:$0x2] =	stream.indirect.gather @!p0 [hbm4b:s5+s13], $0x80, s0, s13, $0xb8;
	[tilespmem:$0x1B350] =	vst v63  }
.LBB2_31:
0x3a: {  	s31 =	sadd.s32 $0x1, s31  }
0x3b: {  	p0 =	sne.s32 s31, $0x3F  }
.Ltmp4:
0x3c: {  	_ = 	snop;
	(pc) =	sbr.rel @!p0 .LBB2_32-.Ltmp4, $2  }
0x3d: {  	_ =	sdelay $0x2  }
0x3e: {  	s30 =	sadd.s32 $0xA0, s30  }
.LBB2_4:
0x3f: {  	_ =	swait.ge [sflag:s24], $0x2800  }
0x40: {  	[sflag:s24] =	ssyncset.done $0x0  }
0x41: {  	[sflag:s24] =	ssyncadd.s32 $0xFFFFD800  }
0x42: {  	_ =	swait.ge [sflag:s24], $0x2800  }
0x43: {  	[sflag:s24] =	ssyncset.done $0x0  }
0x44: {  	[sflag:s24] =	ssyncadd.s32 $0xFFFFD800  }
0x45: {  	_ =	swait.ge [sflag:s24], $0x2800  }
0x46: {  	[sflag:s24] =	ssyncset.done $0x0  }
0x47: {  	s13 =	simm.s32 $0x9DB0;
	[sflag:s24] =	ssyncadd.s32 $0xFFFFD800  }
0x48: {  	v2 =	vld [tilespmem:s13+$0xFFFFFFC0]  }
0x49: {  	s19 =	simm.s32 $0xC5B0;
	v3 =	vld [tilespmem:s13+$0xFFFFFFF0]  }
0x4a: {  	v4 =	vld [tilespmem:s19+$0xFFFFFFE0]  }
0x4b: {  	v5 =	vld [tilespmem:s19+$0xFFFFFFC0]  }
0x4c: {  	v6 =	vld [tilespmem:s13+$0xFFFFFFD0]  }
0x4d: {  	v7 =	vld [tilespmem:s19+$0xFFFFFFD0]  }
0x4e: {  	v8 =	vld [tilespmem:s13+$0xFFFFFFE0]  }
0x4f: {  	v9 =	vld [tilespmem:s19+$0xFFFFFFF0]  }
0x50: {  	v10 =	vld [tilespmem:s13+$0xFFFFFF80]  }
0x51: {  	v11 =	vld [tilespmem:s19+$0xFFFFFFB0]  }
0x52: {  	v12 =	vld [tilespmem:s13+$0xFFFFFFB0]  }
0x53: {  	v13 =	vld [tilespmem:s19+$0xFFFFFFA0]  }
0x54: {  	v14 =	vld [tilespmem:s13+$0xFFFFFFA0];
	v3 =	vadd.f32 v9, v3  }
0x55: {  	v21 =	vld [tilespmem:s19+$0xFFFFFF90];
	v2 =	vadd.f32 v5, v2  }
0x56: {  	v22 =	vld [tilespmem:s19+$0xFFFFFF80];
	v4 =	vadd.f32 v4, v8;
	v3 =	vadd.f32 v3, v3  }
0x57: {  	v6 =	vadd.f32 v7, v6;
	v5 =	vld [tilespmem:s13+$0xFFFFFF90];
	v2 =	vadd.f32 v2, v2  }
0x58: {  	v23 =	vadd.f32 v11, v12;
	v4 =	vadd.f32 v4, v4;
	v3 =	vmul.f32 $1.442695020e+00, v3  }
0x59: {  	v24 =	vadd.f32 v13, v14;
	v6 =	vadd.f32 v6, v6;
	v2 =	vmul.f32 $1.442695020e+00, v2  }
0x5a: {  	v9 =	vadd.f32 v23, v23;
	v4 =	vmul.f32 $1.442695020e+00, v4;
	(erf) = vpow2.f32 v3  }
0x5b: {  	v6 =	vmul.f32 $1.442695020e+00, v6;
	(erf) = vpow2.f32 v2;
	v2 =	vadd.f32 v22, v10  }
0x5c: {  	v25 =	vmul.f32 $1.442695020e+00, v9;
	v3 =	vadd.f32 v21, v5;
	(erf) = vpow2.f32 v4  }
0x5d: {  	v5 =	vadd.f32 v24, v24;
	(erf) = vpow2.f32 v6;
	v2 =	vadd.f32 v2, v2  }
0x5e: {  	v3 =	vadd.f32 v3, v3;
	(erf) = vpow2.f32 v25  }
0x5f: {  	v4 =	vmul.f32 $1.442695020e+00, v5;
	v2 =	vmul.f32 $1.442695020e+00, v2  }
0x60: {  	v3 =	vmul.f32 $1.442695020e+00, v3  }
0x61: {  	(erf) = vpow2.f32 v4  }
0x62: {  	(erf) = vpow2.f32 v3  }
0x63: {  	(erf) = vpow2.f32 v2;
	v2 =	vpop (erf)  }
0x64: {  	v3 =	vpop (erf)  }
0x65: {  	v2 =	vadd.f32 $1.000000000e+00, v2;
	v4 =	vpop (erf)  }
0x66: {  	v3 =	vadd.f32 $1.000000000e+00, v3;
	v5 =	vpop (erf)  }
0x67: {  	(erf) = vrcp.f32 v2;
	v2 =	vadd.f32 $1.000000000e+00, v5;
	v5 =	vpop (erf)  }
0x68: {  	v4 =	vadd.f32 $1.000000000e+00, v4;
	(erf) = vrcp.f32 v3;
	v3 =	vadd.f32 $1.000000000e+00, v5;
	_ =	sdelay $0x1  }
0x69: {  	v5 =	vpop (erf);
	(erf) = vrcp.f32 v4  }
0x6a: {  	v4 =	vadd.f32 $1.000000000e+00, v5;
	(erf) = vrcp.f32 v2;
	v2 =	vpop (erf)  }
0x6b: {  	(erf) = vrcp.f32 v3;
	v2 =	vadd.f32 $1.000000000e+00, v2;
	v3 =	vpop (erf)  }
0x6c: {  	(erf) = vrcp.f32 v4;
	v3 =	vadd.f32 $1.000000000e+00, v3  }
0x6d: {  	(erf) = vrcp.f32 v2  }
0x6e: {  	(erf) = vrcp.f32 v3  }
0x6f: {  	s0 =	simm.s32 $0x75B0  }
0x70: {  	v27 =	vld [tilespmem:s0+$0xFFFFFFD0];
	v3 =	vpop (erf)  }
0x71: {  	v29 =	vld [tilespmem:s0+$0xFFFFFF90];
	v4 =	vpop (erf)  }
0x72: {  	v2 =	vld [tilespmem:s0+$0xFFFFFFF0];
	v3 =	vadd.f32 v3, v3;
	v26 =	vpop (erf)  }
0x73: {  	v5 =	vld [tilespmem:s0+$0xFFFFFFC0];
	v4 =	vadd.f32 v4, v4;
	v28 =	vpop (erf)  }
0x74: {  	v33 =	vld [tilespmem:s0+$0xFFFFFFE0];
	v6 =	vadd.f32 v26, v26;
	v3 =	vsub.f32 $1.000000000e+00, v3;
	v30 =	vpop (erf)  }
0x75: {  	v31 =	vld [tilespmem:s0+$0xFFFFFFB0];
	v4 =	vsub.f32 $1.000000000e+00, v4;
	v8 =	vadd.f32 v28, v28;
	v32 =	vpop (erf)  }
0x76: {  	v34 =	vld [tilespmem:s0+$0xFFFFFFA0];
	v10 =	vadd.f32 v30, v30;
	v6 =	vsub.f32 $1.000000000e+00, v6;
	v15 =	vpop (erf)  }
0x77: {  	v16 =	vld [tilespmem:s0+$0xFFFFFF80];
	v2 =	vmul.f32 v3, v2;
	v12 =	vadd.f32 v32, v32;
	v8 =	vsub.f32 $1.000000000e+00, v8;
	v17 =	vpop (erf)  }
0x78: {  	v4 =	vmul.f32 v4, v5;
	v3 =	vadd.f32 v15, v15;
	v35 =	vadd.f32 v17, v17  }
0x79: {  	v10 =	vsub.f32 $1.000000000e+00, v10;
	v6 =	vmul.f32 v6, v33;
	v5 =	vsub.f32 $1.000000000e+00, v12  }
0x7a: {  	v7 =	vmul.f32 v8, v27;
	v3 =	vsub.f32 $1.000000000e+00, v3;
	v36 =	vsub.f32 $1.000000000e+00, v35  }
0x7b: {  	v10 =	vmul.f32 v10, v31;
	v5 =	vmul.f32 v5, v34  }
0x7c: {  	v3 =	vmul.f32 v3, v29;
	v8 =	vmul.f32 v36, v16  }
0x7d: {  	v2 =	vadd.f32 v2, v6;
	v4 =	vadd.f32 v7, v4  }
0x7e: {  	v5 =	vadd.f32 v10, v5;
	v3 =	vadd.f32 v3, v8;
	_ =	sdelay $0x1  }
0x7f: {  	v2 =	vadd.f32 v2, v4;
	v3 =	vadd.f32 v5, v3;
	_ =	sdelay $0x1  }
0x80: {  	v2 =	vadd.f32 v2, v3;
	_ =	sdelay $0x1  }
0x81: {  	(xrf2) =	vadd.scan.msk.f32 $0xffff, v2;
	_ =	sdelay $0x2  }
0x82: {  	s21 =	sadd.s32 $0xFFFFFFFE, s30  }
0x83: {  	s20 =	sadd.s32 $0x2, s21  }
0x84: {  	v2 =	vmov s20  }
0x85: {  	v2 =	vand.u32 $0xFFFFFFFE, v2  }
0x86: {  	v2 =	vbroadcast v2, $0x0;
	_ =	sdelay $0x2  }
0x87: {  	v3, _, _ =	vpop (xrf2)  }
0x88: {  	v3 =	vbroadcast v3, $0xF;
	_ =	sdelay $0x1  }
0x89: {  	[tilespmem:v2+s25+$0x0] =	vst.idx.msk $0x1, v3  }
0x8a: {  	v2 =	vld [tilespmem:s13+$0x0]  }
0x8b: {  	v3 =	vld [tilespmem:s19+$0x0]  }
0x8c: {  	v4 =	vld [tilespmem:s13+$0x10]  }
0x8d: {  	v5 =	vld [tilespmem:s19+$0x10]  }
0x8e: {  	v37 =	vld [tilespmem:s13+$0x20]  }
0x8f: {  	v38 =	vld [tilespmem:s19+$0x20]  }
0x90: {  	v40 =	vld [tilespmem:s19+$0x50];
	v2 =	vadd.f32 v3, v2  }
0x91: {  	v41 =	vld [tilespmem:s13+$0x50]  }
0x92: {  	v42 =	vld [tilespmem:s19+$0x40];
	v4 =	vadd.f32 v5, v4;
	v2 =	vadd.f32 v2, v2  }
0x93: {  	v3 =	vld [tilespmem:s13+$0x70]  }
0x94: {  	v5 =	vld [tilespmem:s19+$0x70];
	v4 =	vadd.f32 v4, v4;
	v2 =	vmul.f32 $1.442695020e+00, v2  }
0x95: {  	v43 =	vld [tilespmem:s13+$0x40]  }
0x96: {  	v4 =	vmul.f32 $1.442695020e+00, v4;
	(erf) = vpow2.f32 v2  }
0x97: {  	v44 =	vld [tilespmem:s13+$0x30];
	v6 =	vadd.f32 v38, v37  }
0x98: {  	v2 =	vld [tilespmem:s19+$0x30];
	(erf) = vpow2.f32 v4;
	v4 =	vadd.f32 v40, v41  }
0x99: {  	v39 =	vld [tilespmem:s19+$0x60];
	v6 =	vadd.f32 v6, v6;
	v3 =	vadd.f32 v5, v3  }
0x9a: {  	v45 =	vld [tilespmem:s13+$0x60];
	v5 =	vadd.f32 v42, v43;
	v4 =	vadd.f32 v4, v4  }
0x9b: {  	v6 =	vmul.f32 $1.442695020e+00, v6;
	v3 =	vadd.f32 v3, v3  }
0x9c: {  	v5 =	vadd.f32 v5, v5;
	v4 =	vmul.f32 $1.442695020e+00, v4  }
0x9d: {  	(erf) = vpow2.f32 v6;
	v3 =	vmul.f32 $1.442695020e+00, v3;
	v2 =	vadd.f32 v2, v44  }
0x9e: {  	v5 =	vmul.f32 $1.442695020e+00, v5;
	(erf) = vpow2.f32 v4  }
0x9f: {  	v46 =	vadd.f32 v39, v45;
	v2 =	vadd.f32 v2, v2;
	(erf) = vpow2.f32 v3;
	v47 =	vpop (erf)  }
0xa0: {  	(erf) = vpow2.f32 v5;
	v4 =	vadd.f32 $1.000000000e+00, v47  }
0xa1: {  	v3 =	vadd.f32 v46, v46;
	v2 =	vmul.f32 $1.442695020e+00, v2;
	v48 =	vpop (erf)  }
0xa2: {  	v5 =	vadd.f32 $1.000000000e+00, v48;
	(erf) = vrcp.f32 v4  }
0xa3: {  	v3 =	vmul.f32 $1.442695020e+00, v3;
	(erf) = vpow2.f32 v2  }
0xa4: {  	(erf) = vrcp.f32 v5  }
0xa5: {  	(erf) = vpow2.f32 v3  }
0xa6: {  	v2 =	vpop (erf)  }
0xa7: {  	v3 =	vpop (erf)  }
0xa8: {  	v4 =	vpop (erf);
	v3 =	vadd.f32 $1.000000000e+00, v3  }
0xa9: {  	v2 =	vadd.f32 $1.000000000e+00, v2;
	v5 =	vpop (erf)  }
0xaa: {  	v5 =	vadd.f32 $1.000000000e+00, v5  }
0xab: {  	(erf) = vrcp.f32 v2;
	v2 =	vadd.f32 $1.000000000e+00, v4;
	v4 =	vpop (erf)  }
0xac: {  	(erf) = vrcp.f32 v3;
	v3 =	vpop (erf)  }
0xad: {  	(erf) = vrcp.f32 v2;
	v2 =	vadd.f32 $1.000000000e+00, v3;
	v3 =	vpop (erf)  }
0xae: {  	(erf) = vrcp.f32 v5;
	v5 =	vpop (erf)  }
0xaf: {  	v5 =	vadd.f32 $1.000000000e+00, v5  }
0xb0: {  	(erf) = vrcp.f32 v2  }
0xb1: {  	(erf) = vrcp.f32 v5;
	_ =	sdelay $0x1  }
0xb2: {  	v49 =	vld [tilespmem:s0+$0x70]  }
0xb3: {  	v51 =	vld [tilespmem:s0+$0x50]  }
0xb4: {  	v58 =	vld [tilespmem:s0+$0x0];
	v4 =	vadd.f32 v4, v4;
	v5 =	vpop (erf)  }
0xb5: {  	v3 =	vadd.f32 v3, v3;
	v2 =	vld [tilespmem:s0+$0x10];
	v50 =	vpop (erf)  }
0xb6: {  	v56 =	vld [tilespmem:s0+$0x20];
	v4 =	vsub.f32 $1.000000000e+00, v4;
	v5 =	vadd.f32 v5, v5;
	v52 =	vpop (erf)  }
0xb7: {  	v53 =	vld [tilespmem:s0+$0x40];
	v3 =	vsub.f32 $1.000000000e+00, v3;
	v7 =	vadd.f32 v50, v50;
	v54 =	vpop (erf)  }
0xb8: {  	v55 =	vld [tilespmem:s0+$0x30];
	v5 =	vsub.f32 $1.000000000e+00, v5;
	v9 =	vadd.f32 v52, v52;
	v57 =	vpop (erf)  }
0xb9: {  	v59 =	vld [tilespmem:s0+$0x60];
	v4 =	vmul.f32 v4, v58;
	v11 =	vadd.f32 v54, v54;
	v7 =	vsub.f32 $1.000000000e+00, v7;
	v60 =	vpop (erf)  }
0xba: {  	v2 =	vmul.f32 v3, v2;
	v14 =	vadd.f32 v57, v57;
	v61 =	vadd.f32 v60, v60  }
0xbb: {  	v9 =	vsub.f32 $1.000000000e+00, v9;
	v5 =	vmul.f32 v5, v56;
	v11 =	vsub.f32 $1.000000000e+00, v11  }
0xbc: {  	v7 =	vmul.f32 v7, v51;
	v3 =	vsub.f32 $1.000000000e+00, v14;
	v62 =	vsub.f32 $1.000000000e+00, v61  }
0xbd: {  	v6 =	vmul.f32 v9, v49;
	v10 =	vmul.f32 v11, v53  }
0xbe: {  	v3 =	vmul.f32 v3, v55;
	v63 =	vmul.f32 v62, v59  }
0xbf: {  	v2 =	vadd.f32 v2, v4;
	v4 =	vadd.f32 v7, v10  }
0xc0: {  	v3 =	vadd.f32 v3, v5;
	v5 =	vadd.f32 v6, v63  }
0xc1: {  	s1 =	smul.u32 $0xA0, s31  }
0xc2: {  	s22 =	sadd.s32 $0x3, s21;
	s21 =	simm.s32 $0x9EB0;
	s20 =	simm.s32 $0x0;
	v2 =	vadd.f32 v3, v2;
	v3 =	vadd.f32 v5, v4  }
.LBB2_5:
0xc3: {  	s0 =	sadd.s32 $0x100, s0  }
0xc4: {  	s19 =	sadd.s32 $0x100, s19;
	s23 =	smov.u32 s20;
	s20 =	sadd.s32 $0x2, s20  }
0xc5: {  	p0 =	slt.u32 s20, $0x4E;
	v2 =	vadd.f32 v3, v2;
	_ =	sdelay $0x1  }
0xc6: {  	(xrf2) =	vadd.scan.msk.f32 $0xffff, v2;
	_ =	sdelay $0x7  }
0xc7: {  	v2 =	vmov s22;
	_ =	sdelay $0x1  }
0xc8: {  	v3, _, _ =	vpop (xrf2)  }
0xc9: {  	v3 =	vbroadcast v3, $0xF;
	_ =	sdelay $0x1  }
0xca: {  	[tilespmem:v2+s25+$0x0] =	vst.idx.msk $0x1, v3;
	_ =	sdelay $0x1  }
0xcb: {  	v2 =	vld [tilespmem:s21+$0xFFFFFFC0]  }
0xcc: {  	v3 =	vld [tilespmem:s21+$0xFFFFFFF0]  }
0xcd: {  	v4 =	vld [tilespmem:s19+$0xFFFFFFE0]  }
0xce: {  	v5 =	vld [tilespmem:s19+$0xFFFFFFC0]  }
0xcf: {  	v6 =	vld [tilespmem:s21+$0xFFFFFFD0]  }
0xd0: {  	v7 =	vld [tilespmem:s19+$0xFFFFFFD0]  }
0xd1: {  	v8 =	vld [tilespmem:s21+$0xFFFFFFE0]  }
0xd2: {  	v9 =	vld [tilespmem:s19+$0xFFFFFFF0]  }
0xd3: {  	v10 =	vld [tilespmem:s21+$0xFFFFFF80]  }
0xd4: {  	v11 =	vld [tilespmem:s19+$0xFFFFFFB0]  }
0xd5: {  	v12 =	vld [tilespmem:s21+$0xFFFFFFB0]  }
0xd6: {  	v6 =	vadd.f32 v7, v6;
	v13 =	vld [tilespmem:s19+$0xFFFFFFA0];
	v4 =	vadd.f32 v4, v8  }
0xd7: {  	v7 =	vld [tilespmem:s21+$0xFFFFFFA0];
	v3 =	vadd.f32 v9, v3  }
0xd8: {  	v2 =	vadd.f32 v5, v2;
	v5 =	vadd.f32 v6, v6;
	v8 =	vld [tilespmem:s19+$0xFFFFFF90]  }
0xd9: {  	v4 =	vadd.f32 v4, v4;
	v6 =	vld [tilespmem:s21+$0xFFFFFF90];
	v3 =	vadd.f32 v3, v3  }
0xda: {  	v2 =	vadd.f32 v2, v2;
	v9 =	vld [tilespmem:s19+$0xFFFFFF80];
	v11 =	vadd.f32 v11, v12  }
0xdb: {  	v5 =	vmul.f32 $1.442695020e+00, v5;
	v3 =	vmul.f32 $1.442695020e+00, v3  }
0xdc: {  	v2 =	vmul.f32 $1.442695020e+00, v2;
	v7 =	vadd.f32 v13, v7;
	v11 =	vadd.f32 v11, v11  }
0xdd: {  	v4 =	vmul.f32 $1.442695020e+00, v4;
	(erf) = vpow2.f32 v3  }
0xde: {  	v3 =	vadd.f32 v8, v6;
	v6 =	vadd.f32 v7, v7;
	(erf) = vpow2.f32 v2  }
0xdf: {  	v7 =	vmul.f32 $1.442695020e+00, v11;
	v2 =	vadd.f32 v9, v10;
	(erf) = vpow2.f32 v4  }
0xe0: {  	v3 =	vadd.f32 v3, v3;
	v4 =	vmul.f32 $1.442695020e+00, v6;
	(erf) = vpow2.f32 v5  }
0xe1: {  	v2 =	vadd.f32 v2, v2;
	(erf) = vpow2.f32 v7  }
0xe2: {  	v3 =	vmul.f32 $1.442695020e+00, v3;
	(erf) = vpow2.f32 v4  }
0xe3: {  	v4 =	vmul.f32 $1.442695020e+00, v2  }
0xe4: {  	(erf) = vpow2.f32 v3  }
0xe5: {  	(erf) = vpow2.f32 v4  }
0xe6: {  	v2 =	vpop (erf)  }
0xe7: {  	v2 =	vadd.f32 $1.000000000e+00, v2;
	v3 =	vpop (erf)  }
0xe8: {  	v3 =	vadd.f32 $1.000000000e+00, v3;
	v4 =	vpop (erf)  }
0xe9: {  	v4 =	vadd.f32 $1.000000000e+00, v4;
	v5 =	vpop (erf);
	(erf) = vrcp.f32 v2  }
0xea: {  	v6 =	vadd.f32 $1.000000000e+00, v5;
	v5 =	vpop (erf);
	(erf) = vrcp.f32 v3  }
0xeb: {  	v7 =	vadd.f32 $1.000000000e+00, v5;
	v5 =	vpop (erf);
	(erf) = vrcp.f32 v4  }
0xec: {  	v4 =	vadd.f32 $1.000000000e+00, v5;
	(erf) = vrcp.f32 v6  }
0xed: {  	v2 =	vpop (erf);
	(erf) = vrcp.f32 v7  }
0xee: {  	v2 =	vadd.f32 $1.000000000e+00, v2;
	v3 =	vpop (erf);
	(erf) = vrcp.f32 v4  }
0xef: {  	v4 =	vadd.f32 $1.000000000e+00, v3  }
0xf0: {  	(erf) = vrcp.f32 v2  }
0xf1: {  	(erf) = vrcp.f32 v4  }
0xf2: {  	v2 =	vld [tilespmem:s0+$0xFFFFFFF0];
	v3 =	vpop (erf)  }
0xf3: {  	v3 =	vadd.f32 v3, v3;
	v4 =	vpop (erf)  }
0xf4: {  	v5 =	vld [tilespmem:s0+$0xFFFFFFC0];
	v4 =	vadd.f32 v4, v4;
	v6 =	vpop (erf)  }
0xf5: {  	v7 =	vld [tilespmem:s0+$0xFFFFFFD0];
	v6 =	vadd.f32 v6, v6;
	v12 =	vsub.f32 $1.000000000e+00, v3;
	v8 =	vpop (erf)  }
0xf6: {  	v9 =	vld [tilespmem:s0+$0xFFFFFF90];
	v4 =	vsub.f32 $1.000000000e+00, v4;
	v8 =	vadd.f32 v8, v8;
	v10 =	vpop (erf)  }
0xf7: {  	v11 =	vld [tilespmem:s0+$0xFFFFFFB0];
	v10 =	vadd.f32 v10, v10;
	v6 =	vsub.f32 $1.000000000e+00, v6;
	v2 =	vmul.f32 v12, v2;
	v3 =	vpop (erf)  }
0xf8: {  	v3 =	vadd.f32 v3, v3;
	v15 =	vsub.f32 $1.000000000e+00, v8;
	v12 =	vld [tilespmem:s0+$0xFFFFFFE0]  }
0xf9: {  	v13 =	vld [tilespmem:s0+$0xFFFFFFA0];
	v10 =	vsub.f32 $1.000000000e+00, v10;
	v4 =	vmul.f32 v4, v5;
	v5 =	vpop (erf)  }
0xfa: {  	v14 =	vld [tilespmem:s0+$0xFFFFFF80];
	v5 =	vadd.f32 v5, v5;
	v3 =	vsub.f32 $1.000000000e+00, v3;
	v7 =	vmul.f32 v15, v7;
	v8 =	vpop (erf)  }
0xfb: {  	v8 =	vadd.f32 v8, v8  }
0xfc: {  	v5 =	vsub.f32 $1.000000000e+00, v5;
	v4 =	vadd.f32 v7, v4  }
0xfd: {  	v7 =	vsub.f32 $1.000000000e+00, v8;
	v6 =	vmul.f32 v6, v12  }
0xfe: {  	v8 =	vmul.f32 v10, v11;
	v3 =	vmul.f32 v3, v13  }
0xff: {  	v5 =	vmul.f32 v5, v9;
	v7 =	vmul.f32 v7, v14  }
0x100: {  	v2 =	vadd.f32 v2, v6  }
0x101: {  	v3 =	vadd.f32 v8, v3;
	v5 =	vadd.f32 v5, v7;
	_ =	sdelay $0x1  }
0x102: {  	v2 =	vadd.f32 v2, v4;
	v3 =	vadd.f32 v3, v5;
	_ =	sdelay $0x1  }
0x103: {  	v2 =	vadd.f32 v2, v3;
	_ =	sdelay $0x1  }
0x104: {  	(xrf2) =	vadd.scan.msk.f32 $0xffff, v2;
	_ =	sdelay $0x2  }
0x105: {  	s13 =	sadd.s32 s23, s30  }
0x106: {  	s23 =	sadd.s32 $0x2, s13;
	s22 =	sadd.s32 $0x3, s13  }
0x107: {  	v2 =	vmov s23  }
0x108: {  	v2 =	vand.u32 $0xFFFFFFFE, v2  }
0x109: {  	v2 =	vbroadcast v2, $0x0;
	_ =	sdelay $0x2  }
0x10a: {  	v3, _, _ =	vpop (xrf2)  }
0x10b: {  	v3 =	vbroadcast v3, $0xF;
	_ =	sdelay $0x1  }
0x10c: {  	[tilespmem:v2+s25+$0x0] =	vst.idx.msk $0x1, v3  }
0x10d: {  	v2 =	vld [tilespmem:s21+$0x0]  }
0x10e: {  	v3 =	vld [tilespmem:s19+$0x0]  }
0x10f: {  	v4 =	vld [tilespmem:s21+$0x10]  }
0x110: {  	v5 =	vld [tilespmem:s19+$0x10]  }
0x111: {  	v6 =	vld [tilespmem:s21+$0x20]  }
0x112: {  	v7 =	vld [tilespmem:s19+$0x20]  }
0x113: {  	v2 =	vadd.f32 v3, v2;
	v3 =	vld [tilespmem:s21+$0x70]  }
0x114: {  	v8 =	vld [tilespmem:s19+$0x60]  }
0x115: {  	v2 =	vadd.f32 v2, v2;
	v4 =	vadd.f32 v5, v4;
	v5 =	vld [tilespmem:s19+$0x70]  }
0x116: {  	v9 =	vld [tilespmem:s19+$0x50]  }
0x117: {  	v2 =	vmul.f32 $1.442695020e+00, v2;
	v4 =	vadd.f32 v4, v4;
	v6 =	vadd.f32 v7, v6;
	v7 =	vld [tilespmem:s21+$0x50]  }
0x118: {  	v10 =	vld [tilespmem:s19+$0x40]  }
0x119: {  	v4 =	vmul.f32 $1.442695020e+00, v4;
	v6 =	vadd.f32 v6, v6;
	v11 =	vld [tilespmem:s21+$0x40];
	(erf) = vpow2.f32 v2  }
0x11a: {  	v2 =	vld [tilespmem:s19+$0x30];
	v3 =	vadd.f32 v5, v3  }
0x11b: {  	v5 =	vmul.f32 $1.442695020e+00, v6;
	v6 =	vld [tilespmem:s21+$0x30];
	(erf) = vpow2.f32 v4  }
0x11c: {  	v4 =	vadd.f32 v9, v7;
	v7 =	vld [tilespmem:s21+$0x60]  }
0x11d: {  	v3 =	vadd.f32 v3, v3;
	(erf) = vpow2.f32 v5  }
0x11e: {  	v5 =	vadd.f32 v10, v11;
	v4 =	vadd.f32 v4, v4  }
0x11f: {  	v3 =	vmul.f32 $1.442695020e+00, v3  }
0x120: {  	v2 =	vadd.f32 v2, v6;
	v5 =	vadd.f32 v5, v5;
	v4 =	vmul.f32 $1.442695020e+00, v4  }
0x121: {  	v6 =	vadd.f32 v8, v7  }
0x122: {  	v2 =	vadd.f32 v2, v2;
	v5 =	vmul.f32 $1.442695020e+00, v5;
	v7 =	vpop (erf);
	(erf) = vpow2.f32 v4  }
0x123: {  	v7 =	vadd.f32 $1.000000000e+00, v7;
	v6 =	vadd.f32 v6, v6;
	(erf) = vpow2.f32 v3  }
0x124: {  	v2 =	vmul.f32 $1.442695020e+00, v2;
	v3 =	vpop (erf);
	(erf) = vpow2.f32 v5  }
0x125: {  	v3 =	vadd.f32 $1.000000000e+00, v3;
	v5 =	vmul.f32 $1.442695020e+00, v6;
	(erf) = vrcp.f32 v7  }
0x126: {  	v4 =	vpop (erf);
	(erf) = vpow2.f32 v2  }
0x127: {  	v2 =	vadd.f32 $1.000000000e+00, v4;
	(erf) = vrcp.f32 v3  }
0x128: {  	(erf) = vpow2.f32 v5  }
0x129: {  	(erf) = vrcp.f32 v2;
	_ =	sdelay $0x1  }
0x12a: {  	v2 =	vpop (erf)  }
0x12b: {  	v2 =	vadd.f32 $1.000000000e+00, v2;
	v3 =	vpop (erf)  }
0x12c: {  	v3 =	vadd.f32 $1.000000000e+00, v3;
	v4 =	vpop (erf)  }
0x12d: {  	v4 =	vadd.f32 $1.000000000e+00, v4;
	v5 =	vpop (erf);
	(erf) = vrcp.f32 v2  }
0x12e: {  	v2 =	vadd.f32 v5, v5;
	v5 =	vpop (erf);
	(erf) = vrcp.f32 v3  }
0x12f: {  	v3 =	vld [tilespmem:s0+$0x10];
	v5 =	vadd.f32 $1.000000000e+00, v5;
	v6 =	vpop (erf);
	(erf) = vrcp.f32 v4  }
0x130: {  	v2 =	vsub.f32 $1.000000000e+00, v2;
	v4 =	vadd.f32 v6, v6;
	v6 =	vpop (erf)  }
0x131: {  	v6 =	vadd.f32 $1.000000000e+00, v6;
	v7 =	vpop (erf);
	(erf) = vrcp.f32 v5  }
0x132: {  	v4 =	vsub.f32 $1.000000000e+00, v4;
	v5 =	vadd.f32 v7, v7  }
0x133: {  	(erf) = vrcp.f32 v6  }
0x134: {  	v3 =	vmul.f32 v4, v3;
	v4 =	vsub.f32 $1.000000000e+00, v5;
	_ =	sdelay $0x1  }
0x135: {  	v5 =	vld [tilespmem:s0+$0x70];
	v6 =	vpop (erf)  }
0x136: {  	v7 =	vld [tilespmem:s0+$0x50];
	v6 =	vadd.f32 v6, v6;
	v8 =	vpop (erf)  }
0x137: {  	v9 =	vld [tilespmem:s0+$0x40];
	v8 =	vadd.f32 v8, v8;
	v10 =	vpop (erf)  }
0x138: {  	v11 =	vld [tilespmem:s0+$0x30];
	v10 =	vadd.f32 v10, v10;
	v6 =	vsub.f32 $1.000000000e+00, v6  }
0x139: {  	v12 =	vld [tilespmem:s0+$0x20];
	v8 =	vsub.f32 $1.000000000e+00, v8;
	v13 =	vpop (erf)  }
0x13a: {  	v14 =	vld [tilespmem:s0+$0x0];
	v13 =	vadd.f32 v13, v13;
	v10 =	vsub.f32 $1.000000000e+00, v10  }
0x13b: {  	v15 =	vld [tilespmem:s0+$0x60];
	v16 =	vpop (erf)  }
0x13c: {  	v13 =	vsub.f32 $1.000000000e+00, v13;
	v9 =	vmul.f32 v10, v9;
	v10 =	vadd.f32 v16, v16;
	_ =	sdelay $0x1  }
0x13d: {  	v4 =	vmul.f32 v4, v12;
	v11 =	vmul.f32 v13, v11;
	v10 =	vsub.f32 $1.000000000e+00, v10  }
0x13e: {  	v6 =	vmul.f32 v6, v7;
	v2 =	vmul.f32 v2, v14  }
.Ltmp5:
0x13f: {  	v5 =	vmul.f32 v8, v5;
	v7 =	vmul.f32 v10, v15;
	v4 =	vadd.f32 v11, v4;
	(pc) =	sbr.rel @p0 .LBB2_5-.Ltmp5, $3  }
0x140: {  	v2 =	vadd.f32 v3, v2  }
0x141: {  	v3 =	vadd.f32 v6, v9;
	v5 =	vadd.f32 v5, v7;
	_ =	sdelay $0x1  }
0x142: {  	s21 =	sadd.s32 $0x100, s21;
	v2 =	vadd.f32 v4, v2;
	v3 =	vadd.f32 v5, v3  }
0x143: {  	_ = 	snop  }
0x144: {  	v2 =	vadd.f32 v3, v2;
	_ =	sdelay $0x1  }
0x145: {  	(xrf2) =	vadd.scan.msk.f32 $0xffff, v2;
	_ =	sdelay $0x7  }
0x146: {  	v2 =	vmov s22;
	_ =	sdelay $0x1  }
0x147: {  	v3, _, _ =	vpop (xrf2)  }
0x148: {  	v3 =	vbroadcast v3, $0xF;
	_ =	sdelay $0x1  }
0x149: {  	[tilespmem:v2+s25+$0x0] =	vst.idx.msk $0x1, v3  }
0x14a: {  	v2 =	vld [tilespmem:s1+$0x2710];
	_ =	sdelay $0x6  }
0x14b: {  	v3 =	vld [tilespmem:s1+$0x16530]  }
0x14c: {  	v4 =	vld.idx.msk [tilespmem:v2+s26+$0x0], $0xffff;
	_ =	sdelay $0x4  }
0x14d: {  	vm0 =	vgt.f32 v3, v4  }
0x14e: {  	v4 =	vsel vm0, $0x3F800000, v1  }
0x14f: {  	(xrf0) =	vmax.scan.msk.f32 $0xffff, v4;
	_ =	sdelay $0x5  }
0x150: {  	v4, _, _ =	vpop (xrf0)  }
0x151: {  	(v2sf) =	vpush v4, $0xF;
	_ =	sdelay $0xe  }
0x152: {  	s0 =	spop (v2sf)  }
0x153: {  	p0 =	sgt.f32 s0, $0.0e+00  }
.Ltmp6:
0x154: {  	_ = 	snop;
	(pc) =	sbr.rel @!p0 .LBB2_8-.Ltmp6, $1  }
0x155: {  	_ =	sdelay $0x3  }
.LBB2_7:
0x156: {  	[tilespmem:v2+s26+$0x0] =	vst.idx.msk vm0, v3  }
0x157: {  	v4 =	vld.idx.msk [tilespmem:v2+s26+$0x0], $0xffff;
	_ =	sdelay $0x4  }
0x158: {  	vm0 =	vgt.f32 v3, v4  }
0x159: {  	v4 =	vsel vm0, $0x3F800000, v1  }
0x15a: {  	(xrf0) =	vmax.scan.msk.f32 $0xffff, v4;
	_ =	sdelay $0x5  }
0x15b: {  	v4, _, _ =	vpop (xrf0)  }
0x15c: {  	(v2sf) =	vpush v4, $0xF;
	_ =	sdelay $0xe  }
0x15d: {  	s0 =	spop (v2sf)  }
0x15e: {  	p0 =	sgt.f32 s0, $0.0e+00  }
.Ltmp7:
0x15f: {  	_ = 	snop;
	(pc) =	sbr.rel @p0 .LBB2_7-.Ltmp7, $1  }
0x160: {  	_ =	sdelay $0x3  }
.LBB2_8:
0x161: {  	v2 =	vld [tilespmem:s1+$0x2720];
	_ =	sdelay $0x6  }
0x162: {  	v3 =	vld [tilespmem:s1+$0x16540]  }
0x163: {  	v4 =	vld.idx.msk [tilespmem:v2+s26+$0x0], $0xffff;
	_ =	sdelay $0x4  }
0x164: {  	vm0 =	vgt.f32 v3, v4  }
0x165: {  	v4 =	vsel vm0, $0x3F800000, v1  }
0x166: {  	(xrf0) =	vmax.scan.msk.f32 $0xffff, v4;
	_ =	sdelay $0x5  }
0x167: {  	v4, _, _ =	vpop (xrf0)  }
0x168: {  	(v2sf) =	vpush v4, $0xF;
	_ =	sdelay $0xe  }
0x169: {  	s0 =	spop (v2sf)  }
0x16a: {  	p0 =	sgt.f32 s0, $0.0e+00  }
.Ltmp8:
0x16b: {  	_ = 	snop;
	(pc) =	sbr.rel @!p0 .LBB2_10-.Ltmp8, $1  }
0x16c: {  	_ =	sdelay $0x3  }
.LBB2_9:
0x16d: {  	[tilespmem:v2+s26+$0x0] =	vst.idx.msk vm0, v3  }
0x16e: {  	v4 =	vld.idx.msk [tilespmem:v2+s26+$0x0], $0xffff;
	_ =	sdelay $0x4  }
0x16f: {  	vm0 =	vgt.f32 v3, v4  }
0x170: {  	v4 =	vsel vm0, $0x3F800000, v1  }
0x171: {  	(xrf0) =	vmax.scan.msk.f32 $0xffff, v4;
	_ =	sdelay $0x5  }
0x172: {  	v4, _, _ =	vpop (xrf0)  }
0x173: {  	(v2sf) =	vpush v4, $0xF;
	_ =	sdelay $0xe  }
0x174: {  	s0 =	spop (v2sf)  }
0x175: {  	p0 =	sgt.f32 s0, $0.0e+00  }
.Ltmp9:
0x176: {  	_ = 	snop;
	(pc) =	sbr.rel @p0 .LBB2_9-.Ltmp9, $1  }
0x177: {  	_ =	sdelay $0x3  }
.LBB2_10:
0x178: {  	v2 =	vld [tilespmem:s1+$0x2730];
	_ =	sdelay $0x6  }
0x179: {  	v3 =	vld [tilespmem:s1+$0x16550]  }
0x17a: {  	v4 =	vld.idx.msk [tilespmem:v2+s26+$0x0], $0xffff;
	_ =	sdelay $0x4  }
0x17b: {  	vm0 =	vgt.f32 v3, v4  }
0x17c: {  	v4 =	vsel vm0, $0x3F800000, v1  }
0x17d: {  	(xrf0) =	vmax.scan.msk.f32 $0xffff, v4;
	_ =	sdelay $0x5  }
0x17e: {  	v4, _, _ =	vpop (xrf0)  }
0x17f: {  	(v2sf) =	vpush v4, $0xF;
	_ =	sdelay $0xe  }
0x180: {  	s0 =	spop (v2sf)  }
0x181: {  	p0 =	sgt.f32 s0, $0.0e+00  }
.Ltmp10:
0x182: {  	_ = 	snop;
	(pc) =	sbr.rel @!p0 .LBB2_12-.Ltmp10, $1  }
0x183: {  	_ =	sdelay $0x3  }
.LBB2_11:
0x184: {  	[tilespmem:v2+s26+$0x0] =	vst.idx.msk vm0, v3  }
0x185: {  	v4 =	vld.idx.msk [tilespmem:v2+s26+$0x0], $0xffff;
	_ =	sdelay $0x4  }
0x186: {  	vm0 =	vgt.f32 v3, v4  }
0x187: {  	v4 =	vsel vm0, $0x3F800000, v1  }
0x188: {  	(xrf0) =	vmax.scan.msk.f32 $0xffff, v4;
	_ =	sdelay $0x5  }
0x189: {  	v4, _, _ =	vpop (xrf0)  }
0x18a: {  	(v2sf) =	vpush v4, $0xF;
	_ =	sdelay $0xe  }
0x18b: {  	s0 =	spop (v2sf)  }
0x18c: {  	p0 =	sgt.f32 s0, $0.0e+00  }
.Ltmp11:
0x18d: {  	_ = 	snop;
	(pc) =	sbr.rel @p0 .LBB2_11-.Ltmp11, $1  }
0x18e: {  	_ =	sdelay $0x3  }
.LBB2_12:
0x18f: {  	v2 =	vld [tilespmem:s1+$0x2740];
	_ =	sdelay $0x6  }
0x190: {  	v3 =	vld [tilespmem:s1+$0x16560]  }
0x191: {  	v4 =	vld.idx.msk [tilespmem:v2+s26+$0x0], $0xffff;
	_ =	sdelay $0x4  }
0x192: {  	vm0 =	vgt.f32 v3, v4  }
0x193: {  	v4 =	vsel vm0, $0x3F800000, v1  }
0x194: {  	(xrf0) =	vmax.scan.msk.f32 $0xffff, v4;
	_ =	sdelay $0x5  }
0x195: {  	v4, _, _ =	vpop (xrf0)  }
0x196: {  	(v2sf) =	vpush v4, $0xF;
	_ =	sdelay $0xe  }
0x197: {  	s0 =	spop (v2sf)  }
0x198: {  	p0 =	sgt.f32 s0, $0.0e+00  }
.Ltmp12:
0x199: {  	_ = 	snop;
	(pc) =	sbr.rel @!p0 .LBB2_14-.Ltmp12, $1  }
0x19a: {  	_ =	sdelay $0x3  }
.LBB2_13:
0x19b: {  	[tilespmem:v2+s26+$0x0] =	vst.idx.msk vm0, v3  }
0x19c: {  	v4 =	vld.idx.msk [tilespmem:v2+s26+$0x0], $0xffff;
	_ =	sdelay $0x4  }
0x19d: {  	vm0 =	vgt.f32 v3, v4  }
0x19e: {  	v4 =	vsel vm0, $0x3F800000, v1  }
0x19f: {  	(xrf0) =	vmax.scan.msk.f32 $0xffff, v4;
	_ =	sdelay $0x5  }
0x1a0: {  	v4, _, _ =	vpop (xrf0)  }
0x1a1: {  	(v2sf) =	vpush v4, $0xF;
	_ =	sdelay $0xe  }
0x1a2: {  	s0 =	spop (v2sf)  }
0x1a3: {  	p0 =	sgt.f32 s0, $0.0e+00  }
.Ltmp13:
0x1a4: {  	_ = 	snop;
	(pc) =	sbr.rel @p0 .LBB2_13-.Ltmp13, $1  }
0x1a5: {  	_ =	sdelay $0x3  }
.LBB2_14:
0x1a6: {  	v2 =	vld [tilespmem:s1+$0x2750];
	_ =	sdelay $0x6  }
0x1a7: {  	v3 =	vld [tilespmem:s1+$0x16570]  }
0x1a8: {  	v4 =	vld.idx.msk [tilespmem:v2+s26+$0x0], $0xffff;
	_ =	sdelay $0x4  }
0x1a9: {  	vm0 =	vgt.f32 v3, v4  }
0x1aa: {  	v4 =	vsel vm0, $0x3F800000, v1  }
0x1ab: {  	(xrf0) =	vmax.scan.msk.f32 $0xffff, v4;
	_ =	sdelay $0x5  }
0x1ac: {  	v4, _, _ =	vpop (xrf0)  }
0x1ad: {  	(v2sf) =	vpush v4, $0xF;
	_ =	sdelay $0xe  }
0x1ae: {  	s0 =	spop (v2sf)  }
0x1af: {  	p0 =	sgt.f32 s0, $0.0e+00  }
.Ltmp14:
0x1b0: {  	_ = 	snop;
	(pc) =	sbr.rel @!p0 .LBB2_16-.Ltmp14, $1  }
0x1b1: {  	_ =	sdelay $0x3  }
.LBB2_15:
0x1b2: {  	[tilespmem:v2+s26+$0x0] =	vst.idx.msk vm0, v3  }
0x1b3: {  	v4 =	vld.idx.msk [tilespmem:v2+s26+$0x0], $0xffff;
	_ =	sdelay $0x4  }
0x1b4: {  	vm0 =	vgt.f32 v3, v4  }
0x1b5: {  	v4 =	vsel vm0, $0x3F800000, v1  }
0x1b6: {  	(xrf0) =	vmax.scan.msk.f32 $0xffff, v4;
	_ =	sdelay $0x5  }
0x1b7: {  	v4, _, _ =	vpop (xrf0)  }
0x1b8: {  	(v2sf) =	vpush v4, $0xF;
	_ =	sdelay $0xe  }
0x1b9: {  	s0 =	spop (v2sf)  }
0x1ba: {  	p0 =	sgt.f32 s0, $0.0e+00  }
.Ltmp15:
0x1bb: {  	_ = 	snop;
	(pc) =	sbr.rel @p0 .LBB2_15-.Ltmp15, $1  }
0x1bc: {  	_ =	sdelay $0x3  }
.LBB2_16:
0x1bd: {  	p0 =	seq.s32 s31, $0x3E  }
.Ltmp16:
0x1be: {  	_ = 	snop;
	(pc) =	sbr.rel @p0 .LBB2_32-.Ltmp16, $1  }
0x1bf: {  	_ =	sdelay $0x3  }
0x1c0: {  	s0 =	sadd.s32 $0xA0, s1  }
0x1c1: {  	[tilespmem:s16], [sflag:$0x1] =	stream.indirect.gather [hbm4b:s2+s15], $0x80, s0, s15, $0xb8;
	[tilespmem:$0x1B350] =	vst v63  }
0x1c2: {  	s0 =	sshllo.u32 s31, $0x1  }
0x1c3: {  	p0 =	sgt.u32 s0, $0x7C  }
.Ltmp17:
0x1c4: {  	_ = 	snop;
	(pc) =	sbr.rel @p0 .LBB2_31-.Ltmp17, $4  }
0x1c5: {  	s22 =	sadd.s32 $0x27B0, s1  }
0x1c6: {  	[tilespmem:s17], [sflag:$0x1] =	stream.indirect.gather [hbm4b:s4+s15], $0x80, s22, s15, $0xb8;
	[tilespmem:$0x1B350] =	vst v63  }
0x1c7: {  	s23 =	sadd.s32 $0x4EC0, s1  }
0x1c8: {  	[tilespmem:s18], [sflag:$0x1] =	stream.indirect.gather [hbm4b:s5+s15], $0x80, s23, s15, $0xb8;
	[tilespmem:$0x1B350] =	vst v63  }
0x1c9: {  	_ =	swait.ge [sflag:s28], $0x2800  }
0x1ca: {  	[sflag:s28] =	ssyncset.done $0x0  }
0x1cb: {  	[sflag:s28] =	ssyncadd.s32 $0xFFFFD800  }
0x1cc: {  	_ =	swait.ge [sflag:s28], $0x2800  }
0x1cd: {  	[sflag:s28] =	ssyncset.done $0x0  }
0x1ce: {  	[sflag:s28] =	ssyncadd.s32 $0xFFFFD800  }
0x1cf: {  	_ =	swait.ge [sflag:s28], $0x2800  }
0x1d0: {  	[sflag:s28] =	ssyncset.done $0x0  }
0x1d1: {  	s13 =	simm.s32 $0x115B0;
	[sflag:s28] =	ssyncadd.s32 $0xFFFFD800  }
0x1d2: {  	v2 =	vld [tilespmem:s13+$0xFFFFFFC0]  }
0x1d3: {  	s20 =	simm.s32 $0x13DB0;
	v3 =	vld [tilespmem:s13+$0xFFFFFFF0]  }
0x1d4: {  	v4 =	vld [tilespmem:s20+$0xFFFFFFE0]  }
0x1d5: {  	v5 =	vld [tilespmem:s20+$0xFFFFFFC0]  }
0x1d6: {  	v6 =	vld [tilespmem:s13+$0xFFFFFFD0]  }
0x1d7: {  	v7 =	vld [tilespmem:s20+$0xFFFFFFD0]  }
0x1d8: {  	v8 =	vld [tilespmem:s13+$0xFFFFFFE0]  }
0x1d9: {  	v9 =	vld [tilespmem:s20+$0xFFFFFFF0]  }
0x1da: {  	v10 =	vld [tilespmem:s13+$0xFFFFFF80]  }
0x1db: {  	v11 =	vld [tilespmem:s20+$0xFFFFFFB0]  }
0x1dc: {  	v12 =	vld [tilespmem:s13+$0xFFFFFFB0]  }
0x1dd: {  	v13 =	vld [tilespmem:s20+$0xFFFFFFA0]  }
0x1de: {  	v14 =	vld [tilespmem:s13+$0xFFFFFFA0];
	v3 =	vadd.f32 v9, v3  }
0x1df: {  	v21 =	vld [tilespmem:s20+$0xFFFFFF90];
	v2 =	vadd.f32 v5, v2  }
0x1e0: {  	v22 =	vld [tilespmem:s20+$0xFFFFFF80];
	v4 =	vadd.f32 v4, v8;
	v3 =	vadd.f32 v3, v3  }
0x1e1: {  	v6 =	vadd.f32 v7, v6;
	v5 =	vld [tilespmem:s13+$0xFFFFFF90];
	v2 =	vadd.f32 v2, v2  }
0x1e2: {  	v23 =	vadd.f32 v11, v12;
	v4 =	vadd.f32 v4, v4;
	v3 =	vmul.f32 $1.442695020e+00, v3  }
0x1e3: {  	v24 =	vadd.f32 v13, v14;
	v6 =	vadd.f32 v6, v6;
	v2 =	vmul.f32 $1.442695020e+00, v2  }
0x1e4: {  	v9 =	vadd.f32 v23, v23;
	v4 =	vmul.f32 $1.442695020e+00, v4;
	(erf) = vpow2.f32 v3  }
0x1e5: {  	v6 =	vmul.f32 $1.442695020e+00, v6;
	(erf) = vpow2.f32 v2;
	v2 =	vadd.f32 v22, v10  }
0x1e6: {  	v25 =	vmul.f32 $1.442695020e+00, v9;
	v3 =	vadd.f32 v21, v5;
	(erf) = vpow2.f32 v4  }
0x1e7: {  	v5 =	vadd.f32 v24, v24;
	(erf) = vpow2.f32 v6;
	v2 =	vadd.f32 v2, v2  }
0x1e8: {  	v3 =	vadd.f32 v3, v3;
	(erf) = vpow2.f32 v25  }
0x1e9: {  	v4 =	vmul.f32 $1.442695020e+00, v5;
	v2 =	vmul.f32 $1.442695020e+00, v2  }
0x1ea: {  	v3 =	vmul.f32 $1.442695020e+00, v3  }
0x1eb: {  	(erf) = vpow2.f32 v4  }
0x1ec: {  	(erf) = vpow2.f32 v3  }
0x1ed: {  	(erf) = vpow2.f32 v2;
	v2 =	vpop (erf)  }
0x1ee: {  	v3 =	vpop (erf)  }
0x1ef: {  	v2 =	vadd.f32 $1.000000000e+00, v2;
	v4 =	vpop (erf)  }
0x1f0: {  	v3 =	vadd.f32 $1.000000000e+00, v3;
	v5 =	vpop (erf)  }
0x1f1: {  	(erf) = vrcp.f32 v2;
	v2 =	vadd.f32 $1.000000000e+00, v5;
	v5 =	vpop (erf)  }
0x1f2: {  	v4 =	vadd.f32 $1.000000000e+00, v4;
	(erf) = vrcp.f32 v3;
	v3 =	vadd.f32 $1.000000000e+00, v5;
	_ =	sdelay $0x1  }
0x1f3: {  	v5 =	vpop (erf);
	(erf) = vrcp.f32 v4  }
0x1f4: {  	v4 =	vadd.f32 $1.000000000e+00, v5;
	(erf) = vrcp.f32 v2;
	v2 =	vpop (erf)  }
0x1f5: {  	(erf) = vrcp.f32 v3;
	v2 =	vadd.f32 $1.000000000e+00, v2;
	v3 =	vpop (erf)  }
0x1f6: {  	(erf) = vrcp.f32 v4;
	v3 =	vadd.f32 $1.000000000e+00, v3  }
0x1f7: {  	(erf) = vrcp.f32 v2  }
0x1f8: {  	(erf) = vrcp.f32 v3  }
0x1f9: {  	s19 =	simm.s32 $0xEDB0  }
0x1fa: {  	v27 =	vld [tilespmem:s19+$0xFFFFFFD0];
	v3 =	vpop (erf)  }
0x1fb: {  	v29 =	vld [tilespmem:s19+$0xFFFFFF90];
	v4 =	vpop (erf)  }
0x1fc: {  	v2 =	vld [tilespmem:s19+$0xFFFFFFF0];
	v3 =	vadd.f32 v3, v3;
	v26 =	vpop (erf)  }
0x1fd: {  	v5 =	vld [tilespmem:s19+$0xFFFFFFC0];
	v4 =	vadd.f32 v4, v4;
	v28 =	vpop (erf)  }
0x1fe: {  	v33 =	vld [tilespmem:s19+$0xFFFFFFE0];
	v6 =	vadd.f32 v26, v26;
	v3 =	vsub.f32 $1.000000000e+00, v3;
	v30 =	vpop (erf)  }
0x1ff: {  	v31 =	vld [tilespmem:s19+$0xFFFFFFB0];
	v4 =	vsub.f32 $1.000000000e+00, v4;
	v8 =	vadd.f32 v28, v28;
	v32 =	vpop (erf)  }
0x200: {  	v34 =	vld [tilespmem:s19+$0xFFFFFFA0];
	v10 =	vadd.f32 v30, v30;
	v6 =	vsub.f32 $1.000000000e+00, v6;
	v15 =	vpop (erf)  }
0x201: {  	v16 =	vld [tilespmem:s19+$0xFFFFFF80];
	v2 =	vmul.f32 v3, v2;
	v12 =	vadd.f32 v32, v32;
	v8 =	vsub.f32 $1.000000000e+00, v8;
	v17 =	vpop (erf)  }
0x202: {  	v4 =	vmul.f32 v4, v5;
	v3 =	vadd.f32 v15, v15;
	v35 =	vadd.f32 v17, v17  }
0x203: {  	v10 =	vsub.f32 $1.000000000e+00, v10;
	v6 =	vmul.f32 v6, v33;
	v5 =	vsub.f32 $1.000000000e+00, v12  }
0x204: {  	v7 =	vmul.f32 v8, v27;
	v3 =	vsub.f32 $1.000000000e+00, v3;
	v36 =	vsub.f32 $1.000000000e+00, v35  }
0x205: {  	v10 =	vmul.f32 v10, v31;
	v5 =	vmul.f32 v5, v34  }
0x206: {  	v3 =	vmul.f32 v3, v29;
	v8 =	vmul.f32 v36, v16  }
0x207: {  	v2 =	vadd.f32 v2, v6;
	v4 =	vadd.f32 v7, v4  }
0x208: {  	v5 =	vadd.f32 v10, v5;
	v3 =	vadd.f32 v3, v8;
	_ =	sdelay $0x1  }
0x209: {  	v2 =	vadd.f32 v2, v4;
	v3 =	vadd.f32 v5, v3;
	_ =	sdelay $0x1  }
0x20a: {  	v2 =	vadd.f32 v2, v3;
	_ =	sdelay $0x1  }
0x20b: {  	(xrf2) =	vadd.scan.msk.f32 $0xffff, v2;
	_ =	sdelay $0x2  }
0x20c: {  	s22 =	sadd.s32 $0xFFFFFFFE, s30  }
0x20d: {  	s21 =	sadd.s32 $0x52, s22  }
0x20e: {  	v2 =	vmov s21  }
0x20f: {  	v2 =	vand.u32 $0xFFFFFFFE, v2  }
0x210: {  	v2 =	vbroadcast v2, $0x0;
	_ =	sdelay $0x2  }
0x211: {  	v3, _, _ =	vpop (xrf2)  }
0x212: {  	v3 =	vbroadcast v3, $0xF;
	_ =	sdelay $0x1  }
0x213: {  	[tilespmem:v2+s25+$0x0] =	vst.idx.msk $0x1, v3  }
0x214: {  	v2 =	vld [tilespmem:s13+$0x0]  }
0x215: {  	v3 =	vld [tilespmem:s20+$0x0]  }
0x216: {  	v4 =	vld [tilespmem:s13+$0x10]  }
0x217: {  	v5 =	vld [tilespmem:s20+$0x10]  }
0x218: {  	v37 =	vld [tilespmem:s13+$0x20]  }
0x219: {  	v38 =	vld [tilespmem:s20+$0x20]  }
0x21a: {  	v40 =	vld [tilespmem:s20+$0x50];
	v2 =	vadd.f32 v3, v2  }
0x21b: {  	v41 =	vld [tilespmem:s13+$0x50]  }
0x21c: {  	v42 =	vld [tilespmem:s20+$0x40];
	v4 =	vadd.f32 v5, v4;
	v2 =	vadd.f32 v2, v2  }
0x21d: {  	v3 =	vld [tilespmem:s13+$0x70]  }
0x21e: {  	v5 =	vld [tilespmem:s20+$0x70];
	v4 =	vadd.f32 v4, v4;
	v2 =	vmul.f32 $1.442695020e+00, v2  }
0x21f: {  	v43 =	vld [tilespmem:s13+$0x40]  }
0x220: {  	v4 =	vmul.f32 $1.442695020e+00, v4;
	(erf) = vpow2.f32 v2  }
0x221: {  	v44 =	vld [tilespmem:s13+$0x30];
	v6 =	vadd.f32 v38, v37  }
0x222: {  	v2 =	vld [tilespmem:s20+$0x30];
	(erf) = vpow2.f32 v4;
	v4 =	vadd.f32 v40, v41  }
0x223: {  	v39 =	vld [tilespmem:s20+$0x60];
	v6 =	vadd.f32 v6, v6;
	v3 =	vadd.f32 v5, v3  }
0x224: {  	v45 =	vld [tilespmem:s13+$0x60];
	v5 =	vadd.f32 v42, v43;
	v4 =	vadd.f32 v4, v4  }
0x225: {  	v6 =	vmul.f32 $1.442695020e+00, v6;
	v3 =	vadd.f32 v3, v3  }
0x226: {  	v5 =	vadd.f32 v5, v5;
	v4 =	vmul.f32 $1.442695020e+00, v4  }
0x227: {  	(erf) = vpow2.f32 v6;
	v3 =	vmul.f32 $1.442695020e+00, v3;
	v2 =	vadd.f32 v2, v44  }
0x228: {  	v5 =	vmul.f32 $1.442695020e+00, v5;
	(erf) = vpow2.f32 v4  }
0x229: {  	v46 =	vadd.f32 v39, v45;
	v2 =	vadd.f32 v2, v2;
	(erf) = vpow2.f32 v3;
	v47 =	vpop (erf)  }
0x22a: {  	(erf) = vpow2.f32 v5;
	v4 =	vadd.f32 $1.000000000e+00, v47  }
0x22b: {  	v3 =	vadd.f32 v46, v46;
	v2 =	vmul.f32 $1.442695020e+00, v2;
	v48 =	vpop (erf)  }
0x22c: {  	v5 =	vadd.f32 $1.000000000e+00, v48;
	(erf) = vrcp.f32 v4  }
0x22d: {  	v3 =	vmul.f32 $1.442695020e+00, v3;
	(erf) = vpow2.f32 v2  }
0x22e: {  	(erf) = vrcp.f32 v5  }
0x22f: {  	(erf) = vpow2.f32 v3  }
0x230: {  	v2 =	vpop (erf)  }
0x231: {  	v3 =	vpop (erf)  }
0x232: {  	v4 =	vpop (erf);
	v3 =	vadd.f32 $1.000000000e+00, v3  }
0x233: {  	v2 =	vadd.f32 $1.000000000e+00, v2;
	v5 =	vpop (erf)  }
0x234: {  	v5 =	vadd.f32 $1.000000000e+00, v5  }
0x235: {  	(erf) = vrcp.f32 v2;
	v2 =	vadd.f32 $1.000000000e+00, v4;
	v4 =	vpop (erf)  }
0x236: {  	(erf) = vrcp.f32 v3;
	v3 =	vpop (erf)  }
0x237: {  	(erf) = vrcp.f32 v2;
	v2 =	vadd.f32 $1.000000000e+00, v3;
	v3 =	vpop (erf)  }
0x238: {  	(erf) = vrcp.f32 v5;
	v5 =	vpop (erf)  }
0x239: {  	v5 =	vadd.f32 $1.000000000e+00, v5  }
0x23a: {  	(erf) = vrcp.f32 v2  }
0x23b: {  	(erf) = vrcp.f32 v5;
	_ =	sdelay $0x1  }
0x23c: {  	v49 =	vld [tilespmem:s19+$0x70]  }
0x23d: {  	v51 =	vld [tilespmem:s19+$0x50]  }
0x23e: {  	v58 =	vld [tilespmem:s19+$0x0];
	v4 =	vadd.f32 v4, v4;
	v5 =	vpop (erf)  }
0x23f: {  	v3 =	vadd.f32 v3, v3;
	v2 =	vld [tilespmem:s19+$0x10];
	v50 =	vpop (erf)  }
0x240: {  	v56 =	vld [tilespmem:s19+$0x20];
	v4 =	vsub.f32 $1.000000000e+00, v4;
	v5 =	vadd.f32 v5, v5;
	v52 =	vpop (erf)  }
0x241: {  	v53 =	vld [tilespmem:s19+$0x40];
	v3 =	vsub.f32 $1.000000000e+00, v3;
	v7 =	vadd.f32 v50, v50;
	v54 =	vpop (erf)  }
0x242: {  	v55 =	vld [tilespmem:s19+$0x30];
	v5 =	vsub.f32 $1.000000000e+00, v5;
	v9 =	vadd.f32 v52, v52;
	v57 =	vpop (erf)  }
0x243: {  	v59 =	vld [tilespmem:s19+$0x60];
	v4 =	vmul.f32 v4, v58;
	v11 =	vadd.f32 v54, v54;
	v7 =	vsub.f32 $1.000000000e+00, v7;
	v60 =	vpop (erf)  }
0x244: {  	v2 =	vmul.f32 v3, v2;
	v14 =	vadd.f32 v57, v57;
	v61 =	vadd.f32 v60, v60  }
0x245: {  	v9 =	vsub.f32 $1.000000000e+00, v9;
	v5 =	vmul.f32 v5, v56;
	v11 =	vsub.f32 $1.000000000e+00, v11  }
0x246: {  	v7 =	vmul.f32 v7, v51;
	v3 =	vsub.f32 $1.000000000e+00, v14;
	v62 =	vsub.f32 $1.000000000e+00, v61  }
0x247: {  	v6 =	vmul.f32 v9, v49;
	v10 =	vmul.f32 v11, v53  }
0x248: {  	v3 =	vmul.f32 v3, v55;
	v63 =	vmul.f32 v62, v59  }
0x249: {  	v2 =	vadd.f32 v2, v4;
	v4 =	vadd.f32 v7, v10  }
0x24a: {  	v3 =	vadd.f32 v3, v5;
	v5 =	vadd.f32 v6, v63  }
0x24b: {  	s0 =	smul.u32 $0x50, s0  }
0x24c: {  	s23 =	sadd.s32 $0x53, s22;
	s22 =	simm.s32 $0x116B0;
	s21 =	simm.s32 $0x0;
	v2 =	vadd.f32 v3, v2;
	v3 =	vadd.f32 v5, v4  }
.LBB2_19:
0x24d: {  	s19 =	sadd.s32 $0x100, s19  }
0x24e: {  	s20 =	sadd.s32 $0x100, s20;
	s13 =	smov.u32 s21;
	s21 =	sadd.s32 $0x2, s21  }
0x24f: {  	p0 =	slt.u32 s21, $0x4E;
	v2 =	vadd.f32 v3, v2;
	_ =	sdelay $0x1  }
0x250: {  	(xrf2) =	vadd.scan.msk.f32 $0xffff, v2;
	_ =	sdelay $0x7  }
0x251: {  	v2 =	vmov s23;
	_ =	sdelay $0x1  }
0x252: {  	v3, _, _ =	vpop (xrf2)  }
0x253: {  	v3 =	vbroadcast v3, $0xF;
	_ =	sdelay $0x1  }
0x254: {  	[tilespmem:v2+s25+$0x0] =	vst.idx.msk $0x1, v3;
	_ =	sdelay $0x1  }
0x255: {  	v2 =	vld [tilespmem:s22+$0xFFFFFFC0]  }
0x256: {  	v3 =	vld [tilespmem:s22+$0xFFFFFFF0]  }
0x257: {  	v4 =	vld [tilespmem:s20+$0xFFFFFFE0]  }
0x258: {  	v5 =	vld [tilespmem:s20+$0xFFFFFFC0]  }
0x259: {  	v6 =	vld [tilespmem:s22+$0xFFFFFFD0]  }
0x25a: {  	v7 =	vld [tilespmem:s20+$0xFFFFFFD0]  }
0x25b: {  	v8 =	vld [tilespmem:s22+$0xFFFFFFE0]  }
0x25c: {  	v9 =	vld [tilespmem:s20+$0xFFFFFFF0]  }
0x25d: {  	v10 =	vld [tilespmem:s22+$0xFFFFFF80]  }
0x25e: {  	v11 =	vld [tilespmem:s20+$0xFFFFFFB0]  }
0x25f: {  	v12 =	vld [tilespmem:s22+$0xFFFFFFB0]  }
0x260: {  	v6 =	vadd.f32 v7, v6;
	v13 =	vld [tilespmem:s20+$0xFFFFFFA0];
	v4 =	vadd.f32 v4, v8  }
0x261: {  	v7 =	vld [tilespmem:s22+$0xFFFFFFA0];
	v3 =	vadd.f32 v9, v3  }
0x262: {  	v2 =	vadd.f32 v5, v2;
	v5 =	vadd.f32 v6, v6;
	v8 =	vld [tilespmem:s20+$0xFFFFFF90]  }
0x263: {  	v4 =	vadd.f32 v4, v4;
	v6 =	vld [tilespmem:s22+$0xFFFFFF90];
	v3 =	vadd.f32 v3, v3  }
0x264: {  	v2 =	vadd.f32 v2, v2;
	v9 =	vld [tilespmem:s20+$0xFFFFFF80];
	v11 =	vadd.f32 v11, v12  }
0x265: {  	v5 =	vmul.f32 $1.442695020e+00, v5;
	v3 =	vmul.f32 $1.442695020e+00, v3  }
0x266: {  	v2 =	vmul.f32 $1.442695020e+00, v2;
	v7 =	vadd.f32 v13, v7;
	v11 =	vadd.f32 v11, v11  }
0x267: {  	v4 =	vmul.f32 $1.442695020e+00, v4;
	(erf) = vpow2.f32 v3  }
0x268: {  	v3 =	vadd.f32 v8, v6;
	v6 =	vadd.f32 v7, v7;
	(erf) = vpow2.f32 v2  }
0x269: {  	v7 =	vmul.f32 $1.442695020e+00, v11;
	v2 =	vadd.f32 v9, v10;
	(erf) = vpow2.f32 v4  }
0x26a: {  	v3 =	vadd.f32 v3, v3;
	v4 =	vmul.f32 $1.442695020e+00, v6;
	(erf) = vpow2.f32 v5  }
0x26b: {  	v2 =	vadd.f32 v2, v2;
	(erf) = vpow2.f32 v7  }
0x26c: {  	v3 =	vmul.f32 $1.442695020e+00, v3;
	(erf) = vpow2.f32 v4  }
0x26d: {  	v4 =	vmul.f32 $1.442695020e+00, v2  }
0x26e: {  	(erf) = vpow2.f32 v3  }
0x26f: {  	(erf) = vpow2.f32 v4  }
0x270: {  	v2 =	vpop (erf)  }
0x271: {  	v2 =	vadd.f32 $1.000000000e+00, v2;
	v3 =	vpop (erf)  }
0x272: {  	v3 =	vadd.f32 $1.000000000e+00, v3;
	v4 =	vpop (erf)  }
0x273: {  	v4 =	vadd.f32 $1.000000000e+00, v4;
	v5 =	vpop (erf);
	(erf) = vrcp.f32 v2  }
0x274: {  	v6 =	vadd.f32 $1.000000000e+00, v5;
	v5 =	vpop (erf);
	(erf) = vrcp.f32 v3  }
0x275: {  	v7 =	vadd.f32 $1.000000000e+00, v5;
	v5 =	vpop (erf);
	(erf) = vrcp.f32 v4  }
0x276: {  	v4 =	vadd.f32 $1.000000000e+00, v5;
	(erf) = vrcp.f32 v6  }
0x277: {  	v2 =	vpop (erf);
	(erf) = vrcp.f32 v7  }
0x278: {  	v2 =	vadd.f32 $1.000000000e+00, v2;
	v3 =	vpop (erf);
	(erf) = vrcp.f32 v4  }
0x279: {  	v4 =	vadd.f32 $1.000000000e+00, v3  }
0x27a: {  	(erf) = vrcp.f32 v2  }
0x27b: {  	(erf) = vrcp.f32 v4  }
0x27c: {  	v2 =	vld [tilespmem:s19+$0xFFFFFFF0];
	v3 =	vpop (erf)  }
0x27d: {  	v3 =	vadd.f32 v3, v3;
	v4 =	vpop (erf)  }
0x27e: {  	v5 =	vld [tilespmem:s19+$0xFFFFFFC0];
	v4 =	vadd.f32 v4, v4;
	v6 =	vpop (erf)  }
0x27f: {  	v7 =	vld [tilespmem:s19+$0xFFFFFFD0];
	v6 =	vadd.f32 v6, v6;
	v12 =	vsub.f32 $1.000000000e+00, v3;
	v8 =	vpop (erf)  }
0x280: {  	v9 =	vld [tilespmem:s19+$0xFFFFFF90];
	v4 =	vsub.f32 $1.000000000e+00, v4;
	v8 =	vadd.f32 v8, v8;
	v10 =	vpop (erf)  }
0x281: {  	v11 =	vld [tilespmem:s19+$0xFFFFFFB0];
	v10 =	vadd.f32 v10, v10;
	v6 =	vsub.f32 $1.000000000e+00, v6;
	v2 =	vmul.f32 v12, v2;
	v3 =	vpop (erf)  }
0x282: {  	v3 =	vadd.f32 v3, v3;
	v15 =	vsub.f32 $1.000000000e+00, v8;
	v12 =	vld [tilespmem:s19+$0xFFFFFFE0]  }
0x283: {  	v13 =	vld [tilespmem:s19+$0xFFFFFFA0];
	v10 =	vsub.f32 $1.000000000e+00, v10;
	v4 =	vmul.f32 v4, v5;
	v5 =	vpop (erf)  }
0x284: {  	v14 =	vld [tilespmem:s19+$0xFFFFFF80];
	v5 =	vadd.f32 v5, v5;
	v3 =	vsub.f32 $1.000000000e+00, v3;
	v7 =	vmul.f32 v15, v7;
	v8 =	vpop (erf)  }
0x285: {  	v8 =	vadd.f32 v8, v8  }
0x286: {  	v5 =	vsub.f32 $1.000000000e+00, v5;
	v4 =	vadd.f32 v7, v4  }
0x287: {  	v7 =	vsub.f32 $1.000000000e+00, v8;
	v6 =	vmul.f32 v6, v12  }
0x288: {  	v8 =	vmul.f32 v10, v11;
	v3 =	vmul.f32 v3, v13  }
0x289: {  	v5 =	vmul.f32 v5, v9;
	v7 =	vmul.f32 v7, v14  }
0x28a: {  	v2 =	vadd.f32 v2, v6  }
0x28b: {  	v3 =	vadd.f32 v8, v3;
	v5 =	vadd.f32 v5, v7;
	_ =	sdelay $0x1  }
0x28c: {  	v2 =	vadd.f32 v2, v4;
	v3 =	vadd.f32 v3, v5;
	_ =	sdelay $0x1  }
0x28d: {  	v2 =	vadd.f32 v2, v3;
	_ =	sdelay $0x1  }
0x28e: {  	(xrf2) =	vadd.scan.msk.f32 $0xffff, v2;
	_ =	sdelay $0x2  }
0x28f: {  	s13 =	sadd.s32 s13, s30  }
0x290: {  	s14 =	sadd.s32 $0x52, s13;
	s23 =	sadd.s32 $0x53, s13  }
0x291: {  	v2 =	vmov s14  }
0x292: {  	v2 =	vand.u32 $0xFFFFFFFE, v2  }
0x293: {  	v2 =	vbroadcast v2, $0x0;
	_ =	sdelay $0x2  }
0x294: {  	v3, _, _ =	vpop (xrf2)  }
0x295: {  	v3 =	vbroadcast v3, $0xF;
	_ =	sdelay $0x1  }
0x296: {  	[tilespmem:v2+s25+$0x0] =	vst.idx.msk $0x1, v3  }
0x297: {  	v2 =	vld [tilespmem:s22+$0x0]  }
0x298: {  	v3 =	vld [tilespmem:s20+$0x0]  }
0x299: {  	v4 =	vld [tilespmem:s22+$0x10]  }
0x29a: {  	v5 =	vld [tilespmem:s20+$0x10]  }
0x29b: {  	v6 =	vld [tilespmem:s22+$0x20]  }
0x29c: {  	v7 =	vld [tilespmem:s20+$0x20]  }
0x29d: {  	v2 =	vadd.f32 v3, v2;
	v3 =	vld [tilespmem:s22+$0x70]  }
0x29e: {  	v8 =	vld [tilespmem:s20+$0x60]  }
0x29f: {  	v2 =	vadd.f32 v2, v2;
	v4 =	vadd.f32 v5, v4;
	v5 =	vld [tilespmem:s20+$0x70]  }
0x2a0: {  	v9 =	vld [tilespmem:s20+$0x50]  }
0x2a1: {  	v2 =	vmul.f32 $1.442695020e+00, v2;
	v4 =	vadd.f32 v4, v4;
	v6 =	vadd.f32 v7, v6;
	v7 =	vld [tilespmem:s22+$0x50]  }
0x2a2: {  	v10 =	vld [tilespmem:s20+$0x40]  }
0x2a3: {  	v4 =	vmul.f32 $1.442695020e+00, v4;
	v6 =	vadd.f32 v6, v6;
	v11 =	vld [tilespmem:s22+$0x40];
	(erf) = vpow2.f32 v2  }
0x2a4: {  	v2 =	vld [tilespmem:s20+$0x30];
	v3 =	vadd.f32 v5, v3  }
0x2a5: {  	v5 =	vmul.f32 $1.442695020e+00, v6;
	v6 =	vld [tilespmem:s22+$0x30];
	(erf) = vpow2.f32 v4  }
0x2a6: {  	v4 =	vadd.f32 v9, v7;
	v7 =	vld [tilespmem:s22+$0x60]  }
0x2a7: {  	v3 =	vadd.f32 v3, v3;
	(erf) = vpow2.f32 v5  }
0x2a8: {  	v5 =	vadd.f32 v10, v11;
	v4 =	vadd.f32 v4, v4  }
0x2a9: {  	v3 =	vmul.f32 $1.442695020e+00, v3  }
0x2aa: {  	v2 =	vadd.f32 v2, v6;
	v5 =	vadd.f32 v5, v5;
	v4 =	vmul.f32 $1.442695020e+00, v4  }
0x2ab: {  	v6 =	vadd.f32 v8, v7  }
0x2ac: {  	v2 =	vadd.f32 v2, v2;
	v5 =	vmul.f32 $1.442695020e+00, v5;
	v7 =	vpop (erf);
	(erf) = vpow2.f32 v4  }
0x2ad: {  	v7 =	vadd.f32 $1.000000000e+00, v7;
	v6 =	vadd.f32 v6, v6;
	(erf) = vpow2.f32 v3  }
0x2ae: {  	v2 =	vmul.f32 $1.442695020e+00, v2;
	v3 =	vpop (erf);
	(erf) = vpow2.f32 v5  }
0x2af: {  	v3 =	vadd.f32 $1.000000000e+00, v3;
	v5 =	vmul.f32 $1.442695020e+00, v6;
	(erf) = vrcp.f32 v7  }
0x2b0: {  	v4 =	vpop (erf);
	(erf) = vpow2.f32 v2  }
0x2b1: {  	v2 =	vadd.f32 $1.000000000e+00, v4;
	(erf) = vrcp.f32 v3  }
0x2b2: {  	(erf) = vpow2.f32 v5  }
0x2b3: {  	(erf) = vrcp.f32 v2;
	_ =	sdelay $0x1  }
0x2b4: {  	v2 =	vpop (erf)  }
0x2b5: {  	v2 =	vadd.f32 $1.000000000e+00, v2;
	v3 =	vpop (erf)  }
0x2b6: {  	v3 =	vadd.f32 $1.000000000e+00, v3;
	v4 =	vpop (erf)  }
0x2b7: {  	v4 =	vadd.f32 $1.000000000e+00, v4;
	v5 =	vpop (erf);
	(erf) = vrcp.f32 v2  }
0x2b8: {  	v2 =	vadd.f32 v5, v5;
	v5 =	vpop (erf);
	(erf) = vrcp.f32 v3  }
0x2b9: {  	v3 =	vld [tilespmem:s19+$0x10];
	v5 =	vadd.f32 $1.000000000e+00, v5;
	v6 =	vpop (erf);
	(erf) = vrcp.f32 v4  }
0x2ba: {  	v2 =	vsub.f32 $1.000000000e+00, v2;
	v4 =	vadd.f32 v6, v6;
	v6 =	vpop (erf)  }
0x2bb: {  	v6 =	vadd.f32 $1.000000000e+00, v6;
	v7 =	vpop (erf);
	(erf) = vrcp.f32 v5  }
0x2bc: {  	v4 =	vsub.f32 $1.000000000e+00, v4;
	v5 =	vadd.f32 v7, v7  }
0x2bd: {  	(erf) = vrcp.f32 v6  }
0x2be: {  	v3 =	vmul.f32 v4, v3;
	v4 =	vsub.f32 $1.000000000e+00, v5;
	_ =	sdelay $0x1  }
0x2bf: {  	v5 =	vld [tilespmem:s19+$0x70];
	v6 =	vpop (erf)  }
0x2c0: {  	v7 =	vld [tilespmem:s19+$0x50];
	v6 =	vadd.f32 v6, v6;
	v8 =	vpop (erf)  }
0x2c1: {  	v9 =	vld [tilespmem:s19+$0x40];
	v8 =	vadd.f32 v8, v8;
	v10 =	vpop (erf)  }
0x2c2: {  	v11 =	vld [tilespmem:s19+$0x30];
	v10 =	vadd.f32 v10, v10;
	v6 =	vsub.f32 $1.000000000e+00, v6  }
0x2c3: {  	v12 =	vld [tilespmem:s19+$0x20];
	v8 =	vsub.f32 $1.000000000e+00, v8;
	v13 =	vpop (erf)  }
0x2c4: {  	v14 =	vld [tilespmem:s19+$0x0];
	v13 =	vadd.f32 v13, v13;
	v10 =	vsub.f32 $1.000000000e+00, v10  }
0x2c5: {  	v15 =	vld [tilespmem:s19+$0x60];
	v16 =	vpop (erf)  }
0x2c6: {  	v13 =	vsub.f32 $1.000000000e+00, v13;
	v9 =	vmul.f32 v10, v9;
	v10 =	vadd.f32 v16, v16;
	_ =	sdelay $0x1  }
0x2c7: {  	v4 =	vmul.f32 v4, v12;
	v11 =	vmul.f32 v13, v11;
	v10 =	vsub.f32 $1.000000000e+00, v10  }
0x2c8: {  	v6 =	vmul.f32 v6, v7;
	v2 =	vmul.f32 v2, v14  }
.Ltmp18:
0x2c9: {  	v5 =	vmul.f32 v8, v5;
	v7 =	vmul.f32 v10, v15;
	v4 =	vadd.f32 v11, v4;
	(pc) =	sbr.rel @p0 .LBB2_19-.Ltmp18, $3  }
0x2ca: {  	v2 =	vadd.f32 v3, v2  }
0x2cb: {  	v3 =	vadd.f32 v6, v9;
	v5 =	vadd.f32 v5, v7;
	_ =	sdelay $0x1  }
0x2cc: {  	s22 =	sadd.s32 $0x100, s22;
	v2 =	vadd.f32 v4, v2;
	v3 =	vadd.f32 v5, v3  }
0x2cd: {  	_ = 	snop  }
0x2ce: {  	v2 =	vadd.f32 v3, v2;
	_ =	sdelay $0x1  }
0x2cf: {  	(xrf2) =	vadd.scan.msk.f32 $0xffff, v2;
	_ =	sdelay $0x7  }
0x2d0: {  	v2 =	vmov s23;
	_ =	sdelay $0x1  }
0x2d1: {  	v3, _, _ =	vpop (xrf2)  }
0x2d2: {  	v3 =	vbroadcast v3, $0xF;
	_ =	sdelay $0x1  }
0x2d3: {  	[tilespmem:v2+s25+$0x0] =	vst.idx.msk $0x1, v3  }
0x2d4: {  	v2 =	vld [tilespmem:s0+$0x2710];
	_ =	sdelay $0x6  }
0x2d5: {  	v3 =	vld [tilespmem:s0+$0x16530]  }
0x2d6: {  	v4 =	vld.idx.msk [tilespmem:v2+s26+$0x0], $0xffff;
	_ =	sdelay $0x4  }
0x2d7: {  	vm0 =	vgt.f32 v3, v4  }
0x2d8: {  	v4 =	vsel vm0, $0x3F800000, v1  }
0x2d9: {  	(xrf0) =	vmax.scan.msk.f32 $0xffff, v4;
	_ =	sdelay $0x5  }
0x2da: {  	v4, _, _ =	vpop (xrf0)  }
0x2db: {  	(v2sf) =	vpush v4, $0xF;
	_ =	sdelay $0xe  }
0x2dc: {  	s13 =	spop (v2sf)  }
0x2dd: {  	p0 =	sgt.f32 s13, $0.0e+00  }
.Ltmp19:
0x2de: {  	_ = 	snop;
	(pc) =	sbr.rel @!p0 .LBB2_22-.Ltmp19, $1  }
0x2df: {  	_ =	sdelay $0x3  }
.LBB2_21:
0x2e0: {  	[tilespmem:v2+s26+$0x0] =	vst.idx.msk vm0, v3  }
0x2e1: {  	v4 =	vld.idx.msk [tilespmem:v2+s26+$0x0], $0xffff;
	_ =	sdelay $0x4  }
0x2e2: {  	vm0 =	vgt.f32 v3, v4  }
0x2e3: {  	v4 =	vsel vm0, $0x3F800000, v1  }
0x2e4: {  	(xrf0) =	vmax.scan.msk.f32 $0xffff, v4;
	_ =	sdelay $0x5  }
0x2e5: {  	v4, _, _ =	vpop (xrf0)  }
0x2e6: {  	(v2sf) =	vpush v4, $0xF;
	_ =	sdelay $0xe  }
0x2e7: {  	s13 =	spop (v2sf)  }
0x2e8: {  	p0 =	sgt.f32 s13, $0.0e+00  }
.Ltmp20:
0x2e9: {  	_ = 	snop;
	(pc) =	sbr.rel @p0 .LBB2_21-.Ltmp20, $1  }
0x2ea: {  	_ =	sdelay $0x3  }
.LBB2_22:
0x2eb: {  	v2 =	vld [tilespmem:s0+$0x2720];
	_ =	sdelay $0x6  }
0x2ec: {  	v3 =	vld [tilespmem:s0+$0x16540]  }
0x2ed: {  	v4 =	vld.idx.msk [tilespmem:v2+s26+$0x0], $0xffff;
	_ =	sdelay $0x4  }
0x2ee: {  	vm0 =	vgt.f32 v3, v4  }
0x2ef: {  	v4 =	vsel vm0, $0x3F800000, v1  }
0x2f0: {  	(xrf0) =	vmax.scan.msk.f32 $0xffff, v4;
	_ =	sdelay $0x5  }
0x2f1: {  	v4, _, _ =	vpop (xrf0)  }
0x2f2: {  	(v2sf) =	vpush v4, $0xF;
	_ =	sdelay $0xe  }
0x2f3: {  	s13 =	spop (v2sf)  }
0x2f4: {  	p0 =	sgt.f32 s13, $0.0e+00  }
.Ltmp21:
0x2f5: {  	_ = 	snop;
	(pc) =	sbr.rel @!p0 .LBB2_24-.Ltmp21, $1  }
0x2f6: {  	_ =	sdelay $0x3  }
.LBB2_23:
0x2f7: {  	[tilespmem:v2+s26+$0x0] =	vst.idx.msk vm0, v3  }
0x2f8: {  	v4 =	vld.idx.msk [tilespmem:v2+s26+$0x0], $0xffff;
	_ =	sdelay $0x4  }
0x2f9: {  	vm0 =	vgt.f32 v3, v4  }
0x2fa: {  	v4 =	vsel vm0, $0x3F800000, v1  }
0x2fb: {  	(xrf0) =	vmax.scan.msk.f32 $0xffff, v4;
	_ =	sdelay $0x5  }
0x2fc: {  	v4, _, _ =	vpop (xrf0)  }
0x2fd: {  	(v2sf) =	vpush v4, $0xF;
	_ =	sdelay $0xe  }
0x2fe: {  	s13 =	spop (v2sf)  }
0x2ff: {  	p0 =	sgt.f32 s13, $0.0e+00  }
.Ltmp22:
0x300: {  	_ = 	snop;
	(pc) =	sbr.rel @p0 .LBB2_23-.Ltmp22, $1  }
0x301: {  	_ =	sdelay $0x3  }
.LBB2_24:
0x302: {  	v2 =	vld [tilespmem:s0+$0x2730];
	_ =	sdelay $0x6  }
0x303: {  	v3 =	vld [tilespmem:s0+$0x16550]  }
0x304: {  	v4 =	vld.idx.msk [tilespmem:v2+s26+$0x0], $0xffff;
	_ =	sdelay $0x4  }
0x305: {  	vm0 =	vgt.f32 v3, v4  }
0x306: {  	v4 =	vsel vm0, $0x3F800000, v1  }
0x307: {  	(xrf0) =	vmax.scan.msk.f32 $0xffff, v4;
	_ =	sdelay $0x5  }
0x308: {  	v4, _, _ =	vpop (xrf0)  }
0x309: {  	(v2sf) =	vpush v4, $0xF;
	_ =	sdelay $0xe  }
0x30a: {  	s13 =	spop (v2sf)  }
0x30b: {  	p0 =	sgt.f32 s13, $0.0e+00  }
.Ltmp23:
0x30c: {  	_ = 	snop;
	(pc) =	sbr.rel @!p0 .LBB2_26-.Ltmp23, $1  }
0x30d: {  	_ =	sdelay $0x3  }
.LBB2_25:
0x30e: {  	[tilespmem:v2+s26+$0x0] =	vst.idx.msk vm0, v3  }
0x30f: {  	v4 =	vld.idx.msk [tilespmem:v2+s26+$0x0], $0xffff;
	_ =	sdelay $0x4  }
0x310: {  	vm0 =	vgt.f32 v3, v4  }
0x311: {  	v4 =	vsel vm0, $0x3F800000, v1  }
0x312: {  	(xrf0) =	vmax.scan.msk.f32 $0xffff, v4;
	_ =	sdelay $0x5  }
0x313: {  	v4, _, _ =	vpop (xrf0)  }
0x314: {  	(v2sf) =	vpush v4, $0xF;
	_ =	sdelay $0xe  }
0x315: {  	s13 =	spop (v2sf)  }
0x316: {  	p0 =	sgt.f32 s13, $0.0e+00  }
.Ltmp24:
0x317: {  	_ = 	snop;
	(pc) =	sbr.rel @p0 .LBB2_25-.Ltmp24, $1  }
0x318: {  	_ =	sdelay $0x3  }
.LBB2_26:
0x319: {  	v2 =	vld [tilespmem:s0+$0x2740];
	_ =	sdelay $0x6  }
0x31a: {  	v3 =	vld [tilespmem:s0+$0x16560]  }
0x31b: {  	v4 =	vld.idx.msk [tilespmem:v2+s26+$0x0], $0xffff;
	_ =	sdelay $0x4  }
0x31c: {  	vm0 =	vgt.f32 v3, v4  }
0x31d: {  	v4 =	vsel vm0, $0x3F800000, v1  }
0x31e: {  	(xrf0) =	vmax.scan.msk.f32 $0xffff, v4;
	_ =	sdelay $0x5  }
0x31f: {  	v4, _, _ =	vpop (xrf0)  }
0x320: {  	(v2sf) =	vpush v4, $0xF;
	_ =	sdelay $0xe  }
0x321: {  	s13 =	spop (v2sf)  }
0x322: {  	p0 =	sgt.f32 s13, $0.0e+00  }
.Ltmp25:
0x323: {  	_ = 	snop;
	(pc) =	sbr.rel @!p0 .LBB2_28-.Ltmp25, $1  }
0x324: {  	_ =	sdelay $0x3  }
.LBB2_27:
0x325: {  	[tilespmem:v2+s26+$0x0] =	vst.idx.msk vm0, v3  }
0x326: {  	v4 =	vld.idx.msk [tilespmem:v2+s26+$0x0], $0xffff;
	_ =	sdelay $0x4  }
0x327: {  	vm0 =	vgt.f32 v3, v4  }
0x328: {  	v4 =	vsel vm0, $0x3F800000, v1  }
0x329: {  	(xrf0) =	vmax.scan.msk.f32 $0xffff, v4;
	_ =	sdelay $0x5  }
0x32a: {  	v4, _, _ =	vpop (xrf0)  }
0x32b: {  	(v2sf) =	vpush v4, $0xF;
	_ =	sdelay $0xe  }
0x32c: {  	s13 =	spop (v2sf)  }
0x32d: {  	p0 =	sgt.f32 s13, $0.0e+00  }
.Ltmp26:
0x32e: {  	_ = 	snop;
	(pc) =	sbr.rel @p0 .LBB2_27-.Ltmp26, $1  }
0x32f: {  	_ =	sdelay $0x3  }
.LBB2_28:
0x330: {  	v2 =	vld [tilespmem:s0+$0x2750];
	_ =	sdelay $0x6  }
0x331: {  	v3 =	vld [tilespmem:s0+$0x16570]  }
0x332: {  	v4 =	vld.idx.msk [tilespmem:v2+s26+$0x0], $0xffff;
	_ =	sdelay $0x4  }
0x333: {  	vm0 =	vgt.f32 v3, v4  }
0x334: {  	v4 =	vsel vm0, $0x3F800000, v1  }
0x335: {  	(xrf0) =	vmax.scan.msk.f32 $0xffff, v4;
	_ =	sdelay $0x5  }
0x336: {  	v4, _, _ =	vpop (xrf0)  }
0x337: {  	(v2sf) =	vpush v4, $0xF;
	_ =	sdelay $0xe  }
0x338: {  	s23 =	spop (v2sf)  }
0x339: {  	p0 =	sgt.f32 s23, $0.0e+00  }
.Ltmp27:
0x33a: {  	_ = 	snop;
	(pc) =	sbr.rel @!p0 .LBB2_30-.Ltmp27, $1  }
0x33b: {  	_ =	sdelay $0x3  }
.LBB2_29:
0x33c: {  	[tilespmem:v2+s26+$0x0] =	vst.idx.msk vm0, v3  }
0x33d: {  	v4 =	vld.idx.msk [tilespmem:v2+s26+$0x0], $0xffff;
	_ =	sdelay $0x4  }
0x33e: {  	vm0 =	vgt.f32 v3, v4  }
0x33f: {  	v4 =	vsel vm0, $0x3F800000, v1  }
0x340: {  	(xrf0) =	vmax.scan.msk.f32 $0xffff, v4;
	_ =	sdelay $0x5  }
0x341: {  	v4, _, _ =	vpop (xrf0)  }
0x342: {  	(v2sf) =	vpush v4, $0xF;
	_ =	sdelay $0xe  }
0x343: {  	s0 =	spop (v2sf)  }
0x344: {  	p0 =	sgt.f32 s0, $0.0e+00  }
.Ltmp28:
0x345: {  	_ = 	snop;
	(pc) =	sbr.rel @p0 .LBB2_29-.Ltmp28, $1  }
0x346: {  	_ =	sdelay $0x3  }
.Ltmp29:
0x347: {  	_ = 	snop;
	(pc) =	sbr.rel .LBB2_30-.Ltmp29, $1  }
0x348: {  	_ =	sdelay $0x3  }
.LBB2_33:
0x349: {  	_ =	sfence.sel $0x180000  }
0x34a: {  	[bflag:$0x0] =	sbarrier.arrive $0xFFFF  }
0x34b: {  	_ =	strace $0x90000047  }
0x34c: {  	s0 =	stileid.u32;
	[bflag:$0x2] =	sbarrier.arrive $0xFFFF  }
0x34d: {  	p0 =	sne.s32 s0, $0x0;
	s0 =	rddreg [dreg:$0x2]  }
0x34e: {  	s0 =	sadd.s32 @!p0 $0x100000, s0  }
0x34f: {  	[sflag:s0] =	ssyncadd.tile.s32 @!p0 $0x1;
	_ =	shalt  }
.Lfunc_end2:
_tile_overlayer_lowered:
.L_overlay_start_2:
0x350: {  	(tag) =	ssettag $0x2  }
0x351: {  	s0 =	rddreg [dreg:$0x0];
	s2 =	stileid.u32  }
0x352: {  	s1 =	rddreg [dreg:$0x1];
	p0 =	sne.s32 s2, $0x0  }
0x353: {  	s3 =	rddreg [dreg:$0x2];
	[bflag:$0x3] =	sbarrier.arrive $0xFFFF;
	s2 =	simm.s32 @!p0 $0x1C03  }
0x354: {  	[timem:s3], [sflag:s2] =	dma.local @!p0 [hbm:s0], s1  }
0x355: {  	s0 =	simm.s32 @!p0 $0x3  }
0x356: {  	_ =	swait.ge @!p0 [sflag:s0], s1  }
0x357: {  	s1 =	ssub.s32 @!p0 $0x0, s1;
	[sflag:s0] =	ssyncset.done @!p0 $0x0  }
0x358: {  	[sflag:s0] =	ssyncadd.s32 @!p0 s1  }
0x359: {  	[bflag:$0x3] =	sbarrier.arrive $0xFFFF  }
0x35a: {  	_ =	shalt  }

</sc_bundles>
